<compile_context>
chip_gen: v7x
topology: tpu7x:2x2x1
jax: 0.10.2.dev20260603
libtpu: 0.0.44.dev20260713+nightly
codegen_flags: <defaults>
</compile_context>

<pallas_src>
import jax
import jax.numpy as jnp
from jax import lax
from jax.experimental import pallas as pl
from jax.experimental.pallas import tpu as pltpu
from jax.experimental.pallas import tpu_sc as plsc

NC = 2
NS = 16
NW = NC * NS

TR = 16
NB = 4


def _sc_body(x_hbm, pos_hbm, out_hbm,
             p0, a0, b0, c0, d0,
             p1, a1, b1, c1, d1,
             sin0, sin1, sout0, sout1):
    B, S, E = 4, 8192, 768
    SPW = S // NW
    NT = SPW // TR
    CH = TR * E

    wid = lax.axis_index("s") * NC + lax.axis_index("c")
    base = wid * SPW
    sets = ((p0, (a0, b0, c0, d0)), (p1, (a1, b1, c1, d1)))
    isems = (sin0, sin1)
    osems = (sout0, sout1)

    loads = [None] * NT
    stores = [[] for _ in range(NT)]

    def start_loads(st):
        pos_v, xbufs = sets[st % 2]
        s0 = base + st * TR
        h = pltpu.async_copy(pos_hbm.at[pl.ds(s0 * E, CH)], pos_v, isems[st % 2])
        for b in range(NB):
            h = pltpu.async_copy(
                x_hbm.at[pl.ds((b * S + s0) * E, CH)], xbufs[b], isems[st % 2])
        return h

    loads[0] = start_loads(0)
    for st in range(NT):
        pos_v, xbufs = sets[st % 2]
        if st + 1 < NT:
            if st - 1 >= 0:
                for h in stores[st - 1]:
                    h.wait()
            loads[st + 1] = start_loads(st + 1)
        for _ in range(NB):
            pltpu.make_async_copy(pos_hbm.at[pl.ds(0, CH)], pos_v, isems[st % 2]).wait()
        loads[st].wait()

        @plsc.parallel_loop(0, CH, 16, unroll=4)
        def _(j):
            p = pos_v[pl.ds(j, 16)]
            for b in range(NB):
                xbufs[b][pl.ds(j, 16)] = xbufs[b][pl.ds(j, 16)] + p

        s0 = base + st * TR
        stores[st] = [
            pltpu.async_copy(
                xbufs[b], out_hbm.at[pl.ds((b * S + s0) * E, CH)], osems[st % 2])
            for b in range(NB)
        ]
    for st in (NT - 2, NT - 1):
        for h in stores[st]:
            h.wait()


def kernel(x, pos_table):
    B, S, E = x.shape
    CH = TR * E
    vmem = lambda: pltpu.VMEM((CH,), jnp.float32)
    k = pl.kernel(
        _sc_body,
        out_type=jax.ShapeDtypeStruct((B * S * E,), x.dtype),
        mesh=plsc.VectorSubcoreMesh(core_axis_name="c", subcore_axis_name="s"),
        scratch_types=(
            [vmem() for _ in range(10)]
            + [pltpu.SemaphoreType.DMA for _ in range(4)]
        ),
    )
    out = k(x.reshape(-1), pos_table.reshape(-1))
    return out.reshape(B, S, E)

# --- scband reference (transcript-rebuilt; emitter-appended) ---
"""Pipeline reference for scband-positional-encoding-89739046683371 (READ-ONLY COPY).

The authoritative reference and input builder live on the scoring server;
editing this copy changes nothing except your own understanding.
"""

import jax, jax.numpy as jnp
import numpy as np

BATCH = 4
SEQ = 8192
EMB = 768
MAX_LEN = 8192

def setup_inputs(seed: int = 0) -> dict:
    key = jax.random.key(seed)
    k_x, k_tab = jax.random.split(key)
    x = jax.random.normal(k_x, (BATCH, SEQ, EMB), dtype=jnp.float32)
    pos_table = jax.random.normal(k_tab, (MAX_LEN, EMB), dtype=jnp.float32) * 0.02
    return {"x": x, "pos_table": pos_table}

def reference(x, pos_table):
    # positions = torch.arange(0, x.shape[1]).repeat(x.shape[0], 1)
    B, S, E = x.shape
    positions = jnp.tile(jnp.arange(0, S, dtype=jnp.int32)[None, :], (B, 1))  # [B, S]
    pos_emb = jnp.take(pos_table, positions, axis=0)  # [B, S, E] gather
    return x + pos_emb

if __name__ == "__main__":
    import jax
    _d = setup_inputs()
    print(jax.jit(kernel)(*tuple(_d.values())))

</pallas_src>

<mosaic_0001>
#map = affine_map<(d0, d1) -> (0)>
module attributes {stable_mosaic.version = 14 : i64} {
  func.func @_sc_body(%arg0: i32, %arg1: i32, %arg2: memref<25165824xf32, #tpu.memory_space<hbm>>, %arg3: memref<6291456xf32, #tpu.memory_space<hbm>>, %arg4: memref<25165824xf32, #tpu.memory_space<hbm>>, %arg5: memref<12288xf32, #tpu.memory_space<vmem>>, %arg6: memref<12288xf32, #tpu.memory_space<vmem>>, %arg7: memref<12288xf32, #tpu.memory_space<vmem>>, %arg8: memref<12288xf32, #tpu.memory_space<vmem>>, %arg9: memref<12288xf32, #tpu.memory_space<vmem>>, %arg10: memref<12288xf32, #tpu.memory_space<vmem>>, %arg11: memref<12288xf32, #tpu.memory_space<vmem>>, %arg12: memref<12288xf32, #tpu.memory_space<vmem>>, %arg13: memref<12288xf32, #tpu.memory_space<vmem>>, %arg14: memref<12288xf32, #tpu.memory_space<vmem>>, %arg15: memref<!tpu.dma_semaphore, #tpu.memory_space<semaphore_mem>>, %arg16: memref<!tpu.dma_semaphore, #tpu.memory_space<semaphore_mem>>, %arg17: memref<!tpu.dma_semaphore, #tpu.memory_space<semaphore_mem>>, %arg18: memref<!tpu.dma_semaphore, #tpu.memory_space<semaphore_mem>>) attributes {dimension_semantics = [#tpu.dimension_semantics<core_parallel>, #tpu.dimension_semantics<subcore_parallel>], iteration_bounds = array<i64: 2, 16>, scalar_prefetch = 0 : i64, scratch_operands = 14 : i64, tpu.core_type = #tpu.core_type<sc_vector_subcore>, window_params = [{transform_indices = #map}, {transform_indices = #map}, {transform_indices = #map}]} {
    %mul3A = arith.constant 2 : i32
    %mul3A_0 = arith.muli %arg1, %mul3A : i32
    %add3A = arith.addi %mul3A_0, %arg0 : i32
    %mul3A_1 = arith.constant 256 : i32
    %mul3A_2 = arith.muli %add3A, %mul3A_1 : i32
    %add3A_3 = arith.constant 0 : i32
    %add3A_4 = arith.addi %mul3A_2, %add3A_3 : i32
    %mul3A_5 = arith.constant 768 : i32
    %mul3A_6 = arith.muli %add3A_4, %mul3A_5 : i32
    %dma_start3A = tpu.memref_slice %arg3[%mul3A_6] : memref<6291456xf32, #tpu.memory_space<hbm>> -> memref<12288xf32, #tpu.memory_space<hbm>>
    %dma_start3A_7 = tpu.memref_slice %arg3[%mul3A_6] : memref<6291456xf32, #tpu.memory_space<hbm>> -> memref<12288xf32, #tpu.memory_space<hbm>>
    tpu.enqueue_dma source(%dma_start3A_7 : memref<12288xf32, #tpu.memory_space<hbm>>) target(%arg5 : memref<12288xf32, #tpu.memory_space<vmem>>) target_semaphore(%arg15 : memref<!tpu.dma_semaphore, #tpu.memory_space<semaphore_mem>>)
    %add3A_8 = arith.constant 0 : i32
    %add3A_9 = arith.addi %add3A_8, %add3A_4 : i32
    %mul3A_10 = arith.constant 768 : i32
    %mul3A_11 = arith.muli %add3A_9, %mul3A_10 : i32
    %dma_start3A_12 = tpu.memref_slice %arg2[%mul3A_11] : memref<25165824xf32, #tpu.memory_space<hbm>> -> memref<12288xf32, #tpu.memory_space<hbm>>
    %dma_start3A_13 = tpu.memref_slice %arg2[%mul3A_11] : memref<25165824xf32, #tpu.memory_space<hbm>> -> memref<12288xf32, #tpu.memory_space<hbm>>
    tpu.enqueue_dma source(%dma_start3A_13 : memref<12288xf32, #tpu.memory_space<hbm>>) target(%arg6 : memref<12288xf32, #tpu.memory_space<vmem>>) target_semaphore(%arg15 : memref<!tpu.dma_semaphore, #tpu.memory_space<semaphore_mem>>)
    %add3A_14 = arith.constant 8192 : i32
    %add3A_15 = arith.addi %add3A_14, %add3A_4 : i32
    %mul3A_16 = arith.constant 768 : i32
    %mul3A_17 = arith.muli %add3A_15, %mul3A_16 : i32
    %dma_start3A_18 = tpu.memref_slice %arg2[%mul3A_17] : memref<25165824xf32, #tpu.memory_space<hbm>> -> memref<12288xf32, #tpu.memory_space<hbm>>
    %dma_start3A_19 = tpu.memref_slice %arg2[%mul3A_17] : memref<25165824xf32, #tpu.memory_space<hbm>> -> memref<12288xf32, #tpu.memory_space<hbm>>
    tpu.enqueue_dma source(%dma_start3A_19 : memref<12288xf32, #tpu.memory_space<hbm>>) target(%arg7 : memref<12288xf32, #tpu.memory_space<vmem>>) target_semaphore(%arg15 : memref<!tpu.dma_semaphore, #tpu.memory_space<semaphore_mem>>)
    %add3A_20 = arith.constant 16384 : i32
    %add3A_21 = arith.addi %add3A_20, %add3A_4 : i32
    %mul3A_22 = arith.constant 768 : i32
    %mul3A_23 = arith.muli %add3A_21, %mul3A_22 : i32
    %dma_start3A_24 = tpu.memref_slice %arg2[%mul3A_23] : memref<25165824xf32, #tpu.memory_space<hbm>> -> memref<12288xf32, #tpu.memory_space<hbm>>
    %dma_start3A_25 = tpu.memref_slice %arg2[%mul3A_23] : memref<25165824xf32, #tpu.memory_space<hbm>> -> memref<12288xf32, #tpu.memory_space<hbm>>
    tpu.enqueue_dma source(%dma_start3A_25 : memref<12288xf32, #tpu.memory_space<hbm>>) target(%arg8 : memref<12288xf32, #tpu.memory_space<vmem>>) target_semaphore(%arg15 : memref<!tpu.dma_semaphore, #tpu.memory_space<semaphore_mem>>)
    %add3A_26 = arith.constant 24576 : i32
    %add3A_27 = arith.addi %add3A_26, %add3A_4 : i32
    %mul3A_28 = arith.constant 768 : i32
    %mul3A_29 = arith.muli %add3A_27, %mul3A_28 : i32
    %dma_start3A_30 = tpu.memref_slice %arg2[%mul3A_29] : memref<25165824xf32, #tpu.memory_space<hbm>> -> memref<12288xf32, #tpu.memory_space<hbm>>
    %dma_start3A_31 = tpu.memref_slice %arg2[%mul3A_29] : memref<25165824xf32, #tpu.memory_space<hbm>> -> memref<12288xf32, #tpu.memory_space<hbm>>
    tpu.enqueue_dma source(%dma_start3A_31 : memref<12288xf32, #tpu.memory_space<hbm>>) target(%arg9 : memref<12288xf32, #tpu.memory_space<vmem>>) target_semaphore(%arg15 : memref<!tpu.dma_semaphore, #tpu.memory_space<semaphore_mem>>)
    %add3A_32 = arith.constant 16 : i32
    %add3A_33 = arith.addi %mul3A_2, %add3A_32 : i32
    %mul3A_34 = arith.constant 768 : i32
    %mul3A_35 = arith.muli %add3A_33, %mul3A_34 : i32
    %dma_start3A_36 = tpu.memref_slice %arg3[%mul3A_35] : memref<6291456xf32, #tpu.memory_space<hbm>> -> memref<12288xf32, #tpu.memory_space<hbm>>
    %dma_start3A_37 = tpu.memref_slice %arg3[%mul3A_35] : memref<6291456xf32, #tpu.memory_space<hbm>> -> memref<12288xf32, #tpu.memory_space<hbm>>
    tpu.enqueue_dma source(%dma_start3A_37 : memref<12288xf32, #tpu.memory_space<hbm>>) target(%arg10 : memref<12288xf32, #tpu.memory_space<vmem>>) target_semaphore(%arg16 : memref<!tpu.dma_semaphore, #tpu.memory_space<semaphore_mem>>)
    %add3A_38 = arith.constant 0 : i32
    %add3A_39 = arith.addi %add3A_38, %add3A_33 : i32
    %mul3A_40 = arith.constant 768 : i32
    %mul3A_41 = arith.muli %add3A_39, %mul3A_40 : i32
    %dma_start3A_42 = tpu.memref_slice %arg2[%mul3A_41] : memref<25165824xf32, #tpu.memory_space<hbm>> -> memref<12288xf32, #tpu.memory_space<hbm>>
    %dma_start3A_43 = tpu.memref_slice %arg2[%mul3A_41] : memref<25165824xf32, #tpu.memory_space<hbm>> -> memref<12288xf32, #tpu.memory_space<hbm>>
    tpu.enqueue_dma source(%dma_start3A_43 : memref<12288xf32, #tpu.memory_space<hbm>>) target(%arg11 : memref<12288xf32, #tpu.memory_space<vmem>>) target_semaphore(%arg16 : memref<!tpu.dma_semaphore, #tpu.memory_space<semaphore_mem>>)
    %add3A_44 = arith.constant 8192 : i32
    %add3A_45 = arith.addi %add3A_44, %add3A_33 : i32
    %mul3A_46 = arith.constant 768 : i32
    %mul3A_47 = arith.muli %add3A_45, %mul3A_46 : i32
    %dma_start3A_48 = tpu.memref_slice %arg2[%mul3A_47] : memref<25165824xf32, #tpu.memory_space<hbm>> -> memref<12288xf32, #tpu.memory_space<hbm>>
    %dma_start3A_49 = tpu.memref_slice %arg2[%mul3A_47] : memref<25165824xf32, #tpu.memory_space<hbm>> -> memref<12288xf32, #tpu.memory_space<hbm>>
    tpu.enqueue_dma source(%dma_start3A_49 : memref<12288xf32, #tpu.memory_space<hbm>>) target(%arg12 : memref<12288xf32, #tpu.memory_space<vmem>>) target_semaphore(%arg16 : memref<!tpu.dma_semaphore, #tpu.memory_space<semaphore_mem>>)
    %add3A_50 = arith.constant 16384 : i32
    %add3A_51 = arith.addi %add3A_50, %add3A_33 : i32
    %mul3A_52 = arith.constant 768 : i32
    %mul3A_53 = arith.muli %add3A_51, %mul3A_52 : i32
    %dma_start3A_54 = tpu.memref_slice %arg2[%mul3A_53] : memref<25165824xf32, #tpu.memory_space<hbm>> -> memref<12288xf32, #tpu.memory_space<hbm>>
    %dma_start3A_55 = tpu.memref_slice %arg2[%mul3A_53] : memref<25165824xf32, #tpu.memory_space<hbm>> -> memref<12288xf32, #tpu.memory_space<hbm>>
    tpu.enqueue_dma source(%dma_start3A_55 : memref<12288xf32, #tpu.memory_space<hbm>>) target(%arg13 : memref<12288xf32, #tpu.memory_space<vmem>>) target_semaphore(%arg16 : memref<!tpu.dma_semaphore, #tpu.memory_space<semaphore_mem>>)
    %add3A_56 = arith.constant 24576 : i32
    %add3A_57 = arith.addi %add3A_56, %add3A_33 : i32
    %mul3A_58 = arith.constant 768 : i32
    %mul3A_59 = arith.muli %add3A_57, %mul3A_58 : i32
    %dma_start3A_60 = tpu.memref_slice %arg2[%mul3A_59] : memref<25165824xf32, #tpu.memory_space<hbm>> -> memref<12288xf32, #tpu.memory_space<hbm>>
    %dma_start3A_61 = tpu.memref_slice %arg2[%mul3A_59] : memref<25165824xf32, #tpu.memory_space<hbm>> -> memref<12288xf32, #tpu.memory_space<hbm>>
    tpu.enqueue_dma source(%dma_start3A_61 : memref<12288xf32, #tpu.memory_space<hbm>>) target(%arg14 : memref<12288xf32, #tpu.memory_space<vmem>>) target_semaphore(%arg16 : memref<!tpu.dma_semaphore, #tpu.memory_space<semaphore_mem>>)
    %dma_wait3A = arith.constant 0 : i32
    %dma_wait3A_62 = tpu.memref_slice %arg3[%dma_wait3A] : memref<6291456xf32, #tpu.memory_space<hbm>> -> memref<12288xf32, #tpu.memory_space<hbm>>
    %dma_wait3A_63 = arith.constant 0 : i32
    %dma_wait3A_64 = tpu.memref_slice %arg3[%dma_wait3A_63] : memref<6291456xf32, #tpu.memory_space<hbm>> -> memref<12288xf32, #tpu.memory_space<hbm>>
    tpu.wait_dma2 semaphore(%arg15 : memref<!tpu.dma_semaphore, #tpu.memory_space<semaphore_mem>>) src(%dma_wait3A_64 : memref<12288xf32, #tpu.memory_space<hbm>>) dst(%arg5 : memref<12288xf32, #tpu.memory_space<vmem>>)
    %dma_wait3A_65 = arith.constant 0 : i32
    %dma_wait3A_66 = tpu.memref_slice %arg3[%dma_wait3A_65] : memref<6291456xf32, #tpu.memory_space<hbm>> -> memref<12288xf32, #tpu.memory_space<hbm>>
    %dma_wait3A_67 = arith.constant 0 : i32
    %dma_wait3A_68 = tpu.memref_slice %arg3[%dma_wait3A_67] : memref<6291456xf32, #tpu.memory_space<hbm>> -> memref<12288xf32, #tpu.memory_space<hbm>>
    tpu.wait_dma2 semaphore(%arg15 : memref<!tpu.dma_semaphore, #tpu.memory_space<semaphore_mem>>) src(%dma_wait3A_68 : memref<12288xf32, #tpu.memory_space<hbm>>) dst(%arg5 : memref<12288xf32, #tpu.memory_space<vmem>>)
    %dma_wait3A_69 = arith.constant 0 : i32
    %dma_wait3A_70 = tpu.memref_slice %arg3[%dma_wait3A_69] : memref<6291456xf32, #tpu.memory_space<hbm>> -> memref<12288xf32, #tpu.memory_space<hbm>>
    %dma_wait3A_71 = arith.constant 0 : i32
    %dma_wait3A_72 = tpu.memref_slice %arg3[%dma_wait3A_71] : memref<6291456xf32, #tpu.memory_space<hbm>> -> memref<12288xf32, #tpu.memory_space<hbm>>
    tpu.wait_dma2 semaphore(%arg15 : memref<!tpu.dma_semaphore, #tpu.memory_space<semaphore_mem>>) src(%dma_wait3A_72 : memref<12288xf32, #tpu.memory_space<hbm>>) dst(%arg5 : memref<12288xf32, #tpu.memory_space<vmem>>)
    %dma_wait3A_73 = arith.constant 0 : i32
    %dma_wait3A_74 = tpu.memref_slice %arg3[%dma_wait3A_73] : memref<6291456xf32, #tpu.memory_space<hbm>> -> memref<12288xf32, #tpu.memory_space<hbm>>
    %dma_wait3A_75 = arith.constant 0 : i32
    %dma_wait3A_76 = tpu.memref_slice %arg3[%dma_wait3A_75] : memref<6291456xf32, #tpu.memory_space<hbm>> -> memref<12288xf32, #tpu.memory_space<hbm>>
    tpu.wait_dma2 semaphore(%arg15 : memref<!tpu.dma_semaphore, #tpu.memory_space<semaphore_mem>>) src(%dma_wait3A_76 : memref<12288xf32, #tpu.memory_space<hbm>>) dst(%arg5 : memref<12288xf32, #tpu.memory_space<vmem>>)
    %dma_wait3A_77 = tpu.memref_slice %arg2[%mul3A_29] : memref<25165824xf32, #tpu.memory_space<hbm>> -> memref<12288xf32, #tpu.memory_space<hbm>>
    %dma_wait3A_78 = tpu.memref_slice %arg2[%mul3A_29] : memref<25165824xf32, #tpu.memory_space<hbm>> -> memref<12288xf32, #tpu.memory_space<hbm>>
    tpu.wait_dma2 semaphore(%arg15 : memref<!tpu.dma_semaphore, #tpu.memory_space<semaphore_mem>>) src(%dma_wait3A_78 : memref<12288xf32, #tpu.memory_space<hbm>>) dst(%arg9 : memref<12288xf32, #tpu.memory_space<vmem>>)
    %parallel_loop3A = arith.constant 0 : i32
    %parallel_loop3A_79 = arith.constant 12288 : i32
    %parallel_loop3A_80 = arith.constant 16 : i32
    scf.for %parallel_loop3A_1360 = %parallel_loop3A to %parallel_loop3A_79 step %parallel_loop3A_80  : i32 {
      %parallel_loop3A_1361 = arith.index_cast %parallel_loop3A_1360 : i32 to index
      %parallel_loop3A_1362 = tpu.vector_load %arg5[%parallel_loop3A_1361] {strides = array<i32>} : memref<12288xf32, #tpu.memory_space<vmem>>, vector<16xf32>,
      %parallel_loop3A_1363 = vector.shape_cast %parallel_loop3A_1362 : vector<16xf32> to vector<16xf32>
      %parallel_loop3A_1364 = arith.index_cast %parallel_loop3A_1360 : i32 to index
      %parallel_loop3A_1365 = tpu.vector_load %arg6[%parallel_loop3A_1364] {strides = array<i32>} : memref<12288xf32, #tpu.memory_space<vmem>>, vector<16xf32>,
      %parallel_loop3A_1366 = vector.shape_cast %parallel_loop3A_1365 : vector<16xf32> to vector<16xf32>
      %parallel_loop3A_1367 = arith.addf %parallel_loop3A_1366, %parallel_loop3A_1363 : vector<16xf32>
      %parallel_loop3A_1368 = arith.index_cast %parallel_loop3A_1360 : i32 to index
      %parallel_loop3A_1369 = tpu.vector_load %arg6[%parallel_loop3A_1368] {strides = array<i32>} : memref<12288xf32, #tpu.memory_space<vmem>>, vector<16xf32>,
      %parallel_loop3A_1370 = vector.shape_cast %parallel_loop3A_1369 : vector<16xf32> to vector<16xf32>
      %parallel_loop3A_1371 = vector.shape_cast %parallel_loop3A_1367 : vector<16xf32> to vector<16xf32>
      tpu.vector_store %arg6[%parallel_loop3A_1368], %parallel_loop3A_1371 {strides = array<i32>} : memref<12288xf32, #tpu.memory_space<vmem>>, vector<16xf32>,
      %parallel_loop3A_1372 = arith.index_cast %parallel_loop3A_1360 : i32 to index
      %parallel_loop3A_1373 = tpu.vector_load %arg7[%parallel_loop3A_1372] {strides = array<i32>} : memref<12288xf32, #tpu.memory_space<vmem>>, vector<16xf32>,
      %parallel_loop3A_1374 = vector.shape_cast %parallel_loop3A_1373 : vector<16xf32> to vector<16xf32>
      %parallel_loop3A_1375 = arith.addf %parallel_loop3A_1374, %parallel_loop3A_1363 : vector<16xf32>
      %parallel_loop3A_1376 = arith.index_cast %parallel_loop3A_1360 : i32 to index
      %parallel_loop3A_1377 = tpu.vector_load %arg7[%parallel_loop3A_1376] {strides = array<i32>} : memref<12288xf32, #tpu.memory_space<vmem>>, vector<16xf32>,
      %parallel_loop3A_1378 = vector.shape_cast %parallel_loop3A_1377 : vector<16xf32> to vector<16xf32>
      %parallel_loop3A_1379 = vector.shape_cast %parallel_loop3A_1375 : vector<16xf32> to vector<16xf32>
      tpu.vector_store %arg7[%parallel_loop3A_1376], %parallel_loop3A_1379 {strides = array<i32>} : memref<12288xf32, #tpu.memory_space<vmem>>, vector<16xf32>,
      %parallel_loop3A_1380 = arith.index_cast %parallel_loop3A_1360 : i32 to index
      %parallel_loop3A_1381 = tpu.vector_load %arg8[%parallel_loop3A_1380] {strides = array<i32>} : memref<12288xf32, #tpu.memory_space<vmem>>, vector<16xf32>,
      %parallel_loop3A_1382 = vector.shape_cast %parallel_loop3A_1381 : vector<16xf32> to vector<16xf32>
      %parallel_loop3A_1383 = arith.addf %parallel_loop3A_1382, %parallel_loop3A_1363 : vector<16xf32>
      %parallel_loop3A_1384 = arith.index_cast %parallel_loop3A_1360 : i32 to index
      %parallel_loop3A_1385 = tpu.vector_load %arg8[%parallel_loop3A_1384] {strides = array<i32>} : memref<12288xf32, #tpu.memory_space<vmem>>, vector<16xf32>,
      %parallel_loop3A_1386 = vector.shape_cast %parallel_loop3A_1385 : vector<16xf32> to vector<16xf32>
      %parallel_loop3A_1387 = vector.shape_cast %parallel_loop3A_1383 : vector<16xf32> to vector<16xf32>
      tpu.vector_store %arg8[%parallel_loop3A_1384], %parallel_loop3A_1387 {strides = array<i32>} : memref<12288xf32, #tpu.memory_space<vmem>>, vector<16xf32>,
      %parallel_loop3A_1388 = arith.index_cast %parallel_loop3A_1360 : i32 to index
      %parallel_loop3A_1389 = tpu.vector_load %arg9[%parallel_loop3A_1388] {strides = array<i32>} : memref<12288xf32, #tpu.memory_space<vmem>>, vector<16xf32>,
      %parallel_loop3A_1390 = vector.shape_cast %parallel_loop3A_1389 : vector<16xf32> to vector<16xf32>
      %parallel_loop3A_1391 = arith.addf %parallel_loop3A_1390, %parallel_loop3A_1363 : vector<16xf32>
      %parallel_loop3A_1392 = arith.index_cast %parallel_loop3A_1360 : i32 to index
      %parallel_loop3A_1393 = tpu.vector_load %arg9[%parallel_loop3A_1392] {strides = array<i32>} : memref<12288xf32, #tpu.memory_space<vmem>>, vector<16xf32>,
      %parallel_loop3A_1394 = vector.shape_cast %parallel_loop3A_1393 : vector<16xf32> to vector<16xf32>
      %parallel_loop3A_1395 = vector.shape_cast %parallel_loop3A_1391 : vector<16xf32> to vector<16xf32>
      tpu.vector_store %arg9[%parallel_loop3A_1392], %parallel_loop3A_1395 {strides = array<i32>} : memref<12288xf32, #tpu.memory_space<vmem>>, vector<16xf32>,
    } {sc.loop_unroll_factor = 4 : i64, sc.parallel_access}
    %add3A_81 = arith.constant 0 : i32
    %add3A_82 = arith.addi %mul3A_2, %add3A_81 : i32
    %add3A_83 = arith.constant 0 : i32
    %add3A_84 = arith.addi %add3A_83, %add3A_82 : i32
    %mul3A_85 = arith.constant 768 : i32
    %mul3A_86 = arith.muli %add3A_84, %mul3A_85 : i32
    %dma_start3A_87 = tpu.memref_slice %arg4[%mul3A_86] : memref<25165824xf32, #tpu.memory_space<hbm>> -> memref<12288xf32, #tpu.memory_space<hbm>>
    %dma_start3A_88 = tpu.memref_slice %arg4[%mul3A_86] : memref<25165824xf32, #tpu.memory_space<hbm>> -> memref<12288xf32, #tpu.memory_space<hbm>>
    tpu.enqueue_dma source(%arg6 : memref<12288xf32, #tpu.memory_space<vmem>>) target(%dma_start3A_88 : memref<12288xf32, #tpu.memory_space<hbm>>) target_semaphore(%arg17 : memref<!tpu.dma_semaphore, #tpu.memory_space<semaphore_mem>>)
    %add3A_89 = arith.constant 8192 : i32
    %add3A_90 = arith.addi %add3A_89, %add3A_82 : i32
    %mul3A_91 = arith.constant 768 : i32
    %mul3A_92 = arith.muli %add3A_90, %mul3A_91 : i32
    %dma_start3A_93 = tpu.memref_slice %arg4[%mul3A_92] : memref<25165824xf32, #tpu.memory_space<hbm>> -> memref<12288xf32, #tpu.memory_space<hbm>>
    %dma_start3A_94 = tpu.memref_slice %arg4[%mul3A_92] : memref<25165824xf32, #tpu.memory_space<hbm>> -> memref<12288xf32, #tpu.memory_space<hbm>>
    tpu.enqueue_dma source(%arg7 : memref<12288xf32, #tpu.memory_space<vmem>>) target(%dma_start3A_94 : memref<12288xf32, #tpu.memory_space<hbm>>) target_semaphore(%arg17 : memref<!tpu.dma_semaphore, #tpu.memory_space<semaphore_mem>>)
    %add3A_95 = arith.constant 16384 : i32
    %add3A_96 = arith.addi %add3A_95, %add3A_82 : i32
    %mul3A_97 = arith.constant 768 : i32
    %mul3A_98 = arith.muli %add3A_96, %mul3A_97 : i32
    %dma_start3A_99 = tpu.memref_slice %arg4[%mul3A_98] : memref<25165824xf32, #tpu.memory_space<hbm>> -> memref<12288xf32, #tpu.memory_space<hbm>>
    %dma_start3A_100 = tpu.memref_slice %arg4[%mul3A_98] : memref<25165824xf32, #tpu.memory_space<hbm>> -> memref<12288xf32, #tpu.memory_space<hbm>>
    tpu.enqueue_dma source(%arg8 : memref<12288xf32, #tpu.memory_space<vmem>>) target(%dma_start3A_100 : memref<12288xf32, #tpu.memory_space<hbm>>) target_semaphore(%arg17 : memref<!tpu.dma_semaphore, #tpu.memory_space<semaphore_mem>>)
    %add3A_101 = arith.constant 24576 : i32
    %add3A_102 = arith.addi %add3A_101, %add3A_82 : i32
    %mul3A_103 = arith.constant 768 : i32
    %mul3A_104 = arith.muli %add3A_102, %mul3A_103 : i32
    %dma_start3A_105 = tpu.memref_slice %arg4[%mul3A_104] : memref<25165824xf32, #tpu.memory_space<hbm>> -> memref<12288xf32, #tpu.memory_space<hbm>>
    %dma_start3A_106 = tpu.memref_slice %arg4[%mul3A_104] : memref<25165824xf32, #tpu.memory_space<hbm>> -> memref<12288xf32, #tpu.memory_space<hbm>>
    tpu.enqueue_dma source(%arg9 : memref<12288xf32, #tpu.memory_space<vmem>>) target(%dma_start3A_106 : memref<12288xf32, #tpu.memory_space<hbm>>) target_semaphore(%arg17 : memref<!tpu.dma_semaphore, #tpu.memory_space<semaphore_mem>>)
    %dma_wait3A_107 = tpu.memref_slice %arg4[%mul3A_86] : memref<25165824xf32, #tpu.memory_space<hbm>> -> memref<12288xf32, #tpu.memory_space<hbm>>
    %dma_wait3A_108 = tpu.memref_slice %arg4[%mul3A_86] : memref<25165824xf32, #tpu.memory_space<hbm>> -> memref<12288xf32, #tpu.memory_space<hbm>>
    tpu.wait_dma2 semaphore(%arg17 : memref<!tpu.dma_semaphore, #tpu.memory_space<semaphore_mem>>) src(%arg6 : memref<12288xf32, #tpu.memory_space<vmem>>) dst(%dma_wait3A_108 : memref<12288xf32, #tpu.memory_space<hbm>>)
    %dma_wait3A_109 = tpu.memref_slice %arg4[%mul3A_92] : memref<25165824xf32, #tpu.memory_space<hbm>> -> memref<12288xf32, #tpu.memory_space<hbm>>
    %dma_wait3A_110 = tpu.memref_slice %arg4[%mul3A_92] : memref<25165824xf32, #tpu.memory_space<hbm>> -> memref<12288xf32, #tpu.memory_space<hbm>>
    tpu.wait_dma2 semaphore(%arg17 : memref<!tpu.dma_semaphore, #tpu.memory_space<semaphore_mem>>) src(%arg7 : memref<12288xf32, #tpu.memory_space<vmem>>) dst(%dma_wait3A_110 : memref<12288xf32, #tpu.memory_space<hbm>>)
    %dma_wait3A_111 = tpu.memref_slice %arg4[%mul3A_98] : memref<25165824xf32, #tpu.memory_space<hbm>> -> memref<12288xf32, #tpu.memory_space<hbm>>
    %dma_wait3A_112 = tpu.memref_slice %arg4[%mul3A_98] : memref<25165824xf32, #tpu.memory_space<hbm>> -> memref<12288xf32, #tpu.memory_space<hbm>>
    tpu.wait_dma2 semaphore(%arg17 : memref<!tpu.dma_semaphore, #tpu.memory_space<semaphore_mem>>) src(%arg8 : memref<12288xf32, #tpu.memory_space<vmem>>) dst(%dma_wait3A_112 : memref<12288xf32, #tpu.memory_space<hbm>>)
    %dma_wait3A_113 = tpu.memref_slice %arg4[%mul3A_104] : memref<25165824xf32, #tpu.memory_space<hbm>> -> memref<12288xf32, #tpu.memory_space<hbm>>
    %dma_wait3A_114 = tpu.memref_slice %arg4[%mul3A_104] : memref<25165824xf32, #tpu.memory_space<hbm>> -> memref<12288xf32, #tpu.memory_space<hbm>>
    tpu.wait_dma2 semaphore(%arg17 : memref<!tpu.dma_semaphore, #tpu.memory_space<semaphore_mem>>) src(%arg9 : memref<12288xf32, #tpu.memory_space<vmem>>) dst(%dma_wait3A_114 : memref<12288xf32, #tpu.memory_space<hbm>>)
    %add3A_115 = arith.constant 32 : i32
    %add3A_116 = arith.addi %mul3A_2, %add3A_115 : i32
    %mul3A_117 = arith.constant 768 : i32
    %mul3A_118 = arith.muli %add3A_116, %mul3A_117 : i32
    %dma_start3A_119 = tpu.memref_slice %arg3[%mul3A_118] : memref<6291456xf32, #tpu.memory_space<hbm>> -> memref<12288xf32, #tpu.memory_space<hbm>>
    %dma_start3A_120 = tpu.memref_slice %arg3[%mul3A_118] : memref<6291456xf32, #tpu.memory_space<hbm>> -> memref<12288xf32, #tpu.memory_space<hbm>>
    tpu.enqueue_dma source(%dma_start3A_120 : memref<12288xf32, #tpu.memory_space<hbm>>) target(%arg5 : memref<12288xf32, #tpu.memory_space<vmem>>) target_semaphore(%arg15 : memref<!tpu.dma_semaphore, #tpu.memory_space<semaphore_mem>>)
    %add3A_121 = arith.constant 0 : i32
    %add3A_122 = arith.addi %add3A_121, %add3A_116 : i32
    %mul3A_123 = arith.constant 768 : i32
    %mul3A_124 = arith.muli %add3A_122, %mul3A_123 : i32
    %dma_start3A_125 = tpu.memref_slice %arg2[%mul3A_124] : memref<25165824xf32, #tpu.memory_space<hbm>> -> memref<12288xf32, #tpu.memory_space<hbm>>
    %dma_start3A_126 = tpu.memref_slice %arg2[%mul3A_124] : memref<25165824xf32, #tpu.memory_space<hbm>> -> memref<12288xf32, #tpu.memory_space<hbm>>
    tpu.enqueue_dma source(%dma_start3A_126 : memref<12288xf32, #tpu.memory_space<hbm>>) target(%arg6 : memref<12288xf32, #tpu.memory_space<vmem>>) target_semaphore(%arg15 : memref<!tpu.dma_semaphore, #tpu.memory_space<semaphore_mem>>)
    %add3A_127 = arith.constant 8192 : i32
    %add3A_128 = arith.addi %add3A_127, %add3A_116 : i32
    %mul3A_129 = arith.constant 768 : i32
    %mul3A_130 = arith.muli %add3A_128, %mul3A_129 : i32
    %dma_start3A_131 = tpu.memref_slice %arg2[%mul3A_130] : memref<25165824xf32, #tpu.memory_space<hbm>> -> memref<12288xf32, #tpu.memory_space<hbm>>
    %dma_start3A_132 = tpu.memref_slice %arg2[%mul3A_130] : memref<25165824xf32, #tpu.memory_space<hbm>> -> memref<12288xf32, #tpu.memory_space<hbm>>
    tpu.enqueue_dma source(%dma_start3A_132 : memref<12288xf32, #tpu.memory_space<hbm>>) target(%arg7 : memref<12288xf32, #tpu.memory_space<vmem>>) target_semaphore(%arg15 : memref<!tpu.dma_semaphore, #tpu.memory_space<semaphore_mem>>)
    %add3A_133 = arith.constant 16384 : i32
    %add3A_134 = arith.addi %add3A_133, %add3A_116 : i32
    %mul3A_135 = arith.constant 768 : i32
    %mul3A_136 = arith.muli %add3A_134, %mul3A_135 : i32
    %dma_start3A_137 = tpu.memref_slice %arg2[%mul3A_136] : memref<25165824xf32, #tpu.memory_space<hbm>> -> memref<12288xf32, #tpu.memory_space<hbm>>
    %dma_start3A_138 = tpu.memref_slice %arg2[%mul3A_136] : memref<25165824xf32, #tpu.memory_space<hbm>> -> memref<12288xf32, #tpu.memory_space<hbm>>
    tpu.enqueue_dma source(%dma_start3A_138 : memref<12288xf32, #tpu.memory_space<hbm>>) target(%arg8 : memref<12288xf32, #tpu.memory_space<vmem>>) target_semaphore(%arg15 : memref<!tpu.dma_semaphore, #tpu.memory_space<semaphore_mem>>)
    %add3A_139 = arith.constant 24576 : i32
    %add3A_140 = arith.addi %add3A_139, %add3A_116 : i32
    %mul3A_141 = arith.constant 768 : i32
    %mul3A_142 = arith.muli %add3A_140, %mul3A_141 : i32
    %dma_start3A_143 = tpu.memref_slice %arg2[%mul3A_142] : memref<25165824xf32, #tpu.memory_space<hbm>> -> memref<12288xf32, #tpu.memory_space<hbm>>
    %dma_start3A_144 = tpu.memref_slice %arg2[%mul3A_142] : memref<25165824xf32, #tpu.memory_space<hbm>> -> memref<12288xf32, #tpu.memory_space<hbm>>
    tpu.enqueue_dma source(%dma_start3A_144 : memref<12288xf32, #tpu.memory_space<hbm>>) target(%arg9 : memref<12288xf32, #tpu.memory_space<vmem>>) target_semaphore(%arg15 : memref<!tpu.dma_semaphore, #tpu.memory_space<semaphore_mem>>)
    %dma_wait3A_145 = arith.constant 0 : i32
    %dma_wait3A_146 = tpu.memref_slice %arg3[%dma_wait3A_145] : memref<6291456xf32, #tpu.memory_space<hbm>> -> memref<12288xf32, #tpu.memory_space<hbm>>
    %dma_wait3A_147 = arith.constant 0 : i32
    %dma_wait3A_148 = tpu.memref_slice %arg3[%dma_wait3A_147] : memref<6291456xf32, #tpu.memory_space<hbm>> -> memref<12288xf32, #tpu.memory_space<hbm>>
    tpu.wait_dma2 semaphore(%arg16 : memref<!tpu.dma_semaphore, #tpu.memory_space<semaphore_mem>>) src(%dma_wait3A_148 : memref<12288xf32, #tpu.memory_space<hbm>>) dst(%arg10 : memref<12288xf32, #tpu.memory_space<vmem>>)
    %dma_wait3A_149 = arith.constant 0 : i32
    %dma_wait3A_150 = tpu.memref_slice %arg3[%dma_wait3A_149] : memref<6291456xf32, #tpu.memory_space<hbm>> -> memref<12288xf32, #tpu.memory_space<hbm>>
    %dma_wait3A_151 = arith.constant 0 : i32
    %dma_wait3A_152 = tpu.memref_slice %arg3[%dma_wait3A_151] : memref<6291456xf32, #tpu.memory_space<hbm>> -> memref<12288xf32, #tpu.memory_space<hbm>>
    tpu.wait_dma2 semaphore(%arg16 : memref<!tpu.dma_semaphore, #tpu.memory_space<semaphore_mem>>) src(%dma_wait3A_152 : memref<12288xf32, #tpu.memory_space<hbm>>) dst(%arg10 : memref<12288xf32, #tpu.memory_space<vmem>>)
    %dma_wait3A_153 = arith.constant 0 : i32
    %dma_wait3A_154 = tpu.memref_slice %arg3[%dma_wait3A_153] : memref<6291456xf32, #tpu.memory_space<hbm>> -> memref<12288xf32, #tpu.memory_space<hbm>>
    %dma_wait3A_155 = arith.constant 0 : i32
    %dma_wait3A_156 = tpu.memref_slice %arg3[%dma_wait3A_155] : memref<6291456xf32, #tpu.memory_space<hbm>> -> memref<12288xf32, #tpu.memory_space<hbm>>
    tpu.wait_dma2 semaphore(%arg16 : memref<!tpu.dma_semaphore, #tpu.memory_space<semaphore_mem>>) src(%dma_wait3A_156 : memref<12288xf32, #tpu.memory_space<hbm>>) dst(%arg10 : memref<12288xf32, #tpu.memory_space<vmem>>)
    %dma_wait3A_157 = arith.constant 0 : i32
    %dma_wait3A_158 = tpu.memref_slice %arg3[%dma_wait3A_157] : memref<6291456xf32, #tpu.memory_space<hbm>> -> memref<12288xf32, #tpu.memory_space<hbm>>
    %dma_wait3A_159 = arith.constant 0 : i32
    %dma_wait3A_160 = tpu.memref_slice %arg3[%dma_wait3A_159] : memref<6291456xf32, #tpu.memory_space<hbm>> -> memref<12288xf32, #tpu.memory_space<hbm>>
    tpu.wait_dma2 semaphore(%arg16 : memref<!tpu.dma_semaphore, #tpu.memory_space<semaphore_mem>>) src(%dma_wait3A_160 : memref<12288xf32, #tpu.memory_space<hbm>>) dst(%arg10 : memref<12288xf32, #tpu.memory_space<vmem>>)
    %dma_wait3A_161 = tpu.memref_slice %arg2[%mul3A_59] : memref<25165824xf32, #tpu.memory_space<hbm>> -> memref<12288xf32, #tpu.memory_space<hbm>>
    %dma_wait3A_162 = tpu.memref_slice %arg2[%mul3A_59] : memref<25165824xf32, #tpu.memory_space<hbm>> -> memref<12288xf32, #tpu.memory_space<hbm>>
    tpu.wait_dma2 semaphore(%arg16 : memref<!tpu.dma_semaphore, #tpu.memory_space<semaphore_mem>>) src(%dma_wait3A_162 : memref<12288xf32, #tpu.memory_space<hbm>>) dst(%arg14 : memref<12288xf32, #tpu.memory_space<vmem>>)
    %parallel_loop3A_163 = arith.constant 0 : i32
    %parallel_loop3A_164 = arith.constant 12288 : i32
    %parallel_loop3A_165 = arith.constant 16 : i32
    scf.for %parallel_loop3A_1360 = %parallel_loop3A_163 to %parallel_loop3A_164 step %parallel_loop3A_165  : i32 {
      %parallel_loop3A_1361 = arith.index_cast %parallel_loop3A_1360 : i32 to index
      %parallel_loop3A_1362 = tpu.vector_load %arg10[%parallel_loop3A_1361] {strides = array<i32>} : memref<12288xf32, #tpu.memory_space<vmem>>, vector<16xf32>,
      %parallel_loop3A_1363 = vector.shape_cast %parallel_loop3A_1362 : vector<16xf32> to vector<16xf32>
      %parallel_loop3A_1364 = arith.index_cast %parallel_loop3A_1360 : i32 to index
      %parallel_loop3A_1365 = tpu.vector_load %arg11[%parallel_loop3A_1364] {strides = array<i32>} : memref<12288xf32, #tpu.memory_space<vmem>>, vector<16xf32>,
      %parallel_loop3A_1366 = vector.shape_cast %parallel_loop3A_1365 : vector<16xf32> to vector<16xf32>
      %parallel_loop3A_1367 = arith.addf %parallel_loop3A_1366, %parallel_loop3A_1363 : vector<16xf32>
      %parallel_loop3A_1368 = arith.index_cast %parallel_loop3A_1360 : i32 to index
      %parallel_loop3A_1369 = tpu.vector_load %arg11[%parallel_loop3A_1368] {strides = array<i32>} : memref<12288xf32, #tpu.memory_space<vmem>>, vector<16xf32>,
      %parallel_loop3A_1370 = vector.shape_cast %parallel_loop3A_1369 : vector<16xf32> to vector<16xf32>
      %parallel_loop3A_1371 = vector.shape_cast %parallel_loop3A_1367 : vector<16xf32> to vector<16xf32>
      tpu.vector_store %arg11[%parallel_loop3A_1368], %parallel_loop3A_1371 {strides = array<i32>} : memref<12288xf32, #tpu.memory_space<vmem>>, vector<16xf32>,
      %parallel_loop3A_1372 = arith.index_cast %parallel_loop3A_1360 : i32 to index
      %parallel_loop3A_1373 = tpu.vector_load %arg12[%parallel_loop3A_1372] {strides = array<i32>} : memref<12288xf32, #tpu.memory_space<vmem>>, vector<16xf32>,
      %parallel_loop3A_1374 = vector.shape_cast %parallel_loop3A_1373 : vector<16xf32> to vector<16xf32>
      %parallel_loop3A_1375 = arith.addf %parallel_loop3A_1374, %parallel_loop3A_1363 : vector<16xf32>
      %parallel_loop3A_1376 = arith.index_cast %parallel_loop3A_1360 : i32 to index
      %parallel_loop3A_1377 = tpu.vector_load %arg12[%parallel_loop3A_1376] {strides = array<i32>} : memref<12288xf32, #tpu.memory_space<vmem>>, vector<16xf32>,
      %parallel_loop3A_1378 = vector.shape_cast %parallel_loop3A_1377 : vector<16xf32> to vector<16xf32>
      %parallel_loop3A_1379 = vector.shape_cast %parallel_loop3A_1375 : vector<16xf32> to vector<16xf32>
      tpu.vector_store %arg12[%parallel_loop3A_1376], %parallel_loop3A_1379 {strides = array<i32>} : memref<12288xf32, #tpu.memory_space<vmem>>, vector<16xf32>,
      %parallel_loop3A_1380 = arith.index_cast %parallel_loop3A_1360 : i32 to index
      %parallel_loop3A_1381 = tpu.vector_load %arg13[%parallel_loop3A_1380] {strides = array<i32>} : memref<12288xf32, #tpu.memory_space<vmem>>, vector<16xf32>,
      %parallel_loop3A_1382 = vector.shape_cast %parallel_loop3A_1381 : vector<16xf32> to vector<16xf32>
      %parallel_loop3A_1383 = arith.addf %parallel_loop3A_1382, %parallel_loop3A_1363 : vector<16xf32>
      %parallel_loop3A_1384 = arith.index_cast %parallel_loop3A_1360 : i32 to index
      %parallel_loop3A_1385 = tpu.vector_load %arg13[%parallel_loop3A_1384] {strides = array<i32>} : memref<12288xf32, #tpu.memory_space<vmem>>, vector<16xf32>,
      %parallel_loop3A_1386 = vector.shape_cast %parallel_loop3A_1385 : vector<16xf32> to vector<16xf32>
      %parallel_loop3A_1387 = vector.shape_cast %parallel_loop3A_1383 : vector<16xf32> to vector<16xf32>
      tpu.vector_store %arg13[%parallel_loop3A_1384], %parallel_loop3A_1387 {strides = array<i32>} : memref<12288xf32, #tpu.memory_space<vmem>>, vector<16xf32>,
      %parallel_loop3A_1388 = arith.index_cast %parallel_loop3A_1360 : i32 to index
      %parallel_loop3A_1389 = tpu.vector_load %arg14[%parallel_loop3A_1388] {strides = array<i32>} : memref<12288xf32, #tpu.memory_space<vmem>>, vector<16xf32>,
      %parallel_loop3A_1390 = vector.shape_cast %parallel_loop3A_1389 : vector<16xf32> to vector<16xf32>
      %parallel_loop3A_1391 = arith.addf %parallel_loop3A_1390, %parallel_loop3A_1363 : vector<16xf32>
      %parallel_loop3A_1392 = arith.index_cast %parallel_loop3A_1360 : i32 to index
      %parallel_loop3A_1393 = tpu.vector_load %arg14[%parallel_loop3A_1392] {strides = array<i32>} : memref<12288xf32, #tpu.memory_space<vmem>>, vector<16xf32>,
      %parallel_loop3A_1394 = vector.shape_cast %parallel_loop3A_1393 : vector<16xf32> to vector<16xf32>
      %parallel_loop3A_1395 = vector.shape_cast %parallel_loop3A_1391 : vector<16xf32> to vector<16xf32>
      tpu.vector_store %arg14[%parallel_loop3A_1392], %parallel_loop3A_1395 {strides = array<i32>} : memref<12288xf32, #tpu.memory_space<vmem>>, vector<16xf32>,
    } {sc.loop_unroll_factor = 4 : i64, sc.parallel_access}
    %add3A_166 = arith.constant 16 : i32
    %add3A_167 = arith.addi %mul3A_2, %add3A_166 : i32
    %add3A_168 = arith.constant 0 : i32
    %add3A_169 = arith.addi %add3A_168, %add3A_167 : i32
    %mul3A_170 = arith.constant 768 : i32
    %mul3A_171 = arith.muli %add3A_169, %mul3A_170 : i32
    %dma_start3A_172 = tpu.memref_slice %arg4[%mul3A_171] : memref<25165824xf32, #tpu.memory_space<hbm>> -> memref<12288xf32, #tpu.memory_space<hbm>>
    %dma_start3A_173 = tpu.memref_slice %arg4[%mul3A_171] : memref<25165824xf32, #tpu.memory_space<hbm>> -> memref<12288xf32, #tpu.memory_space<hbm>>
    tpu.enqueue_dma source(%arg11 : memref<12288xf32, #tpu.memory_space<vmem>>) target(%dma_start3A_173 : memref<12288xf32, #tpu.memory_space<hbm>>) target_semaphore(%arg18 : memref<!tpu.dma_semaphore, #tpu.memory_space<semaphore_mem>>)
    %add3A_174 = arith.constant 8192 : i32
    %add3A_175 = arith.addi %add3A_174, %add3A_167 : i32
    %mul3A_176 = arith.constant 768 : i32
    %mul3A_177 = arith.muli %add3A_175, %mul3A_176 : i32
    %dma_start3A_178 = tpu.memref_slice %arg4[%mul3A_177] : memref<25165824xf32, #tpu.memory_space<hbm>> -> memref<12288xf32, #tpu.memory_space<hbm>>
    %dma_start3A_179 = tpu.memref_slice %arg4[%mul3A_177] : memref<25165824xf32, #tpu.memory_space<hbm>> -> memref<12288xf32, #tpu.memory_space<hbm>>
    tpu.enqueue_dma source(%arg12 : memref<12288xf32, #tpu.memory_space<vmem>>) target(%dma_start3A_179 : memref<12288xf32, #tpu.memory_space<hbm>>) target_semaphore(%arg18 : memref<!tpu.dma_semaphore, #tpu.memory_space<semaphore_mem>>)
    %add3A_180 = arith.constant 16384 : i32
    %add3A_181 = arith.addi %add3A_180, %add3A_167 : i32
    %mul3A_182 = arith.constant 768 : i32
    %mul3A_183 = arith.muli %add3A_181, %mul3A_182 : i32
    %dma_start3A_184 = tpu.memref_slice %arg4[%mul3A_183] : memref<25165824xf32, #tpu.memory_space<hbm>> -> memref<12288xf32, #tpu.memory_space<hbm>>
    %dma_start3A_185 = tpu.memref_slice %arg4[%mul3A_183] : memref<25165824xf32, #tpu.memory_space<hbm>> -> memref<12288xf32, #tpu.memory_space<hbm>>
    tpu.enqueue_dma source(%arg13 : memref<12288xf32, #tpu.memory_space<vmem>>) target(%dma_start3A_185 : memref<12288xf32, #tpu.memory_space<hbm>>) target_semaphore(%arg18 : memref<!tpu.dma_semaphore, #tpu.memory_space<semaphore_mem>>)
    %add3A_186 = arith.constant 24576 : i32
    %add3A_187 = arith.addi %add3A_186, %add3A_167 : i32
    %mul3A_188 = arith.constant 768 : i32
    %mul3A_189 = arith.muli %add3A_187, %mul3A_188 : i32
    %dma_start3A_190 = tpu.memref_slice %arg4[%mul3A_189] : memref<25165824xf32, #tpu.memory_space<hbm>> -> memref<12288xf32, #tpu.memory_space<hbm>>
    %dma_start3A_191 = tpu.memref_slice %arg4[%mul3A_189] : memref<25165824xf32, #tpu.memory_space<hbm>> -> memref<12288xf32, #tpu.memory_space<hbm>>
    tpu.enqueue_dma source(%arg14 : memref<12288xf32, #tpu.memory_space<vmem>>) target(%dma_start3A_191 : memref<12288xf32, #tpu.memory_space<hbm>>) target_semaphore(%arg18 : memref<!tpu.dma_semaphore, #tpu.memory_space<semaphore_mem>>)
    %dma_wait3A_192 = tpu.memref_slice %arg4[%mul3A_171] : memref<25165824xf32, #tpu.memory_space<hbm>> -> memref<12288xf32, #tpu.memory_space<hbm>>
    %dma_wait3A_193 = tpu.memref_slice %arg4[%mul3A_171] : memref<25165824xf32, #tpu.memory_space<hbm>> -> memref<12288xf32, #tpu.memory_space<hbm>>
    tpu.wait_dma2 semaphore(%arg18 : memref<!tpu.dma_semaphore, #tpu.memory_space<semaphore_mem>>) src(%arg11 : memref<12288xf32, #tpu.memory_space<vmem>>) dst(%dma_wait3A_193 : memref<12288xf32, #tpu.memory_space<hbm>>)
    %dma_wait3A_194 = tpu.memref_slice %arg4[%mul3A_177] : memref<25165824xf32, #tpu.memory_space<hbm>> -> memref<12288xf32, #tpu.memory_space<hbm>>
    %dma_wait3A_195 = tpu.memref_slice %arg4[%mul3A_177] : memref<25165824xf32, #tpu.memory_space<hbm>> -> memref<12288xf32, #tpu.memory_space<hbm>>
    tpu.wait_dma2 semaphore(%arg18 : memref<!tpu.dma_semaphore, #tpu.memory_space<semaphore_mem>>) src(%arg12 : memref<12288xf32, #tpu.memory_space<vmem>>) dst(%dma_wait3A_195 : memref<12288xf32, #tpu.memory_space<hbm>>)
    %dma_wait3A_196 = tpu.memref_slice %arg4[%mul3A_183] : memref<25165824xf32, #tpu.memory_space<hbm>> -> memref<12288xf32, #tpu.memory_space<hbm>>
    %dma_wait3A_197 = tpu.memref_slice %arg4[%mul3A_183] : memref<25165824xf32, #tpu.memory_space<hbm>> -> memref<12288xf32, #tpu.memory_space<hbm>>
    tpu.wait_dma2 semaphore(%arg18 : memref<!tpu.dma_semaphore, #tpu.memory_space<semaphore_mem>>) src(%arg13 : memref<12288xf32, #tpu.memory_space<vmem>>) dst(%dma_wait3A_197 : memref<12288xf32, #tpu.memory_space<hbm>>)
    %dma_wait3A_198 = tpu.memref_slice %arg4[%mul3A_189] : memref<25165824xf32, #tpu.memory_space<hbm>> -> memref<12288xf32, #tpu.memory_space<hbm>>
    %dma_wait3A_199 = tpu.memref_slice %arg4[%mul3A_189] : memref<25165824xf32, #tpu.memory_space<hbm>> -> memref<12288xf32, #tpu.memory_space<hbm>>
    tpu.wait_dma2 semaphore(%arg18 : memref<!tpu.dma_semaphore, #tpu.memory_space<semaphore_mem>>) src(%arg14 : memref<12288xf32, #tpu.memory_space<vmem>>) dst(%dma_wait3A_199 : memref<12288xf32, #tpu.memory_space<hbm>>)
    %add3A_200 = arith.constant 48 : i32
    %add3A_201 = arith.addi %mul3A_2, %add3A_200 : i32
    %mul3A_202 = arith.constant 768 : i32
    %mul3A_203 = arith.muli %add3A_201, %mul3A_202 : i32
    %dma_start3A_204 = tpu.memref_slice %arg3[%mul3A_203] : memref<6291456xf32, #tpu.memory_space<hbm>> -> memref<12288xf32, #tpu.memory_space<hbm>>
    %dma_start3A_205 = tpu.memref_slice %arg3[%mul3A_203] : memref<6291456xf32, #tpu.memory_space<hbm>> -> memref<12288xf32, #tpu.memory_space<hbm>>
    tpu.enqueue_dma source(%dma_start3A_205 : memref<12288xf32, #tpu.memory_space<hbm>>) target(%arg10 : memref<12288xf32, #tpu.memory_space<vmem>>) target_semaphore(%arg16 : memref<!tpu.dma_semaphore, #tpu.memory_space<semaphore_mem>>)
    %add3A_206 = arith.constant 0 : i32
    %add3A_207 = arith.addi %add3A_206, %add3A_201 : i32
    %mul3A_208 = arith.constant 768 : i32
    %mul3A_209 = arith.muli %add3A_207, %mul3A_208 : i32
    %dma_start3A_210 = tpu.memref_slice %arg2[%mul3A_209] : memref<25165824xf32, #tpu.memory_space<hbm>> -> memref<12288xf32, #tpu.memory_space<hbm>>
    %dma_start3A_211 = tpu.memref_slice %arg2[%mul3A_209] : memref<25165824xf32, #tpu.memory_space<hbm>> -> memref<12288xf32, #tpu.memory_space<hbm>>
    tpu.enqueue_dma source(%dma_start3A_211 : memref<12288xf32, #tpu.memory_space<hbm>>) target(%arg11 : memref<12288xf32, #tpu.memory_space<vmem>>) target_semaphore(%arg16 : memref<!tpu.dma_semaphore, #tpu.memory_space<semaphore_mem>>)
    %add3A_212 = arith.constant 8192 : i32
    %add3A_213 = arith.addi %add3A_212, %add3A_201 : i32
    %mul3A_214 = arith.constant 768 : i32
    %mul3A_215 = arith.muli %add3A_213, %mul3A_214 : i32
    %dma_start3A_216 = tpu.memref_slice %arg2[%mul3A_215] : memref<25165824xf32, #tpu.memory_space<hbm>> -> memref<12288xf32, #tpu.memory_space<hbm>>
    %dma_start3A_217 = tpu.memref_slice %arg2[%mul3A_215] : memref<25165824xf32, #tpu.memory_space<hbm>> -> memref<12288xf32, #tpu.memory_space<hbm>>
    tpu.enqueue_dma source(%dma_start3A_217 : memref<12288xf32, #tpu.memory_space<hbm>>) target(%arg12 : memref<12288xf32, #tpu.memory_space<vmem>>) target_semaphore(%arg16 : memref<!tpu.dma_semaphore, #tpu.memory_space<semaphore_mem>>)
    %add3A_218 = arith.constant 16384 : i32
    %add3A_219 = arith.addi %add3A_218, %add3A_201 : i32
    %mul3A_220 = arith.constant 768 : i32
    %mul3A_221 = arith.muli %add3A_219, %mul3A_220 : i32
    %dma_start3A_222 = tpu.memref_slice %arg2[%mul3A_221] : memref<25165824xf32, #tpu.memory_space<hbm>> -> memref<12288xf32, #tpu.memory_space<hbm>>
    %dma_start3A_223 = tpu.memref_slice %arg2[%mul3A_221] : memref<25165824xf32, #tpu.memory_space<hbm>> -> memref<12288xf32, #tpu.memory_space<hbm>>
    tpu.enqueue_dma source(%dma_start3A_223 : memref<12288xf32, #tpu.memory_space<hbm>>) target(%arg13 : memref<12288xf32, #tpu.memory_space<vmem>>) target_semaphore(%arg16 : memref<!tpu.dma_semaphore, #tpu.memory_space<semaphore_mem>>)
    %add3A_224 = arith.constant 24576 : i32
    %add3A_225 = arith.addi %add3A_224, %add3A_201 : i32
    %mul3A_226 = arith.constant 768 : i32
    %mul3A_227 = arith.muli %add3A_225, %mul3A_226 : i32
    %dma_start3A_228 = tpu.memref_slice %arg2[%mul3A_227] : memref<25165824xf32, #tpu.memory_space<hbm>> -> memref<12288xf32, #tpu.memory_space<hbm>>
    %dma_start3A_229 = tpu.memref_slice %arg2[%mul3A_227] : memref<25165824xf32, #tpu.memory_space<hbm>> -> memref<12288xf32, #tpu.memory_space<hbm>>
    tpu.enqueue_dma source(%dma_start3A_229 : memref<12288xf32, #tpu.memory_space<hbm>>) target(%arg14 : memref<12288xf32, #tpu.memory_space<vmem>>) target_semaphore(%arg16 : memref<!tpu.dma_semaphore, #tpu.memory_space<semaphore_mem>>)
    %dma_wait3A_230 = arith.constant 0 : i32
    %dma_wait3A_231 = tpu.memref_slice %arg3[%dma_wait3A_230] : memref<6291456xf32, #tpu.memory_space<hbm>> -> memref<12288xf32, #tpu.memory_space<hbm>>
    %dma_wait3A_232 = arith.constant 0 : i32
    %dma_wait3A_233 = tpu.memref_slice %arg3[%dma_wait3A_232] : memref<6291456xf32, #tpu.memory_space<hbm>> -> memref<12288xf32, #tpu.memory_space<hbm>>
    tpu.wait_dma2 semaphore(%arg15 : memref<!tpu.dma_semaphore, #tpu.memory_space<semaphore_mem>>) src(%dma_wait3A_233 : memref<12288xf32, #tpu.memory_space<hbm>>) dst(%arg5 : memref<12288xf32, #tpu.memory_space<vmem>>)
    %dma_wait3A_234 = arith.constant 0 : i32
    %dma_wait3A_235 = tpu.memref_slice %arg3[%dma_wait3A_234] : memref<6291456xf32, #tpu.memory_space<hbm>> -> memref<12288xf32, #tpu.memory_space<hbm>>
    %dma_wait3A_236 = arith.constant 0 : i32
    %dma_wait3A_237 = tpu.memref_slice %arg3[%dma_wait3A_236] : memref<6291456xf32, #tpu.memory_space<hbm>> -> memref<12288xf32, #tpu.memory_space<hbm>>
    tpu.wait_dma2 semaphore(%arg15 : memref<!tpu.dma_semaphore, #tpu.memory_space<semaphore_mem>>) src(%dma_wait3A_237 : memref<12288xf32, #tpu.memory_space<hbm>>) dst(%arg5 : memref<12288xf32, #tpu.memory_space<vmem>>)
    %dma_wait3A_238 = arith.constant 0 : i32
    %dma_wait3A_239 = tpu.memref_slice %arg3[%dma_wait3A_238] : memref<6291456xf32, #tpu.memory_space<hbm>> -> memref<12288xf32, #tpu.memory_space<hbm>>
    %dma_wait3A_240 = arith.constant 0 : i32
    %dma_wait3A_241 = tpu.memref_slice %arg3[%dma_wait3A_240] : memref<6291456xf32, #tpu.memory_space<hbm>> -> memref<12288xf32, #tpu.memory_space<hbm>>
    tpu.wait_dma2 semaphore(%arg15 : memref<!tpu.dma_semaphore, #tpu.memory_space<semaphore_mem>>) src(%dma_wait3A_241 : memref<12288xf32, #tpu.memory_space<hbm>>) dst(%arg5 : memref<12288xf32, #tpu.memory_space<vmem>>)
    %dma_wait3A_242 = arith.constant 0 : i32
    %dma_wait3A_243 = tpu.memref_slice %arg3[%dma_wait3A_242] : memref<6291456xf32, #tpu.memory_space<hbm>> -> memref<12288xf32, #tpu.memory_space<hbm>>
    %dma_wait3A_244 = arith.constant 0 : i32
    %dma_wait3A_245 = tpu.memref_slice %arg3[%dma_wait3A_244] : memref<6291456xf32, #tpu.memory_space<hbm>> -> memref<12288xf32, #tpu.memory_space<hbm>>
    tpu.wait_dma2 semaphore(%arg15 : memref<!tpu.dma_semaphore, #tpu.memory_space<semaphore_mem>>) src(%dma_wait3A_245 : memref<12288xf32, #tpu.memory_space<hbm>>) dst(%arg5 : memref<12288xf32, #tpu.memory_space<vmem>>)
    %dma_wait3A_246 = tpu.memref_slice %arg2[%mul3A_142] : memref<25165824xf32, #tpu.memory_space<hbm>> -> memref<12288xf32, #tpu.memory_space<hbm>>
    %dma_wait3A_247 = tpu.memref_slice %arg2[%mul3A_142] : memref<25165824xf32, #tpu.memory_space<hbm>> -> memref<12288xf32, #tpu.memory_space<hbm>>
    tpu.wait_dma2 semaphore(%arg15 : memref<!tpu.dma_semaphore, #tpu.memory_space<semaphore_mem>>) src(%dma_wait3A_247 : memref<12288xf32, #tpu.memory_space<hbm>>) dst(%arg9 : memref<12288xf32, #tpu.memory_space<vmem>>)
    %parallel_loop3A_248 = arith.constant 0 : i32
    %parallel_loop3A_249 = arith.constant 12288 : i32
    %parallel_loop3A_250 = arith.constant 16 : i32
    scf.for %parallel_loop3A_1360 = %parallel_loop3A_248 to %parallel_loop3A_249 step %parallel_loop3A_250  : i32 {
      %parallel_loop3A_1361 = arith.index_cast %parallel_loop3A_1360 : i32 to index
      %parallel_loop3A_1362 = tpu.vector_load %arg5[%parallel_loop3A_1361] {strides = array<i32>} : memref<12288xf32, #tpu.memory_space<vmem>>, vector<16xf32>,
      %parallel_loop3A_1363 = vector.shape_cast %parallel_loop3A_1362 : vector<16xf32> to vector<16xf32>
      %parallel_loop3A_1364 = arith.index_cast %parallel_loop3A_1360 : i32 to index
      %parallel_loop3A_1365 = tpu.vector_load %arg6[%parallel_loop3A_1364] {strides = array<i32>} : memref<12288xf32, #tpu.memory_space<vmem>>, vector<16xf32>,
      %parallel_loop3A_1366 = vector.shape_cast %parallel_loop3A_1365 : vector<16xf32> to vector<16xf32>
      %parallel_loop3A_1367 = arith.addf %parallel_loop3A_1366, %parallel_loop3A_1363 : vector<16xf32>
      %parallel_loop3A_1368 = arith.index_cast %parallel_loop3A_1360 : i32 to index
      %parallel_loop3A_1369 = tpu.vector_load %arg6[%parallel_loop3A_1368] {strides = array<i32>} : memref<12288xf32, #tpu.memory_space<vmem>>, vector<16xf32>,
      %parallel_loop3A_1370 = vector.shape_cast %parallel_loop3A_1369 : vector<16xf32> to vector<16xf32>
      %parallel_loop3A_1371 = vector.shape_cast %parallel_loop3A_1367 : vector<16xf32> to vector<16xf32>
      tpu.vector_store %arg6[%parallel_loop3A_1368], %parallel_loop3A_1371 {strides = array<i32>} : memref<12288xf32, #tpu.memory_space<vmem>>, vector<16xf32>,
      %parallel_loop3A_1372 = arith.index_cast %parallel_loop3A_1360 : i32 to index
      %parallel_loop3A_1373 = tpu.vector_load %arg7[%parallel_loop3A_1372] {strides = array<i32>} : memref<12288xf32, #tpu.memory_space<vmem>>, vector<16xf32>,
      %parallel_loop3A_1374 = vector.shape_cast %parallel_loop3A_1373 : vector<16xf32> to vector<16xf32>
      %parallel_loop3A_1375 = arith.addf %parallel_loop3A_1374, %parallel_loop3A_1363 : vector<16xf32>
      %parallel_loop3A_1376 = arith.index_cast %parallel_loop3A_1360 : i32 to index
      %parallel_loop3A_1377 = tpu.vector_load %arg7[%parallel_loop3A_1376] {strides = array<i32>} : memref<12288xf32, #tpu.memory_space<vmem>>, vector<16xf32>,
      %parallel_loop3A_1378 = vector.shape_cast %parallel_loop3A_1377 : vector<16xf32> to vector<16xf32>
      %parallel_loop3A_1379 = vector.shape_cast %parallel_loop3A_1375 : vector<16xf32> to vector<16xf32>
      tpu.vector_store %arg7[%parallel_loop3A_1376], %parallel_loop3A_1379 {strides = array<i32>} : memref<12288xf32, #tpu.memory_space<vmem>>, vector<16xf32>,
      %parallel_loop3A_1380 = arith.index_cast %parallel_loop3A_1360 : i32 to index
      %parallel_loop3A_1381 = tpu.vector_load %arg8[%parallel_loop3A_1380] {strides = array<i32>} : memref<12288xf32, #tpu.memory_space<vmem>>, vector<16xf32>,
      %parallel_loop3A_1382 = vector.shape_cast %parallel_loop3A_1381 : vector<16xf32> to vector<16xf32>
      %parallel_loop3A_1383 = arith.addf %parallel_loop3A_1382, %parallel_loop3A_1363 : vector<16xf32>
      %parallel_loop3A_1384 = arith.index_cast %parallel_loop3A_1360 : i32 to index
      %parallel_loop3A_1385 = tpu.vector_load %arg8[%parallel_loop3A_1384] {strides = array<i32>} : memref<12288xf32, #tpu.memory_space<vmem>>, vector<16xf32>,
      %parallel_loop3A_1386 = vector.shape_cast %parallel_loop3A_1385 : vector<16xf32> to vector<16xf32>
      %parallel_loop3A_1387 = vector.shape_cast %parallel_loop3A_1383 : vector<16xf32> to vector<16xf32>
      tpu.vector_store %arg8[%parallel_loop3A_1384], %parallel_loop3A_1387 {strides = array<i32>} : memref<12288xf32, #tpu.memory_space<vmem>>, vector<16xf32>,
      %parallel_loop3A_1388 = arith.index_cast %parallel_loop3A_1360 : i32 to index
      %parallel_loop3A_1389 = tpu.vector_load %arg9[%parallel_loop3A_1388] {strides = array<i32>} : memref<12288xf32, #tpu.memory_space<vmem>>, vector<16xf32>,
      %parallel_loop3A_1390 = vector.shape_cast %parallel_loop3A_1389 : vector<16xf32> to vector<16xf32>
      %parallel_loop3A_1391 = arith.addf %parallel_loop3A_1390, %parallel_loop3A_1363 : vector<16xf32>
      %parallel_loop3A_1392 = arith.index_cast %parallel_loop3A_1360 : i32 to index
      %parallel_loop3A_1393 = tpu.vector_load %arg9[%parallel_loop3A_1392] {strides = array<i32>} : memref<12288xf32, #tpu.memory_space<vmem>>, vector<16xf32>,
      %parallel_loop3A_1394 = vector.shape_cast %parallel_loop3A_1393 : vector<16xf32> to vector<16xf32>
      %parallel_loop3A_1395 = vector.shape_cast %parallel_loop3A_1391 : vector<16xf32> to vector<16xf32>
      tpu.vector_store %arg9[%parallel_loop3A_1392], %parallel_loop3A_1395 {strides = array<i32>} : memref<12288xf32, #tpu.memory_space<vmem>>, vector<16xf32>,
    } {sc.loop_unroll_factor = 4 : i64, sc.parallel_access}
    %add3A_251 = arith.constant 32 : i32
    %add3A_252 = arith.addi %mul3A_2, %add3A_251 : i32
    %add3A_253 = arith.constant 0 : i32
    %add3A_254 = arith.addi %add3A_253, %add3A_252 : i32
    %mul3A_255 = arith.constant 768 : i32
    %mul3A_256 = arith.muli %add3A_254, %mul3A_255 : i32
    %dma_start3A_257 = tpu.memref_slice %arg4[%mul3A_256] : memref<25165824xf32, #tpu.memory_space<hbm>> -> memref<12288xf32, #tpu.memory_space<hbm>>
    %dma_start3A_258 = tpu.memref_slice %arg4[%mul3A_256] : memref<25165824xf32, #tpu.memory_space<hbm>> -> memref<12288xf32, #tpu.memory_space<hbm>>
    tpu.enqueue_dma source(%arg6 : memref<12288xf32, #tpu.memory_space<vmem>>) target(%dma_start3A_258 : memref<12288xf32, #tpu.memory_space<hbm>>) target_semaphore(%arg17 : memref<!tpu.dma_semaphore, #tpu.memory_space<semaphore_mem>>)
    %add3A_259 = arith.constant 8192 : i32
    %add3A_260 = arith.addi %add3A_259, %add3A_252 : i32
    %mul3A_261 = arith.constant 768 : i32
    %mul3A_262 = arith.muli %add3A_260, %mul3A_261 : i32
    %dma_start3A_263 = tpu.memref_slice %arg4[%mul3A_262] : memref<25165824xf32, #tpu.memory_space<hbm>> -> memref<12288xf32, #tpu.memory_space<hbm>>
    %dma_start3A_264 = tpu.memref_slice %arg4[%mul3A_262] : memref<25165824xf32, #tpu.memory_space<hbm>> -> memref<12288xf32, #tpu.memory_space<hbm>>
    tpu.enqueue_dma source(%arg7 : memref<12288xf32, #tpu.memory_space<vmem>>) target(%dma_start3A_264 : memref<12288xf32, #tpu.memory_space<hbm>>) target_semaphore(%arg17 : memref<!tpu.dma_semaphore, #tpu.memory_space<semaphore_mem>>)
    %add3A_265 = arith.constant 16384 : i32
    %add3A_266 = arith.addi %add3A_265, %add3A_252 : i32
    %mul3A_267 = arith.constant 768 : i32
    %mul3A_268 = arith.muli %add3A_266, %mul3A_267 : i32
    %dma_start3A_269 = tpu.memref_slice %arg4[%mul3A_268] : memref<25165824xf32, #tpu.memory_space<hbm>> -> memref<12288xf32, #tpu.memory_space<hbm>>
    %dma_start3A_270 = tpu.memref_slice %arg4[%mul3A_268] : memref<25165824xf32, #tpu.memory_space<hbm>> -> memref<12288xf32, #tpu.memory_space<hbm>>
    tpu.enqueue_dma source(%arg8 : memref<12288xf32, #tpu.memory_space<vmem>>) target(%dma_start3A_270 : memref<12288xf32, #tpu.memory_space<hbm>>) target_semaphore(%arg17 : memref<!tpu.dma_semaphore, #tpu.memory_space<semaphore_mem>>)
    %add3A_271 = arith.constant 24576 : i32
    %add3A_272 = arith.addi %add3A_271, %add3A_252 : i32
    %mul3A_273 = arith.constant 768 : i32
    %mul3A_274 = arith.muli %add3A_272, %mul3A_273 : i32
    %dma_start3A_275 = tpu.memref_slice %arg4[%mul3A_274] : memref<25165824xf32, #tpu.memory_space<hbm>> -> memref<12288xf32, #tpu.memory_space<hbm>>
    %dma_start3A_276 = tpu.memref_slice %arg4[%mul3A_274] : memref<25165824xf32, #tpu.memory_space<hbm>> -> memref<12288xf32, #tpu.memory_space<hbm>>
    tpu.enqueue_dma source(%arg9 : memref<12288xf32, #tpu.memory_space<vmem>>) target(%dma_start3A_276 : memref<12288xf32, #tpu.memory_space<hbm>>) target_semaphore(%arg17 : memref<!tpu.dma_semaphore, #tpu.memory_space<semaphore_mem>>)
    %dma_wait3A_277 = tpu.memref_slice %arg4[%mul3A_256] : memref<25165824xf32, #tpu.memory_space<hbm>> -> memref<12288xf32, #tpu.memory_space<hbm>>
    %dma_wait3A_278 = tpu.memref_slice %arg4[%mul3A_256] : memref<25165824xf32, #tpu.memory_space<hbm>> -> memref<12288xf32, #tpu.memory_space<hbm>>
    tpu.wait_dma2 semaphore(%arg17 : memref<!tpu.dma_semaphore, #tpu.memory_space<semaphore_mem>>) src(%arg6 : memref<12288xf32, #tpu.memory_space<vmem>>) dst(%dma_wait3A_278 : memref<12288xf32, #tpu.memory_space<hbm>>)
    %dma_wait3A_279 = tpu.memref_slice %arg4[%mul3A_262] : memref<25165824xf32, #tpu.memory_space<hbm>> -> memref<12288xf32, #tpu.memory_space<hbm>>
    %dma_wait3A_280 = tpu.memref_slice %arg4[%mul3A_262] : memref<25165824xf32, #tpu.memory_space<hbm>> -> memref<12288xf32, #tpu.memory_space<hbm>>
    tpu.wait_dma2 semaphore(%arg17 : memref<!tpu.dma_semaphore, #tpu.memory_space<semaphore_mem>>) src(%arg7 : memref<12288xf32, #tpu.memory_space<vmem>>) dst(%dma_wait3A_280 : memref<12288xf32, #tpu.memory_space<hbm>>)
    %dma_wait3A_281 = tpu.memref_slice %arg4[%mul3A_268] : memref<25165824xf32, #tpu.memory_space<hbm>> -> memref<12288xf32, #tpu.memory_space<hbm>>
    %dma_wait3A_282 = tpu.memref_slice %arg4[%mul3A_268] : memref<25165824xf32, #tpu.memory_space<hbm>> -> memref<12288xf32, #tpu.memory_space<hbm>>
    tpu.wait_dma2 semaphore(%arg17 : memref<!tpu.dma_semaphore, #tpu.memory_space<semaphore_mem>>) src(%arg8 : memref<12288xf32, #tpu.memory_space<vmem>>) dst(%dma_wait3A_282 : memref<12288xf32, #tpu.memory_space<hbm>>)
    %dma_wait3A_283 = tpu.memref_slice %arg4[%mul3A_274] : memref<25165824xf32, #tpu.memory_space<hbm>> -> memref<12288xf32, #tpu.memory_space<hbm>>
    %dma_wait3A_284 = tpu.memref_slice %arg4[%mul3A_274] : memref<25165824xf32, #tpu.memory_space<hbm>> -> memref<12288xf32, #tpu.memory_space<hbm>>
    tpu.wait_dma2 semaphore(%arg17 : memref<!tpu.dma_semaphore, #tpu.memory_space<semaphore_mem>>) src(%arg9 : memref<12288xf32, #tpu.memory_space<vmem>>) dst(%dma_wait3A_284 : memref<12288xf32, #tpu.memory_space<hbm>>)
    %add3A_285 = arith.constant 64 : i32
    %add3A_286 = arith.addi %mul3A_2, %add3A_285 : i32
    %mul3A_287 = arith.constant 768 : i32
    %mul3A_288 = arith.muli %add3A_286, %mul3A_287 : i32
    %dma_start3A_289 = tpu.memref_slice %arg3[%mul3A_288] : memref<6291456xf32, #tpu.memory_space<hbm>> -> memref<12288xf32, #tpu.memory_space<hbm>>
    %dma_start3A_290 = tpu.memref_slice %arg3[%mul3A_288] : memref<6291456xf32, #tpu.memory_space<hbm>> -> memref<12288xf32, #tpu.memory_space<hbm>>
    tpu.enqueue_dma source(%dma_start3A_290 : memref<12288xf32, #tpu.memory_space<hbm>>) target(%arg5 : memref<12288xf32, #tpu.memory_space<vmem>>) target_semaphore(%arg15 : memref<!tpu.dma_semaphore, #tpu.memory_space<semaphore_mem>>)
    %add3A_291 = arith.constant 0 : i32
    %add3A_292 = arith.addi %add3A_291, %add3A_286 : i32
    %mul3A_293 = arith.constant 768 : i32
    %mul3A_294 = arith.muli %add3A_292, %mul3A_293 : i32
    %dma_start3A_295 = tpu.memref_slice %arg2[%mul3A_294] : memref<25165824xf32, #tpu.memory_space<hbm>> -> memref<12288xf32, #tpu.memory_space<hbm>>
    %dma_start3A_296 = tpu.memref_slice %arg2[%mul3A_294] : memref<25165824xf32, #tpu.memory_space<hbm>> -> memref<12288xf32, #tpu.memory_space<hbm>>
    tpu.enqueue_dma source(%dma_start3A_296 : memref<12288xf32, #tpu.memory_space<hbm>>) target(%arg6 : memref<12288xf32, #tpu.memory_space<vmem>>) target_semaphore(%arg15 : memref<!tpu.dma_semaphore, #tpu.memory_space<semaphore_mem>>)
    %add3A_297 = arith.constant 8192 : i32
    %add3A_298 = arith.addi %add3A_297, %add3A_286 : i32
    %mul3A_299 = arith.constant 768 : i32
    %mul3A_300 = arith.muli %add3A_298, %mul3A_299 : i32
    %dma_start3A_301 = tpu.memref_slice %arg2[%mul3A_300] : memref<25165824xf32, #tpu.memory_space<hbm>> -> memref<12288xf32, #tpu.memory_space<hbm>>
    %dma_start3A_302 = tpu.memref_slice %arg2[%mul3A_300] : memref<25165824xf32, #tpu.memory_space<hbm>> -> memref<12288xf32, #tpu.memory_space<hbm>>
    tpu.enqueue_dma source(%dma_start3A_302 : memref<12288xf32, #tpu.memory_space<hbm>>) target(%arg7 : memref<12288xf32, #tpu.memory_space<vmem>>) target_semaphore(%arg15 : memref<!tpu.dma_semaphore, #tpu.memory_space<semaphore_mem>>)
    %add3A_303 = arith.constant 16384 : i32
    %add3A_304 = arith.addi %add3A_303, %add3A_286 : i32
    %mul3A_305 = arith.constant 768 : i32
    %mul3A_306 = arith.muli %add3A_304, %mul3A_305 : i32
    %dma_start3A_307 = tpu.memref_slice %arg2[%mul3A_306] : memref<25165824xf32, #tpu.memory_space<hbm>> -> memref<12288xf32, #tpu.memory_space<hbm>>
    %dma_start3A_308 = tpu.memref_slice %arg2[%mul3A_306] : memref<25165824xf32, #tpu.memory_space<hbm>> -> memref<12288xf32, #tpu.memory_space<hbm>>
    tpu.enqueue_dma source(%dma_start3A_308 : memref<12288xf32, #tpu.memory_space<hbm>>) target(%arg8 : memref<12288xf32, #tpu.memory_space<vmem>>) target_semaphore(%arg15 : memref<!tpu.dma_semaphore, #tpu.memory_space<semaphore_mem>>)
    %add3A_309 = arith.constant 24576 : i32
    %add3A_310 = arith.addi %add3A_309, %add3A_286 : i32
    %mul3A_311 = arith.constant 768 : i32
    %mul3A_312 = arith.muli %add3A_310, %mul3A_311 : i32
    %dma_start3A_313 = tpu.memref_slice %arg2[%mul3A_312] : memref<25165824xf32, #tpu.memory_space<hbm>> -> memref<12288xf32, #tpu.memory_space<hbm>>
    %dma_start3A_314 = tpu.memref_slice %arg2[%mul3A_312] : memref<25165824xf32, #tpu.memory_space<hbm>> -> memref<12288xf32, #tpu.memory_space<hbm>>
    tpu.enqueue_dma source(%dma_start3A_314 : memref<12288xf32, #tpu.memory_space<hbm>>) target(%arg9 : memref<12288xf32, #tpu.memory_space<vmem>>) target_semaphore(%arg15 : memref<!tpu.dma_semaphore, #tpu.memory_space<semaphore_mem>>)
    %dma_wait3A_315 = arith.constant 0 : i32
    %dma_wait3A_316 = tpu.memref_slice %arg3[%dma_wait3A_315] : memref<6291456xf32, #tpu.memory_space<hbm>> -> memref<12288xf32, #tpu.memory_space<hbm>>
    %dma_wait3A_317 = arith.constant 0 : i32
    %dma_wait3A_318 = tpu.memref_slice %arg3[%dma_wait3A_317] : memref<6291456xf32, #tpu.memory_space<hbm>> -> memref<12288xf32, #tpu.memory_space<hbm>>
    tpu.wait_dma2 semaphore(%arg16 : memref<!tpu.dma_semaphore, #tpu.memory_space<semaphore_mem>>) src(%dma_wait3A_318 : memref<12288xf32, #tpu.memory_space<hbm>>) dst(%arg10 : memref<12288xf32, #tpu.memory_space<vmem>>)
    %dma_wait3A_319 = arith.constant 0 : i32
    %dma_wait3A_320 = tpu.memref_slice %arg3[%dma_wait3A_319] : memref<6291456xf32, #tpu.memory_space<hbm>> -> memref<12288xf32, #tpu.memory_space<hbm>>
    %dma_wait3A_321 = arith.constant 0 : i32
    %dma_wait3A_322 = tpu.memref_slice %arg3[%dma_wait3A_321] : memref<6291456xf32, #tpu.memory_space<hbm>> -> memref<12288xf32, #tpu.memory_space<hbm>>
    tpu.wait_dma2 semaphore(%arg16 : memref<!tpu.dma_semaphore, #tpu.memory_space<semaphore_mem>>) src(%dma_wait3A_322 : memref<12288xf32, #tpu.memory_space<hbm>>) dst(%arg10 : memref<12288xf32, #tpu.memory_space<vmem>>)
    %dma_wait3A_323 = arith.constant 0 : i32
    %dma_wait3A_324 = tpu.memref_slice %arg3[%dma_wait3A_323] : memref<6291456xf32, #tpu.memory_space<hbm>> -> memref<12288xf32, #tpu.memory_space<hbm>>
    %dma_wait3A_325 = arith.constant 0 : i32
    %dma_wait3A_326 = tpu.memref_slice %arg3[%dma_wait3A_325] : memref<6291456xf32, #tpu.memory_space<hbm>> -> memref<12288xf32, #tpu.memory_space<hbm>>
    tpu.wait_dma2 semaphore(%arg16 : memref<!tpu.dma_semaphore, #tpu.memory_space<semaphore_mem>>) src(%dma_wait3A_326 : memref<12288xf32, #tpu.memory_space<hbm>>) dst(%arg10 : memref<12288xf32, #tpu.memory_space<vmem>>)
    %dma_wait3A_327 = arith.constant 0 : i32
    %dma_wait3A_328 = tpu.memref_slice %arg3[%dma_wait3A_327] : memref<6291456xf32, #tpu.memory_space<hbm>> -> memref<12288xf32, #tpu.memory_space<hbm>>
    %dma_wait3A_329 = arith.constant 0 : i32
    %dma_wait3A_330 = tpu.memref_slice %arg3[%dma_wait3A_329] : memref<6291456xf32, #tpu.memory_space<hbm>> -> memref<12288xf32, #tpu.memory_space<hbm>>
    tpu.wait_dma2 semaphore(%arg16 : memref<!tpu.dma_semaphore, #tpu.memory_space<semaphore_mem>>) src(%dma_wait3A_330 : memref<12288xf32, #tpu.memory_space<hbm>>) dst(%arg10 : memref<12288xf32, #tpu.memory_space<vmem>>)
    %dma_wait3A_331 = tpu.memref_slice %arg2[%mul3A_227] : memref<25165824xf32, #tpu.memory_space<hbm>> -> memref<12288xf32, #tpu.memory_space<hbm>>
    %dma_wait3A_332 = tpu.memref_slice %arg2[%mul3A_227] : memref<25165824xf32, #tpu.memory_space<hbm>> -> memref<12288xf32, #tpu.memory_space<hbm>>
    tpu.wait_dma2 semaphore(%arg16 : memref<!tpu.dma_semaphore, #tpu.memory_space<semaphore_mem>>) src(%dma_wait3A_332 : memref<12288xf32, #tpu.memory_space<hbm>>) dst(%arg14 : memref<12288xf32, #tpu.memory_space<vmem>>)
    %parallel_loop3A_333 = arith.constant 0 : i32
    %parallel_loop3A_334 = arith.constant 12288 : i32
    %parallel_loop3A_335 = arith.constant 16 : i32
    scf.for %parallel_loop3A_1360 = %parallel_loop3A_333 to %parallel_loop3A_334 step %parallel_loop3A_335  : i32 {
      %parallel_loop3A_1361 = arith.index_cast %parallel_loop3A_1360 : i32 to index
      %parallel_loop3A_1362 = tpu.vector_load %arg10[%parallel_loop3A_1361] {strides = array<i32>} : memref<12288xf32, #tpu.memory_space<vmem>>, vector<16xf32>,
      %parallel_loop3A_1363 = vector.shape_cast %parallel_loop3A_1362 : vector<16xf32> to vector<16xf32>
      %parallel_loop3A_1364 = arith.index_cast %parallel_loop3A_1360 : i32 to index
      %parallel_loop3A_1365 = tpu.vector_load %arg11[%parallel_loop3A_1364] {strides = array<i32>} : memref<12288xf32, #tpu.memory_space<vmem>>, vector<16xf32>,
      %parallel_loop3A_1366 = vector.shape_cast %parallel_loop3A_1365 : vector<16xf32> to vector<16xf32>
      %parallel_loop3A_1367 = arith.addf %parallel_loop3A_1366, %parallel_loop3A_1363 : vector<16xf32>
      %parallel_loop3A_1368 = arith.index_cast %parallel_loop3A_1360 : i32 to index
      %parallel_loop3A_1369 = tpu.vector_load %arg11[%parallel_loop3A_1368] {strides = array<i32>} : memref<12288xf32, #tpu.memory_space<vmem>>, vector<16xf32>,
      %parallel_loop3A_1370 = vector.shape_cast %parallel_loop3A_1369 : vector<16xf32> to vector<16xf32>
      %parallel_loop3A_1371 = vector.shape_cast %parallel_loop3A_1367 : vector<16xf32> to vector<16xf32>
      tpu.vector_store %arg11[%parallel_loop3A_1368], %parallel_loop3A_1371 {strides = array<i32>} : memref<12288xf32, #tpu.memory_space<vmem>>, vector<16xf32>,
      %parallel_loop3A_1372 = arith.index_cast %parallel_loop3A_1360 : i32 to index
      %parallel_loop3A_1373 = tpu.vector_load %arg12[%parallel_loop3A_1372] {strides = array<i32>} : memref<12288xf32, #tpu.memory_space<vmem>>, vector<16xf32>,
      %parallel_loop3A_1374 = vector.shape_cast %parallel_loop3A_1373 : vector<16xf32> to vector<16xf32>
      %parallel_loop3A_1375 = arith.addf %parallel_loop3A_1374, %parallel_loop3A_1363 : vector<16xf32>
      %parallel_loop3A_1376 = arith.index_cast %parallel_loop3A_1360 : i32 to index
      %parallel_loop3A_1377 = tpu.vector_load %arg12[%parallel_loop3A_1376] {strides = array<i32>} : memref<12288xf32, #tpu.memory_space<vmem>>, vector<16xf32>,
      %parallel_loop3A_1378 = vector.shape_cast %parallel_loop3A_1377 : vector<16xf32> to vector<16xf32>
      %parallel_loop3A_1379 = vector.shape_cast %parallel_loop3A_1375 : vector<16xf32> to vector<16xf32>
      tpu.vector_store %arg12[%parallel_loop3A_1376], %parallel_loop3A_1379 {strides = array<i32>} : memref<12288xf32, #tpu.memory_space<vmem>>, vector<16xf32>,
      %parallel_loop3A_1380 = arith.index_cast %parallel_loop3A_1360 : i32 to index
      %parallel_loop3A_1381 = tpu.vector_load %arg13[%parallel_loop3A_1380] {strides = array<i32>} : memref<12288xf32, #tpu.memory_space<vmem>>, vector<16xf32>,
      %parallel_loop3A_1382 = vector.shape_cast %parallel_loop3A_1381 : vector<16xf32> to vector<16xf32>
      %parallel_loop3A_1383 = arith.addf %parallel_loop3A_1382, %parallel_loop3A_1363 : vector<16xf32>
      %parallel_loop3A_1384 = arith.index_cast %parallel_loop3A_1360 : i32 to index
      %parallel_loop3A_1385 = tpu.vector_load %arg13[%parallel_loop3A_1384] {strides = array<i32>} : memref<12288xf32, #tpu.memory_space<vmem>>, vector<16xf32>,
      %parallel_loop3A_1386 = vector.shape_cast %parallel_loop3A_1385 : vector<16xf32> to vector<16xf32>
      %parallel_loop3A_1387 = vector.shape_cast %parallel_loop3A_1383 : vector<16xf32> to vector<16xf32>
      tpu.vector_store %arg13[%parallel_loop3A_1384], %parallel_loop3A_1387 {strides = array<i32>} : memref<12288xf32, #tpu.memory_space<vmem>>, vector<16xf32>,
      %parallel_loop3A_1388 = arith.index_cast %parallel_loop3A_1360 : i32 to index
      %parallel_loop3A_1389 = tpu.vector_load %arg14[%parallel_loop3A_1388] {strides = array<i32>} : memref<12288xf32, #tpu.memory_space<vmem>>, vector<16xf32>,
      %parallel_loop3A_1390 = vector.shape_cast %parallel_loop3A_1389 : vector<16xf32> to vector<16xf32>
      %parallel_loop3A_1391 = arith.addf %parallel_loop3A_1390, %parallel_loop3A_1363 : vector<16xf32>
      %parallel_loop3A_1392 = arith.index_cast %parallel_loop3A_1360 : i32 to index
      %parallel_loop3A_1393 = tpu.vector_load %arg14[%parallel_loop3A_1392] {strides = array<i32>} : memref<12288xf32, #tpu.memory_space<vmem>>, vector<16xf32>,
      %parallel_loop3A_1394 = vector.shape_cast %parallel_loop3A_1393 : vector<16xf32> to vector<16xf32>
      %parallel_loop3A_1395 = vector.shape_cast %parallel_loop3A_1391 : vector<16xf32> to vector<16xf32>
      tpu.vector_store %arg14[%parallel_loop3A_1392], %parallel_loop3A_1395 {strides = array<i32>} : memref<12288xf32, #tpu.memory_space<vmem>>, vector<16xf32>,
    } {sc.loop_unroll_factor = 4 : i64, sc.parallel_access}
    %add3A_336 = arith.constant 48 : i32
    %add3A_337 = arith.addi %mul3A_2, %add3A_336 : i32
    %add3A_338 = arith.constant 0 : i32
    %add3A_339 = arith.addi %add3A_338, %add3A_337 : i32
    %mul3A_340 = arith.constant 768 : i32
    %mul3A_341 = arith.muli %add3A_339, %mul3A_340 : i32
    %dma_start3A_342 = tpu.memref_slice %arg4[%mul3A_341] : memref<25165824xf32, #tpu.memory_space<hbm>> -> memref<12288xf32, #tpu.memory_space<hbm>>
    %dma_start3A_343 = tpu.memref_slice %arg4[%mul3A_341] : memref<25165824xf32, #tpu.memory_space<hbm>> -> memref<12288xf32, #tpu.memory_space<hbm>>
    tpu.enqueue_dma source(%arg11 : memref<12288xf32, #tpu.memory_space<vmem>>) target(%dma_start3A_343 : memref<12288xf32, #tpu.memory_space<hbm>>) target_semaphore(%arg18 : memref<!tpu.dma_semaphore, #tpu.memory_space<semaphore_mem>>)
    %add3A_344 = arith.constant 8192 : i32
    %add3A_345 = arith.addi %add3A_344, %add3A_337 : i32
    %mul3A_346 = arith.constant 768 : i32
    %mul3A_347 = arith.muli %add3A_345, %mul3A_346 : i32
    %dma_start3A_348 = tpu.memref_slice %arg4[%mul3A_347] : memref<25165824xf32, #tpu.memory_space<hbm>> -> memref<12288xf32, #tpu.memory_space<hbm>>
    %dma_start3A_349 = tpu.memref_slice %arg4[%mul3A_347] : memref<25165824xf32, #tpu.memory_space<hbm>> -> memref<12288xf32, #tpu.memory_space<hbm>>
    tpu.enqueue_dma source(%arg12 : memref<12288xf32, #tpu.memory_space<vmem>>) target(%dma_start3A_349 : memref<12288xf32, #tpu.memory_space<hbm>>) target_semaphore(%arg18 : memref<!tpu.dma_semaphore, #tpu.memory_space<semaphore_mem>>)
    %add3A_350 = arith.constant 16384 : i32
    %add3A_351 = arith.addi %add3A_350, %add3A_337 : i32
    %mul3A_352 = arith.constant 768 : i32
    %mul3A_353 = arith.muli %add3A_351, %mul3A_352 : i32
    %dma_start3A_354 = tpu.memref_slice %arg4[%mul3A_353] : memref<25165824xf32, #tpu.memory_space<hbm>> -> memref<12288xf32, #tpu.memory_space<hbm>>
    %dma_start3A_355 = tpu.memref_slice %arg4[%mul3A_353] : memref<25165824xf32, #tpu.memory_space<hbm>> -> memref<12288xf32, #tpu.memory_space<hbm>>
    tpu.enqueue_dma source(%arg13 : memref<12288xf32, #tpu.memory_space<vmem>>) target(%dma_start3A_355 : memref<12288xf32, #tpu.memory_space<hbm>>) target_semaphore(%arg18 : memref<!tpu.dma_semaphore, #tpu.memory_space<semaphore_mem>>)
    %add3A_356 = arith.constant 24576 : i32
    %add3A_357 = arith.addi %add3A_356, %add3A_337 : i32
    %mul3A_358 = arith.constant 768 : i32
    %mul3A_359 = arith.muli %add3A_357, %mul3A_358 : i32
    %dma_start3A_360 = tpu.memref_slice %arg4[%mul3A_359] : memref<25165824xf32, #tpu.memory_space<hbm>> -> memref<12288xf32, #tpu.memory_space<hbm>>
    %dma_start3A_361 = tpu.memref_slice %arg4[%mul3A_359] : memref<25165824xf32, #tpu.memory_space<hbm>> -> memref<12288xf32, #tpu.memory_space<hbm>>
    tpu.enqueue_dma source(%arg14 : memref<12288xf32, #tpu.memory_space<vmem>>) target(%dma_start3A_361 : memref<12288xf32, #tpu.memory_space<hbm>>) target_semaphore(%arg18 : memref<!tpu.dma_semaphore, #tpu.memory_space<semaphore_mem>>)
    %dma_wait3A_362 = tpu.memref_slice %arg4[%mul3A_341] : memref<25165824xf32, #tpu.memory_space<hbm>> -> memref<12288xf32, #tpu.memory_space<hbm>>
    %dma_wait3A_363 = tpu.memref_slice %arg4[%mul3A_341] : memref<25165824xf32, #tpu.memory_space<hbm>> -> memref<12288xf32, #tpu.memory_space<hbm>>
    tpu.wait_dma2 semaphore(%arg18 : memref<!tpu.dma_semaphore, #tpu.memory_space<semaphore_mem>>) src(%arg11 : memref<12288xf32, #tpu.memory_space<vmem>>) dst(%dma_wait3A_363 : memref<12288xf32, #tpu.memory_space<hbm>>)
    %dma_wait3A_364 = tpu.memref_slice %arg4[%mul3A_347] : memref<25165824xf32, #tpu.memory_space<hbm>> -> memref<12288xf32, #tpu.memory_space<hbm>>
    %dma_wait3A_365 = tpu.memref_slice %arg4[%mul3A_347] : memref<25165824xf32, #tpu.memory_space<hbm>> -> memref<12288xf32, #tpu.memory_space<hbm>>
    tpu.wait_dma2 semaphore(%arg18 : memref<!tpu.dma_semaphore, #tpu.memory_space<semaphore_mem>>) src(%arg12 : memref<12288xf32, #tpu.memory_space<vmem>>) dst(%dma_wait3A_365 : memref<12288xf32, #tpu.memory_space<hbm>>)
    %dma_wait3A_366 = tpu.memref_slice %arg4[%mul3A_353] : memref<25165824xf32, #tpu.memory_space<hbm>> -> memref<12288xf32, #tpu.memory_space<hbm>>
    %dma_wait3A_367 = tpu.memref_slice %arg4[%mul3A_353] : memref<25165824xf32, #tpu.memory_space<hbm>> -> memref<12288xf32, #tpu.memory_space<hbm>>
    tpu.wait_dma2 semaphore(%arg18 : memref<!tpu.dma_semaphore, #tpu.memory_space<semaphore_mem>>) src(%arg13 : memref<12288xf32, #tpu.memory_space<vmem>>) dst(%dma_wait3A_367 : memref<12288xf32, #tpu.memory_space<hbm>>)
    %dma_wait3A_368 = tpu.memref_slice %arg4[%mul3A_359] : memref<25165824xf32, #tpu.memory_space<hbm>> -> memref<12288xf32, #tpu.memory_space<hbm>>
    %dma_wait3A_369 = tpu.memref_slice %arg4[%mul3A_359] : memref<25165824xf32, #tpu.memory_space<hbm>> -> memref<12288xf32, #tpu.memory_space<hbm>>
    tpu.wait_dma2 semaphore(%arg18 : memref<!tpu.dma_semaphore, #tpu.memory_space<semaphore_mem>>) src(%arg14 : memref<12288xf32, #tpu.memory_space<vmem>>) dst(%dma_wait3A_369 : memref<12288xf32, #tpu.memory_space<hbm>>)
    %add3A_370 = arith.constant 80 : i32
    %add3A_371 = arith.addi %mul3A_2, %add3A_370 : i32
    %mul3A_372 = arith.constant 768 : i32
    %mul3A_373 = arith.muli %add3A_371, %mul3A_372 : i32
    %dma_start3A_374 = tpu.memref_slice %arg3[%mul3A_373] : memref<6291456xf32, #tpu.memory_space<hbm>> -> memref<12288xf32, #tpu.memory_space<hbm>>
    %dma_start3A_375 = tpu.memref_slice %arg3[%mul3A_373] : memref<6291456xf32, #tpu.memory_space<hbm>> -> memref<12288xf32, #tpu.memory_space<hbm>>
    tpu.enqueue_dma source(%dma_start3A_375 : memref<12288xf32, #tpu.memory_space<hbm>>) target(%arg10 : memref<12288xf32, #tpu.memory_space<vmem>>) target_semaphore(%arg16 : memref<!tpu.dma_semaphore, #tpu.memory_space<semaphore_mem>>)
    %add3A_376 = arith.constant 0 : i32
    %add3A_377 = arith.addi %add3A_376, %add3A_371 : i32
    %mul3A_378 = arith.constant 768 : i32
    %mul3A_379 = arith.muli %add3A_377, %mul3A_378 : i32
    %dma_start3A_380 = tpu.memref_slice %arg2[%mul3A_379] : memref<25165824xf32, #tpu.memory_space<hbm>> -> memref<12288xf32, #tpu.memory_space<hbm>>
    %dma_start3A_381 = tpu.memref_slice %arg2[%mul3A_379] : memref<25165824xf32, #tpu.memory_space<hbm>> -> memref<12288xf32, #tpu.memory_space<hbm>>
    tpu.enqueue_dma source(%dma_start3A_381 : memref<12288xf32, #tpu.memory_space<hbm>>) target(%arg11 : memref<12288xf32, #tpu.memory_space<vmem>>) target_semaphore(%arg16 : memref<!tpu.dma_semaphore, #tpu.memory_space<semaphore_mem>>)
    %add3A_382 = arith.constant 8192 : i32
    %add3A_383 = arith.addi %add3A_382, %add3A_371 : i32
    %mul3A_384 = arith.constant 768 : i32
    %mul3A_385 = arith.muli %add3A_383, %mul3A_384 : i32
    %dma_start3A_386 = tpu.memref_slice %arg2[%mul3A_385] : memref<25165824xf32, #tpu.memory_space<hbm>> -> memref<12288xf32, #tpu.memory_space<hbm>>
    %dma_start3A_387 = tpu.memref_slice %arg2[%mul3A_385] : memref<25165824xf32, #tpu.memory_space<hbm>> -> memref<12288xf32, #tpu.memory_space<hbm>>
    tpu.enqueue_dma source(%dma_start3A_387 : memref<12288xf32, #tpu.memory_space<hbm>>) target(%arg12 : memref<12288xf32, #tpu.memory_space<vmem>>) target_semaphore(%arg16 : memref<!tpu.dma_semaphore, #tpu.memory_space<semaphore_mem>>)
    %add3A_388 = arith.constant 16384 : i32
    %add3A_389 = arith.addi %add3A_388, %add3A_371 : i32
    %mul3A_390 = arith.constant 768 : i32
    %mul3A_391 = arith.muli %add3A_389, %mul3A_390 : i32
    %dma_start3A_392 = tpu.memref_slice %arg2[%mul3A_391] : memref<25165824xf32, #tpu.memory_space<hbm>> -> memref<12288xf32, #tpu.memory_space<hbm>>
    %dma_start3A_393 = tpu.memref_slice %arg2[%mul3A_391] : memref<25165824xf32, #tpu.memory_space<hbm>> -> memref<12288xf32, #tpu.memory_space<hbm>>
    tpu.enqueue_dma source(%dma_start3A_393 : memref<12288xf32, #tpu.memory_space<hbm>>) target(%arg13 : memref<12288xf32, #tpu.memory_space<vmem>>) target_semaphore(%arg16 : memref<!tpu.dma_semaphore, #tpu.memory_space<semaphore_mem>>)
    %add3A_394 = arith.constant 24576 : i32
    %add3A_395 = arith.addi %add3A_394, %add3A_371 : i32
    %mul3A_396 = arith.constant 768 : i32
    %mul3A_397 = arith.muli %add3A_395, %mul3A_396 : i32
    %dma_start3A_398 = tpu.memref_slice %arg2[%mul3A_397] : memref<25165824xf32, #tpu.memory_space<hbm>> -> memref<12288xf32, #tpu.memory_space<hbm>>
    %dma_start3A_399 = tpu.memref_slice %arg2[%mul3A_397] : memref<25165824xf32, #tpu.memory_space<hbm>> -> memref<12288xf32, #tpu.memory_space<hbm>>
    tpu.enqueue_dma source(%dma_start3A_399 : memref<12288xf32, #tpu.memory_space<hbm>>) target(%arg14 : memref<12288xf32, #tpu.memory_space<vmem>>) target_semaphore(%arg16 : memref<!tpu.dma_semaphore, #tpu.memory_space<semaphore_mem>>)
    %dma_wait3A_400 = arith.constant 0 : i32
    %dma_wait3A_401 = tpu.memref_slice %arg3[%dma_wait3A_400] : memref<6291456xf32, #tpu.memory_space<hbm>> -> memref<12288xf32, #tpu.memory_space<hbm>>
    %dma_wait3A_402 = arith.constant 0 : i32
    %dma_wait3A_403 = tpu.memref_slice %arg3[%dma_wait3A_402] : memref<6291456xf32, #tpu.memory_space<hbm>> -> memref<12288xf32, #tpu.memory_space<hbm>>
    tpu.wait_dma2 semaphore(%arg15 : memref<!tpu.dma_semaphore, #tpu.memory_space<semaphore_mem>>) src(%dma_wait3A_403 : memref<12288xf32, #tpu.memory_space<hbm>>) dst(%arg5 : memref<12288xf32, #tpu.memory_space<vmem>>)
    %dma_wait3A_404 = arith.constant 0 : i32
    %dma_wait3A_405 = tpu.memref_slice %arg3[%dma_wait3A_404] : memref<6291456xf32, #tpu.memory_space<hbm>> -> memref<12288xf32, #tpu.memory_space<hbm>>
    %dma_wait3A_406 = arith.constant 0 : i32
    %dma_wait3A_407 = tpu.memref_slice %arg3[%dma_wait3A_406] : memref<6291456xf32, #tpu.memory_space<hbm>> -> memref<12288xf32, #tpu.memory_space<hbm>>
    tpu.wait_dma2 semaphore(%arg15 : memref<!tpu.dma_semaphore, #tpu.memory_space<semaphore_mem>>) src(%dma_wait3A_407 : memref<12288xf32, #tpu.memory_space<hbm>>) dst(%arg5 : memref<12288xf32, #tpu.memory_space<vmem>>)
    %dma_wait3A_408 = arith.constant 0 : i32
    %dma_wait3A_409 = tpu.memref_slice %arg3[%dma_wait3A_408] : memref<6291456xf32, #tpu.memory_space<hbm>> -> memref<12288xf32, #tpu.memory_space<hbm>>
    %dma_wait3A_410 = arith.constant 0 : i32
    %dma_wait3A_411 = tpu.memref_slice %arg3[%dma_wait3A_410] : memref<6291456xf32, #tpu.memory_space<hbm>> -> memref<12288xf32, #tpu.memory_space<hbm>>
    tpu.wait_dma2 semaphore(%arg15 : memref<!tpu.dma_semaphore, #tpu.memory_space<semaphore_mem>>) src(%dma_wait3A_411 : memref<12288xf32, #tpu.memory_space<hbm>>) dst(%arg5 : memref<12288xf32, #tpu.memory_space<vmem>>)
    %dma_wait3A_412 = arith.constant 0 : i32
    %dma_wait3A_413 = tpu.memref_slice %arg3[%dma_wait3A_412] : memref<6291456xf32, #tpu.memory_space<hbm>> -> memref<12288xf32, #tpu.memory_space<hbm>>
    %dma_wait3A_414 = arith.constant 0 : i32
    %dma_wait3A_415 = tpu.memref_slice %arg3[%dma_wait3A_414] : memref<6291456xf32, #tpu.memory_space<hbm>> -> memref<12288xf32, #tpu.memory_space<hbm>>
    tpu.wait_dma2 semaphore(%arg15 : memref<!tpu.dma_semaphore, #tpu.memory_space<semaphore_mem>>) src(%dma_wait3A_415 : memref<12288xf32, #tpu.memory_space<hbm>>) dst(%arg5 : memref<12288xf32, #tpu.memory_space<vmem>>)
    %dma_wait3A_416 = tpu.memref_slice %arg2[%mul3A_312] : memref<25165824xf32, #tpu.memory_space<hbm>> -> memref<12288xf32, #tpu.memory_space<hbm>>
    %dma_wait3A_417 = tpu.memref_slice %arg2[%mul3A_312] : memref<25165824xf32, #tpu.memory_space<hbm>> -> memref<12288xf32, #tpu.memory_space<hbm>>
    tpu.wait_dma2 semaphore(%arg15 : memref<!tpu.dma_semaphore, #tpu.memory_space<semaphore_mem>>) src(%dma_wait3A_417 : memref<12288xf32, #tpu.memory_space<hbm>>) dst(%arg9 : memref<12288xf32, #tpu.memory_space<vmem>>)
    %parallel_loop3A_418 = arith.constant 0 : i32
    %parallel_loop3A_419 = arith.constant 12288 : i32
    %parallel_loop3A_420 = arith.constant 16 : i32
    scf.for %parallel_loop3A_1360 = %parallel_loop3A_418 to %parallel_loop3A_419 step %parallel_loop3A_420  : i32 {
      %parallel_loop3A_1361 = arith.index_cast %parallel_loop3A_1360 : i32 to index
      %parallel_loop3A_1362 = tpu.vector_load %arg5[%parallel_loop3A_1361] {strides = array<i32>} : memref<12288xf32, #tpu.memory_space<vmem>>, vector<16xf32>,
      %parallel_loop3A_1363 = vector.shape_cast %parallel_loop3A_1362 : vector<16xf32> to vector<16xf32>
      %parallel_loop3A_1364 = arith.index_cast %parallel_loop3A_1360 : i32 to index
      %parallel_loop3A_1365 = tpu.vector_load %arg6[%parallel_loop3A_1364] {strides = array<i32>} : memref<12288xf32, #tpu.memory_space<vmem>>, vector<16xf32>,
      %parallel_loop3A_1366 = vector.shape_cast %parallel_loop3A_1365 : vector<16xf32> to vector<16xf32>
      %parallel_loop3A_1367 = arith.addf %parallel_loop3A_1366, %parallel_loop3A_1363 : vector<16xf32>
      %parallel_loop3A_1368 = arith.index_cast %parallel_loop3A_1360 : i32 to index
      %parallel_loop3A_1369 = tpu.vector_load %arg6[%parallel_loop3A_1368] {strides = array<i32>} : memref<12288xf32, #tpu.memory_space<vmem>>, vector<16xf32>,
      %parallel_loop3A_1370 = vector.shape_cast %parallel_loop3A_1369 : vector<16xf32> to vector<16xf32>
      %parallel_loop3A_1371 = vector.shape_cast %parallel_loop3A_1367 : vector<16xf32> to vector<16xf32>
      tpu.vector_store %arg6[%parallel_loop3A_1368], %parallel_loop3A_1371 {strides = array<i32>} : memref<12288xf32, #tpu.memory_space<vmem>>, vector<16xf32>,
      %parallel_loop3A_1372 = arith.index_cast %parallel_loop3A_1360 : i32 to index
      %parallel_loop3A_1373 = tpu.vector_load %arg7[%parallel_loop3A_1372] {strides = array<i32>} : memref<12288xf32, #tpu.memory_space<vmem>>, vector<16xf32>,
      %parallel_loop3A_1374 = vector.shape_cast %parallel_loop3A_1373 : vector<16xf32> to vector<16xf32>
      %parallel_loop3A_1375 = arith.addf %parallel_loop3A_1374, %parallel_loop3A_1363 : vector<16xf32>
      %parallel_loop3A_1376 = arith.index_cast %parallel_loop3A_1360 : i32 to index
      %parallel_loop3A_1377 = tpu.vector_load %arg7[%parallel_loop3A_1376] {strides = array<i32>} : memref<12288xf32, #tpu.memory_space<vmem>>, vector<16xf32>,
      %parallel_loop3A_1378 = vector.shape_cast %parallel_loop3A_1377 : vector<16xf32> to vector<16xf32>
      %parallel_loop3A_1379 = vector.shape_cast %parallel_loop3A_1375 : vector<16xf32> to vector<16xf32>
      tpu.vector_store %arg7[%parallel_loop3A_1376], %parallel_loop3A_1379 {strides = array<i32>} : memref<12288xf32, #tpu.memory_space<vmem>>, vector<16xf32>,
      %parallel_loop3A_1380 = arith.index_cast %parallel_loop3A_1360 : i32 to index
      %parallel_loop3A_1381 = tpu.vector_load %arg8[%parallel_loop3A_1380] {strides = array<i32>} : memref<12288xf32, #tpu.memory_space<vmem>>, vector<16xf32>,
      %parallel_loop3A_1382 = vector.shape_cast %parallel_loop3A_1381 : vector<16xf32> to vector<16xf32>
      %parallel_loop3A_1383 = arith.addf %parallel_loop3A_1382, %parallel_loop3A_1363 : vector<16xf32>
      %parallel_loop3A_1384 = arith.index_cast %parallel_loop3A_1360 : i32 to index
      %parallel_loop3A_1385 = tpu.vector_load %arg8[%parallel_loop3A_1384] {strides = array<i32>} : memref<12288xf32, #tpu.memory_space<vmem>>, vector<16xf32>,
      %parallel_loop3A_1386 = vector.shape_cast %parallel_loop3A_1385 : vector<16xf32> to vector<16xf32>
      %parallel_loop3A_1387 = vector.shape_cast %parallel_loop3A_1383 : vector<16xf32> to vector<16xf32>
      tpu.vector_store %arg8[%parallel_loop3A_1384], %parallel_loop3A_1387 {strides = array<i32>} : memref<12288xf32, #tpu.memory_space<vmem>>, vector<16xf32>,
      %parallel_loop3A_1388 = arith.index_cast %parallel_loop3A_1360 : i32 to index
      %parallel_loop3A_1389 = tpu.vector_load %arg9[%parallel_loop3A_1388] {strides = array<i32>} : memref<12288xf32, #tpu.memory_space<vmem>>, vector<16xf32>,
      %parallel_loop3A_1390 = vector.shape_cast %parallel_loop3A_1389 : vector<16xf32> to vector<16xf32>
      %parallel_loop3A_1391 = arith.addf %parallel_loop3A_1390, %parallel_loop3A_1363 : vector<16xf32>
      %parallel_loop3A_1392 = arith.index_cast %parallel_loop3A_1360 : i32 to index
      %parallel_loop3A_1393 = tpu.vector_load %arg9[%parallel_loop3A_1392] {strides = array<i32>} : memref<12288xf32, #tpu.memory_space<vmem>>, vector<16xf32>,
      %parallel_loop3A_1394 = vector.shape_cast %parallel_loop3A_1393 : vector<16xf32> to vector<16xf32>
      %parallel_loop3A_1395 = vector.shape_cast %parallel_loop3A_1391 : vector<16xf32> to vector<16xf32>
      tpu.vector_store %arg9[%parallel_loop3A_1392], %parallel_loop3A_1395 {strides = array<i32>} : memref<12288xf32, #tpu.memory_space<vmem>>, vector<16xf32>,
    } {sc.loop_unroll_factor = 4 : i64, sc.parallel_access}
    %add3A_421 = arith.constant 64 : i32
    %add3A_422 = arith.addi %mul3A_2, %add3A_421 : i32
    %add3A_423 = arith.constant 0 : i32
    %add3A_424 = arith.addi %add3A_423, %add3A_422 : i32
    %mul3A_425 = arith.constant 768 : i32
    %mul3A_426 = arith.muli %add3A_424, %mul3A_425 : i32
    %dma_start3A_427 = tpu.memref_slice %arg4[%mul3A_426] : memref<25165824xf32, #tpu.memory_space<hbm>> -> memref<12288xf32, #tpu.memory_space<hbm>>
    %dma_start3A_428 = tpu.memref_slice %arg4[%mul3A_426] : memref<25165824xf32, #tpu.memory_space<hbm>> -> memref<12288xf32, #tpu.memory_space<hbm>>
    tpu.enqueue_dma source(%arg6 : memref<12288xf32, #tpu.memory_space<vmem>>) target(%dma_start3A_428 : memref<12288xf32, #tpu.memory_space<hbm>>) target_semaphore(%arg17 : memref<!tpu.dma_semaphore, #tpu.memory_space<semaphore_mem>>)
    %add3A_429 = arith.constant 8192 : i32
    %add3A_430 = arith.addi %add3A_429, %add3A_422 : i32
    %mul3A_431 = arith.constant 768 : i32
    %mul3A_432 = arith.muli %add3A_430, %mul3A_431 : i32
    %dma_start3A_433 = tpu.memref_slice %arg4[%mul3A_432] : memref<25165824xf32, #tpu.memory_space<hbm>> -> memref<12288xf32, #tpu.memory_space<hbm>>
    %dma_start3A_434 = tpu.memref_slice %arg4[%mul3A_432] : memref<25165824xf32, #tpu.memory_space<hbm>> -> memref<12288xf32, #tpu.memory_space<hbm>>
    tpu.enqueue_dma source(%arg7 : memref<12288xf32, #tpu.memory_space<vmem>>) target(%dma_start3A_434 : memref<12288xf32, #tpu.memory_space<hbm>>) target_semaphore(%arg17 : memref<!tpu.dma_semaphore, #tpu.memory_space<semaphore_mem>>)
    %add3A_435 = arith.constant 16384 : i32
    %add3A_436 = arith.addi %add3A_435, %add3A_422 : i32
    %mul3A_437 = arith.constant 768 : i32
    %mul3A_438 = arith.muli %add3A_436, %mul3A_437 : i32
    %dma_start3A_439 = tpu.memref_slice %arg4[%mul3A_438] : memref<25165824xf32, #tpu.memory_space<hbm>> -> memref<12288xf32, #tpu.memory_space<hbm>>
    %dma_start3A_440 = tpu.memref_slice %arg4[%mul3A_438] : memref<25165824xf32, #tpu.memory_space<hbm>> -> memref<12288xf32, #tpu.memory_space<hbm>>
    tpu.enqueue_dma source(%arg8 : memref<12288xf32, #tpu.memory_space<vmem>>) target(%dma_start3A_440 : memref<12288xf32, #tpu.memory_space<hbm>>) target_semaphore(%arg17 : memref<!tpu.dma_semaphore, #tpu.memory_space<semaphore_mem>>)
    %add3A_441 = arith.constant 24576 : i32
    %add3A_442 = arith.addi %add3A_441, %add3A_422 : i32
    %mul3A_443 = arith.constant 768 : i32
    %mul3A_444 = arith.muli %add3A_442, %mul3A_443 : i32
    %dma_start3A_445 = tpu.memref_slice %arg4[%mul3A_444] : memref<25165824xf32, #tpu.memory_space<hbm>> -> memref<12288xf32, #tpu.memory_space<hbm>>
    %dma_start3A_446 = tpu.memref_slice %arg4[%mul3A_444] : memref<25165824xf32, #tpu.memory_space<hbm>> -> memref<12288xf32, #tpu.memory_space<hbm>>
    tpu.enqueue_dma source(%arg9 : memref<12288xf32, #tpu.memory_space<vmem>>) target(%dma_start3A_446 : memref<12288xf32, #tpu.memory_space<hbm>>) target_semaphore(%arg17 : memref<!tpu.dma_semaphore, #tpu.memory_space<semaphore_mem>>)
    %dma_wait3A_447 = tpu.memref_slice %arg4[%mul3A_426] : memref<25165824xf32, #tpu.memory_space<hbm>> -> memref<12288xf32, #tpu.memory_space<hbm>>
    %dma_wait3A_448 = tpu.memref_slice %arg4[%mul3A_426] : memref<25165824xf32, #tpu.memory_space<hbm>> -> memref<12288xf32, #tpu.memory_space<hbm>>
    tpu.wait_dma2 semaphore(%arg17 : memref<!tpu.dma_semaphore, #tpu.memory_space<semaphore_mem>>) src(%arg6 : memref<12288xf32, #tpu.memory_space<vmem>>) dst(%dma_wait3A_448 : memref<12288xf32, #tpu.memory_space<hbm>>)
    %dma_wait3A_449 = tpu.memref_slice %arg4[%mul3A_432] : memref<25165824xf32, #tpu.memory_space<hbm>> -> memref<12288xf32, #tpu.memory_space<hbm>>
    %dma_wait3A_450 = tpu.memref_slice %arg4[%mul3A_432] : memref<25165824xf32, #tpu.memory_space<hbm>> -> memref<12288xf32, #tpu.memory_space<hbm>>
    tpu.wait_dma2 semaphore(%arg17 : memref<!tpu.dma_semaphore, #tpu.memory_space<semaphore_mem>>) src(%arg7 : memref<12288xf32, #tpu.memory_space<vmem>>) dst(%dma_wait3A_450 : memref<12288xf32, #tpu.memory_space<hbm>>)
    %dma_wait3A_451 = tpu.memref_slice %arg4[%mul3A_438] : memref<25165824xf32, #tpu.memory_space<hbm>> -> memref<12288xf32, #tpu.memory_space<hbm>>
    %dma_wait3A_452 = tpu.memref_slice %arg4[%mul3A_438] : memref<25165824xf32, #tpu.memory_space<hbm>> -> memref<12288xf32, #tpu.memory_space<hbm>>
    tpu.wait_dma2 semaphore(%arg17 : memref<!tpu.dma_semaphore, #tpu.memory_space<semaphore_mem>>) src(%arg8 : memref<12288xf32, #tpu.memory_space<vmem>>) dst(%dma_wait3A_452 : memref<12288xf32, #tpu.memory_space<hbm>>)
    %dma_wait3A_453 = tpu.memref_slice %arg4[%mul3A_444] : memref<25165824xf32, #tpu.memory_space<hbm>> -> memref<12288xf32, #tpu.memory_space<hbm>>
    %dma_wait3A_454 = tpu.memref_slice %arg4[%mul3A_444] : memref<25165824xf32, #tpu.memory_space<hbm>> -> memref<12288xf32, #tpu.memory_space<hbm>>
    tpu.wait_dma2 semaphore(%arg17 : memref<!tpu.dma_semaphore, #tpu.memory_space<semaphore_mem>>) src(%arg9 : memref<12288xf32, #tpu.memory_space<vmem>>) dst(%dma_wait3A_454 : memref<12288xf32, #tpu.memory_space<hbm>>)
    %add3A_455 = arith.constant 96 : i32
    %add3A_456 = arith.addi %mul3A_2, %add3A_455 : i32
    %mul3A_457 = arith.constant 768 : i32
    %mul3A_458 = arith.muli %add3A_456, %mul3A_457 : i32
    %dma_start3A_459 = tpu.memref_slice %arg3[%mul3A_458] : memref<6291456xf32, #tpu.memory_space<hbm>> -> memref<12288xf32, #tpu.memory_space<hbm>>
    %dma_start3A_460 = tpu.memref_slice %arg3[%mul3A_458] : memref<6291456xf32, #tpu.memory_space<hbm>> -> memref<12288xf32, #tpu.memory_space<hbm>>
    tpu.enqueue_dma source(%dma_start3A_460 : memref<12288xf32, #tpu.memory_space<hbm>>) target(%arg5 : memref<12288xf32, #tpu.memory_space<vmem>>) target_semaphore(%arg15 : memref<!tpu.dma_semaphore, #tpu.memory_space<semaphore_mem>>)
    %add3A_461 = arith.constant 0 : i32
    %add3A_462 = arith.addi %add3A_461, %add3A_456 : i32
    %mul3A_463 = arith.constant 768 : i32
    %mul3A_464 = arith.muli %add3A_462, %mul3A_463 : i32
    %dma_start3A_465 = tpu.memref_slice %arg2[%mul3A_464] : memref<25165824xf32, #tpu.memory_space<hbm>> -> memref<12288xf32, #tpu.memory_space<hbm>>
    %dma_start3A_466 = tpu.memref_slice %arg2[%mul3A_464] : memref<25165824xf32, #tpu.memory_space<hbm>> -> memref<12288xf32, #tpu.memory_space<hbm>>
    tpu.enqueue_dma source(%dma_start3A_466 : memref<12288xf32, #tpu.memory_space<hbm>>) target(%arg6 : memref<12288xf32, #tpu.memory_space<vmem>>) target_semaphore(%arg15 : memref<!tpu.dma_semaphore, #tpu.memory_space<semaphore_mem>>)
    %add3A_467 = arith.constant 8192 : i32
    %add3A_468 = arith.addi %add3A_467, %add3A_456 : i32
    %mul3A_469 = arith.constant 768 : i32
    %mul3A_470 = arith.muli %add3A_468, %mul3A_469 : i32
    %dma_start3A_471 = tpu.memref_slice %arg2[%mul3A_470] : memref<25165824xf32, #tpu.memory_space<hbm>> -> memref<12288xf32, #tpu.memory_space<hbm>>
    %dma_start3A_472 = tpu.memref_slice %arg2[%mul3A_470] : memref<25165824xf32, #tpu.memory_space<hbm>> -> memref<12288xf32, #tpu.memory_space<hbm>>
    tpu.enqueue_dma source(%dma_start3A_472 : memref<12288xf32, #tpu.memory_space<hbm>>) target(%arg7 : memref<12288xf32, #tpu.memory_space<vmem>>) target_semaphore(%arg15 : memref<!tpu.dma_semaphore, #tpu.memory_space<semaphore_mem>>)
    %add3A_473 = arith.constant 16384 : i32
    %add3A_474 = arith.addi %add3A_473, %add3A_456 : i32
    %mul3A_475 = arith.constant 768 : i32
    %mul3A_476 = arith.muli %add3A_474, %mul3A_475 : i32
    %dma_start3A_477 = tpu.memref_slice %arg2[%mul3A_476] : memref<25165824xf32, #tpu.memory_space<hbm>> -> memref<12288xf32, #tpu.memory_space<hbm>>
    %dma_start3A_478 = tpu.memref_slice %arg2[%mul3A_476] : memref<25165824xf32, #tpu.memory_space<hbm>> -> memref<12288xf32, #tpu.memory_space<hbm>>
    tpu.enqueue_dma source(%dma_start3A_478 : memref<12288xf32, #tpu.memory_space<hbm>>) target(%arg8 : memref<12288xf32, #tpu.memory_space<vmem>>) target_semaphore(%arg15 : memref<!tpu.dma_semaphore, #tpu.memory_space<semaphore_mem>>)
    %add3A_479 = arith.constant 24576 : i32
    %add3A_480 = arith.addi %add3A_479, %add3A_456 : i32
    %mul3A_481 = arith.constant 768 : i32
    %mul3A_482 = arith.muli %add3A_480, %mul3A_481 : i32
    %dma_start3A_483 = tpu.memref_slice %arg2[%mul3A_482] : memref<25165824xf32, #tpu.memory_space<hbm>> -> memref<12288xf32, #tpu.memory_space<hbm>>
    %dma_start3A_484 = tpu.memref_slice %arg2[%mul3A_482] : memref<25165824xf32, #tpu.memory_space<hbm>> -> memref<12288xf32, #tpu.memory_space<hbm>>
    tpu.enqueue_dma source(%dma_start3A_484 : memref<12288xf32, #tpu.memory_space<hbm>>) target(%arg9 : memref<12288xf32, #tpu.memory_space<vmem>>) target_semaphore(%arg15 : memref<!tpu.dma_semaphore, #tpu.memory_space<semaphore_mem>>)
    %dma_wait3A_485 = arith.constant 0 : i32
    %dma_wait3A_486 = tpu.memref_slice %arg3[%dma_wait3A_485] : memref<6291456xf32, #tpu.memory_space<hbm>> -> memref<12288xf32, #tpu.memory_space<hbm>>
    %dma_wait3A_487 = arith.constant 0 : i32
    %dma_wait3A_488 = tpu.memref_slice %arg3[%dma_wait3A_487] : memref<6291456xf32, #tpu.memory_space<hbm>> -> memref<12288xf32, #tpu.memory_space<hbm>>
    tpu.wait_dma2 semaphore(%arg16 : memref<!tpu.dma_semaphore, #tpu.memory_space<semaphore_mem>>) src(%dma_wait3A_488 : memref<12288xf32, #tpu.memory_space<hbm>>) dst(%arg10 : memref<12288xf32, #tpu.memory_space<vmem>>)
    %dma_wait3A_489 = arith.constant 0 : i32
    %dma_wait3A_490 = tpu.memref_slice %arg3[%dma_wait3A_489] : memref<6291456xf32, #tpu.memory_space<hbm>> -> memref<12288xf32, #tpu.memory_space<hbm>>
    %dma_wait3A_491 = arith.constant 0 : i32
    %dma_wait3A_492 = tpu.memref_slice %arg3[%dma_wait3A_491] : memref<6291456xf32, #tpu.memory_space<hbm>> -> memref<12288xf32, #tpu.memory_space<hbm>>
    tpu.wait_dma2 semaphore(%arg16 : memref<!tpu.dma_semaphore, #tpu.memory_space<semaphore_mem>>) src(%dma_wait3A_492 : memref<12288xf32, #tpu.memory_space<hbm>>) dst(%arg10 : memref<12288xf32, #tpu.memory_space<vmem>>)
    %dma_wait3A_493 = arith.constant 0 : i32
    %dma_wait3A_494 = tpu.memref_slice %arg3[%dma_wait3A_493] : memref<6291456xf32, #tpu.memory_space<hbm>> -> memref<12288xf32, #tpu.memory_space<hbm>>
    %dma_wait3A_495 = arith.constant 0 : i32
    %dma_wait3A_496 = tpu.memref_slice %arg3[%dma_wait3A_495] : memref<6291456xf32, #tpu.memory_space<hbm>> -> memref<12288xf32, #tpu.memory_space<hbm>>
    tpu.wait_dma2 semaphore(%arg16 : memref<!tpu.dma_semaphore, #tpu.memory_space<semaphore_mem>>) src(%dma_wait3A_496 : memref<12288xf32, #tpu.memory_space<hbm>>) dst(%arg10 : memref<12288xf32, #tpu.memory_space<vmem>>)
    %dma_wait3A_497 = arith.constant 0 : i32
    %dma_wait3A_498 = tpu.memref_slice %arg3[%dma_wait3A_497] : memref<6291456xf32, #tpu.memory_space<hbm>> -> memref<12288xf32, #tpu.memory_space<hbm>>
    %dma_wait3A_499 = arith.constant 0 : i32
    %dma_wait3A_500 = tpu.memref_slice %arg3[%dma_wait3A_499] : memref<6291456xf32, #tpu.memory_space<hbm>> -> memref<12288xf32, #tpu.memory_space<hbm>>
    tpu.wait_dma2 semaphore(%arg16 : memref<!tpu.dma_semaphore, #tpu.memory_space<semaphore_mem>>) src(%dma_wait3A_500 : memref<12288xf32, #tpu.memory_space<hbm>>) dst(%arg10 : memref<12288xf32, #tpu.memory_space<vmem>>)
    %dma_wait3A_501 = tpu.memref_slice %arg2[%mul3A_397] : memref<25165824xf32, #tpu.memory_space<hbm>> -> memref<12288xf32, #tpu.memory_space<hbm>>
    %dma_wait3A_502 = tpu.memref_slice %arg2[%mul3A_397] : memref<25165824xf32, #tpu.memory_space<hbm>> -> memref<12288xf32, #tpu.memory_space<hbm>>
    tpu.wait_dma2 semaphore(%arg16 : memref<!tpu.dma_semaphore, #tpu.memory_space<semaphore_mem>>) src(%dma_wait3A_502 : memref<12288xf32, #tpu.memory_space<hbm>>) dst(%arg14 : memref<12288xf32, #tpu.memory_space<vmem>>)
    %parallel_loop3A_503 = arith.constant 0 : i32
    %parallel_loop3A_504 = arith.constant 12288 : i32
    %parallel_loop3A_505 = arith.constant 16 : i32
    scf.for %parallel_loop3A_1360 = %parallel_loop3A_503 to %parallel_loop3A_504 step %parallel_loop3A_505  : i32 {
      %parallel_loop3A_1361 = arith.index_cast %parallel_loop3A_1360 : i32 to index
      %parallel_loop3A_1362 = tpu.vector_load %arg10[%parallel_loop3A_1361] {strides = array<i32>} : memref<12288xf32, #tpu.memory_space<vmem>>, vector<16xf32>,
      %parallel_loop3A_1363 = vector.shape_cast %parallel_loop3A_1362 : vector<16xf32> to vector<16xf32>
      %parallel_loop3A_1364 = arith.index_cast %parallel_loop3A_1360 : i32 to index
      %parallel_loop3A_1365 = tpu.vector_load %arg11[%parallel_loop3A_1364] {strides = array<i32>} : memref<12288xf32, #tpu.memory_space<vmem>>, vector<16xf32>,
      %parallel_loop3A_1366 = vector.shape_cast %parallel_loop3A_1365 : vector<16xf32> to vector<16xf32>
      %parallel_loop3A_1367 = arith.addf %parallel_loop3A_1366, %parallel_loop3A_1363 : vector<16xf32>
      %parallel_loop3A_1368 = arith.index_cast %parallel_loop3A_1360 : i32 to index
      %parallel_loop3A_1369 = tpu.vector_load %arg11[%parallel_loop3A_1368] {strides = array<i32>} : memref<12288xf32, #tpu.memory_space<vmem>>, vector<16xf32>,
      %parallel_loop3A_1370 = vector.shape_cast %parallel_loop3A_1369 : vector<16xf32> to vector<16xf32>
      %parallel_loop3A_1371 = vector.shape_cast %parallel_loop3A_1367 : vector<16xf32> to vector<16xf32>
      tpu.vector_store %arg11[%parallel_loop3A_1368], %parallel_loop3A_1371 {strides = array<i32>} : memref<12288xf32, #tpu.memory_space<vmem>>, vector<16xf32>,
      %parallel_loop3A_1372 = arith.index_cast %parallel_loop3A_1360 : i32 to index
      %parallel_loop3A_1373 = tpu.vector_load %arg12[%parallel_loop3A_1372] {strides = array<i32>} : memref<12288xf32, #tpu.memory_space<vmem>>, vector<16xf32>,
      %parallel_loop3A_1374 = vector.shape_cast %parallel_loop3A_1373 : vector<16xf32> to vector<16xf32>
      %parallel_loop3A_1375 = arith.addf %parallel_loop3A_1374, %parallel_loop3A_1363 : vector<16xf32>
      %parallel_loop3A_1376 = arith.index_cast %parallel_loop3A_1360 : i32 to index
      %parallel_loop3A_1377 = tpu.vector_load %arg12[%parallel_loop3A_1376] {strides = array<i32>} : memref<12288xf32, #tpu.memory_space<vmem>>, vector<16xf32>,
      %parallel_loop3A_1378 = vector.shape_cast %parallel_loop3A_1377 : vector<16xf32> to vector<16xf32>
      %parallel_loop3A_1379 = vector.shape_cast %parallel_loop3A_1375 : vector<16xf32> to vector<16xf32>
      tpu.vector_store %arg12[%parallel_loop3A_1376], %parallel_loop3A_1379 {strides = array<i32>} : memref<12288xf32, #tpu.memory_space<vmem>>, vector<16xf32>,
      %parallel_loop3A_1380 = arith.index_cast %parallel_loop3A_1360 : i32 to index
      %parallel_loop3A_1381 = tpu.vector_load %arg13[%parallel_loop3A_1380] {strides = array<i32>} : memref<12288xf32, #tpu.memory_space<vmem>>, vector<16xf32>,
      %parallel_loop3A_1382 = vector.shape_cast %parallel_loop3A_1381 : vector<16xf32> to vector<16xf32>
      %parallel_loop3A_1383 = arith.addf %parallel_loop3A_1382, %parallel_loop3A_1363 : vector<16xf32>
      %parallel_loop3A_1384 = arith.index_cast %parallel_loop3A_1360 : i32 to index
      %parallel_loop3A_1385 = tpu.vector_load %arg13[%parallel_loop3A_1384] {strides = array<i32>} : memref<12288xf32, #tpu.memory_space<vmem>>, vector<16xf32>,
      %parallel_loop3A_1386 = vector.shape_cast %parallel_loop3A_1385 : vector<16xf32> to vector<16xf32>
      %parallel_loop3A_1387 = vector.shape_cast %parallel_loop3A_1383 : vector<16xf32> to vector<16xf32>
      tpu.vector_store %arg13[%parallel_loop3A_1384], %parallel_loop3A_1387 {strides = array<i32>} : memref<12288xf32, #tpu.memory_space<vmem>>, vector<16xf32>,
      %parallel_loop3A_1388 = arith.index_cast %parallel_loop3A_1360 : i32 to index
      %parallel_loop3A_1389 = tpu.vector_load %arg14[%parallel_loop3A_1388] {strides = array<i32>} : memref<12288xf32, #tpu.memory_space<vmem>>, vector<16xf32>,
      %parallel_loop3A_1390 = vector.shape_cast %parallel_loop3A_1389 : vector<16xf32> to vector<16xf32>
      %parallel_loop3A_1391 = arith.addf %parallel_loop3A_1390, %parallel_loop3A_1363 : vector<16xf32>
      %parallel_loop3A_1392 = arith.index_cast %parallel_loop3A_1360 : i32 to index
      %parallel_loop3A_1393 = tpu.vector_load %arg14[%parallel_loop3A_1392] {strides = array<i32>} : memref<12288xf32, #tpu.memory_space<vmem>>, vector<16xf32>,
      %parallel_loop3A_1394 = vector.shape_cast %parallel_loop3A_1393 : vector<16xf32> to vector<16xf32>
      %parallel_loop3A_1395 = vector.shape_cast %parallel_loop3A_1391 : vector<16xf32> to vector<16xf32>
      tpu.vector_store %arg14[%parallel_loop3A_1392], %parallel_loop3A_1395 {strides = array<i32>} : memref<12288xf32, #tpu.memory_space<vmem>>, vector<16xf32>,
    } {sc.loop_unroll_factor = 4 : i64, sc.parallel_access}
    %add3A_506 = arith.constant 80 : i32
    %add3A_507 = arith.addi %mul3A_2, %add3A_506 : i32
    %add3A_508 = arith.constant 0 : i32
    %add3A_509 = arith.addi %add3A_508, %add3A_507 : i32
    %mul3A_510 = arith.constant 768 : i32
    %mul3A_511 = arith.muli %add3A_509, %mul3A_510 : i32
    %dma_start3A_512 = tpu.memref_slice %arg4[%mul3A_511] : memref<25165824xf32, #tpu.memory_space<hbm>> -> memref<12288xf32, #tpu.memory_space<hbm>>
    %dma_start3A_513 = tpu.memref_slice %arg4[%mul3A_511] : memref<25165824xf32, #tpu.memory_space<hbm>> -> memref<12288xf32, #tpu.memory_space<hbm>>
    tpu.enqueue_dma source(%arg11 : memref<12288xf32, #tpu.memory_space<vmem>>) target(%dma_start3A_513 : memref<12288xf32, #tpu.memory_space<hbm>>) target_semaphore(%arg18 : memref<!tpu.dma_semaphore, #tpu.memory_space<semaphore_mem>>)
    %add3A_514 = arith.constant 8192 : i32
    %add3A_515 = arith.addi %add3A_514, %add3A_507 : i32
    %mul3A_516 = arith.constant 768 : i32
    %mul3A_517 = arith.muli %add3A_515, %mul3A_516 : i32
    %dma_start3A_518 = tpu.memref_slice %arg4[%mul3A_517] : memref<25165824xf32, #tpu.memory_space<hbm>> -> memref<12288xf32, #tpu.memory_space<hbm>>
    %dma_start3A_519 = tpu.memref_slice %arg4[%mul3A_517] : memref<25165824xf32, #tpu.memory_space<hbm>> -> memref<12288xf32, #tpu.memory_space<hbm>>
    tpu.enqueue_dma source(%arg12 : memref<12288xf32, #tpu.memory_space<vmem>>) target(%dma_start3A_519 : memref<12288xf32, #tpu.memory_space<hbm>>) target_semaphore(%arg18 : memref<!tpu.dma_semaphore, #tpu.memory_space<semaphore_mem>>)
    %add3A_520 = arith.constant 16384 : i32
    %add3A_521 = arith.addi %add3A_520, %add3A_507 : i32
    %mul3A_522 = arith.constant 768 : i32
    %mul3A_523 = arith.muli %add3A_521, %mul3A_522 : i32
    %dma_start3A_524 = tpu.memref_slice %arg4[%mul3A_523] : memref<25165824xf32, #tpu.memory_space<hbm>> -> memref<12288xf32, #tpu.memory_space<hbm>>
    %dma_start3A_525 = tpu.memref_slice %arg4[%mul3A_523] : memref<25165824xf32, #tpu.memory_space<hbm>> -> memref<12288xf32, #tpu.memory_space<hbm>>
    tpu.enqueue_dma source(%arg13 : memref<12288xf32, #tpu.memory_space<vmem>>) target(%dma_start3A_525 : memref<12288xf32, #tpu.memory_space<hbm>>) target_semaphore(%arg18 : memref<!tpu.dma_semaphore, #tpu.memory_space<semaphore_mem>>)
    %add3A_526 = arith.constant 24576 : i32
    %add3A_527 = arith.addi %add3A_526, %add3A_507 : i32
    %mul3A_528 = arith.constant 768 : i32
    %mul3A_529 = arith.muli %add3A_527, %mul3A_528 : i32
    %dma_start3A_530 = tpu.memref_slice %arg4[%mul3A_529] : memref<25165824xf32, #tpu.memory_space<hbm>> -> memref<12288xf32, #tpu.memory_space<hbm>>
    %dma_start3A_531 = tpu.memref_slice %arg4[%mul3A_529] : memref<25165824xf32, #tpu.memory_space<hbm>> -> memref<12288xf32, #tpu.memory_space<hbm>>
    tpu.enqueue_dma source(%arg14 : memref<12288xf32, #tpu.memory_space<vmem>>) target(%dma_start3A_531 : memref<12288xf32, #tpu.memory_space<hbm>>) target_semaphore(%arg18 : memref<!tpu.dma_semaphore, #tpu.memory_space<semaphore_mem>>)
    %dma_wait3A_532 = tpu.memref_slice %arg4[%mul3A_511] : memref<25165824xf32, #tpu.memory_space<hbm>> -> memref<12288xf32, #tpu.memory_space<hbm>>
    %dma_wait3A_533 = tpu.memref_slice %arg4[%mul3A_511] : memref<25165824xf32, #tpu.memory_space<hbm>> -> memref<12288xf32, #tpu.memory_space<hbm>>
    tpu.wait_dma2 semaphore(%arg18 : memref<!tpu.dma_semaphore, #tpu.memory_space<semaphore_mem>>) src(%arg11 : memref<12288xf32, #tpu.memory_space<vmem>>) dst(%dma_wait3A_533 : memref<12288xf32, #tpu.memory_space<hbm>>)
    %dma_wait3A_534 = tpu.memref_slice %arg4[%mul3A_517] : memref<25165824xf32, #tpu.memory_space<hbm>> -> memref<12288xf32, #tpu.memory_space<hbm>>
    %dma_wait3A_535 = tpu.memref_slice %arg4[%mul3A_517] : memref<25165824xf32, #tpu.memory_space<hbm>> -> memref<12288xf32, #tpu.memory_space<hbm>>
    tpu.wait_dma2 semaphore(%arg18 : memref<!tpu.dma_semaphore, #tpu.memory_space<semaphore_mem>>) src(%arg12 : memref<12288xf32, #tpu.memory_space<vmem>>) dst(%dma_wait3A_535 : memref<12288xf32, #tpu.memory_space<hbm>>)
    %dma_wait3A_536 = tpu.memref_slice %arg4[%mul3A_523] : memref<25165824xf32, #tpu.memory_space<hbm>> -> memref<12288xf32, #tpu.memory_space<hbm>>
    %dma_wait3A_537 = tpu.memref_slice %arg4[%mul3A_523] : memref<25165824xf32, #tpu.memory_space<hbm>> -> memref<12288xf32, #tpu.memory_space<hbm>>
    tpu.wait_dma2 semaphore(%arg18 : memref<!tpu.dma_semaphore, #tpu.memory_space<semaphore_mem>>) src(%arg13 : memref<12288xf32, #tpu.memory_space<vmem>>) dst(%dma_wait3A_537 : memref<12288xf32, #tpu.memory_space<hbm>>)
    %dma_wait3A_538 = tpu.memref_slice %arg4[%mul3A_529] : memref<25165824xf32, #tpu.memory_space<hbm>> -> memref<12288xf32, #tpu.memory_space<hbm>>
    %dma_wait3A_539 = tpu.memref_slice %arg4[%mul3A_529] : memref<25165824xf32, #tpu.memory_space<hbm>> -> memref<12288xf32, #tpu.memory_space<hbm>>
    tpu.wait_dma2 semaphore(%arg18 : memref<!tpu.dma_semaphore, #tpu.memory_space<semaphore_mem>>) src(%arg14 : memref<12288xf32, #tpu.memory_space<vmem>>) dst(%dma_wait3A_539 : memref<12288xf32, #tpu.memory_space<hbm>>)
    %add3A_540 = arith.constant 112 : i32
    %add3A_541 = arith.addi %mul3A_2, %add3A_540 : i32
    %mul3A_542 = arith.constant 768 : i32
    %mul3A_543 = arith.muli %add3A_541, %mul3A_542 : i32
    %dma_start3A_544 = tpu.memref_slice %arg3[%mul3A_543] : memref<6291456xf32, #tpu.memory_space<hbm>> -> memref<12288xf32, #tpu.memory_space<hbm>>
    %dma_start3A_545 = tpu.memref_slice %arg3[%mul3A_543] : memref<6291456xf32, #tpu.memory_space<hbm>> -> memref<12288xf32, #tpu.memory_space<hbm>>
    tpu.enqueue_dma source(%dma_start3A_545 : memref<12288xf32, #tpu.memory_space<hbm>>) target(%arg10 : memref<12288xf32, #tpu.memory_space<vmem>>) target_semaphore(%arg16 : memref<!tpu.dma_semaphore, #tpu.memory_space<semaphore_mem>>)
    %add3A_546 = arith.constant 0 : i32
    %add3A_547 = arith.addi %add3A_546, %add3A_541 : i32
    %mul3A_548 = arith.constant 768 : i32
    %mul3A_549 = arith.muli %add3A_547, %mul3A_548 : i32
    %dma_start3A_550 = tpu.memref_slice %arg2[%mul3A_549] : memref<25165824xf32, #tpu.memory_space<hbm>> -> memref<12288xf32, #tpu.memory_space<hbm>>
    %dma_start3A_551 = tpu.memref_slice %arg2[%mul3A_549] : memref<25165824xf32, #tpu.memory_space<hbm>> -> memref<12288xf32, #tpu.memory_space<hbm>>
    tpu.enqueue_dma source(%dma_start3A_551 : memref<12288xf32, #tpu.memory_space<hbm>>) target(%arg11 : memref<12288xf32, #tpu.memory_space<vmem>>) target_semaphore(%arg16 : memref<!tpu.dma_semaphore, #tpu.memory_space<semaphore_mem>>)
    %add3A_552 = arith.constant 8192 : i32
    %add3A_553 = arith.addi %add3A_552, %add3A_541 : i32
    %mul3A_554 = arith.constant 768 : i32
    %mul3A_555 = arith.muli %add3A_553, %mul3A_554 : i32
    %dma_start3A_556 = tpu.memref_slice %arg2[%mul3A_555] : memref<25165824xf32, #tpu.memory_space<hbm>> -> memref<12288xf32, #tpu.memory_space<hbm>>
    %dma_start3A_557 = tpu.memref_slice %arg2[%mul3A_555] : memref<25165824xf32, #tpu.memory_space<hbm>> -> memref<12288xf32, #tpu.memory_space<hbm>>
    tpu.enqueue_dma source(%dma_start3A_557 : memref<12288xf32, #tpu.memory_space<hbm>>) target(%arg12 : memref<12288xf32, #tpu.memory_space<vmem>>) target_semaphore(%arg16 : memref<!tpu.dma_semaphore, #tpu.memory_space<semaphore_mem>>)
    %add3A_558 = arith.constant 16384 : i32
    %add3A_559 = arith.addi %add3A_558, %add3A_541 : i32
    %mul3A_560 = arith.constant 768 : i32
    %mul3A_561 = arith.muli %add3A_559, %mul3A_560 : i32
    %dma_start3A_562 = tpu.memref_slice %arg2[%mul3A_561] : memref<25165824xf32, #tpu.memory_space<hbm>> -> memref<12288xf32, #tpu.memory_space<hbm>>
    %dma_start3A_563 = tpu.memref_slice %arg2[%mul3A_561] : memref<25165824xf32, #tpu.memory_space<hbm>> -> memref<12288xf32, #tpu.memory_space<hbm>>
    tpu.enqueue_dma source(%dma_start3A_563 : memref<12288xf32, #tpu.memory_space<hbm>>) target(%arg13 : memref<12288xf32, #tpu.memory_space<vmem>>) target_semaphore(%arg16 : memref<!tpu.dma_semaphore, #tpu.memory_space<semaphore_mem>>)
    %add3A_564 = arith.constant 24576 : i32
    %add3A_565 = arith.addi %add3A_564, %add3A_541 : i32
    %mul3A_566 = arith.constant 768 : i32
    %mul3A_567 = arith.muli %add3A_565, %mul3A_566 : i32
    %dma_start3A_568 = tpu.memref_slice %arg2[%mul3A_567] : memref<25165824xf32, #tpu.memory_space<hbm>> -> memref<12288xf32, #tpu.memory_space<hbm>>
    %dma_start3A_569 = tpu.memref_slice %arg2[%mul3A_567] : memref<25165824xf32, #tpu.memory_space<hbm>> -> memref<12288xf32, #tpu.memory_space<hbm>>
    tpu.enqueue_dma source(%dma_start3A_569 : memref<12288xf32, #tpu.memory_space<hbm>>) target(%arg14 : memref<12288xf32, #tpu.memory_space<vmem>>) target_semaphore(%arg16 : memref<!tpu.dma_semaphore, #tpu.memory_space<semaphore_mem>>)
    %dma_wait3A_570 = arith.constant 0 : i32
    %dma_wait3A_571 = tpu.memref_slice %arg3[%dma_wait3A_570] : memref<6291456xf32, #tpu.memory_space<hbm>> -> memref<12288xf32, #tpu.memory_space<hbm>>
    %dma_wait3A_572 = arith.constant 0 : i32
    %dma_wait3A_573 = tpu.memref_slice %arg3[%dma_wait3A_572] : memref<6291456xf32, #tpu.memory_space<hbm>> -> memref<12288xf32, #tpu.memory_space<hbm>>
    tpu.wait_dma2 semaphore(%arg15 : memref<!tpu.dma_semaphore, #tpu.memory_space<semaphore_mem>>) src(%dma_wait3A_573 : memref<12288xf32, #tpu.memory_space<hbm>>) dst(%arg5 : memref<12288xf32, #tpu.memory_space<vmem>>)
    %dma_wait3A_574 = arith.constant 0 : i32
    %dma_wait3A_575 = tpu.memref_slice %arg3[%dma_wait3A_574] : memref<6291456xf32, #tpu.memory_space<hbm>> -> memref<12288xf32, #tpu.memory_space<hbm>>
    %dma_wait3A_576 = arith.constant 0 : i32
    %dma_wait3A_577 = tpu.memref_slice %arg3[%dma_wait3A_576] : memref<6291456xf32, #tpu.memory_space<hbm>> -> memref<12288xf32, #tpu.memory_space<hbm>>
    tpu.wait_dma2 semaphore(%arg15 : memref<!tpu.dma_semaphore, #tpu.memory_space<semaphore_mem>>) src(%dma_wait3A_577 : memref<12288xf32, #tpu.memory_space<hbm>>) dst(%arg5 : memref<12288xf32, #tpu.memory_space<vmem>>)
    %dma_wait3A_578 = arith.constant 0 : i32
    %dma_wait3A_579 = tpu.memref_slice %arg3[%dma_wait3A_578] : memref<6291456xf32, #tpu.memory_space<hbm>> -> memref<12288xf32, #tpu.memory_space<hbm>>
    %dma_wait3A_580 = arith.constant 0 : i32
    %dma_wait3A_581 = tpu.memref_slice %arg3[%dma_wait3A_580] : memref<6291456xf32, #tpu.memory_space<hbm>> -> memref<12288xf32, #tpu.memory_space<hbm>>
    tpu.wait_dma2 semaphore(%arg15 : memref<!tpu.dma_semaphore, #tpu.memory_space<semaphore_mem>>) src(%dma_wait3A_581 : memref<12288xf32, #tpu.memory_space<hbm>>) dst(%arg5 : memref<12288xf32, #tpu.memory_space<vmem>>)
    %dma_wait3A_582 = arith.constant 0 : i32
    %dma_wait3A_583 = tpu.memref_slice %arg3[%dma_wait3A_582] : memref<6291456xf32, #tpu.memory_space<hbm>> -> memref<12288xf32, #tpu.memory_space<hbm>>
    %dma_wait3A_584 = arith.constant 0 : i32
    %dma_wait3A_585 = tpu.memref_slice %arg3[%dma_wait3A_584] : memref<6291456xf32, #tpu.memory_space<hbm>> -> memref<12288xf32, #tpu.memory_space<hbm>>
    tpu.wait_dma2 semaphore(%arg15 : memref<!tpu.dma_semaphore, #tpu.memory_space<semaphore_mem>>) src(%dma_wait3A_585 : memref<12288xf32, #tpu.memory_space<hbm>>) dst(%arg5 : memref<12288xf32, #tpu.memory_space<vmem>>)
    %dma_wait3A_586 = tpu.memref_slice %arg2[%mul3A_482] : memref<25165824xf32, #tpu.memory_space<hbm>> -> memref<12288xf32, #tpu.memory_space<hbm>>
    %dma_wait3A_587 = tpu.memref_slice %arg2[%mul3A_482] : memref<25165824xf32, #tpu.memory_space<hbm>> -> memref<12288xf32, #tpu.memory_space<hbm>>
    tpu.wait_dma2 semaphore(%arg15 : memref<!tpu.dma_semaphore, #tpu.memory_space<semaphore_mem>>) src(%dma_wait3A_587 : memref<12288xf32, #tpu.memory_space<hbm>>) dst(%arg9 : memref<12288xf32, #tpu.memory_space<vmem>>)
    %parallel_loop3A_588 = arith.constant 0 : i32
    %parallel_loop3A_589 = arith.constant 12288 : i32
    %parallel_loop3A_590 = arith.constant 16 : i32
    scf.for %parallel_loop3A_1360 = %parallel_loop3A_588 to %parallel_loop3A_589 step %parallel_loop3A_590  : i32 {
      %parallel_loop3A_1361 = arith.index_cast %parallel_loop3A_1360 : i32 to index
      %parallel_loop3A_1362 = tpu.vector_load %arg5[%parallel_loop3A_1361] {strides = array<i32>} : memref<12288xf32, #tpu.memory_space<vmem>>, vector<16xf32>,
      %parallel_loop3A_1363 = vector.shape_cast %parallel_loop3A_1362 : vector<16xf32> to vector<16xf32>
      %parallel_loop3A_1364 = arith.index_cast %parallel_loop3A_1360 : i32 to index
      %parallel_loop3A_1365 = tpu.vector_load %arg6[%parallel_loop3A_1364] {strides = array<i32>} : memref<12288xf32, #tpu.memory_space<vmem>>, vector<16xf32>,
      %parallel_loop3A_1366 = vector.shape_cast %parallel_loop3A_1365 : vector<16xf32> to vector<16xf32>
      %parallel_loop3A_1367 = arith.addf %parallel_loop3A_1366, %parallel_loop3A_1363 : vector<16xf32>
      %parallel_loop3A_1368 = arith.index_cast %parallel_loop3A_1360 : i32 to index
      %parallel_loop3A_1369 = tpu.vector_load %arg6[%parallel_loop3A_1368] {strides = array<i32>} : memref<12288xf32, #tpu.memory_space<vmem>>, vector<16xf32>,
      %parallel_loop3A_1370 = vector.shape_cast %parallel_loop3A_1369 : vector<16xf32> to vector<16xf32>
      %parallel_loop3A_1371 = vector.shape_cast %parallel_loop3A_1367 : vector<16xf32> to vector<16xf32>
      tpu.vector_store %arg6[%parallel_loop3A_1368], %parallel_loop3A_1371 {strides = array<i32>} : memref<12288xf32, #tpu.memory_space<vmem>>, vector<16xf32>,
      %parallel_loop3A_1372 = arith.index_cast %parallel_loop3A_1360 : i32 to index
      %parallel_loop3A_1373 = tpu.vector_load %arg7[%parallel_loop3A_1372] {strides = array<i32>} : memref<12288xf32, #tpu.memory_space<vmem>>, vector<16xf32>,
      %parallel_loop3A_1374 = vector.shape_cast %parallel_loop3A_1373 : vector<16xf32> to vector<16xf32>
      %parallel_loop3A_1375 = arith.addf %parallel_loop3A_1374, %parallel_loop3A_1363 : vector<16xf32>
      %parallel_loop3A_1376 = arith.index_cast %parallel_loop3A_1360 : i32 to index
      %parallel_loop3A_1377 = tpu.vector_load %arg7[%parallel_loop3A_1376] {strides = array<i32>} : memref<12288xf32, #tpu.memory_space<vmem>>, vector<16xf32>,
      %parallel_loop3A_1378 = vector.shape_cast %parallel_loop3A_1377 : vector<16xf32> to vector<16xf32>
      %parallel_loop3A_1379 = vector.shape_cast %parallel_loop3A_1375 : vector<16xf32> to vector<16xf32>
      tpu.vector_store %arg7[%parallel_loop3A_1376], %parallel_loop3A_1379 {strides = array<i32>} : memref<12288xf32, #tpu.memory_space<vmem>>, vector<16xf32>,
      %parallel_loop3A_1380 = arith.index_cast %parallel_loop3A_1360 : i32 to index
      %parallel_loop3A_1381 = tpu.vector_load %arg8[%parallel_loop3A_1380] {strides = array<i32>} : memref<12288xf32, #tpu.memory_space<vmem>>, vector<16xf32>,
      %parallel_loop3A_1382 = vector.shape_cast %parallel_loop3A_1381 : vector<16xf32> to vector<16xf32>
      %parallel_loop3A_1383 = arith.addf %parallel_loop3A_1382, %parallel_loop3A_1363 : vector<16xf32>
      %parallel_loop3A_1384 = arith.index_cast %parallel_loop3A_1360 : i32 to index
      %parallel_loop3A_1385 = tpu.vector_load %arg8[%parallel_loop3A_1384] {strides = array<i32>} : memref<12288xf32, #tpu.memory_space<vmem>>, vector<16xf32>,
      %parallel_loop3A_1386 = vector.shape_cast %parallel_loop3A_1385 : vector<16xf32> to vector<16xf32>
      %parallel_loop3A_1387 = vector.shape_cast %parallel_loop3A_1383 : vector<16xf32> to vector<16xf32>
      tpu.vector_store %arg8[%parallel_loop3A_1384], %parallel_loop3A_1387 {strides = array<i32>} : memref<12288xf32, #tpu.memory_space<vmem>>, vector<16xf32>,
      %parallel_loop3A_1388 = arith.index_cast %parallel_loop3A_1360 : i32 to index
      %parallel_loop3A_1389 = tpu.vector_load %arg9[%parallel_loop3A_1388] {strides = array<i32>} : memref<12288xf32, #tpu.memory_space<vmem>>, vector<16xf32>,
      %parallel_loop3A_1390 = vector.shape_cast %parallel_loop3A_1389 : vector<16xf32> to vector<16xf32>
      %parallel_loop3A_1391 = arith.addf %parallel_loop3A_1390, %parallel_loop3A_1363 : vector<16xf32>
      %parallel_loop3A_1392 = arith.index_cast %parallel_loop3A_1360 : i32 to index
      %parallel_loop3A_1393 = tpu.vector_load %arg9[%parallel_loop3A_1392] {strides = array<i32>} : memref<12288xf32, #tpu.memory_space<vmem>>, vector<16xf32>,
      %parallel_loop3A_1394 = vector.shape_cast %parallel_loop3A_1393 : vector<16xf32> to vector<16xf32>
      %parallel_loop3A_1395 = vector.shape_cast %parallel_loop3A_1391 : vector<16xf32> to vector<16xf32>
      tpu.vector_store %arg9[%parallel_loop3A_1392], %parallel_loop3A_1395 {strides = array<i32>} : memref<12288xf32, #tpu.memory_space<vmem>>, vector<16xf32>,
    } {sc.loop_unroll_factor = 4 : i64, sc.parallel_access}
    %add3A_591 = arith.constant 96 : i32
    %add3A_592 = arith.addi %mul3A_2, %add3A_591 : i32
    %add3A_593 = arith.constant 0 : i32
    %add3A_594 = arith.addi %add3A_593, %add3A_592 : i32
    %mul3A_595 = arith.constant 768 : i32
    %mul3A_596 = arith.muli %add3A_594, %mul3A_595 : i32
    %dma_start3A_597 = tpu.memref_slice %arg4[%mul3A_596] : memref<25165824xf32, #tpu.memory_space<hbm>> -> memref<12288xf32, #tpu.memory_space<hbm>>
    %dma_start3A_598 = tpu.memref_slice %arg4[%mul3A_596] : memref<25165824xf32, #tpu.memory_space<hbm>> -> memref<12288xf32, #tpu.memory_space<hbm>>
    tpu.enqueue_dma source(%arg6 : memref<12288xf32, #tpu.memory_space<vmem>>) target(%dma_start3A_598 : memref<12288xf32, #tpu.memory_space<hbm>>) target_semaphore(%arg17 : memref<!tpu.dma_semaphore, #tpu.memory_space<semaphore_mem>>)
    %add3A_599 = arith.constant 8192 : i32
    %add3A_600 = arith.addi %add3A_599, %add3A_592 : i32
    %mul3A_601 = arith.constant 768 : i32
    %mul3A_602 = arith.muli %add3A_600, %mul3A_601 : i32
    %dma_start3A_603 = tpu.memref_slice %arg4[%mul3A_602] : memref<25165824xf32, #tpu.memory_space<hbm>> -> memref<12288xf32, #tpu.memory_space<hbm>>
    %dma_start3A_604 = tpu.memref_slice %arg4[%mul3A_602] : memref<25165824xf32, #tpu.memory_space<hbm>> -> memref<12288xf32, #tpu.memory_space<hbm>>
    tpu.enqueue_dma source(%arg7 : memref<12288xf32, #tpu.memory_space<vmem>>) target(%dma_start3A_604 : memref<12288xf32, #tpu.memory_space<hbm>>) target_semaphore(%arg17 : memref<!tpu.dma_semaphore, #tpu.memory_space<semaphore_mem>>)
    %add3A_605 = arith.constant 16384 : i32
    %add3A_606 = arith.addi %add3A_605, %add3A_592 : i32
    %mul3A_607 = arith.constant 768 : i32
    %mul3A_608 = arith.muli %add3A_606, %mul3A_607 : i32
    %dma_start3A_609 = tpu.memref_slice %arg4[%mul3A_608] : memref<25165824xf32, #tpu.memory_space<hbm>> -> memref<12288xf32, #tpu.memory_space<hbm>>
    %dma_start3A_610 = tpu.memref_slice %arg4[%mul3A_608] : memref<25165824xf32, #tpu.memory_space<hbm>> -> memref<12288xf32, #tpu.memory_space<hbm>>
    tpu.enqueue_dma source(%arg8 : memref<12288xf32, #tpu.memory_space<vmem>>) target(%dma_start3A_610 : memref<12288xf32, #tpu.memory_space<hbm>>) target_semaphore(%arg17 : memref<!tpu.dma_semaphore, #tpu.memory_space<semaphore_mem>>)
    %add3A_611 = arith.constant 24576 : i32
    %add3A_612 = arith.addi %add3A_611, %add3A_592 : i32
    %mul3A_613 = arith.constant 768 : i32
    %mul3A_614 = arith.muli %add3A_612, %mul3A_613 : i32
    %dma_start3A_615 = tpu.memref_slice %arg4[%mul3A_614] : memref<25165824xf32, #tpu.memory_space<hbm>> -> memref<12288xf32, #tpu.memory_space<hbm>>
    %dma_start3A_616 = tpu.memref_slice %arg4[%mul3A_614] : memref<25165824xf32, #tpu.memory_space<hbm>> -> memref<12288xf32, #tpu.memory_space<hbm>>
    tpu.enqueue_dma source(%arg9 : memref<12288xf32, #tpu.memory_space<vmem>>) target(%dma_start3A_616 : memref<12288xf32, #tpu.memory_space<hbm>>) target_semaphore(%arg17 : memref<!tpu.dma_semaphore, #tpu.memory_space<semaphore_mem>>)
    %dma_wait3A_617 = tpu.memref_slice %arg4[%mul3A_596] : memref<25165824xf32, #tpu.memory_space<hbm>> -> memref<12288xf32, #tpu.memory_space<hbm>>
    %dma_wait3A_618 = tpu.memref_slice %arg4[%mul3A_596] : memref<25165824xf32, #tpu.memory_space<hbm>> -> memref<12288xf32, #tpu.memory_space<hbm>>
    tpu.wait_dma2 semaphore(%arg17 : memref<!tpu.dma_semaphore, #tpu.memory_space<semaphore_mem>>) src(%arg6 : memref<12288xf32, #tpu.memory_space<vmem>>) dst(%dma_wait3A_618 : memref<12288xf32, #tpu.memory_space<hbm>>)
    %dma_wait3A_619 = tpu.memref_slice %arg4[%mul3A_602] : memref<25165824xf32, #tpu.memory_space<hbm>> -> memref<12288xf32, #tpu.memory_space<hbm>>
    %dma_wait3A_620 = tpu.memref_slice %arg4[%mul3A_602] : memref<25165824xf32, #tpu.memory_space<hbm>> -> memref<12288xf32, #tpu.memory_space<hbm>>
    tpu.wait_dma2 semaphore(%arg17 : memref<!tpu.dma_semaphore, #tpu.memory_space<semaphore_mem>>) src(%arg7 : memref<12288xf32, #tpu.memory_space<vmem>>) dst(%dma_wait3A_620 : memref<12288xf32, #tpu.memory_space<hbm>>)
    %dma_wait3A_621 = tpu.memref_slice %arg4[%mul3A_608] : memref<25165824xf32, #tpu.memory_space<hbm>> -> memref<12288xf32, #tpu.memory_space<hbm>>
    %dma_wait3A_622 = tpu.memref_slice %arg4[%mul3A_608] : memref<25165824xf32, #tpu.memory_space<hbm>> -> memref<12288xf32, #tpu.memory_space<hbm>>
    tpu.wait_dma2 semaphore(%arg17 : memref<!tpu.dma_semaphore, #tpu.memory_space<semaphore_mem>>) src(%arg8 : memref<12288xf32, #tpu.memory_space<vmem>>) dst(%dma_wait3A_622 : memref<12288xf32, #tpu.memory_space<hbm>>)
    %dma_wait3A_623 = tpu.memref_slice %arg4[%mul3A_614] : memref<25165824xf32, #tpu.memory_space<hbm>> -> memref<12288xf32, #tpu.memory_space<hbm>>
    %dma_wait3A_624 = tpu.memref_slice %arg4[%mul3A_614] : memref<25165824xf32, #tpu.memory_space<hbm>> -> memref<12288xf32, #tpu.memory_space<hbm>>
    tpu.wait_dma2 semaphore(%arg17 : memref<!tpu.dma_semaphore, #tpu.memory_space<semaphore_mem>>) src(%arg9 : memref<12288xf32, #tpu.memory_space<vmem>>) dst(%dma_wait3A_624 : memref<12288xf32, #tpu.memory_space<hbm>>)
    %add3A_625 = arith.constant 128 : i32
    %add3A_626 = arith.addi %mul3A_2, %add3A_625 : i32
    %mul3A_627 = arith.constant 768 : i32
    %mul3A_628 = arith.muli %add3A_626, %mul3A_627 : i32
    %dma_start3A_629 = tpu.memref_slice %arg3[%mul3A_628] : memref<6291456xf32, #tpu.memory_space<hbm>> -> memref<12288xf32, #tpu.memory_space<hbm>>
    %dma_start3A_630 = tpu.memref_slice %arg3[%mul3A_628] : memref<6291456xf32, #tpu.memory_space<hbm>> -> memref<12288xf32, #tpu.memory_space<hbm>>
    tpu.enqueue_dma source(%dma_start3A_630 : memref<12288xf32, #tpu.memory_space<hbm>>) target(%arg5 : memref<12288xf32, #tpu.memory_space<vmem>>) target_semaphore(%arg15 : memref<!tpu.dma_semaphore, #tpu.memory_space<semaphore_mem>>)
    %add3A_631 = arith.constant 0 : i32
    %add3A_632 = arith.addi %add3A_631, %add3A_626 : i32
    %mul3A_633 = arith.constant 768 : i32
    %mul3A_634 = arith.muli %add3A_632, %mul3A_633 : i32
    %dma_start3A_635 = tpu.memref_slice %arg2[%mul3A_634] : memref<25165824xf32, #tpu.memory_space<hbm>> -> memref<12288xf32, #tpu.memory_space<hbm>>
    %dma_start3A_636 = tpu.memref_slice %arg2[%mul3A_634] : memref<25165824xf32, #tpu.memory_space<hbm>> -> memref<12288xf32, #tpu.memory_space<hbm>>
    tpu.enqueue_dma source(%dma_start3A_636 : memref<12288xf32, #tpu.memory_space<hbm>>) target(%arg6 : memref<12288xf32, #tpu.memory_space<vmem>>) target_semaphore(%arg15 : memref<!tpu.dma_semaphore, #tpu.memory_space<semaphore_mem>>)
    %add3A_637 = arith.constant 8192 : i32
    %add3A_638 = arith.addi %add3A_637, %add3A_626 : i32
    %mul3A_639 = arith.constant 768 : i32
    %mul3A_640 = arith.muli %add3A_638, %mul3A_639 : i32
    %dma_start3A_641 = tpu.memref_slice %arg2[%mul3A_640] : memref<25165824xf32, #tpu.memory_space<hbm>> -> memref<12288xf32, #tpu.memory_space<hbm>>
    %dma_start3A_642 = tpu.memref_slice %arg2[%mul3A_640] : memref<25165824xf32, #tpu.memory_space<hbm>> -> memref<12288xf32, #tpu.memory_space<hbm>>
    tpu.enqueue_dma source(%dma_start3A_642 : memref<12288xf32, #tpu.memory_space<hbm>>) target(%arg7 : memref<12288xf32, #tpu.memory_space<vmem>>) target_semaphore(%arg15 : memref<!tpu.dma_semaphore, #tpu.memory_space<semaphore_mem>>)
    %add3A_643 = arith.constant 16384 : i32
    %add3A_644 = arith.addi %add3A_643, %add3A_626 : i32
    %mul3A_645 = arith.constant 768 : i32
    %mul3A_646 = arith.muli %add3A_644, %mul3A_645 : i32
    %dma_start3A_647 = tpu.memref_slice %arg2[%mul3A_646] : memref<25165824xf32, #tpu.memory_space<hbm>> -> memref<12288xf32, #tpu.memory_space<hbm>>
    %dma_start3A_648 = tpu.memref_slice %arg2[%mul3A_646] : memref<25165824xf32, #tpu.memory_space<hbm>> -> memref<12288xf32, #tpu.memory_space<hbm>>
    tpu.enqueue_dma source(%dma_start3A_648 : memref<12288xf32, #tpu.memory_space<hbm>>) target(%arg8 : memref<12288xf32, #tpu.memory_space<vmem>>) target_semaphore(%arg15 : memref<!tpu.dma_semaphore, #tpu.memory_space<semaphore_mem>>)
    %add3A_649 = arith.constant 24576 : i32
    %add3A_650 = arith.addi %add3A_649, %add3A_626 : i32
    %mul3A_651 = arith.constant 768 : i32
    %mul3A_652 = arith.muli %add3A_650, %mul3A_651 : i32
    %dma_start3A_653 = tpu.memref_slice %arg2[%mul3A_652] : memref<25165824xf32, #tpu.memory_space<hbm>> -> memref<12288xf32, #tpu.memory_space<hbm>>
    %dma_start3A_654 = tpu.memref_slice %arg2[%mul3A_652] : memref<25165824xf32, #tpu.memory_space<hbm>> -> memref<12288xf32, #tpu.memory_space<hbm>>
    tpu.enqueue_dma source(%dma_start3A_654 : memref<12288xf32, #tpu.memory_space<hbm>>) target(%arg9 : memref<12288xf32, #tpu.memory_space<vmem>>) target_semaphore(%arg15 : memref<!tpu.dma_semaphore, #tpu.memory_space<semaphore_mem>>)
    %dma_wait3A_655 = arith.constant 0 : i32
    %dma_wait3A_656 = tpu.memref_slice %arg3[%dma_wait3A_655] : memref<6291456xf32, #tpu.memory_space<hbm>> -> memref<12288xf32, #tpu.memory_space<hbm>>
    %dma_wait3A_657 = arith.constant 0 : i32
    %dma_wait3A_658 = tpu.memref_slice %arg3[%dma_wait3A_657] : memref<6291456xf32, #tpu.memory_space<hbm>> -> memref<12288xf32, #tpu.memory_space<hbm>>
    tpu.wait_dma2 semaphore(%arg16 : memref<!tpu.dma_semaphore, #tpu.memory_space<semaphore_mem>>) src(%dma_wait3A_658 : memref<12288xf32, #tpu.memory_space<hbm>>) dst(%arg10 : memref<12288xf32, #tpu.memory_space<vmem>>)
    %dma_wait3A_659 = arith.constant 0 : i32
    %dma_wait3A_660 = tpu.memref_slice %arg3[%dma_wait3A_659] : memref<6291456xf32, #tpu.memory_space<hbm>> -> memref<12288xf32, #tpu.memory_space<hbm>>
    %dma_wait3A_661 = arith.constant 0 : i32
    %dma_wait3A_662 = tpu.memref_slice %arg3[%dma_wait3A_661] : memref<6291456xf32, #tpu.memory_space<hbm>> -> memref<12288xf32, #tpu.memory_space<hbm>>
    tpu.wait_dma2 semaphore(%arg16 : memref<!tpu.dma_semaphore, #tpu.memory_space<semaphore_mem>>) src(%dma_wait3A_662 : memref<12288xf32, #tpu.memory_space<hbm>>) dst(%arg10 : memref<12288xf32, #tpu.memory_space<vmem>>)
    %dma_wait3A_663 = arith.constant 0 : i32
    %dma_wait3A_664 = tpu.memref_slice %arg3[%dma_wait3A_663] : memref<6291456xf32, #tpu.memory_space<hbm>> -> memref<12288xf32, #tpu.memory_space<hbm>>
    %dma_wait3A_665 = arith.constant 0 : i32
    %dma_wait3A_666 = tpu.memref_slice %arg3[%dma_wait3A_665] : memref<6291456xf32, #tpu.memory_space<hbm>> -> memref<12288xf32, #tpu.memory_space<hbm>>
    tpu.wait_dma2 semaphore(%arg16 : memref<!tpu.dma_semaphore, #tpu.memory_space<semaphore_mem>>) src(%dma_wait3A_666 : memref<12288xf32, #tpu.memory_space<hbm>>) dst(%arg10 : memref<12288xf32, #tpu.memory_space<vmem>>)
    %dma_wait3A_667 = arith.constant 0 : i32
    %dma_wait3A_668 = tpu.memref_slice %arg3[%dma_wait3A_667] : memref<6291456xf32, #tpu.memory_space<hbm>> -> memref<12288xf32, #tpu.memory_space<hbm>>
    %dma_wait3A_669 = arith.constant 0 : i32
    %dma_wait3A_670 = tpu.memref_slice %arg3[%dma_wait3A_669] : memref<6291456xf32, #tpu.memory_space<hbm>> -> memref<12288xf32, #tpu.memory_space<hbm>>
    tpu.wait_dma2 semaphore(%arg16 : memref<!tpu.dma_semaphore, #tpu.memory_space<semaphore_mem>>) src(%dma_wait3A_670 : memref<12288xf32, #tpu.memory_space<hbm>>) dst(%arg10 : memref<12288xf32, #tpu.memory_space<vmem>>)
    %dma_wait3A_671 = tpu.memref_slice %arg2[%mul3A_567] : memref<25165824xf32, #tpu.memory_space<hbm>> -> memref<12288xf32, #tpu.memory_space<hbm>>
    %dma_wait3A_672 = tpu.memref_slice %arg2[%mul3A_567] : memref<25165824xf32, #tpu.memory_space<hbm>> -> memref<12288xf32, #tpu.memory_space<hbm>>
    tpu.wait_dma2 semaphore(%arg16 : memref<!tpu.dma_semaphore, #tpu.memory_space<semaphore_mem>>) src(%dma_wait3A_672 : memref<12288xf32, #tpu.memory_space<hbm>>) dst(%arg14 : memref<12288xf32, #tpu.memory_space<vmem>>)
    %parallel_loop3A_673 = arith.constant 0 : i32
    %parallel_loop3A_674 = arith.constant 12288 : i32
    %parallel_loop3A_675 = arith.constant 16 : i32
    scf.for %parallel_loop3A_1360 = %parallel_loop3A_673 to %parallel_loop3A_674 step %parallel_loop3A_675  : i32 {
      %parallel_loop3A_1361 = arith.index_cast %parallel_loop3A_1360 : i32 to index
      %parallel_loop3A_1362 = tpu.vector_load %arg10[%parallel_loop3A_1361] {strides = array<i32>} : memref<12288xf32, #tpu.memory_space<vmem>>, vector<16xf32>,
      %parallel_loop3A_1363 = vector.shape_cast %parallel_loop3A_1362 : vector<16xf32> to vector<16xf32>
      %parallel_loop3A_1364 = arith.index_cast %parallel_loop3A_1360 : i32 to index
      %parallel_loop3A_1365 = tpu.vector_load %arg11[%parallel_loop3A_1364] {strides = array<i32>} : memref<12288xf32, #tpu.memory_space<vmem>>, vector<16xf32>,
      %parallel_loop3A_1366 = vector.shape_cast %parallel_loop3A_1365 : vector<16xf32> to vector<16xf32>
      %parallel_loop3A_1367 = arith.addf %parallel_loop3A_1366, %parallel_loop3A_1363 : vector<16xf32>
      %parallel_loop3A_1368 = arith.index_cast %parallel_loop3A_1360 : i32 to index
      %parallel_loop3A_1369 = tpu.vector_load %arg11[%parallel_loop3A_1368] {strides = array<i32>} : memref<12288xf32, #tpu.memory_space<vmem>>, vector<16xf32>,
      %parallel_loop3A_1370 = vector.shape_cast %parallel_loop3A_1369 : vector<16xf32> to vector<16xf32>
      %parallel_loop3A_1371 = vector.shape_cast %parallel_loop3A_1367 : vector<16xf32> to vector<16xf32>
      tpu.vector_store %arg11[%parallel_loop3A_1368], %parallel_loop3A_1371 {strides = array<i32>} : memref<12288xf32, #tpu.memory_space<vmem>>, vector<16xf32>,
      %parallel_loop3A_1372 = arith.index_cast %parallel_loop3A_1360 : i32 to index
      %parallel_loop3A_1373 = tpu.vector_load %arg12[%parallel_loop3A_1372] {strides = array<i32>} : memref<12288xf32, #tpu.memory_space<vmem>>, vector<16xf32>,
      %parallel_loop3A_1374 = vector.shape_cast %parallel_loop3A_1373 : vector<16xf32> to vector<16xf32>
      %parallel_loop3A_1375 = arith.addf %parallel_loop3A_1374, %parallel_loop3A_1363 : vector<16xf32>
      %parallel_loop3A_1376 = arith.index_cast %parallel_loop3A_1360 : i32 to index
      %parallel_loop3A_1377 = tpu.vector_load %arg12[%parallel_loop3A_1376] {strides = array<i32>} : memref<12288xf32, #tpu.memory_space<vmem>>, vector<16xf32>,
      %parallel_loop3A_1378 = vector.shape_cast %parallel_loop3A_1377 : vector<16xf32> to vector<16xf32>
      %parallel_loop3A_1379 = vector.shape_cast %parallel_loop3A_1375 : vector<16xf32> to vector<16xf32>
      tpu.vector_store %arg12[%parallel_loop3A_1376], %parallel_loop3A_1379 {strides = array<i32>} : memref<12288xf32, #tpu.memory_space<vmem>>, vector<16xf32>,
      %parallel_loop3A_1380 = arith.index_cast %parallel_loop3A_1360 : i32 to index
      %parallel_loop3A_1381 = tpu.vector_load %arg13[%parallel_loop3A_1380] {strides = array<i32>} : memref<12288xf32, #tpu.memory_space<vmem>>, vector<16xf32>,
      %parallel_loop3A_1382 = vector.shape_cast %parallel_loop3A_1381 : vector<16xf32> to vector<16xf32>
      %parallel_loop3A_1383 = arith.addf %parallel_loop3A_1382, %parallel_loop3A_1363 : vector<16xf32>
      %parallel_loop3A_1384 = arith.index_cast %parallel_loop3A_1360 : i32 to index
      %parallel_loop3A_1385 = tpu.vector_load %arg13[%parallel_loop3A_1384] {strides = array<i32>} : memref<12288xf32, #tpu.memory_space<vmem>>, vector<16xf32>,
      %parallel_loop3A_1386 = vector.shape_cast %parallel_loop3A_1385 : vector<16xf32> to vector<16xf32>
      %parallel_loop3A_1387 = vector.shape_cast %parallel_loop3A_1383 : vector<16xf32> to vector<16xf32>
      tpu.vector_store %arg13[%parallel_loop3A_1384], %parallel_loop3A_1387 {strides = array<i32>} : memref<12288xf32, #tpu.memory_space<vmem>>, vector<16xf32>,
      %parallel_loop3A_1388 = arith.index_cast %parallel_loop3A_1360 : i32 to index
      %parallel_loop3A_1389 = tpu.vector_load %arg14[%parallel_loop3A_1388] {strides = array<i32>} : memref<12288xf32, #tpu.memory_space<vmem>>, vector<16xf32>,
      %parallel_loop3A_1390 = vector.shape_cast %parallel_loop3A_1389 : vector<16xf32> to vector<16xf32>
      %parallel_loop3A_1391 = arith.addf %parallel_loop3A_1390, %parallel_loop3A_1363 : vector<16xf32>
      %parallel_loop3A_1392 = arith.index_cast %parallel_loop3A_1360 : i32 to index
      %parallel_loop3A_1393 = tpu.vector_load %arg14[%parallel_loop3A_1392] {strides = array<i32>} : memref<12288xf32, #tpu.memory_space<vmem>>, vector<16xf32>,
      %parallel_loop3A_1394 = vector.shape_cast %parallel_loop3A_1393 : vector<16xf32> to vector<16xf32>
      %parallel_loop3A_1395 = vector.shape_cast %parallel_loop3A_1391 : vector<16xf32> to vector<16xf32>
      tpu.vector_store %arg14[%parallel_loop3A_1392], %parallel_loop3A_1395 {strides = array<i32>} : memref<12288xf32, #tpu.memory_space<vmem>>, vector<16xf32>,
    } {sc.loop_unroll_factor = 4 : i64, sc.parallel_access}
    %add3A_676 = arith.constant 112 : i32
    %add3A_677 = arith.addi %mul3A_2, %add3A_676 : i32
    %add3A_678 = arith.constant 0 : i32
    %add3A_679 = arith.addi %add3A_678, %add3A_677 : i32
    %mul3A_680 = arith.constant 768 : i32
    %mul3A_681 = arith.muli %add3A_679, %mul3A_680 : i32
    %dma_start3A_682 = tpu.memref_slice %arg4[%mul3A_681] : memref<25165824xf32, #tpu.memory_space<hbm>> -> memref<12288xf32, #tpu.memory_space<hbm>>
    %dma_start3A_683 = tpu.memref_slice %arg4[%mul3A_681] : memref<25165824xf32, #tpu.memory_space<hbm>> -> memref<12288xf32, #tpu.memory_space<hbm>>
    tpu.enqueue_dma source(%arg11 : memref<12288xf32, #tpu.memory_space<vmem>>) target(%dma_start3A_683 : memref<12288xf32, #tpu.memory_space<hbm>>) target_semaphore(%arg18 : memref<!tpu.dma_semaphore, #tpu.memory_space<semaphore_mem>>)
    %add3A_684 = arith.constant 8192 : i32
    %add3A_685 = arith.addi %add3A_684, %add3A_677 : i32
    %mul3A_686 = arith.constant 768 : i32
    %mul3A_687 = arith.muli %add3A_685, %mul3A_686 : i32
    %dma_start3A_688 = tpu.memref_slice %arg4[%mul3A_687] : memref<25165824xf32, #tpu.memory_space<hbm>> -> memref<12288xf32, #tpu.memory_space<hbm>>
    %dma_start3A_689 = tpu.memref_slice %arg4[%mul3A_687] : memref<25165824xf32, #tpu.memory_space<hbm>> -> memref<12288xf32, #tpu.memory_space<hbm>>
    tpu.enqueue_dma source(%arg12 : memref<12288xf32, #tpu.memory_space<vmem>>) target(%dma_start3A_689 : memref<12288xf32, #tpu.memory_space<hbm>>) target_semaphore(%arg18 : memref<!tpu.dma_semaphore, #tpu.memory_space<semaphore_mem>>)
    %add3A_690 = arith.constant 16384 : i32
    %add3A_691 = arith.addi %add3A_690, %add3A_677 : i32
    %mul3A_692 = arith.constant 768 : i32
    %mul3A_693 = arith.muli %add3A_691, %mul3A_692 : i32
    %dma_start3A_694 = tpu.memref_slice %arg4[%mul3A_693] : memref<25165824xf32, #tpu.memory_space<hbm>> -> memref<12288xf32, #tpu.memory_space<hbm>>
    %dma_start3A_695 = tpu.memref_slice %arg4[%mul3A_693] : memref<25165824xf32, #tpu.memory_space<hbm>> -> memref<12288xf32, #tpu.memory_space<hbm>>
    tpu.enqueue_dma source(%arg13 : memref<12288xf32, #tpu.memory_space<vmem>>) target(%dma_start3A_695 : memref<12288xf32, #tpu.memory_space<hbm>>) target_semaphore(%arg18 : memref<!tpu.dma_semaphore, #tpu.memory_space<semaphore_mem>>)
    %add3A_696 = arith.constant 24576 : i32
    %add3A_697 = arith.addi %add3A_696, %add3A_677 : i32
    %mul3A_698 = arith.constant 768 : i32
    %mul3A_699 = arith.muli %add3A_697, %mul3A_698 : i32
    %dma_start3A_700 = tpu.memref_slice %arg4[%mul3A_699] : memref<25165824xf32, #tpu.memory_space<hbm>> -> memref<12288xf32, #tpu.memory_space<hbm>>
    %dma_start3A_701 = tpu.memref_slice %arg4[%mul3A_699] : memref<25165824xf32, #tpu.memory_space<hbm>> -> memref<12288xf32, #tpu.memory_space<hbm>>
    tpu.enqueue_dma source(%arg14 : memref<12288xf32, #tpu.memory_space<vmem>>) target(%dma_start3A_701 : memref<12288xf32, #tpu.memory_space<hbm>>) target_semaphore(%arg18 : memref<!tpu.dma_semaphore, #tpu.memory_space<semaphore_mem>>)
    %dma_wait3A_702 = tpu.memref_slice %arg4[%mul3A_681] : memref<25165824xf32, #tpu.memory_space<hbm>> -> memref<12288xf32, #tpu.memory_space<hbm>>
    %dma_wait3A_703 = tpu.memref_slice %arg4[%mul3A_681] : memref<25165824xf32, #tpu.memory_space<hbm>> -> memref<12288xf32, #tpu.memory_space<hbm>>
    tpu.wait_dma2 semaphore(%arg18 : memref<!tpu.dma_semaphore, #tpu.memory_space<semaphore_mem>>) src(%arg11 : memref<12288xf32, #tpu.memory_space<vmem>>) dst(%dma_wait3A_703 : memref<12288xf32, #tpu.memory_space<hbm>>)
    %dma_wait3A_704 = tpu.memref_slice %arg4[%mul3A_687] : memref<25165824xf32, #tpu.memory_space<hbm>> -> memref<12288xf32, #tpu.memory_space<hbm>>
    %dma_wait3A_705 = tpu.memref_slice %arg4[%mul3A_687] : memref<25165824xf32, #tpu.memory_space<hbm>> -> memref<12288xf32, #tpu.memory_space<hbm>>
    tpu.wait_dma2 semaphore(%arg18 : memref<!tpu.dma_semaphore, #tpu.memory_space<semaphore_mem>>) src(%arg12 : memref<12288xf32, #tpu.memory_space<vmem>>) dst(%dma_wait3A_705 : memref<12288xf32, #tpu.memory_space<hbm>>)
    %dma_wait3A_706 = tpu.memref_slice %arg4[%mul3A_693] : memref<25165824xf32, #tpu.memory_space<hbm>> -> memref<12288xf32, #tpu.memory_space<hbm>>
    %dma_wait3A_707 = tpu.memref_slice %arg4[%mul3A_693] : memref<25165824xf32, #tpu.memory_space<hbm>> -> memref<12288xf32, #tpu.memory_space<hbm>>
    tpu.wait_dma2 semaphore(%arg18 : memref<!tpu.dma_semaphore, #tpu.memory_space<semaphore_mem>>) src(%arg13 : memref<12288xf32, #tpu.memory_space<vmem>>) dst(%dma_wait3A_707 : memref<12288xf32, #tpu.memory_space<hbm>>)
    %dma_wait3A_708 = tpu.memref_slice %arg4[%mul3A_699] : memref<25165824xf32, #tpu.memory_space<hbm>> -> memref<12288xf32, #tpu.memory_space<hbm>>
    %dma_wait3A_709 = tpu.memref_slice %arg4[%mul3A_699] : memref<25165824xf32, #tpu.memory_space<hbm>> -> memref<12288xf32, #tpu.memory_space<hbm>>
    tpu.wait_dma2 semaphore(%arg18 : memref<!tpu.dma_semaphore, #tpu.memory_space<semaphore_mem>>) src(%arg14 : memref<12288xf32, #tpu.memory_space<vmem>>) dst(%dma_wait3A_709 : memref<12288xf32, #tpu.memory_space<hbm>>)
    %add3A_710 = arith.constant 144 : i32
    %add3A_711 = arith.addi %mul3A_2, %add3A_710 : i32
    %mul3A_712 = arith.constant 768 : i32
    %mul3A_713 = arith.muli %add3A_711, %mul3A_712 : i32
    %dma_start3A_714 = tpu.memref_slice %arg3[%mul3A_713] : memref<6291456xf32, #tpu.memory_space<hbm>> -> memref<12288xf32, #tpu.memory_space<hbm>>
    %dma_start3A_715 = tpu.memref_slice %arg3[%mul3A_713] : memref<6291456xf32, #tpu.memory_space<hbm>> -> memref<12288xf32, #tpu.memory_space<hbm>>
    tpu.enqueue_dma source(%dma_start3A_715 : memref<12288xf32, #tpu.memory_space<hbm>>) target(%arg10 : memref<12288xf32, #tpu.memory_space<vmem>>) target_semaphore(%arg16 : memref<!tpu.dma_semaphore, #tpu.memory_space<semaphore_mem>>)
    %add3A_716 = arith.constant 0 : i32
    %add3A_717 = arith.addi %add3A_716, %add3A_711 : i32
    %mul3A_718 = arith.constant 768 : i32
    %mul3A_719 = arith.muli %add3A_717, %mul3A_718 : i32
    %dma_start3A_720 = tpu.memref_slice %arg2[%mul3A_719] : memref<25165824xf32, #tpu.memory_space<hbm>> -> memref<12288xf32, #tpu.memory_space<hbm>>
    %dma_start3A_721 = tpu.memref_slice %arg2[%mul3A_719] : memref<25165824xf32, #tpu.memory_space<hbm>> -> memref<12288xf32, #tpu.memory_space<hbm>>
    tpu.enqueue_dma source(%dma_start3A_721 : memref<12288xf32, #tpu.memory_space<hbm>>) target(%arg11 : memref<12288xf32, #tpu.memory_space<vmem>>) target_semaphore(%arg16 : memref<!tpu.dma_semaphore, #tpu.memory_space<semaphore_mem>>)
    %add3A_722 = arith.constant 8192 : i32
    %add3A_723 = arith.addi %add3A_722, %add3A_711 : i32
    %mul3A_724 = arith.constant 768 : i32
    %mul3A_725 = arith.muli %add3A_723, %mul3A_724 : i32
    %dma_start3A_726 = tpu.memref_slice %arg2[%mul3A_725] : memref<25165824xf32, #tpu.memory_space<hbm>> -> memref<12288xf32, #tpu.memory_space<hbm>>
    %dma_start3A_727 = tpu.memref_slice %arg2[%mul3A_725] : memref<25165824xf32, #tpu.memory_space<hbm>> -> memref<12288xf32, #tpu.memory_space<hbm>>
    tpu.enqueue_dma source(%dma_start3A_727 : memref<12288xf32, #tpu.memory_space<hbm>>) target(%arg12 : memref<12288xf32, #tpu.memory_space<vmem>>) target_semaphore(%arg16 : memref<!tpu.dma_semaphore, #tpu.memory_space<semaphore_mem>>)
    %add3A_728 = arith.constant 16384 : i32
    %add3A_729 = arith.addi %add3A_728, %add3A_711 : i32
    %mul3A_730 = arith.constant 768 : i32
    %mul3A_731 = arith.muli %add3A_729, %mul3A_730 : i32
    %dma_start3A_732 = tpu.memref_slice %arg2[%mul3A_731] : memref<25165824xf32, #tpu.memory_space<hbm>> -> memref<12288xf32, #tpu.memory_space<hbm>>
    %dma_start3A_733 = tpu.memref_slice %arg2[%mul3A_731] : memref<25165824xf32, #tpu.memory_space<hbm>> -> memref<12288xf32, #tpu.memory_space<hbm>>
    tpu.enqueue_dma source(%dma_start3A_733 : memref<12288xf32, #tpu.memory_space<hbm>>) target(%arg13 : memref<12288xf32, #tpu.memory_space<vmem>>) target_semaphore(%arg16 : memref<!tpu.dma_semaphore, #tpu.memory_space<semaphore_mem>>)
    %add3A_734 = arith.constant 24576 : i32
    %add3A_735 = arith.addi %add3A_734, %add3A_711 : i32
    %mul3A_736 = arith.constant 768 : i32
    %mul3A_737 = arith.muli %add3A_735, %mul3A_736 : i32
    %dma_start3A_738 = tpu.memref_slice %arg2[%mul3A_737] : memref<25165824xf32, #tpu.memory_space<hbm>> -> memref<12288xf32, #tpu.memory_space<hbm>>
    %dma_start3A_739 = tpu.memref_slice %arg2[%mul3A_737] : memref<25165824xf32, #tpu.memory_space<hbm>> -> memref<12288xf32, #tpu.memory_space<hbm>>
    tpu.enqueue_dma source(%dma_start3A_739 : memref<12288xf32, #tpu.memory_space<hbm>>) target(%arg14 : memref<12288xf32, #tpu.memory_space<vmem>>) target_semaphore(%arg16 : memref<!tpu.dma_semaphore, #tpu.memory_space<semaphore_mem>>)
    %dma_wait3A_740 = arith.constant 0 : i32
    %dma_wait3A_741 = tpu.memref_slice %arg3[%dma_wait3A_740] : memref<6291456xf32, #tpu.memory_space<hbm>> -> memref<12288xf32, #tpu.memory_space<hbm>>
    %dma_wait3A_742 = arith.constant 0 : i32
    %dma_wait3A_743 = tpu.memref_slice %arg3[%dma_wait3A_742] : memref<6291456xf32, #tpu.memory_space<hbm>> -> memref<12288xf32, #tpu.memory_space<hbm>>
    tpu.wait_dma2 semaphore(%arg15 : memref<!tpu.dma_semaphore, #tpu.memory_space<semaphore_mem>>) src(%dma_wait3A_743 : memref<12288xf32, #tpu.memory_space<hbm>>) dst(%arg5 : memref<12288xf32, #tpu.memory_space<vmem>>)
    %dma_wait3A_744 = arith.constant 0 : i32
    %dma_wait3A_745 = tpu.memref_slice %arg3[%dma_wait3A_744] : memref<6291456xf32, #tpu.memory_space<hbm>> -> memref<12288xf32, #tpu.memory_space<hbm>>
    %dma_wait3A_746 = arith.constant 0 : i32
    %dma_wait3A_747 = tpu.memref_slice %arg3[%dma_wait3A_746] : memref<6291456xf32, #tpu.memory_space<hbm>> -> memref<12288xf32, #tpu.memory_space<hbm>>
    tpu.wait_dma2 semaphore(%arg15 : memref<!tpu.dma_semaphore, #tpu.memory_space<semaphore_mem>>) src(%dma_wait3A_747 : memref<12288xf32, #tpu.memory_space<hbm>>) dst(%arg5 : memref<12288xf32, #tpu.memory_space<vmem>>)
    %dma_wait3A_748 = arith.constant 0 : i32
    %dma_wait3A_749 = tpu.memref_slice %arg3[%dma_wait3A_748] : memref<6291456xf32, #tpu.memory_space<hbm>> -> memref<12288xf32, #tpu.memory_space<hbm>>
    %dma_wait3A_750 = arith.constant 0 : i32
    %dma_wait3A_751 = tpu.memref_slice %arg3[%dma_wait3A_750] : memref<6291456xf32, #tpu.memory_space<hbm>> -> memref<12288xf32, #tpu.memory_space<hbm>>
    tpu.wait_dma2 semaphore(%arg15 : memref<!tpu.dma_semaphore, #tpu.memory_space<semaphore_mem>>) src(%dma_wait3A_751 : memref<12288xf32, #tpu.memory_space<hbm>>) dst(%arg5 : memref<12288xf32, #tpu.memory_space<vmem>>)
    %dma_wait3A_752 = arith.constant 0 : i32
    %dma_wait3A_753 = tpu.memref_slice %arg3[%dma_wait3A_752] : memref<6291456xf32, #tpu.memory_space<hbm>> -> memref<12288xf32, #tpu.memory_space<hbm>>
    %dma_wait3A_754 = arith.constant 0 : i32
    %dma_wait3A_755 = tpu.memref_slice %arg3[%dma_wait3A_754] : memref<6291456xf32, #tpu.memory_space<hbm>> -> memref<12288xf32, #tpu.memory_space<hbm>>
    tpu.wait_dma2 semaphore(%arg15 : memref<!tpu.dma_semaphore, #tpu.memory_space<semaphore_mem>>) src(%dma_wait3A_755 : memref<12288xf32, #tpu.memory_space<hbm>>) dst(%arg5 : memref<12288xf32, #tpu.memory_space<vmem>>)
    %dma_wait3A_756 = tpu.memref_slice %arg2[%mul3A_652] : memref<25165824xf32, #tpu.memory_space<hbm>> -> memref<12288xf32, #tpu.memory_space<hbm>>
    %dma_wait3A_757 = tpu.memref_slice %arg2[%mul3A_652] : memref<25165824xf32, #tpu.memory_space<hbm>> -> memref<12288xf32, #tpu.memory_space<hbm>>
    tpu.wait_dma2 semaphore(%arg15 : memref<!tpu.dma_semaphore, #tpu.memory_space<semaphore_mem>>) src(%dma_wait3A_757 : memref<12288xf32, #tpu.memory_space<hbm>>) dst(%arg9 : memref<12288xf32, #tpu.memory_space<vmem>>)
    %parallel_loop3A_758 = arith.constant 0 : i32
    %parallel_loop3A_759 = arith.constant 12288 : i32
    %parallel_loop3A_760 = arith.constant 16 : i32
    scf.for %parallel_loop3A_1360 = %parallel_loop3A_758 to %parallel_loop3A_759 step %parallel_loop3A_760  : i32 {
      %parallel_loop3A_1361 = arith.index_cast %parallel_loop3A_1360 : i32 to index
      %parallel_loop3A_1362 = tpu.vector_load %arg5[%parallel_loop3A_1361] {strides = array<i32>} : memref<12288xf32, #tpu.memory_space<vmem>>, vector<16xf32>,
      %parallel_loop3A_1363 = vector.shape_cast %parallel_loop3A_1362 : vector<16xf32> to vector<16xf32>
      %parallel_loop3A_1364 = arith.index_cast %parallel_loop3A_1360 : i32 to index
      %parallel_loop3A_1365 = tpu.vector_load %arg6[%parallel_loop3A_1364] {strides = array<i32>} : memref<12288xf32, #tpu.memory_space<vmem>>, vector<16xf32>,
      %parallel_loop3A_1366 = vector.shape_cast %parallel_loop3A_1365 : vector<16xf32> to vector<16xf32>
      %parallel_loop3A_1367 = arith.addf %parallel_loop3A_1366, %parallel_loop3A_1363 : vector<16xf32>
      %parallel_loop3A_1368 = arith.index_cast %parallel_loop3A_1360 : i32 to index
      %parallel_loop3A_1369 = tpu.vector_load %arg6[%parallel_loop3A_1368] {strides = array<i32>} : memref<12288xf32, #tpu.memory_space<vmem>>, vector<16xf32>,
      %parallel_loop3A_1370 = vector.shape_cast %parallel_loop3A_1369 : vector<16xf32> to vector<16xf32>
      %parallel_loop3A_1371 = vector.shape_cast %parallel_loop3A_1367 : vector<16xf32> to vector<16xf32>
      tpu.vector_store %arg6[%parallel_loop3A_1368], %parallel_loop3A_1371 {strides = array<i32>} : memref<12288xf32, #tpu.memory_space<vmem>>, vector<16xf32>,
      %parallel_loop3A_1372 = arith.index_cast %parallel_loop3A_1360 : i32 to index
      %parallel_loop3A_1373 = tpu.vector_load %arg7[%parallel_loop3A_1372] {strides = array<i32>} : memref<12288xf32, #tpu.memory_space<vmem>>, vector<16xf32>,
      %parallel_loop3A_1374 = vector.shape_cast %parallel_loop3A_1373 : vector<16xf32> to vector<16xf32>
      %parallel_loop3A_1375 = arith.addf %parallel_loop3A_1374, %parallel_loop3A_1363 : vector<16xf32>
      %parallel_loop3A_1376 = arith.index_cast %parallel_loop3A_1360 : i32 to index
      %parallel_loop3A_1377 = tpu.vector_load %arg7[%parallel_loop3A_1376] {strides = array<i32>} : memref<12288xf32, #tpu.memory_space<vmem>>, vector<16xf32>,
      %parallel_loop3A_1378 = vector.shape_cast %parallel_loop3A_1377 : vector<16xf32> to vector<16xf32>
      %parallel_loop3A_1379 = vector.shape_cast %parallel_loop3A_1375 : vector<16xf32> to vector<16xf32>
      tpu.vector_store %arg7[%parallel_loop3A_1376], %parallel_loop3A_1379 {strides = array<i32>} : memref<12288xf32, #tpu.memory_space<vmem>>, vector<16xf32>,
      %parallel_loop3A_1380 = arith.index_cast %parallel_loop3A_1360 : i32 to index
      %parallel_loop3A_1381 = tpu.vector_load %arg8[%parallel_loop3A_1380] {strides = array<i32>} : memref<12288xf32, #tpu.memory_space<vmem>>, vector<16xf32>,
      %parallel_loop3A_1382 = vector.shape_cast %parallel_loop3A_1381 : vector<16xf32> to vector<16xf32>
      %parallel_loop3A_1383 = arith.addf %parallel_loop3A_1382, %parallel_loop3A_1363 : vector<16xf32>
      %parallel_loop3A_1384 = arith.index_cast %parallel_loop3A_1360 : i32 to index
      %parallel_loop3A_1385 = tpu.vector_load %arg8[%parallel_loop3A_1384] {strides = array<i32>} : memref<12288xf32, #tpu.memory_space<vmem>>, vector<16xf32>,
      %parallel_loop3A_1386 = vector.shape_cast %parallel_loop3A_1385 : vector<16xf32> to vector<16xf32>
      %parallel_loop3A_1387 = vector.shape_cast %parallel_loop3A_1383 : vector<16xf32> to vector<16xf32>
      tpu.vector_store %arg8[%parallel_loop3A_1384], %parallel_loop3A_1387 {strides = array<i32>} : memref<12288xf32, #tpu.memory_space<vmem>>, vector<16xf32>,
      %parallel_loop3A_1388 = arith.index_cast %parallel_loop3A_1360 : i32 to index
      %parallel_loop3A_1389 = tpu.vector_load %arg9[%parallel_loop3A_1388] {strides = array<i32>} : memref<12288xf32, #tpu.memory_space<vmem>>, vector<16xf32>,
      %parallel_loop3A_1390 = vector.shape_cast %parallel_loop3A_1389 : vector<16xf32> to vector<16xf32>
      %parallel_loop3A_1391 = arith.addf %parallel_loop3A_1390, %parallel_loop3A_1363 : vector<16xf32>
      %parallel_loop3A_1392 = arith.index_cast %parallel_loop3A_1360 : i32 to index
      %parallel_loop3A_1393 = tpu.vector_load %arg9[%parallel_loop3A_1392] {strides = array<i32>} : memref<12288xf32, #tpu.memory_space<vmem>>, vector<16xf32>,
      %parallel_loop3A_1394 = vector.shape_cast %parallel_loop3A_1393 : vector<16xf32> to vector<16xf32>
      %parallel_loop3A_1395 = vector.shape_cast %parallel_loop3A_1391 : vector<16xf32> to vector<16xf32>
      tpu.vector_store %arg9[%parallel_loop3A_1392], %parallel_loop3A_1395 {strides = array<i32>} : memref<12288xf32, #tpu.memory_space<vmem>>, vector<16xf32>,
    } {sc.loop_unroll_factor = 4 : i64, sc.parallel_access}
    %add3A_761 = arith.constant 128 : i32
    %add3A_762 = arith.addi %mul3A_2, %add3A_761 : i32
    %add3A_763 = arith.constant 0 : i32
    %add3A_764 = arith.addi %add3A_763, %add3A_762 : i32
    %mul3A_765 = arith.constant 768 : i32
    %mul3A_766 = arith.muli %add3A_764, %mul3A_765 : i32
    %dma_start3A_767 = tpu.memref_slice %arg4[%mul3A_766] : memref<25165824xf32, #tpu.memory_space<hbm>> -> memref<12288xf32, #tpu.memory_space<hbm>>
    %dma_start3A_768 = tpu.memref_slice %arg4[%mul3A_766] : memref<25165824xf32, #tpu.memory_space<hbm>> -> memref<12288xf32, #tpu.memory_space<hbm>>
    tpu.enqueue_dma source(%arg6 : memref<12288xf32, #tpu.memory_space<vmem>>) target(%dma_start3A_768 : memref<12288xf32, #tpu.memory_space<hbm>>) target_semaphore(%arg17 : memref<!tpu.dma_semaphore, #tpu.memory_space<semaphore_mem>>)
    %add3A_769 = arith.constant 8192 : i32
    %add3A_770 = arith.addi %add3A_769, %add3A_762 : i32
    %mul3A_771 = arith.constant 768 : i32
    %mul3A_772 = arith.muli %add3A_770, %mul3A_771 : i32
    %dma_start3A_773 = tpu.memref_slice %arg4[%mul3A_772] : memref<25165824xf32, #tpu.memory_space<hbm>> -> memref<12288xf32, #tpu.memory_space<hbm>>
    %dma_start3A_774 = tpu.memref_slice %arg4[%mul3A_772] : memref<25165824xf32, #tpu.memory_space<hbm>> -> memref<12288xf32, #tpu.memory_space<hbm>>
    tpu.enqueue_dma source(%arg7 : memref<12288xf32, #tpu.memory_space<vmem>>) target(%dma_start3A_774 : memref<12288xf32, #tpu.memory_space<hbm>>) target_semaphore(%arg17 : memref<!tpu.dma_semaphore, #tpu.memory_space<semaphore_mem>>)
    %add3A_775 = arith.constant 16384 : i32
    %add3A_776 = arith.addi %add3A_775, %add3A_762 : i32
    %mul3A_777 = arith.constant 768 : i32
    %mul3A_778 = arith.muli %add3A_776, %mul3A_777 : i32
    %dma_start3A_779 = tpu.memref_slice %arg4[%mul3A_778] : memref<25165824xf32, #tpu.memory_space<hbm>> -> memref<12288xf32, #tpu.memory_space<hbm>>
    %dma_start3A_780 = tpu.memref_slice %arg4[%mul3A_778] : memref<25165824xf32, #tpu.memory_space<hbm>> -> memref<12288xf32, #tpu.memory_space<hbm>>
    tpu.enqueue_dma source(%arg8 : memref<12288xf32, #tpu.memory_space<vmem>>) target(%dma_start3A_780 : memref<12288xf32, #tpu.memory_space<hbm>>) target_semaphore(%arg17 : memref<!tpu.dma_semaphore, #tpu.memory_space<semaphore_mem>>)
    %add3A_781 = arith.constant 24576 : i32
    %add3A_782 = arith.addi %add3A_781, %add3A_762 : i32
    %mul3A_783 = arith.constant 768 : i32
    %mul3A_784 = arith.muli %add3A_782, %mul3A_783 : i32
    %dma_start3A_785 = tpu.memref_slice %arg4[%mul3A_784] : memref<25165824xf32, #tpu.memory_space<hbm>> -> memref<12288xf32, #tpu.memory_space<hbm>>
    %dma_start3A_786 = tpu.memref_slice %arg4[%mul3A_784] : memref<25165824xf32, #tpu.memory_space<hbm>> -> memref<12288xf32, #tpu.memory_space<hbm>>
    tpu.enqueue_dma source(%arg9 : memref<12288xf32, #tpu.memory_space<vmem>>) target(%dma_start3A_786 : memref<12288xf32, #tpu.memory_space<hbm>>) target_semaphore(%arg17 : memref<!tpu.dma_semaphore, #tpu.memory_space<semaphore_mem>>)
    %dma_wait3A_787 = tpu.memref_slice %arg4[%mul3A_766] : memref<25165824xf32, #tpu.memory_space<hbm>> -> memref<12288xf32, #tpu.memory_space<hbm>>
    %dma_wait3A_788 = tpu.memref_slice %arg4[%mul3A_766] : memref<25165824xf32, #tpu.memory_space<hbm>> -> memref<12288xf32, #tpu.memory_space<hbm>>
    tpu.wait_dma2 semaphore(%arg17 : memref<!tpu.dma_semaphore, #tpu.memory_space<semaphore_mem>>) src(%arg6 : memref<12288xf32, #tpu.memory_space<vmem>>) dst(%dma_wait3A_788 : memref<12288xf32, #tpu.memory_space<hbm>>)
    %dma_wait3A_789 = tpu.memref_slice %arg4[%mul3A_772] : memref<25165824xf32, #tpu.memory_space<hbm>> -> memref<12288xf32, #tpu.memory_space<hbm>>
    %dma_wait3A_790 = tpu.memref_slice %arg4[%mul3A_772] : memref<25165824xf32, #tpu.memory_space<hbm>> -> memref<12288xf32, #tpu.memory_space<hbm>>
    tpu.wait_dma2 semaphore(%arg17 : memref<!tpu.dma_semaphore, #tpu.memory_space<semaphore_mem>>) src(%arg7 : memref<12288xf32, #tpu.memory_space<vmem>>) dst(%dma_wait3A_790 : memref<12288xf32, #tpu.memory_space<hbm>>)
    %dma_wait3A_791 = tpu.memref_slice %arg4[%mul3A_778] : memref<25165824xf32, #tpu.memory_space<hbm>> -> memref<12288xf32, #tpu.memory_space<hbm>>
    %dma_wait3A_792 = tpu.memref_slice %arg4[%mul3A_778] : memref<25165824xf32, #tpu.memory_space<hbm>> -> memref<12288xf32, #tpu.memory_space<hbm>>
    tpu.wait_dma2 semaphore(%arg17 : memref<!tpu.dma_semaphore, #tpu.memory_space<semaphore_mem>>) src(%arg8 : memref<12288xf32, #tpu.memory_space<vmem>>) dst(%dma_wait3A_792 : memref<12288xf32, #tpu.memory_space<hbm>>)
    %dma_wait3A_793 = tpu.memref_slice %arg4[%mul3A_784] : memref<25165824xf32, #tpu.memory_space<hbm>> -> memref<12288xf32, #tpu.memory_space<hbm>>
    %dma_wait3A_794 = tpu.memref_slice %arg4[%mul3A_784] : memref<25165824xf32, #tpu.memory_space<hbm>> -> memref<12288xf32, #tpu.memory_space<hbm>>
    tpu.wait_dma2 semaphore(%arg17 : memref<!tpu.dma_semaphore, #tpu.memory_space<semaphore_mem>>) src(%arg9 : memref<12288xf32, #tpu.memory_space<vmem>>) dst(%dma_wait3A_794 : memref<12288xf32, #tpu.memory_space<hbm>>)
    %add3A_795 = arith.constant 160 : i32
    %add3A_796 = arith.addi %mul3A_2, %add3A_795 : i32
    %mul3A_797 = arith.constant 768 : i32
    %mul3A_798 = arith.muli %add3A_796, %mul3A_797 : i32
    %dma_start3A_799 = tpu.memref_slice %arg3[%mul3A_798] : memref<6291456xf32, #tpu.memory_space<hbm>> -> memref<12288xf32, #tpu.memory_space<hbm>>
    %dma_start3A_800 = tpu.memref_slice %arg3[%mul3A_798] : memref<6291456xf32, #tpu.memory_space<hbm>> -> memref<12288xf32, #tpu.memory_space<hbm>>
    tpu.enqueue_dma source(%dma_start3A_800 : memref<12288xf32, #tpu.memory_space<hbm>>) target(%arg5 : memref<12288xf32, #tpu.memory_space<vmem>>) target_semaphore(%arg15 : memref<!tpu.dma_semaphore, #tpu.memory_space<semaphore_mem>>)
    %add3A_801 = arith.constant 0 : i32
    %add3A_802 = arith.addi %add3A_801, %add3A_796 : i32
    %mul3A_803 = arith.constant 768 : i32
    %mul3A_804 = arith.muli %add3A_802, %mul3A_803 : i32
    %dma_start3A_805 = tpu.memref_slice %arg2[%mul3A_804] : memref<25165824xf32, #tpu.memory_space<hbm>> -> memref<12288xf32, #tpu.memory_space<hbm>>
    %dma_start3A_806 = tpu.memref_slice %arg2[%mul3A_804] : memref<25165824xf32, #tpu.memory_space<hbm>> -> memref<12288xf32, #tpu.memory_space<hbm>>
    tpu.enqueue_dma source(%dma_start3A_806 : memref<12288xf32, #tpu.memory_space<hbm>>) target(%arg6 : memref<12288xf32, #tpu.memory_space<vmem>>) target_semaphore(%arg15 : memref<!tpu.dma_semaphore, #tpu.memory_space<semaphore_mem>>)
    %add3A_807 = arith.constant 8192 : i32
    %add3A_808 = arith.addi %add3A_807, %add3A_796 : i32
    %mul3A_809 = arith.constant 768 : i32
    %mul3A_810 = arith.muli %add3A_808, %mul3A_809 : i32
    %dma_start3A_811 = tpu.memref_slice %arg2[%mul3A_810] : memref<25165824xf32, #tpu.memory_space<hbm>> -> memref<12288xf32, #tpu.memory_space<hbm>>
    %dma_start3A_812 = tpu.memref_slice %arg2[%mul3A_810] : memref<25165824xf32, #tpu.memory_space<hbm>> -> memref<12288xf32, #tpu.memory_space<hbm>>
    tpu.enqueue_dma source(%dma_start3A_812 : memref<12288xf32, #tpu.memory_space<hbm>>) target(%arg7 : memref<12288xf32, #tpu.memory_space<vmem>>) target_semaphore(%arg15 : memref<!tpu.dma_semaphore, #tpu.memory_space<semaphore_mem>>)
    %add3A_813 = arith.constant 16384 : i32
    %add3A_814 = arith.addi %add3A_813, %add3A_796 : i32
    %mul3A_815 = arith.constant 768 : i32
    %mul3A_816 = arith.muli %add3A_814, %mul3A_815 : i32
    %dma_start3A_817 = tpu.memref_slice %arg2[%mul3A_816] : memref<25165824xf32, #tpu.memory_space<hbm>> -> memref<12288xf32, #tpu.memory_space<hbm>>
    %dma_start3A_818 = tpu.memref_slice %arg2[%mul3A_816] : memref<25165824xf32, #tpu.memory_space<hbm>> -> memref<12288xf32, #tpu.memory_space<hbm>>
    tpu.enqueue_dma source(%dma_start3A_818 : memref<12288xf32, #tpu.memory_space<hbm>>) target(%arg8 : memref<12288xf32, #tpu.memory_space<vmem>>) target_semaphore(%arg15 : memref<!tpu.dma_semaphore, #tpu.memory_space<semaphore_mem>>)
    %add3A_819 = arith.constant 24576 : i32
    %add3A_820 = arith.addi %add3A_819, %add3A_796 : i32
    %mul3A_821 = arith.constant 768 : i32
    %mul3A_822 = arith.muli %add3A_820, %mul3A_821 : i32
    %dma_start3A_823 = tpu.memref_slice %arg2[%mul3A_822] : memref<25165824xf32, #tpu.memory_space<hbm>> -> memref<12288xf32, #tpu.memory_space<hbm>>
    %dma_start3A_824 = tpu.memref_slice %arg2[%mul3A_822] : memref<25165824xf32, #tpu.memory_space<hbm>> -> memref<12288xf32, #tpu.memory_space<hbm>>
    tpu.enqueue_dma source(%dma_start3A_824 : memref<12288xf32, #tpu.memory_space<hbm>>) target(%arg9 : memref<12288xf32, #tpu.memory_space<vmem>>) target_semaphore(%arg15 : memref<!tpu.dma_semaphore, #tpu.memory_space<semaphore_mem>>)
    %dma_wait3A_825 = arith.constant 0 : i32
    %dma_wait3A_826 = tpu.memref_slice %arg3[%dma_wait3A_825] : memref<6291456xf32, #tpu.memory_space<hbm>> -> memref<12288xf32, #tpu.memory_space<hbm>>
    %dma_wait3A_827 = arith.constant 0 : i32
    %dma_wait3A_828 = tpu.memref_slice %arg3[%dma_wait3A_827] : memref<6291456xf32, #tpu.memory_space<hbm>> -> memref<12288xf32, #tpu.memory_space<hbm>>
    tpu.wait_dma2 semaphore(%arg16 : memref<!tpu.dma_semaphore, #tpu.memory_space<semaphore_mem>>) src(%dma_wait3A_828 : memref<12288xf32, #tpu.memory_space<hbm>>) dst(%arg10 : memref<12288xf32, #tpu.memory_space<vmem>>)
    %dma_wait3A_829 = arith.constant 0 : i32
    %dma_wait3A_830 = tpu.memref_slice %arg3[%dma_wait3A_829] : memref<6291456xf32, #tpu.memory_space<hbm>> -> memref<12288xf32, #tpu.memory_space<hbm>>
    %dma_wait3A_831 = arith.constant 0 : i32
    %dma_wait3A_832 = tpu.memref_slice %arg3[%dma_wait3A_831] : memref<6291456xf32, #tpu.memory_space<hbm>> -> memref<12288xf32, #tpu.memory_space<hbm>>
    tpu.wait_dma2 semaphore(%arg16 : memref<!tpu.dma_semaphore, #tpu.memory_space<semaphore_mem>>) src(%dma_wait3A_832 : memref<12288xf32, #tpu.memory_space<hbm>>) dst(%arg10 : memref<12288xf32, #tpu.memory_space<vmem>>)
    %dma_wait3A_833 = arith.constant 0 : i32
    %dma_wait3A_834 = tpu.memref_slice %arg3[%dma_wait3A_833] : memref<6291456xf32, #tpu.memory_space<hbm>> -> memref<12288xf32, #tpu.memory_space<hbm>>
    %dma_wait3A_835 = arith.constant 0 : i32
    %dma_wait3A_836 = tpu.memref_slice %arg3[%dma_wait3A_835] : memref<6291456xf32, #tpu.memory_space<hbm>> -> memref<12288xf32, #tpu.memory_space<hbm>>
    tpu.wait_dma2 semaphore(%arg16 : memref<!tpu.dma_semaphore, #tpu.memory_space<semaphore_mem>>) src(%dma_wait3A_836 : memref<12288xf32, #tpu.memory_space<hbm>>) dst(%arg10 : memref<12288xf32, #tpu.memory_space<vmem>>)
    %dma_wait3A_837 = arith.constant 0 : i32
    %dma_wait3A_838 = tpu.memref_slice %arg3[%dma_wait3A_837] : memref<6291456xf32, #tpu.memory_space<hbm>> -> memref<12288xf32, #tpu.memory_space<hbm>>
    %dma_wait3A_839 = arith.constant 0 : i32
    %dma_wait3A_840 = tpu.memref_slice %arg3[%dma_wait3A_839] : memref<6291456xf32, #tpu.memory_space<hbm>> -> memref<12288xf32, #tpu.memory_space<hbm>>
    tpu.wait_dma2 semaphore(%arg16 : memref<!tpu.dma_semaphore, #tpu.memory_space<semaphore_mem>>) src(%dma_wait3A_840 : memref<12288xf32, #tpu.memory_space<hbm>>) dst(%arg10 : memref<12288xf32, #tpu.memory_space<vmem>>)
    %dma_wait3A_841 = tpu.memref_slice %arg2[%mul3A_737] : memref<25165824xf32, #tpu.memory_space<hbm>> -> memref<12288xf32, #tpu.memory_space<hbm>>
    %dma_wait3A_842 = tpu.memref_slice %arg2[%mul3A_737] : memref<25165824xf32, #tpu.memory_space<hbm>> -> memref<12288xf32, #tpu.memory_space<hbm>>
    tpu.wait_dma2 semaphore(%arg16 : memref<!tpu.dma_semaphore, #tpu.memory_space<semaphore_mem>>) src(%dma_wait3A_842 : memref<12288xf32, #tpu.memory_space<hbm>>) dst(%arg14 : memref<12288xf32, #tpu.memory_space<vmem>>)
    %parallel_loop3A_843 = arith.constant 0 : i32
    %parallel_loop3A_844 = arith.constant 12288 : i32
    %parallel_loop3A_845 = arith.constant 16 : i32
    scf.for %parallel_loop3A_1360 = %parallel_loop3A_843 to %parallel_loop3A_844 step %parallel_loop3A_845  : i32 {
      %parallel_loop3A_1361 = arith.index_cast %parallel_loop3A_1360 : i32 to index
      %parallel_loop3A_1362 = tpu.vector_load %arg10[%parallel_loop3A_1361] {strides = array<i32>} : memref<12288xf32, #tpu.memory_space<vmem>>, vector<16xf32>,
      %parallel_loop3A_1363 = vector.shape_cast %parallel_loop3A_1362 : vector<16xf32> to vector<16xf32>
      %parallel_loop3A_1364 = arith.index_cast %parallel_loop3A_1360 : i32 to index
      %parallel_loop3A_1365 = tpu.vector_load %arg11[%parallel_loop3A_1364] {strides = array<i32>} : memref<12288xf32, #tpu.memory_space<vmem>>, vector<16xf32>,
      %parallel_loop3A_1366 = vector.shape_cast %parallel_loop3A_1365 : vector<16xf32> to vector<16xf32>
      %parallel_loop3A_1367 = arith.addf %parallel_loop3A_1366, %parallel_loop3A_1363 : vector<16xf32>
      %parallel_loop3A_1368 = arith.index_cast %parallel_loop3A_1360 : i32 to index
      %parallel_loop3A_1369 = tpu.vector_load %arg11[%parallel_loop3A_1368] {strides = array<i32>} : memref<12288xf32, #tpu.memory_space<vmem>>, vector<16xf32>,
      %parallel_loop3A_1370 = vector.shape_cast %parallel_loop3A_1369 : vector<16xf32> to vector<16xf32>
      %parallel_loop3A_1371 = vector.shape_cast %parallel_loop3A_1367 : vector<16xf32> to vector<16xf32>
      tpu.vector_store %arg11[%parallel_loop3A_1368], %parallel_loop3A_1371 {strides = array<i32>} : memref<12288xf32, #tpu.memory_space<vmem>>, vector<16xf32>,
      %parallel_loop3A_1372 = arith.index_cast %parallel_loop3A_1360 : i32 to index
      %parallel_loop3A_1373 = tpu.vector_load %arg12[%parallel_loop3A_1372] {strides = array<i32>} : memref<12288xf32, #tpu.memory_space<vmem>>, vector<16xf32>,
      %parallel_loop3A_1374 = vector.shape_cast %parallel_loop3A_1373 : vector<16xf32> to vector<16xf32>
      %parallel_loop3A_1375 = arith.addf %parallel_loop3A_1374, %parallel_loop3A_1363 : vector<16xf32>
      %parallel_loop3A_1376 = arith.index_cast %parallel_loop3A_1360 : i32 to index
      %parallel_loop3A_1377 = tpu.vector_load %arg12[%parallel_loop3A_1376] {strides = array<i32>} : memref<12288xf32, #tpu.memory_space<vmem>>, vector<16xf32>,
      %parallel_loop3A_1378 = vector.shape_cast %parallel_loop3A_1377 : vector<16xf32> to vector<16xf32>
      %parallel_loop3A_1379 = vector.shape_cast %parallel_loop3A_1375 : vector<16xf32> to vector<16xf32>
      tpu.vector_store %arg12[%parallel_loop3A_1376], %parallel_loop3A_1379 {strides = array<i32>} : memref<12288xf32, #tpu.memory_space<vmem>>, vector<16xf32>,
      %parallel_loop3A_1380 = arith.index_cast %parallel_loop3A_1360 : i32 to index
      %parallel_loop3A_1381 = tpu.vector_load %arg13[%parallel_loop3A_1380] {strides = array<i32>} : memref<12288xf32, #tpu.memory_space<vmem>>, vector<16xf32>,
      %parallel_loop3A_1382 = vector.shape_cast %parallel_loop3A_1381 : vector<16xf32> to vector<16xf32>
      %parallel_loop3A_1383 = arith.addf %parallel_loop3A_1382, %parallel_loop3A_1363 : vector<16xf32>
      %parallel_loop3A_1384 = arith.index_cast %parallel_loop3A_1360 : i32 to index
      %parallel_loop3A_1385 = tpu.vector_load %arg13[%parallel_loop3A_1384] {strides = array<i32>} : memref<12288xf32, #tpu.memory_space<vmem>>, vector<16xf32>,
      %parallel_loop3A_1386 = vector.shape_cast %parallel_loop3A_1385 : vector<16xf32> to vector<16xf32>
      %parallel_loop3A_1387 = vector.shape_cast %parallel_loop3A_1383 : vector<16xf32> to vector<16xf32>
      tpu.vector_store %arg13[%parallel_loop3A_1384], %parallel_loop3A_1387 {strides = array<i32>} : memref<12288xf32, #tpu.memory_space<vmem>>, vector<16xf32>,
      %parallel_loop3A_1388 = arith.index_cast %parallel_loop3A_1360 : i32 to index
      %parallel_loop3A_1389 = tpu.vector_load %arg14[%parallel_loop3A_1388] {strides = array<i32>} : memref<12288xf32, #tpu.memory_space<vmem>>, vector<16xf32>,
      %parallel_loop3A_1390 = vector.shape_cast %parallel_loop3A_1389 : vector<16xf32> to vector<16xf32>
      %parallel_loop3A_1391 = arith.addf %parallel_loop3A_1390, %parallel_loop3A_1363 : vector<16xf32>
      %parallel_loop3A_1392 = arith.index_cast %parallel_loop3A_1360 : i32 to index
      %parallel_loop3A_1393 = tpu.vector_load %arg14[%parallel_loop3A_1392] {strides = array<i32>} : memref<12288xf32, #tpu.memory_space<vmem>>, vector<16xf32>,
      %parallel_loop3A_1394 = vector.shape_cast %parallel_loop3A_1393 : vector<16xf32> to vector<16xf32>
      %parallel_loop3A_1395 = vector.shape_cast %parallel_loop3A_1391 : vector<16xf32> to vector<16xf32>
      tpu.vector_store %arg14[%parallel_loop3A_1392], %parallel_loop3A_1395 {strides = array<i32>} : memref<12288xf32, #tpu.memory_space<vmem>>, vector<16xf32>,
    } {sc.loop_unroll_factor = 4 : i64, sc.parallel_access}
    %add3A_846 = arith.constant 144 : i32
    %add3A_847 = arith.addi %mul3A_2, %add3A_846 : i32
    %add3A_848 = arith.constant 0 : i32
    %add3A_849 = arith.addi %add3A_848, %add3A_847 : i32
    %mul3A_850 = arith.constant 768 : i32
    %mul3A_851 = arith.muli %add3A_849, %mul3A_850 : i32
    %dma_start3A_852 = tpu.memref_slice %arg4[%mul3A_851] : memref<25165824xf32, #tpu.memory_space<hbm>> -> memref<12288xf32, #tpu.memory_space<hbm>>
    %dma_start3A_853 = tpu.memref_slice %arg4[%mul3A_851] : memref<25165824xf32, #tpu.memory_space<hbm>> -> memref<12288xf32, #tpu.memory_space<hbm>>
    tpu.enqueue_dma source(%arg11 : memref<12288xf32, #tpu.memory_space<vmem>>) target(%dma_start3A_853 : memref<12288xf32, #tpu.memory_space<hbm>>) target_semaphore(%arg18 : memref<!tpu.dma_semaphore, #tpu.memory_space<semaphore_mem>>)
    %add3A_854 = arith.constant 8192 : i32
    %add3A_855 = arith.addi %add3A_854, %add3A_847 : i32
    %mul3A_856 = arith.constant 768 : i32
    %mul3A_857 = arith.muli %add3A_855, %mul3A_856 : i32
    %dma_start3A_858 = tpu.memref_slice %arg4[%mul3A_857] : memref<25165824xf32, #tpu.memory_space<hbm>> -> memref<12288xf32, #tpu.memory_space<hbm>>
    %dma_start3A_859 = tpu.memref_slice %arg4[%mul3A_857] : memref<25165824xf32, #tpu.memory_space<hbm>> -> memref<12288xf32, #tpu.memory_space<hbm>>
    tpu.enqueue_dma source(%arg12 : memref<12288xf32, #tpu.memory_space<vmem>>) target(%dma_start3A_859 : memref<12288xf32, #tpu.memory_space<hbm>>) target_semaphore(%arg18 : memref<!tpu.dma_semaphore, #tpu.memory_space<semaphore_mem>>)
    %add3A_860 = arith.constant 16384 : i32
    %add3A_861 = arith.addi %add3A_860, %add3A_847 : i32
    %mul3A_862 = arith.constant 768 : i32
    %mul3A_863 = arith.muli %add3A_861, %mul3A_862 : i32
    %dma_start3A_864 = tpu.memref_slice %arg4[%mul3A_863] : memref<25165824xf32, #tpu.memory_space<hbm>> -> memref<12288xf32, #tpu.memory_space<hbm>>
    %dma_start3A_865 = tpu.memref_slice %arg4[%mul3A_863] : memref<25165824xf32, #tpu.memory_space<hbm>> -> memref<12288xf32, #tpu.memory_space<hbm>>
    tpu.enqueue_dma source(%arg13 : memref<12288xf32, #tpu.memory_space<vmem>>) target(%dma_start3A_865 : memref<12288xf32, #tpu.memory_space<hbm>>) target_semaphore(%arg18 : memref<!tpu.dma_semaphore, #tpu.memory_space<semaphore_mem>>)
    %add3A_866 = arith.constant 24576 : i32
    %add3A_867 = arith.addi %add3A_866, %add3A_847 : i32
    %mul3A_868 = arith.constant 768 : i32
    %mul3A_869 = arith.muli %add3A_867, %mul3A_868 : i32
    %dma_start3A_870 = tpu.memref_slice %arg4[%mul3A_869] : memref<25165824xf32, #tpu.memory_space<hbm>> -> memref<12288xf32, #tpu.memory_space<hbm>>
    %dma_start3A_871 = tpu.memref_slice %arg4[%mul3A_869] : memref<25165824xf32, #tpu.memory_space<hbm>> -> memref<12288xf32, #tpu.memory_space<hbm>>
    tpu.enqueue_dma source(%arg14 : memref<12288xf32, #tpu.memory_space<vmem>>) target(%dma_start3A_871 : memref<12288xf32, #tpu.memory_space<hbm>>) target_semaphore(%arg18 : memref<!tpu.dma_semaphore, #tpu.memory_space<semaphore_mem>>)
    %dma_wait3A_872 = tpu.memref_slice %arg4[%mul3A_851] : memref<25165824xf32, #tpu.memory_space<hbm>> -> memref<12288xf32, #tpu.memory_space<hbm>>
    %dma_wait3A_873 = tpu.memref_slice %arg4[%mul3A_851] : memref<25165824xf32, #tpu.memory_space<hbm>> -> memref<12288xf32, #tpu.memory_space<hbm>>
    tpu.wait_dma2 semaphore(%arg18 : memref<!tpu.dma_semaphore, #tpu.memory_space<semaphore_mem>>) src(%arg11 : memref<12288xf32, #tpu.memory_space<vmem>>) dst(%dma_wait3A_873 : memref<12288xf32, #tpu.memory_space<hbm>>)
    %dma_wait3A_874 = tpu.memref_slice %arg4[%mul3A_857] : memref<25165824xf32, #tpu.memory_space<hbm>> -> memref<12288xf32, #tpu.memory_space<hbm>>
    %dma_wait3A_875 = tpu.memref_slice %arg4[%mul3A_857] : memref<25165824xf32, #tpu.memory_space<hbm>> -> memref<12288xf32, #tpu.memory_space<hbm>>
    tpu.wait_dma2 semaphore(%arg18 : memref<!tpu.dma_semaphore, #tpu.memory_space<semaphore_mem>>) src(%arg12 : memref<12288xf32, #tpu.memory_space<vmem>>) dst(%dma_wait3A_875 : memref<12288xf32, #tpu.memory_space<hbm>>)
    %dma_wait3A_876 = tpu.memref_slice %arg4[%mul3A_863] : memref<25165824xf32, #tpu.memory_space<hbm>> -> memref<12288xf32, #tpu.memory_space<hbm>>
    %dma_wait3A_877 = tpu.memref_slice %arg4[%mul3A_863] : memref<25165824xf32, #tpu.memory_space<hbm>> -> memref<12288xf32, #tpu.memory_space<hbm>>
    tpu.wait_dma2 semaphore(%arg18 : memref<!tpu.dma_semaphore, #tpu.memory_space<semaphore_mem>>) src(%arg13 : memref<12288xf32, #tpu.memory_space<vmem>>) dst(%dma_wait3A_877 : memref<12288xf32, #tpu.memory_space<hbm>>)
    %dma_wait3A_878 = tpu.memref_slice %arg4[%mul3A_869] : memref<25165824xf32, #tpu.memory_space<hbm>> -> memref<12288xf32, #tpu.memory_space<hbm>>
    %dma_wait3A_879 = tpu.memref_slice %arg4[%mul3A_869] : memref<25165824xf32, #tpu.memory_space<hbm>> -> memref<12288xf32, #tpu.memory_space<hbm>>
    tpu.wait_dma2 semaphore(%arg18 : memref<!tpu.dma_semaphore, #tpu.memory_space<semaphore_mem>>) src(%arg14 : memref<12288xf32, #tpu.memory_space<vmem>>) dst(%dma_wait3A_879 : memref<12288xf32, #tpu.memory_space<hbm>>)
    %add3A_880 = arith.constant 176 : i32
    %add3A_881 = arith.addi %mul3A_2, %add3A_880 : i32
    %mul3A_882 = arith.constant 768 : i32
    %mul3A_883 = arith.muli %add3A_881, %mul3A_882 : i32
    %dma_start3A_884 = tpu.memref_slice %arg3[%mul3A_883] : memref<6291456xf32, #tpu.memory_space<hbm>> -> memref<12288xf32, #tpu.memory_space<hbm>>
    %dma_start3A_885 = tpu.memref_slice %arg3[%mul3A_883] : memref<6291456xf32, #tpu.memory_space<hbm>> -> memref<12288xf32, #tpu.memory_space<hbm>>
    tpu.enqueue_dma source(%dma_start3A_885 : memref<12288xf32, #tpu.memory_space<hbm>>) target(%arg10 : memref<12288xf32, #tpu.memory_space<vmem>>) target_semaphore(%arg16 : memref<!tpu.dma_semaphore, #tpu.memory_space<semaphore_mem>>)
    %add3A_886 = arith.constant 0 : i32
    %add3A_887 = arith.addi %add3A_886, %add3A_881 : i32
    %mul3A_888 = arith.constant 768 : i32
    %mul3A_889 = arith.muli %add3A_887, %mul3A_888 : i32
    %dma_start3A_890 = tpu.memref_slice %arg2[%mul3A_889] : memref<25165824xf32, #tpu.memory_space<hbm>> -> memref<12288xf32, #tpu.memory_space<hbm>>
    %dma_start3A_891 = tpu.memref_slice %arg2[%mul3A_889] : memref<25165824xf32, #tpu.memory_space<hbm>> -> memref<12288xf32, #tpu.memory_space<hbm>>
    tpu.enqueue_dma source(%dma_start3A_891 : memref<12288xf32, #tpu.memory_space<hbm>>) target(%arg11 : memref<12288xf32, #tpu.memory_space<vmem>>) target_semaphore(%arg16 : memref<!tpu.dma_semaphore, #tpu.memory_space<semaphore_mem>>)
    %add3A_892 = arith.constant 8192 : i32
    %add3A_893 = arith.addi %add3A_892, %add3A_881 : i32
    %mul3A_894 = arith.constant 768 : i32
    %mul3A_895 = arith.muli %add3A_893, %mul3A_894 : i32
    %dma_start3A_896 = tpu.memref_slice %arg2[%mul3A_895] : memref<25165824xf32, #tpu.memory_space<hbm>> -> memref<12288xf32, #tpu.memory_space<hbm>>
    %dma_start3A_897 = tpu.memref_slice %arg2[%mul3A_895] : memref<25165824xf32, #tpu.memory_space<hbm>> -> memref<12288xf32, #tpu.memory_space<hbm>>
    tpu.enqueue_dma source(%dma_start3A_897 : memref<12288xf32, #tpu.memory_space<hbm>>) target(%arg12 : memref<12288xf32, #tpu.memory_space<vmem>>) target_semaphore(%arg16 : memref<!tpu.dma_semaphore, #tpu.memory_space<semaphore_mem>>)
    %add3A_898 = arith.constant 16384 : i32
    %add3A_899 = arith.addi %add3A_898, %add3A_881 : i32
    %mul3A_900 = arith.constant 768 : i32
    %mul3A_901 = arith.muli %add3A_899, %mul3A_900 : i32
    %dma_start3A_902 = tpu.memref_slice %arg2[%mul3A_901] : memref<25165824xf32, #tpu.memory_space<hbm>> -> memref<12288xf32, #tpu.memory_space<hbm>>
    %dma_start3A_903 = tpu.memref_slice %arg2[%mul3A_901] : memref<25165824xf32, #tpu.memory_space<hbm>> -> memref<12288xf32, #tpu.memory_space<hbm>>
    tpu.enqueue_dma source(%dma_start3A_903 : memref<12288xf32, #tpu.memory_space<hbm>>) target(%arg13 : memref<12288xf32, #tpu.memory_space<vmem>>) target_semaphore(%arg16 : memref<!tpu.dma_semaphore, #tpu.memory_space<semaphore_mem>>)
    %add3A_904 = arith.constant 24576 : i32
    %add3A_905 = arith.addi %add3A_904, %add3A_881 : i32
    %mul3A_906 = arith.constant 768 : i32
    %mul3A_907 = arith.muli %add3A_905, %mul3A_906 : i32
    %dma_start3A_908 = tpu.memref_slice %arg2[%mul3A_907] : memref<25165824xf32, #tpu.memory_space<hbm>> -> memref<12288xf32, #tpu.memory_space<hbm>>
    %dma_start3A_909 = tpu.memref_slice %arg2[%mul3A_907] : memref<25165824xf32, #tpu.memory_space<hbm>> -> memref<12288xf32, #tpu.memory_space<hbm>>
    tpu.enqueue_dma source(%dma_start3A_909 : memref<12288xf32, #tpu.memory_space<hbm>>) target(%arg14 : memref<12288xf32, #tpu.memory_space<vmem>>) target_semaphore(%arg16 : memref<!tpu.dma_semaphore, #tpu.memory_space<semaphore_mem>>)
    %dma_wait3A_910 = arith.constant 0 : i32
    %dma_wait3A_911 = tpu.memref_slice %arg3[%dma_wait3A_910] : memref<6291456xf32, #tpu.memory_space<hbm>> -> memref<12288xf32, #tpu.memory_space<hbm>>
    %dma_wait3A_912 = arith.constant 0 : i32
    %dma_wait3A_913 = tpu.memref_slice %arg3[%dma_wait3A_912] : memref<6291456xf32, #tpu.memory_space<hbm>> -> memref<12288xf32, #tpu.memory_space<hbm>>
    tpu.wait_dma2 semaphore(%arg15 : memref<!tpu.dma_semaphore, #tpu.memory_space<semaphore_mem>>) src(%dma_wait3A_913 : memref<12288xf32, #tpu.memory_space<hbm>>) dst(%arg5 : memref<12288xf32, #tpu.memory_space<vmem>>)
    %dma_wait3A_914 = arith.constant 0 : i32
    %dma_wait3A_915 = tpu.memref_slice %arg3[%dma_wait3A_914] : memref<6291456xf32, #tpu.memory_space<hbm>> -> memref<12288xf32, #tpu.memory_space<hbm>>
    %dma_wait3A_916 = arith.constant 0 : i32
    %dma_wait3A_917 = tpu.memref_slice %arg3[%dma_wait3A_916] : memref<6291456xf32, #tpu.memory_space<hbm>> -> memref<12288xf32, #tpu.memory_space<hbm>>
    tpu.wait_dma2 semaphore(%arg15 : memref<!tpu.dma_semaphore, #tpu.memory_space<semaphore_mem>>) src(%dma_wait3A_917 : memref<12288xf32, #tpu.memory_space<hbm>>) dst(%arg5 : memref<12288xf32, #tpu.memory_space<vmem>>)
    %dma_wait3A_918 = arith.constant 0 : i32
    %dma_wait3A_919 = tpu.memref_slice %arg3[%dma_wait3A_918] : memref<6291456xf32, #tpu.memory_space<hbm>> -> memref<12288xf32, #tpu.memory_space<hbm>>
    %dma_wait3A_920 = arith.constant 0 : i32
    %dma_wait3A_921 = tpu.memref_slice %arg3[%dma_wait3A_920] : memref<6291456xf32, #tpu.memory_space<hbm>> -> memref<12288xf32, #tpu.memory_space<hbm>>
    tpu.wait_dma2 semaphore(%arg15 : memref<!tpu.dma_semaphore, #tpu.memory_space<semaphore_mem>>) src(%dma_wait3A_921 : memref<12288xf32, #tpu.memory_space<hbm>>) dst(%arg5 : memref<12288xf32, #tpu.memory_space<vmem>>)
    %dma_wait3A_922 = arith.constant 0 : i32
    %dma_wait3A_923 = tpu.memref_slice %arg3[%dma_wait3A_922] : memref<6291456xf32, #tpu.memory_space<hbm>> -> memref<12288xf32, #tpu.memory_space<hbm>>
    %dma_wait3A_924 = arith.constant 0 : i32
    %dma_wait3A_925 = tpu.memref_slice %arg3[%dma_wait3A_924] : memref<6291456xf32, #tpu.memory_space<hbm>> -> memref<12288xf32, #tpu.memory_space<hbm>>
    tpu.wait_dma2 semaphore(%arg15 : memref<!tpu.dma_semaphore, #tpu.memory_space<semaphore_mem>>) src(%dma_wait3A_925 : memref<12288xf32, #tpu.memory_space<hbm>>) dst(%arg5 : memref<12288xf32, #tpu.memory_space<vmem>>)
    %dma_wait3A_926 = tpu.memref_slice %arg2[%mul3A_822] : memref<25165824xf32, #tpu.memory_space<hbm>> -> memref<12288xf32, #tpu.memory_space<hbm>>
    %dma_wait3A_927 = tpu.memref_slice %arg2[%mul3A_822] : memref<25165824xf32, #tpu.memory_space<hbm>> -> memref<12288xf32, #tpu.memory_space<hbm>>
    tpu.wait_dma2 semaphore(%arg15 : memref<!tpu.dma_semaphore, #tpu.memory_space<semaphore_mem>>) src(%dma_wait3A_927 : memref<12288xf32, #tpu.memory_space<hbm>>) dst(%arg9 : memref<12288xf32, #tpu.memory_space<vmem>>)
    %parallel_loop3A_928 = arith.constant 0 : i32
    %parallel_loop3A_929 = arith.constant 12288 : i32
    %parallel_loop3A_930 = arith.constant 16 : i32
    scf.for %parallel_loop3A_1360 = %parallel_loop3A_928 to %parallel_loop3A_929 step %parallel_loop3A_930  : i32 {
      %parallel_loop3A_1361 = arith.index_cast %parallel_loop3A_1360 : i32 to index
      %parallel_loop3A_1362 = tpu.vector_load %arg5[%parallel_loop3A_1361] {strides = array<i32>} : memref<12288xf32, #tpu.memory_space<vmem>>, vector<16xf32>,
      %parallel_loop3A_1363 = vector.shape_cast %parallel_loop3A_1362 : vector<16xf32> to vector<16xf32>
      %parallel_loop3A_1364 = arith.index_cast %parallel_loop3A_1360 : i32 to index
      %parallel_loop3A_1365 = tpu.vector_load %arg6[%parallel_loop3A_1364] {strides = array<i32>} : memref<12288xf32, #tpu.memory_space<vmem>>, vector<16xf32>,
      %parallel_loop3A_1366 = vector.shape_cast %parallel_loop3A_1365 : vector<16xf32> to vector<16xf32>
      %parallel_loop3A_1367 = arith.addf %parallel_loop3A_1366, %parallel_loop3A_1363 : vector<16xf32>
      %parallel_loop3A_1368 = arith.index_cast %parallel_loop3A_1360 : i32 to index
      %parallel_loop3A_1369 = tpu.vector_load %arg6[%parallel_loop3A_1368] {strides = array<i32>} : memref<12288xf32, #tpu.memory_space<vmem>>, vector<16xf32>,
      %parallel_loop3A_1370 = vector.shape_cast %parallel_loop3A_1369 : vector<16xf32> to vector<16xf32>
      %parallel_loop3A_1371 = vector.shape_cast %parallel_loop3A_1367 : vector<16xf32> to vector<16xf32>
      tpu.vector_store %arg6[%parallel_loop3A_1368], %parallel_loop3A_1371 {strides = array<i32>} : memref<12288xf32, #tpu.memory_space<vmem>>, vector<16xf32>,
      %parallel_loop3A_1372 = arith.index_cast %parallel_loop3A_1360 : i32 to index
      %parallel_loop3A_1373 = tpu.vector_load %arg7[%parallel_loop3A_1372] {strides = array<i32>} : memref<12288xf32, #tpu.memory_space<vmem>>, vector<16xf32>,
      %parallel_loop3A_1374 = vector.shape_cast %parallel_loop3A_1373 : vector<16xf32> to vector<16xf32>
      %parallel_loop3A_1375 = arith.addf %parallel_loop3A_1374, %parallel_loop3A_1363 : vector<16xf32>
      %parallel_loop3A_1376 = arith.index_cast %parallel_loop3A_1360 : i32 to index
      %parallel_loop3A_1377 = tpu.vector_load %arg7[%parallel_loop3A_1376] {strides = array<i32>} : memref<12288xf32, #tpu.memory_space<vmem>>, vector<16xf32>,
      %parallel_loop3A_1378 = vector.shape_cast %parallel_loop3A_1377 : vector<16xf32> to vector<16xf32>
      %parallel_loop3A_1379 = vector.shape_cast %parallel_loop3A_1375 : vector<16xf32> to vector<16xf32>
      tpu.vector_store %arg7[%parallel_loop3A_1376], %parallel_loop3A_1379 {strides = array<i32>} : memref<12288xf32, #tpu.memory_space<vmem>>, vector<16xf32>,
      %parallel_loop3A_1380 = arith.index_cast %parallel_loop3A_1360 : i32 to index
      %parallel_loop3A_1381 = tpu.vector_load %arg8[%parallel_loop3A_1380] {strides = array<i32>} : memref<12288xf32, #tpu.memory_space<vmem>>, vector<16xf32>,
      %parallel_loop3A_1382 = vector.shape_cast %parallel_loop3A_1381 : vector<16xf32> to vector<16xf32>
      %parallel_loop3A_1383 = arith.addf %parallel_loop3A_1382, %parallel_loop3A_1363 : vector<16xf32>
      %parallel_loop3A_1384 = arith.index_cast %parallel_loop3A_1360 : i32 to index
      %parallel_loop3A_1385 = tpu.vector_load %arg8[%parallel_loop3A_1384] {strides = array<i32>} : memref<12288xf32, #tpu.memory_space<vmem>>, vector<16xf32>,
      %parallel_loop3A_1386 = vector.shape_cast %parallel_loop3A_1385 : vector<16xf32> to vector<16xf32>
      %parallel_loop3A_1387 = vector.shape_cast %parallel_loop3A_1383 : vector<16xf32> to vector<16xf32>
      tpu.vector_store %arg8[%parallel_loop3A_1384], %parallel_loop3A_1387 {strides = array<i32>} : memref<12288xf32, #tpu.memory_space<vmem>>, vector<16xf32>,
      %parallel_loop3A_1388 = arith.index_cast %parallel_loop3A_1360 : i32 to index
      %parallel_loop3A_1389 = tpu.vector_load %arg9[%parallel_loop3A_1388] {strides = array<i32>} : memref<12288xf32, #tpu.memory_space<vmem>>, vector<16xf32>,
      %parallel_loop3A_1390 = vector.shape_cast %parallel_loop3A_1389 : vector<16xf32> to vector<16xf32>
      %parallel_loop3A_1391 = arith.addf %parallel_loop3A_1390, %parallel_loop3A_1363 : vector<16xf32>
      %parallel_loop3A_1392 = arith.index_cast %parallel_loop3A_1360 : i32 to index
      %parallel_loop3A_1393 = tpu.vector_load %arg9[%parallel_loop3A_1392] {strides = array<i32>} : memref<12288xf32, #tpu.memory_space<vmem>>, vector<16xf32>,
      %parallel_loop3A_1394 = vector.shape_cast %parallel_loop3A_1393 : vector<16xf32> to vector<16xf32>
      %parallel_loop3A_1395 = vector.shape_cast %parallel_loop3A_1391 : vector<16xf32> to vector<16xf32>
      tpu.vector_store %arg9[%parallel_loop3A_1392], %parallel_loop3A_1395 {strides = array<i32>} : memref<12288xf32, #tpu.memory_space<vmem>>, vector<16xf32>,
    } {sc.loop_unroll_factor = 4 : i64, sc.parallel_access}
    %add3A_931 = arith.constant 160 : i32
    %add3A_932 = arith.addi %mul3A_2, %add3A_931 : i32
    %add3A_933 = arith.constant 0 : i32
    %add3A_934 = arith.addi %add3A_933, %add3A_932 : i32
    %mul3A_935 = arith.constant 768 : i32
    %mul3A_936 = arith.muli %add3A_934, %mul3A_935 : i32
    %dma_start3A_937 = tpu.memref_slice %arg4[%mul3A_936] : memref<25165824xf32, #tpu.memory_space<hbm>> -> memref<12288xf32, #tpu.memory_space<hbm>>
    %dma_start3A_938 = tpu.memref_slice %arg4[%mul3A_936] : memref<25165824xf32, #tpu.memory_space<hbm>> -> memref<12288xf32, #tpu.memory_space<hbm>>
    tpu.enqueue_dma source(%arg6 : memref<12288xf32, #tpu.memory_space<vmem>>) target(%dma_start3A_938 : memref<12288xf32, #tpu.memory_space<hbm>>) target_semaphore(%arg17 : memref<!tpu.dma_semaphore, #tpu.memory_space<semaphore_mem>>)
    %add3A_939 = arith.constant 8192 : i32
    %add3A_940 = arith.addi %add3A_939, %add3A_932 : i32
    %mul3A_941 = arith.constant 768 : i32
    %mul3A_942 = arith.muli %add3A_940, %mul3A_941 : i32
    %dma_start3A_943 = tpu.memref_slice %arg4[%mul3A_942] : memref<25165824xf32, #tpu.memory_space<hbm>> -> memref<12288xf32, #tpu.memory_space<hbm>>
    %dma_start3A_944 = tpu.memref_slice %arg4[%mul3A_942] : memref<25165824xf32, #tpu.memory_space<hbm>> -> memref<12288xf32, #tpu.memory_space<hbm>>
    tpu.enqueue_dma source(%arg7 : memref<12288xf32, #tpu.memory_space<vmem>>) target(%dma_start3A_944 : memref<12288xf32, #tpu.memory_space<hbm>>) target_semaphore(%arg17 : memref<!tpu.dma_semaphore, #tpu.memory_space<semaphore_mem>>)
    %add3A_945 = arith.constant 16384 : i32
    %add3A_946 = arith.addi %add3A_945, %add3A_932 : i32
    %mul3A_947 = arith.constant 768 : i32
    %mul3A_948 = arith.muli %add3A_946, %mul3A_947 : i32
    %dma_start3A_949 = tpu.memref_slice %arg4[%mul3A_948] : memref<25165824xf32, #tpu.memory_space<hbm>> -> memref<12288xf32, #tpu.memory_space<hbm>>
    %dma_start3A_950 = tpu.memref_slice %arg4[%mul3A_948] : memref<25165824xf32, #tpu.memory_space<hbm>> -> memref<12288xf32, #tpu.memory_space<hbm>>
    tpu.enqueue_dma source(%arg8 : memref<12288xf32, #tpu.memory_space<vmem>>) target(%dma_start3A_950 : memref<12288xf32, #tpu.memory_space<hbm>>) target_semaphore(%arg17 : memref<!tpu.dma_semaphore, #tpu.memory_space<semaphore_mem>>)
    %add3A_951 = arith.constant 24576 : i32
    %add3A_952 = arith.addi %add3A_951, %add3A_932 : i32
    %mul3A_953 = arith.constant 768 : i32
    %mul3A_954 = arith.muli %add3A_952, %mul3A_953 : i32
    %dma_start3A_955 = tpu.memref_slice %arg4[%mul3A_954] : memref<25165824xf32, #tpu.memory_space<hbm>> -> memref<12288xf32, #tpu.memory_space<hbm>>
    %dma_start3A_956 = tpu.memref_slice %arg4[%mul3A_954] : memref<25165824xf32, #tpu.memory_space<hbm>> -> memref<12288xf32, #tpu.memory_space<hbm>>
    tpu.enqueue_dma source(%arg9 : memref<12288xf32, #tpu.memory_space<vmem>>) target(%dma_start3A_956 : memref<12288xf32, #tpu.memory_space<hbm>>) target_semaphore(%arg17 : memref<!tpu.dma_semaphore, #tpu.memory_space<semaphore_mem>>)
    %dma_wait3A_957 = tpu.memref_slice %arg4[%mul3A_936] : memref<25165824xf32, #tpu.memory_space<hbm>> -> memref<12288xf32, #tpu.memory_space<hbm>>
    %dma_wait3A_958 = tpu.memref_slice %arg4[%mul3A_936] : memref<25165824xf32, #tpu.memory_space<hbm>> -> memref<12288xf32, #tpu.memory_space<hbm>>
    tpu.wait_dma2 semaphore(%arg17 : memref<!tpu.dma_semaphore, #tpu.memory_space<semaphore_mem>>) src(%arg6 : memref<12288xf32, #tpu.memory_space<vmem>>) dst(%dma_wait3A_958 : memref<12288xf32, #tpu.memory_space<hbm>>)
    %dma_wait3A_959 = tpu.memref_slice %arg4[%mul3A_942] : memref<25165824xf32, #tpu.memory_space<hbm>> -> memref<12288xf32, #tpu.memory_space<hbm>>
    %dma_wait3A_960 = tpu.memref_slice %arg4[%mul3A_942] : memref<25165824xf32, #tpu.memory_space<hbm>> -> memref<12288xf32, #tpu.memory_space<hbm>>
    tpu.wait_dma2 semaphore(%arg17 : memref<!tpu.dma_semaphore, #tpu.memory_space<semaphore_mem>>) src(%arg7 : memref<12288xf32, #tpu.memory_space<vmem>>) dst(%dma_wait3A_960 : memref<12288xf32, #tpu.memory_space<hbm>>)
    %dma_wait3A_961 = tpu.memref_slice %arg4[%mul3A_948] : memref<25165824xf32, #tpu.memory_space<hbm>> -> memref<12288xf32, #tpu.memory_space<hbm>>
    %dma_wait3A_962 = tpu.memref_slice %arg4[%mul3A_948] : memref<25165824xf32, #tpu.memory_space<hbm>> -> memref<12288xf32, #tpu.memory_space<hbm>>
    tpu.wait_dma2 semaphore(%arg17 : memref<!tpu.dma_semaphore, #tpu.memory_space<semaphore_mem>>) src(%arg8 : memref<12288xf32, #tpu.memory_space<vmem>>) dst(%dma_wait3A_962 : memref<12288xf32, #tpu.memory_space<hbm>>)
    %dma_wait3A_963 = tpu.memref_slice %arg4[%mul3A_954] : memref<25165824xf32, #tpu.memory_space<hbm>> -> memref<12288xf32, #tpu.memory_space<hbm>>
    %dma_wait3A_964 = tpu.memref_slice %arg4[%mul3A_954] : memref<25165824xf32, #tpu.memory_space<hbm>> -> memref<12288xf32, #tpu.memory_space<hbm>>
    tpu.wait_dma2 semaphore(%arg17 : memref<!tpu.dma_semaphore, #tpu.memory_space<semaphore_mem>>) src(%arg9 : memref<12288xf32, #tpu.memory_space<vmem>>) dst(%dma_wait3A_964 : memref<12288xf32, #tpu.memory_space<hbm>>)
    %add3A_965 = arith.constant 192 : i32
    %add3A_966 = arith.addi %mul3A_2, %add3A_965 : i32
    %mul3A_967 = arith.constant 768 : i32
    %mul3A_968 = arith.muli %add3A_966, %mul3A_967 : i32
    %dma_start3A_969 = tpu.memref_slice %arg3[%mul3A_968] : memref<6291456xf32, #tpu.memory_space<hbm>> -> memref<12288xf32, #tpu.memory_space<hbm>>
    %dma_start3A_970 = tpu.memref_slice %arg3[%mul3A_968] : memref<6291456xf32, #tpu.memory_space<hbm>> -> memref<12288xf32, #tpu.memory_space<hbm>>
    tpu.enqueue_dma source(%dma_start3A_970 : memref<12288xf32, #tpu.memory_space<hbm>>) target(%arg5 : memref<12288xf32, #tpu.memory_space<vmem>>) target_semaphore(%arg15 : memref<!tpu.dma_semaphore, #tpu.memory_space<semaphore_mem>>)
    %add3A_971 = arith.constant 0 : i32
    %add3A_972 = arith.addi %add3A_971, %add3A_966 : i32
    %mul3A_973 = arith.constant 768 : i32
    %mul3A_974 = arith.muli %add3A_972, %mul3A_973 : i32
    %dma_start3A_975 = tpu.memref_slice %arg2[%mul3A_974] : memref<25165824xf32, #tpu.memory_space<hbm>> -> memref<12288xf32, #tpu.memory_space<hbm>>
    %dma_start3A_976 = tpu.memref_slice %arg2[%mul3A_974] : memref<25165824xf32, #tpu.memory_space<hbm>> -> memref<12288xf32, #tpu.memory_space<hbm>>
    tpu.enqueue_dma source(%dma_start3A_976 : memref<12288xf32, #tpu.memory_space<hbm>>) target(%arg6 : memref<12288xf32, #tpu.memory_space<vmem>>) target_semaphore(%arg15 : memref<!tpu.dma_semaphore, #tpu.memory_space<semaphore_mem>>)
    %add3A_977 = arith.constant 8192 : i32
    %add3A_978 = arith.addi %add3A_977, %add3A_966 : i32
    %mul3A_979 = arith.constant 768 : i32
    %mul3A_980 = arith.muli %add3A_978, %mul3A_979 : i32
    %dma_start3A_981 = tpu.memref_slice %arg2[%mul3A_980] : memref<25165824xf32, #tpu.memory_space<hbm>> -> memref<12288xf32, #tpu.memory_space<hbm>>
    %dma_start3A_982 = tpu.memref_slice %arg2[%mul3A_980] : memref<25165824xf32, #tpu.memory_space<hbm>> -> memref<12288xf32, #tpu.memory_space<hbm>>
    tpu.enqueue_dma source(%dma_start3A_982 : memref<12288xf32, #tpu.memory_space<hbm>>) target(%arg7 : memref<12288xf32, #tpu.memory_space<vmem>>) target_semaphore(%arg15 : memref<!tpu.dma_semaphore, #tpu.memory_space<semaphore_mem>>)
    %add3A_983 = arith.constant 16384 : i32
    %add3A_984 = arith.addi %add3A_983, %add3A_966 : i32
    %mul3A_985 = arith.constant 768 : i32
    %mul3A_986 = arith.muli %add3A_984, %mul3A_985 : i32
    %dma_start3A_987 = tpu.memref_slice %arg2[%mul3A_986] : memref<25165824xf32, #tpu.memory_space<hbm>> -> memref<12288xf32, #tpu.memory_space<hbm>>
    %dma_start3A_988 = tpu.memref_slice %arg2[%mul3A_986] : memref<25165824xf32, #tpu.memory_space<hbm>> -> memref<12288xf32, #tpu.memory_space<hbm>>
    tpu.enqueue_dma source(%dma_start3A_988 : memref<12288xf32, #tpu.memory_space<hbm>>) target(%arg8 : memref<12288xf32, #tpu.memory_space<vmem>>) target_semaphore(%arg15 : memref<!tpu.dma_semaphore, #tpu.memory_space<semaphore_mem>>)
    %add3A_989 = arith.constant 24576 : i32
    %add3A_990 = arith.addi %add3A_989, %add3A_966 : i32
    %mul3A_991 = arith.constant 768 : i32
    %mul3A_992 = arith.muli %add3A_990, %mul3A_991 : i32
    %dma_start3A_993 = tpu.memref_slice %arg2[%mul3A_992] : memref<25165824xf32, #tpu.memory_space<hbm>> -> memref<12288xf32, #tpu.memory_space<hbm>>
    %dma_start3A_994 = tpu.memref_slice %arg2[%mul3A_992] : memref<25165824xf32, #tpu.memory_space<hbm>> -> memref<12288xf32, #tpu.memory_space<hbm>>
    tpu.enqueue_dma source(%dma_start3A_994 : memref<12288xf32, #tpu.memory_space<hbm>>) target(%arg9 : memref<12288xf32, #tpu.memory_space<vmem>>) target_semaphore(%arg15 : memref<!tpu.dma_semaphore, #tpu.memory_space<semaphore_mem>>)
    %dma_wait3A_995 = arith.constant 0 : i32
    %dma_wait3A_996 = tpu.memref_slice %arg3[%dma_wait3A_995] : memref<6291456xf32, #tpu.memory_space<hbm>> -> memref<12288xf32, #tpu.memory_space<hbm>>
    %dma_wait3A_997 = arith.constant 0 : i32
    %dma_wait3A_998 = tpu.memref_slice %arg3[%dma_wait3A_997] : memref<6291456xf32, #tpu.memory_space<hbm>> -> memref<12288xf32, #tpu.memory_space<hbm>>
    tpu.wait_dma2 semaphore(%arg16 : memref<!tpu.dma_semaphore, #tpu.memory_space<semaphore_mem>>) src(%dma_wait3A_998 : memref<12288xf32, #tpu.memory_space<hbm>>) dst(%arg10 : memref<12288xf32, #tpu.memory_space<vmem>>)
    %dma_wait3A_999 = arith.constant 0 : i32
    %dma_wait3A_1000 = tpu.memref_slice %arg3[%dma_wait3A_999] : memref<6291456xf32, #tpu.memory_space<hbm>> -> memref<12288xf32, #tpu.memory_space<hbm>>
    %dma_wait3A_1001 = arith.constant 0 : i32
    %dma_wait3A_1002 = tpu.memref_slice %arg3[%dma_wait3A_1001] : memref<6291456xf32, #tpu.memory_space<hbm>> -> memref<12288xf32, #tpu.memory_space<hbm>>
    tpu.wait_dma2 semaphore(%arg16 : memref<!tpu.dma_semaphore, #tpu.memory_space<semaphore_mem>>) src(%dma_wait3A_1002 : memref<12288xf32, #tpu.memory_space<hbm>>) dst(%arg10 : memref<12288xf32, #tpu.memory_space<vmem>>)
    %dma_wait3A_1003 = arith.constant 0 : i32
    %dma_wait3A_1004 = tpu.memref_slice %arg3[%dma_wait3A_1003] : memref<6291456xf32, #tpu.memory_space<hbm>> -> memref<12288xf32, #tpu.memory_space<hbm>>
    %dma_wait3A_1005 = arith.constant 0 : i32
    %dma_wait3A_1006 = tpu.memref_slice %arg3[%dma_wait3A_1005] : memref<6291456xf32, #tpu.memory_space<hbm>> -> memref<12288xf32, #tpu.memory_space<hbm>>
    tpu.wait_dma2 semaphore(%arg16 : memref<!tpu.dma_semaphore, #tpu.memory_space<semaphore_mem>>) src(%dma_wait3A_1006 : memref<12288xf32, #tpu.memory_space<hbm>>) dst(%arg10 : memref<12288xf32, #tpu.memory_space<vmem>>)
    %dma_wait3A_1007 = arith.constant 0 : i32
    %dma_wait3A_1008 = tpu.memref_slice %arg3[%dma_wait3A_1007] : memref<6291456xf32, #tpu.memory_space<hbm>> -> memref<12288xf32, #tpu.memory_space<hbm>>
    %dma_wait3A_1009 = arith.constant 0 : i32
    %dma_wait3A_1010 = tpu.memref_slice %arg3[%dma_wait3A_1009] : memref<6291456xf32, #tpu.memory_space<hbm>> -> memref<12288xf32, #tpu.memory_space<hbm>>
    tpu.wait_dma2 semaphore(%arg16 : memref<!tpu.dma_semaphore, #tpu.memory_space<semaphore_mem>>) src(%dma_wait3A_1010 : memref<12288xf32, #tpu.memory_space<hbm>>) dst(%arg10 : memref<12288xf32, #tpu.memory_space<vmem>>)
    %dma_wait3A_1011 = tpu.memref_slice %arg2[%mul3A_907] : memref<25165824xf32, #tpu.memory_space<hbm>> -> memref<12288xf32, #tpu.memory_space<hbm>>
    %dma_wait3A_1012 = tpu.memref_slice %arg2[%mul3A_907] : memref<25165824xf32, #tpu.memory_space<hbm>> -> memref<12288xf32, #tpu.memory_space<hbm>>
    tpu.wait_dma2 semaphore(%arg16 : memref<!tpu.dma_semaphore, #tpu.memory_space<semaphore_mem>>) src(%dma_wait3A_1012 : memref<12288xf32, #tpu.memory_space<hbm>>) dst(%arg14 : memref<12288xf32, #tpu.memory_space<vmem>>)
    %parallel_loop3A_1013 = arith.constant 0 : i32
    %parallel_loop3A_1014 = arith.constant 12288 : i32
    %parallel_loop3A_1015 = arith.constant 16 : i32
    scf.for %parallel_loop3A_1360 = %parallel_loop3A_1013 to %parallel_loop3A_1014 step %parallel_loop3A_1015  : i32 {
      %parallel_loop3A_1361 = arith.index_cast %parallel_loop3A_1360 : i32 to index
      %parallel_loop3A_1362 = tpu.vector_load %arg10[%parallel_loop3A_1361] {strides = array<i32>} : memref<12288xf32, #tpu.memory_space<vmem>>, vector<16xf32>,
      %parallel_loop3A_1363 = vector.shape_cast %parallel_loop3A_1362 : vector<16xf32> to vector<16xf32>
      %parallel_loop3A_1364 = arith.index_cast %parallel_loop3A_1360 : i32 to index
      %parallel_loop3A_1365 = tpu.vector_load %arg11[%parallel_loop3A_1364] {strides = array<i32>} : memref<12288xf32, #tpu.memory_space<vmem>>, vector<16xf32>,
      %parallel_loop3A_1366 = vector.shape_cast %parallel_loop3A_1365 : vector<16xf32> to vector<16xf32>
      %parallel_loop3A_1367 = arith.addf %parallel_loop3A_1366, %parallel_loop3A_1363 : vector<16xf32>
      %parallel_loop3A_1368 = arith.index_cast %parallel_loop3A_1360 : i32 to index
      %parallel_loop3A_1369 = tpu.vector_load %arg11[%parallel_loop3A_1368] {strides = array<i32>} : memref<12288xf32, #tpu.memory_space<vmem>>, vector<16xf32>,
      %parallel_loop3A_1370 = vector.shape_cast %parallel_loop3A_1369 : vector<16xf32> to vector<16xf32>
      %parallel_loop3A_1371 = vector.shape_cast %parallel_loop3A_1367 : vector<16xf32> to vector<16xf32>
      tpu.vector_store %arg11[%parallel_loop3A_1368], %parallel_loop3A_1371 {strides = array<i32>} : memref<12288xf32, #tpu.memory_space<vmem>>, vector<16xf32>,
      %parallel_loop3A_1372 = arith.index_cast %parallel_loop3A_1360 : i32 to index
      %parallel_loop3A_1373 = tpu.vector_load %arg12[%parallel_loop3A_1372] {strides = array<i32>} : memref<12288xf32, #tpu.memory_space<vmem>>, vector<16xf32>,
      %parallel_loop3A_1374 = vector.shape_cast %parallel_loop3A_1373 : vector<16xf32> to vector<16xf32>
      %parallel_loop3A_1375 = arith.addf %parallel_loop3A_1374, %parallel_loop3A_1363 : vector<16xf32>
      %parallel_loop3A_1376 = arith.index_cast %parallel_loop3A_1360 : i32 to index
      %parallel_loop3A_1377 = tpu.vector_load %arg12[%parallel_loop3A_1376] {strides = array<i32>} : memref<12288xf32, #tpu.memory_space<vmem>>, vector<16xf32>,
      %parallel_loop3A_1378 = vector.shape_cast %parallel_loop3A_1377 : vector<16xf32> to vector<16xf32>
      %parallel_loop3A_1379 = vector.shape_cast %parallel_loop3A_1375 : vector<16xf32> to vector<16xf32>
      tpu.vector_store %arg12[%parallel_loop3A_1376], %parallel_loop3A_1379 {strides = array<i32>} : memref<12288xf32, #tpu.memory_space<vmem>>, vector<16xf32>,
      %parallel_loop3A_1380 = arith.index_cast %parallel_loop3A_1360 : i32 to index
      %parallel_loop3A_1381 = tpu.vector_load %arg13[%parallel_loop3A_1380] {strides = array<i32>} : memref<12288xf32, #tpu.memory_space<vmem>>, vector<16xf32>,
      %parallel_loop3A_1382 = vector.shape_cast %parallel_loop3A_1381 : vector<16xf32> to vector<16xf32>
      %parallel_loop3A_1383 = arith.addf %parallel_loop3A_1382, %parallel_loop3A_1363 : vector<16xf32>
      %parallel_loop3A_1384 = arith.index_cast %parallel_loop3A_1360 : i32 to index
      %parallel_loop3A_1385 = tpu.vector_load %arg13[%parallel_loop3A_1384] {strides = array<i32>} : memref<12288xf32, #tpu.memory_space<vmem>>, vector<16xf32>,
      %parallel_loop3A_1386 = vector.shape_cast %parallel_loop3A_1385 : vector<16xf32> to vector<16xf32>
      %parallel_loop3A_1387 = vector.shape_cast %parallel_loop3A_1383 : vector<16xf32> to vector<16xf32>
      tpu.vector_store %arg13[%parallel_loop3A_1384], %parallel_loop3A_1387 {strides = array<i32>} : memref<12288xf32, #tpu.memory_space<vmem>>, vector<16xf32>,
      %parallel_loop3A_1388 = arith.index_cast %parallel_loop3A_1360 : i32 to index
      %parallel_loop3A_1389 = tpu.vector_load %arg14[%parallel_loop3A_1388] {strides = array<i32>} : memref<12288xf32, #tpu.memory_space<vmem>>, vector<16xf32>,
      %parallel_loop3A_1390 = vector.shape_cast %parallel_loop3A_1389 : vector<16xf32> to vector<16xf32>
      %parallel_loop3A_1391 = arith.addf %parallel_loop3A_1390, %parallel_loop3A_1363 : vector<16xf32>
      %parallel_loop3A_1392 = arith.index_cast %parallel_loop3A_1360 : i32 to index
      %parallel_loop3A_1393 = tpu.vector_load %arg14[%parallel_loop3A_1392] {strides = array<i32>} : memref<12288xf32, #tpu.memory_space<vmem>>, vector<16xf32>,
      %parallel_loop3A_1394 = vector.shape_cast %parallel_loop3A_1393 : vector<16xf32> to vector<16xf32>
      %parallel_loop3A_1395 = vector.shape_cast %parallel_loop3A_1391 : vector<16xf32> to vector<16xf32>
      tpu.vector_store %arg14[%parallel_loop3A_1392], %parallel_loop3A_1395 {strides = array<i32>} : memref<12288xf32, #tpu.memory_space<vmem>>, vector<16xf32>,
    } {sc.loop_unroll_factor = 4 : i64, sc.parallel_access}
    %add3A_1016 = arith.constant 176 : i32
    %add3A_1017 = arith.addi %mul3A_2, %add3A_1016 : i32
    %add3A_1018 = arith.constant 0 : i32
    %add3A_1019 = arith.addi %add3A_1018, %add3A_1017 : i32
    %mul3A_1020 = arith.constant 768 : i32
    %mul3A_1021 = arith.muli %add3A_1019, %mul3A_1020 : i32
    %dma_start3A_1022 = tpu.memref_slice %arg4[%mul3A_1021] : memref<25165824xf32, #tpu.memory_space<hbm>> -> memref<12288xf32, #tpu.memory_space<hbm>>
    %dma_start3A_1023 = tpu.memref_slice %arg4[%mul3A_1021] : memref<25165824xf32, #tpu.memory_space<hbm>> -> memref<12288xf32, #tpu.memory_space<hbm>>
    tpu.enqueue_dma source(%arg11 : memref<12288xf32, #tpu.memory_space<vmem>>) target(%dma_start3A_1023 : memref<12288xf32, #tpu.memory_space<hbm>>) target_semaphore(%arg18 : memref<!tpu.dma_semaphore, #tpu.memory_space<semaphore_mem>>)
    %add3A_1024 = arith.constant 8192 : i32
    %add3A_1025 = arith.addi %add3A_1024, %add3A_1017 : i32
    %mul3A_1026 = arith.constant 768 : i32
    %mul3A_1027 = arith.muli %add3A_1025, %mul3A_1026 : i32
    %dma_start3A_1028 = tpu.memref_slice %arg4[%mul3A_1027] : memref<25165824xf32, #tpu.memory_space<hbm>> -> memref<12288xf32, #tpu.memory_space<hbm>>
    %dma_start3A_1029 = tpu.memref_slice %arg4[%mul3A_1027] : memref<25165824xf32, #tpu.memory_space<hbm>> -> memref<12288xf32, #tpu.memory_space<hbm>>
    tpu.enqueue_dma source(%arg12 : memref<12288xf32, #tpu.memory_space<vmem>>) target(%dma_start3A_1029 : memref<12288xf32, #tpu.memory_space<hbm>>) target_semaphore(%arg18 : memref<!tpu.dma_semaphore, #tpu.memory_space<semaphore_mem>>)
    %add3A_1030 = arith.constant 16384 : i32
    %add3A_1031 = arith.addi %add3A_1030, %add3A_1017 : i32
    %mul3A_1032 = arith.constant 768 : i32
    %mul3A_1033 = arith.muli %add3A_1031, %mul3A_1032 : i32
    %dma_start3A_1034 = tpu.memref_slice %arg4[%mul3A_1033] : memref<25165824xf32, #tpu.memory_space<hbm>> -> memref<12288xf32, #tpu.memory_space<hbm>>
    %dma_start3A_1035 = tpu.memref_slice %arg4[%mul3A_1033] : memref<25165824xf32, #tpu.memory_space<hbm>> -> memref<12288xf32, #tpu.memory_space<hbm>>
    tpu.enqueue_dma source(%arg13 : memref<12288xf32, #tpu.memory_space<vmem>>) target(%dma_start3A_1035 : memref<12288xf32, #tpu.memory_space<hbm>>) target_semaphore(%arg18 : memref<!tpu.dma_semaphore, #tpu.memory_space<semaphore_mem>>)
    %add3A_1036 = arith.constant 24576 : i32
    %add3A_1037 = arith.addi %add3A_1036, %add3A_1017 : i32
    %mul3A_1038 = arith.constant 768 : i32
    %mul3A_1039 = arith.muli %add3A_1037, %mul3A_1038 : i32
    %dma_start3A_1040 = tpu.memref_slice %arg4[%mul3A_1039] : memref<25165824xf32, #tpu.memory_space<hbm>> -> memref<12288xf32, #tpu.memory_space<hbm>>
    %dma_start3A_1041 = tpu.memref_slice %arg4[%mul3A_1039] : memref<25165824xf32, #tpu.memory_space<hbm>> -> memref<12288xf32, #tpu.memory_space<hbm>>
    tpu.enqueue_dma source(%arg14 : memref<12288xf32, #tpu.memory_space<vmem>>) target(%dma_start3A_1041 : memref<12288xf32, #tpu.memory_space<hbm>>) target_semaphore(%arg18 : memref<!tpu.dma_semaphore, #tpu.memory_space<semaphore_mem>>)
    %dma_wait3A_1042 = tpu.memref_slice %arg4[%mul3A_1021] : memref<25165824xf32, #tpu.memory_space<hbm>> -> memref<12288xf32, #tpu.memory_space<hbm>>
    %dma_wait3A_1043 = tpu.memref_slice %arg4[%mul3A_1021] : memref<25165824xf32, #tpu.memory_space<hbm>> -> memref<12288xf32, #tpu.memory_space<hbm>>
    tpu.wait_dma2 semaphore(%arg18 : memref<!tpu.dma_semaphore, #tpu.memory_space<semaphore_mem>>) src(%arg11 : memref<12288xf32, #tpu.memory_space<vmem>>) dst(%dma_wait3A_1043 : memref<12288xf32, #tpu.memory_space<hbm>>)
    %dma_wait3A_1044 = tpu.memref_slice %arg4[%mul3A_1027] : memref<25165824xf32, #tpu.memory_space<hbm>> -> memref<12288xf32, #tpu.memory_space<hbm>>
    %dma_wait3A_1045 = tpu.memref_slice %arg4[%mul3A_1027] : memref<25165824xf32, #tpu.memory_space<hbm>> -> memref<12288xf32, #tpu.memory_space<hbm>>
    tpu.wait_dma2 semaphore(%arg18 : memref<!tpu.dma_semaphore, #tpu.memory_space<semaphore_mem>>) src(%arg12 : memref<12288xf32, #tpu.memory_space<vmem>>) dst(%dma_wait3A_1045 : memref<12288xf32, #tpu.memory_space<hbm>>)
    %dma_wait3A_1046 = tpu.memref_slice %arg4[%mul3A_1033] : memref<25165824xf32, #tpu.memory_space<hbm>> -> memref<12288xf32, #tpu.memory_space<hbm>>
    %dma_wait3A_1047 = tpu.memref_slice %arg4[%mul3A_1033] : memref<25165824xf32, #tpu.memory_space<hbm>> -> memref<12288xf32, #tpu.memory_space<hbm>>
    tpu.wait_dma2 semaphore(%arg18 : memref<!tpu.dma_semaphore, #tpu.memory_space<semaphore_mem>>) src(%arg13 : memref<12288xf32, #tpu.memory_space<vmem>>) dst(%dma_wait3A_1047 : memref<12288xf32, #tpu.memory_space<hbm>>)
    %dma_wait3A_1048 = tpu.memref_slice %arg4[%mul3A_1039] : memref<25165824xf32, #tpu.memory_space<hbm>> -> memref<12288xf32, #tpu.memory_space<hbm>>
    %dma_wait3A_1049 = tpu.memref_slice %arg4[%mul3A_1039] : memref<25165824xf32, #tpu.memory_space<hbm>> -> memref<12288xf32, #tpu.memory_space<hbm>>
    tpu.wait_dma2 semaphore(%arg18 : memref<!tpu.dma_semaphore, #tpu.memory_space<semaphore_mem>>) src(%arg14 : memref<12288xf32, #tpu.memory_space<vmem>>) dst(%dma_wait3A_1049 : memref<12288xf32, #tpu.memory_space<hbm>>)
    %add3A_1050 = arith.constant 208 : i32
    %add3A_1051 = arith.addi %mul3A_2, %add3A_1050 : i32
    %mul3A_1052 = arith.constant 768 : i32
    %mul3A_1053 = arith.muli %add3A_1051, %mul3A_1052 : i32
    %dma_start3A_1054 = tpu.memref_slice %arg3[%mul3A_1053] : memref<6291456xf32, #tpu.memory_space<hbm>> -> memref<12288xf32, #tpu.memory_space<hbm>>
    %dma_start3A_1055 = tpu.memref_slice %arg3[%mul3A_1053] : memref<6291456xf32, #tpu.memory_space<hbm>> -> memref<12288xf32, #tpu.memory_space<hbm>>
    tpu.enqueue_dma source(%dma_start3A_1055 : memref<12288xf32, #tpu.memory_space<hbm>>) target(%arg10 : memref<12288xf32, #tpu.memory_space<vmem>>) target_semaphore(%arg16 : memref<!tpu.dma_semaphore, #tpu.memory_space<semaphore_mem>>)
    %add3A_1056 = arith.constant 0 : i32
    %add3A_1057 = arith.addi %add3A_1056, %add3A_1051 : i32
    %mul3A_1058 = arith.constant 768 : i32
    %mul3A_1059 = arith.muli %add3A_1057, %mul3A_1058 : i32
    %dma_start3A_1060 = tpu.memref_slice %arg2[%mul3A_1059] : memref<25165824xf32, #tpu.memory_space<hbm>> -> memref<12288xf32, #tpu.memory_space<hbm>>
    %dma_start3A_1061 = tpu.memref_slice %arg2[%mul3A_1059] : memref<25165824xf32, #tpu.memory_space<hbm>> -> memref<12288xf32, #tpu.memory_space<hbm>>
    tpu.enqueue_dma source(%dma_start3A_1061 : memref<12288xf32, #tpu.memory_space<hbm>>) target(%arg11 : memref<12288xf32, #tpu.memory_space<vmem>>) target_semaphore(%arg16 : memref<!tpu.dma_semaphore, #tpu.memory_space<semaphore_mem>>)
    %add3A_1062 = arith.constant 8192 : i32
    %add3A_1063 = arith.addi %add3A_1062, %add3A_1051 : i32
    %mul3A_1064 = arith.constant 768 : i32
    %mul3A_1065 = arith.muli %add3A_1063, %mul3A_1064 : i32
    %dma_start3A_1066 = tpu.memref_slice %arg2[%mul3A_1065] : memref<25165824xf32, #tpu.memory_space<hbm>> -> memref<12288xf32, #tpu.memory_space<hbm>>
    %dma_start3A_1067 = tpu.memref_slice %arg2[%mul3A_1065] : memref<25165824xf32, #tpu.memory_space<hbm>> -> memref<12288xf32, #tpu.memory_space<hbm>>
    tpu.enqueue_dma source(%dma_start3A_1067 : memref<12288xf32, #tpu.memory_space<hbm>>) target(%arg12 : memref<12288xf32, #tpu.memory_space<vmem>>) target_semaphore(%arg16 : memref<!tpu.dma_semaphore, #tpu.memory_space<semaphore_mem>>)
    %add3A_1068 = arith.constant 16384 : i32
    %add3A_1069 = arith.addi %add3A_1068, %add3A_1051 : i32
    %mul3A_1070 = arith.constant 768 : i32
    %mul3A_1071 = arith.muli %add3A_1069, %mul3A_1070 : i32
    %dma_start3A_1072 = tpu.memref_slice %arg2[%mul3A_1071] : memref<25165824xf32, #tpu.memory_space<hbm>> -> memref<12288xf32, #tpu.memory_space<hbm>>
    %dma_start3A_1073 = tpu.memref_slice %arg2[%mul3A_1071] : memref<25165824xf32, #tpu.memory_space<hbm>> -> memref<12288xf32, #tpu.memory_space<hbm>>
    tpu.enqueue_dma source(%dma_start3A_1073 : memref<12288xf32, #tpu.memory_space<hbm>>) target(%arg13 : memref<12288xf32, #tpu.memory_space<vmem>>) target_semaphore(%arg16 : memref<!tpu.dma_semaphore, #tpu.memory_space<semaphore_mem>>)
    %add3A_1074 = arith.constant 24576 : i32
    %add3A_1075 = arith.addi %add3A_1074, %add3A_1051 : i32
    %mul3A_1076 = arith.constant 768 : i32
    %mul3A_1077 = arith.muli %add3A_1075, %mul3A_1076 : i32
    %dma_start3A_1078 = tpu.memref_slice %arg2[%mul3A_1077] : memref<25165824xf32, #tpu.memory_space<hbm>> -> memref<12288xf32, #tpu.memory_space<hbm>>
    %dma_start3A_1079 = tpu.memref_slice %arg2[%mul3A_1077] : memref<25165824xf32, #tpu.memory_space<hbm>> -> memref<12288xf32, #tpu.memory_space<hbm>>
    tpu.enqueue_dma source(%dma_start3A_1079 : memref<12288xf32, #tpu.memory_space<hbm>>) target(%arg14 : memref<12288xf32, #tpu.memory_space<vmem>>) target_semaphore(%arg16 : memref<!tpu.dma_semaphore, #tpu.memory_space<semaphore_mem>>)
    %dma_wait3A_1080 = arith.constant 0 : i32
    %dma_wait3A_1081 = tpu.memref_slice %arg3[%dma_wait3A_1080] : memref<6291456xf32, #tpu.memory_space<hbm>> -> memref<12288xf32, #tpu.memory_space<hbm>>
    %dma_wait3A_1082 = arith.constant 0 : i32
    %dma_wait3A_1083 = tpu.memref_slice %arg3[%dma_wait3A_1082] : memref<6291456xf32, #tpu.memory_space<hbm>> -> memref<12288xf32, #tpu.memory_space<hbm>>
    tpu.wait_dma2 semaphore(%arg15 : memref<!tpu.dma_semaphore, #tpu.memory_space<semaphore_mem>>) src(%dma_wait3A_1083 : memref<12288xf32, #tpu.memory_space<hbm>>) dst(%arg5 : memref<12288xf32, #tpu.memory_space<vmem>>)
    %dma_wait3A_1084 = arith.constant 0 : i32
    %dma_wait3A_1085 = tpu.memref_slice %arg3[%dma_wait3A_1084] : memref<6291456xf32, #tpu.memory_space<hbm>> -> memref<12288xf32, #tpu.memory_space<hbm>>
    %dma_wait3A_1086 = arith.constant 0 : i32
    %dma_wait3A_1087 = tpu.memref_slice %arg3[%dma_wait3A_1086] : memref<6291456xf32, #tpu.memory_space<hbm>> -> memref<12288xf32, #tpu.memory_space<hbm>>
    tpu.wait_dma2 semaphore(%arg15 : memref<!tpu.dma_semaphore, #tpu.memory_space<semaphore_mem>>) src(%dma_wait3A_1087 : memref<12288xf32, #tpu.memory_space<hbm>>) dst(%arg5 : memref<12288xf32, #tpu.memory_space<vmem>>)
    %dma_wait3A_1088 = arith.constant 0 : i32
    %dma_wait3A_1089 = tpu.memref_slice %arg3[%dma_wait3A_1088] : memref<6291456xf32, #tpu.memory_space<hbm>> -> memref<12288xf32, #tpu.memory_space<hbm>>
    %dma_wait3A_1090 = arith.constant 0 : i32
    %dma_wait3A_1091 = tpu.memref_slice %arg3[%dma_wait3A_1090] : memref<6291456xf32, #tpu.memory_space<hbm>> -> memref<12288xf32, #tpu.memory_space<hbm>>
    tpu.wait_dma2 semaphore(%arg15 : memref<!tpu.dma_semaphore, #tpu.memory_space<semaphore_mem>>) src(%dma_wait3A_1091 : memref<12288xf32, #tpu.memory_space<hbm>>) dst(%arg5 : memref<12288xf32, #tpu.memory_space<vmem>>)
    %dma_wait3A_1092 = arith.constant 0 : i32
    %dma_wait3A_1093 = tpu.memref_slice %arg3[%dma_wait3A_1092] : memref<6291456xf32, #tpu.memory_space<hbm>> -> memref<12288xf32, #tpu.memory_space<hbm>>
    %dma_wait3A_1094 = arith.constant 0 : i32
    %dma_wait3A_1095 = tpu.memref_slice %arg3[%dma_wait3A_1094] : memref<6291456xf32, #tpu.memory_space<hbm>> -> memref<12288xf32, #tpu.memory_space<hbm>>
    tpu.wait_dma2 semaphore(%arg15 : memref<!tpu.dma_semaphore, #tpu.memory_space<semaphore_mem>>) src(%dma_wait3A_1095 : memref<12288xf32, #tpu.memory_space<hbm>>) dst(%arg5 : memref<12288xf32, #tpu.memory_space<vmem>>)
    %dma_wait3A_1096 = tpu.memref_slice %arg2[%mul3A_992] : memref<25165824xf32, #tpu.memory_space<hbm>> -> memref<12288xf32, #tpu.memory_space<hbm>>
    %dma_wait3A_1097 = tpu.memref_slice %arg2[%mul3A_992] : memref<25165824xf32, #tpu.memory_space<hbm>> -> memref<12288xf32, #tpu.memory_space<hbm>>
    tpu.wait_dma2 semaphore(%arg15 : memref<!tpu.dma_semaphore, #tpu.memory_space<semaphore_mem>>) src(%dma_wait3A_1097 : memref<12288xf32, #tpu.memory_space<hbm>>) dst(%arg9 : memref<12288xf32, #tpu.memory_space<vmem>>)
    %parallel_loop3A_1098 = arith.constant 0 : i32
    %parallel_loop3A_1099 = arith.constant 12288 : i32
    %parallel_loop3A_1100 = arith.constant 16 : i32
    scf.for %parallel_loop3A_1360 = %parallel_loop3A_1098 to %parallel_loop3A_1099 step %parallel_loop3A_1100  : i32 {
      %parallel_loop3A_1361 = arith.index_cast %parallel_loop3A_1360 : i32 to index
      %parallel_loop3A_1362 = tpu.vector_load %arg5[%parallel_loop3A_1361] {strides = array<i32>} : memref<12288xf32, #tpu.memory_space<vmem>>, vector<16xf32>,
      %parallel_loop3A_1363 = vector.shape_cast %parallel_loop3A_1362 : vector<16xf32> to vector<16xf32>
      %parallel_loop3A_1364 = arith.index_cast %parallel_loop3A_1360 : i32 to index
      %parallel_loop3A_1365 = tpu.vector_load %arg6[%parallel_loop3A_1364] {strides = array<i32>} : memref<12288xf32, #tpu.memory_space<vmem>>, vector<16xf32>,
      %parallel_loop3A_1366 = vector.shape_cast %parallel_loop3A_1365 : vector<16xf32> to vector<16xf32>
      %parallel_loop3A_1367 = arith.addf %parallel_loop3A_1366, %parallel_loop3A_1363 : vector<16xf32>
      %parallel_loop3A_1368 = arith.index_cast %parallel_loop3A_1360 : i32 to index
      %parallel_loop3A_1369 = tpu.vector_load %arg6[%parallel_loop3A_1368] {strides = array<i32>} : memref<12288xf32, #tpu.memory_space<vmem>>, vector<16xf32>,
      %parallel_loop3A_1370 = vector.shape_cast %parallel_loop3A_1369 : vector<16xf32> to vector<16xf32>
      %parallel_loop3A_1371 = vector.shape_cast %parallel_loop3A_1367 : vector<16xf32> to vector<16xf32>
      tpu.vector_store %arg6[%parallel_loop3A_1368], %parallel_loop3A_1371 {strides = array<i32>} : memref<12288xf32, #tpu.memory_space<vmem>>, vector<16xf32>,
      %parallel_loop3A_1372 = arith.index_cast %parallel_loop3A_1360 : i32 to index
      %parallel_loop3A_1373 = tpu.vector_load %arg7[%parallel_loop3A_1372] {strides = array<i32>} : memref<12288xf32, #tpu.memory_space<vmem>>, vector<16xf32>,
      %parallel_loop3A_1374 = vector.shape_cast %parallel_loop3A_1373 : vector<16xf32> to vector<16xf32>
      %parallel_loop3A_1375 = arith.addf %parallel_loop3A_1374, %parallel_loop3A_1363 : vector<16xf32>
      %parallel_loop3A_1376 = arith.index_cast %parallel_loop3A_1360 : i32 to index
      %parallel_loop3A_1377 = tpu.vector_load %arg7[%parallel_loop3A_1376] {strides = array<i32>} : memref<12288xf32, #tpu.memory_space<vmem>>, vector<16xf32>,
      %parallel_loop3A_1378 = vector.shape_cast %parallel_loop3A_1377 : vector<16xf32> to vector<16xf32>
      %parallel_loop3A_1379 = vector.shape_cast %parallel_loop3A_1375 : vector<16xf32> to vector<16xf32>
      tpu.vector_store %arg7[%parallel_loop3A_1376], %parallel_loop3A_1379 {strides = array<i32>} : memref<12288xf32, #tpu.memory_space<vmem>>, vector<16xf32>,
      %parallel_loop3A_1380 = arith.index_cast %parallel_loop3A_1360 : i32 to index
      %parallel_loop3A_1381 = tpu.vector_load %arg8[%parallel_loop3A_1380] {strides = array<i32>} : memref<12288xf32, #tpu.memory_space<vmem>>, vector<16xf32>,
      %parallel_loop3A_1382 = vector.shape_cast %parallel_loop3A_1381 : vector<16xf32> to vector<16xf32>
      %parallel_loop3A_1383 = arith.addf %parallel_loop3A_1382, %parallel_loop3A_1363 : vector<16xf32>
      %parallel_loop3A_1384 = arith.index_cast %parallel_loop3A_1360 : i32 to index
      %parallel_loop3A_1385 = tpu.vector_load %arg8[%parallel_loop3A_1384] {strides = array<i32>} : memref<12288xf32, #tpu.memory_space<vmem>>, vector<16xf32>,
      %parallel_loop3A_1386 = vector.shape_cast %parallel_loop3A_1385 : vector<16xf32> to vector<16xf32>
      %parallel_loop3A_1387 = vector.shape_cast %parallel_loop3A_1383 : vector<16xf32> to vector<16xf32>
      tpu.vector_store %arg8[%parallel_loop3A_1384], %parallel_loop3A_1387 {strides = array<i32>} : memref<12288xf32, #tpu.memory_space<vmem>>, vector<16xf32>,
      %parallel_loop3A_1388 = arith.index_cast %parallel_loop3A_1360 : i32 to index
      %parallel_loop3A_1389 = tpu.vector_load %arg9[%parallel_loop3A_1388] {strides = array<i32>} : memref<12288xf32, #tpu.memory_space<vmem>>, vector<16xf32>,
      %parallel_loop3A_1390 = vector.shape_cast %parallel_loop3A_1389 : vector<16xf32> to vector<16xf32>
      %parallel_loop3A_1391 = arith.addf %parallel_loop3A_1390, %parallel_loop3A_1363 : vector<16xf32>
      %parallel_loop3A_1392 = arith.index_cast %parallel_loop3A_1360 : i32 to index
      %parallel_loop3A_1393 = tpu.vector_load %arg9[%parallel_loop3A_1392] {strides = array<i32>} : memref<12288xf32, #tpu.memory_space<vmem>>, vector<16xf32>,
      %parallel_loop3A_1394 = vector.shape_cast %parallel_loop3A_1393 : vector<16xf32> to vector<16xf32>
      %parallel_loop3A_1395 = vector.shape_cast %parallel_loop3A_1391 : vector<16xf32> to vector<16xf32>
      tpu.vector_store %arg9[%parallel_loop3A_1392], %parallel_loop3A_1395 {strides = array<i32>} : memref<12288xf32, #tpu.memory_space<vmem>>, vector<16xf32>,
    } {sc.loop_unroll_factor = 4 : i64, sc.parallel_access}
    %add3A_1101 = arith.constant 192 : i32
    %add3A_1102 = arith.addi %mul3A_2, %add3A_1101 : i32
    %add3A_1103 = arith.constant 0 : i32
    %add3A_1104 = arith.addi %add3A_1103, %add3A_1102 : i32
    %mul3A_1105 = arith.constant 768 : i32
    %mul3A_1106 = arith.muli %add3A_1104, %mul3A_1105 : i32
    %dma_start3A_1107 = tpu.memref_slice %arg4[%mul3A_1106] : memref<25165824xf32, #tpu.memory_space<hbm>> -> memref<12288xf32, #tpu.memory_space<hbm>>
    %dma_start3A_1108 = tpu.memref_slice %arg4[%mul3A_1106] : memref<25165824xf32, #tpu.memory_space<hbm>> -> memref<12288xf32, #tpu.memory_space<hbm>>
    tpu.enqueue_dma source(%arg6 : memref<12288xf32, #tpu.memory_space<vmem>>) target(%dma_start3A_1108 : memref<12288xf32, #tpu.memory_space<hbm>>) target_semaphore(%arg17 : memref<!tpu.dma_semaphore, #tpu.memory_space<semaphore_mem>>)
    %add3A_1109 = arith.constant 8192 : i32
    %add3A_1110 = arith.addi %add3A_1109, %add3A_1102 : i32
    %mul3A_1111 = arith.constant 768 : i32
    %mul3A_1112 = arith.muli %add3A_1110, %mul3A_1111 : i32
    %dma_start3A_1113 = tpu.memref_slice %arg4[%mul3A_1112] : memref<25165824xf32, #tpu.memory_space<hbm>> -> memref<12288xf32, #tpu.memory_space<hbm>>
    %dma_start3A_1114 = tpu.memref_slice %arg4[%mul3A_1112] : memref<25165824xf32, #tpu.memory_space<hbm>> -> memref<12288xf32, #tpu.memory_space<hbm>>
    tpu.enqueue_dma source(%arg7 : memref<12288xf32, #tpu.memory_space<vmem>>) target(%dma_start3A_1114 : memref<12288xf32, #tpu.memory_space<hbm>>) target_semaphore(%arg17 : memref<!tpu.dma_semaphore, #tpu.memory_space<semaphore_mem>>)
    %add3A_1115 = arith.constant 16384 : i32
    %add3A_1116 = arith.addi %add3A_1115, %add3A_1102 : i32
    %mul3A_1117 = arith.constant 768 : i32
    %mul3A_1118 = arith.muli %add3A_1116, %mul3A_1117 : i32
    %dma_start3A_1119 = tpu.memref_slice %arg4[%mul3A_1118] : memref<25165824xf32, #tpu.memory_space<hbm>> -> memref<12288xf32, #tpu.memory_space<hbm>>
    %dma_start3A_1120 = tpu.memref_slice %arg4[%mul3A_1118] : memref<25165824xf32, #tpu.memory_space<hbm>> -> memref<12288xf32, #tpu.memory_space<hbm>>
    tpu.enqueue_dma source(%arg8 : memref<12288xf32, #tpu.memory_space<vmem>>) target(%dma_start3A_1120 : memref<12288xf32, #tpu.memory_space<hbm>>) target_semaphore(%arg17 : memref<!tpu.dma_semaphore, #tpu.memory_space<semaphore_mem>>)
    %add3A_1121 = arith.constant 24576 : i32
    %add3A_1122 = arith.addi %add3A_1121, %add3A_1102 : i32
    %mul3A_1123 = arith.constant 768 : i32
    %mul3A_1124 = arith.muli %add3A_1122, %mul3A_1123 : i32
    %dma_start3A_1125 = tpu.memref_slice %arg4[%mul3A_1124] : memref<25165824xf32, #tpu.memory_space<hbm>> -> memref<12288xf32, #tpu.memory_space<hbm>>
    %dma_start3A_1126 = tpu.memref_slice %arg4[%mul3A_1124] : memref<25165824xf32, #tpu.memory_space<hbm>> -> memref<12288xf32, #tpu.memory_space<hbm>>
    tpu.enqueue_dma source(%arg9 : memref<12288xf32, #tpu.memory_space<vmem>>) target(%dma_start3A_1126 : memref<12288xf32, #tpu.memory_space<hbm>>) target_semaphore(%arg17 : memref<!tpu.dma_semaphore, #tpu.memory_space<semaphore_mem>>)
    %dma_wait3A_1127 = tpu.memref_slice %arg4[%mul3A_1106] : memref<25165824xf32, #tpu.memory_space<hbm>> -> memref<12288xf32, #tpu.memory_space<hbm>>
    %dma_wait3A_1128 = tpu.memref_slice %arg4[%mul3A_1106] : memref<25165824xf32, #tpu.memory_space<hbm>> -> memref<12288xf32, #tpu.memory_space<hbm>>
    tpu.wait_dma2 semaphore(%arg17 : memref<!tpu.dma_semaphore, #tpu.memory_space<semaphore_mem>>) src(%arg6 : memref<12288xf32, #tpu.memory_space<vmem>>) dst(%dma_wait3A_1128 : memref<12288xf32, #tpu.memory_space<hbm>>)
    %dma_wait3A_1129 = tpu.memref_slice %arg4[%mul3A_1112] : memref<25165824xf32, #tpu.memory_space<hbm>> -> memref<12288xf32, #tpu.memory_space<hbm>>
    %dma_wait3A_1130 = tpu.memref_slice %arg4[%mul3A_1112] : memref<25165824xf32, #tpu.memory_space<hbm>> -> memref<12288xf32, #tpu.memory_space<hbm>>
    tpu.wait_dma2 semaphore(%arg17 : memref<!tpu.dma_semaphore, #tpu.memory_space<semaphore_mem>>) src(%arg7 : memref<12288xf32, #tpu.memory_space<vmem>>) dst(%dma_wait3A_1130 : memref<12288xf32, #tpu.memory_space<hbm>>)
    %dma_wait3A_1131 = tpu.memref_slice %arg4[%mul3A_1118] : memref<25165824xf32, #tpu.memory_space<hbm>> -> memref<12288xf32, #tpu.memory_space<hbm>>
    %dma_wait3A_1132 = tpu.memref_slice %arg4[%mul3A_1118] : memref<25165824xf32, #tpu.memory_space<hbm>> -> memref<12288xf32, #tpu.memory_space<hbm>>
    tpu.wait_dma2 semaphore(%arg17 : memref<!tpu.dma_semaphore, #tpu.memory_space<semaphore_mem>>) src(%arg8 : memref<12288xf32, #tpu.memory_space<vmem>>) dst(%dma_wait3A_1132 : memref<12288xf32, #tpu.memory_space<hbm>>)
    %dma_wait3A_1133 = tpu.memref_slice %arg4[%mul3A_1124] : memref<25165824xf32, #tpu.memory_space<hbm>> -> memref<12288xf32, #tpu.memory_space<hbm>>
    %dma_wait3A_1134 = tpu.memref_slice %arg4[%mul3A_1124] : memref<25165824xf32, #tpu.memory_space<hbm>> -> memref<12288xf32, #tpu.memory_space<hbm>>
    tpu.wait_dma2 semaphore(%arg17 : memref<!tpu.dma_semaphore, #tpu.memory_space<semaphore_mem>>) src(%arg9 : memref<12288xf32, #tpu.memory_space<vmem>>) dst(%dma_wait3A_1134 : memref<12288xf32, #tpu.memory_space<hbm>>)
    %add3A_1135 = arith.constant 224 : i32
    %add3A_1136 = arith.addi %mul3A_2, %add3A_1135 : i32
    %mul3A_1137 = arith.constant 768 : i32
    %mul3A_1138 = arith.muli %add3A_1136, %mul3A_1137 : i32
    %dma_start3A_1139 = tpu.memref_slice %arg3[%mul3A_1138] : memref<6291456xf32, #tpu.memory_space<hbm>> -> memref<12288xf32, #tpu.memory_space<hbm>>
    %dma_start3A_1140 = tpu.memref_slice %arg3[%mul3A_1138] : memref<6291456xf32, #tpu.memory_space<hbm>> -> memref<12288xf32, #tpu.memory_space<hbm>>
    tpu.enqueue_dma source(%dma_start3A_1140 : memref<12288xf32, #tpu.memory_space<hbm>>) target(%arg5 : memref<12288xf32, #tpu.memory_space<vmem>>) target_semaphore(%arg15 : memref<!tpu.dma_semaphore, #tpu.memory_space<semaphore_mem>>)
    %add3A_1141 = arith.constant 0 : i32
    %add3A_1142 = arith.addi %add3A_1141, %add3A_1136 : i32
    %mul3A_1143 = arith.constant 768 : i32
    %mul3A_1144 = arith.muli %add3A_1142, %mul3A_1143 : i32
    %dma_start3A_1145 = tpu.memref_slice %arg2[%mul3A_1144] : memref<25165824xf32, #tpu.memory_space<hbm>> -> memref<12288xf32, #tpu.memory_space<hbm>>
    %dma_start3A_1146 = tpu.memref_slice %arg2[%mul3A_1144] : memref<25165824xf32, #tpu.memory_space<hbm>> -> memref<12288xf32, #tpu.memory_space<hbm>>
    tpu.enqueue_dma source(%dma_start3A_1146 : memref<12288xf32, #tpu.memory_space<hbm>>) target(%arg6 : memref<12288xf32, #tpu.memory_space<vmem>>) target_semaphore(%arg15 : memref<!tpu.dma_semaphore, #tpu.memory_space<semaphore_mem>>)
    %add3A_1147 = arith.constant 8192 : i32
    %add3A_1148 = arith.addi %add3A_1147, %add3A_1136 : i32
    %mul3A_1149 = arith.constant 768 : i32
    %mul3A_1150 = arith.muli %add3A_1148, %mul3A_1149 : i32
    %dma_start3A_1151 = tpu.memref_slice %arg2[%mul3A_1150] : memref<25165824xf32, #tpu.memory_space<hbm>> -> memref<12288xf32, #tpu.memory_space<hbm>>
    %dma_start3A_1152 = tpu.memref_slice %arg2[%mul3A_1150] : memref<25165824xf32, #tpu.memory_space<hbm>> -> memref<12288xf32, #tpu.memory_space<hbm>>
    tpu.enqueue_dma source(%dma_start3A_1152 : memref<12288xf32, #tpu.memory_space<hbm>>) target(%arg7 : memref<12288xf32, #tpu.memory_space<vmem>>) target_semaphore(%arg15 : memref<!tpu.dma_semaphore, #tpu.memory_space<semaphore_mem>>)
    %add3A_1153 = arith.constant 16384 : i32
    %add3A_1154 = arith.addi %add3A_1153, %add3A_1136 : i32
    %mul3A_1155 = arith.constant 768 : i32
    %mul3A_1156 = arith.muli %add3A_1154, %mul3A_1155 : i32
    %dma_start3A_1157 = tpu.memref_slice %arg2[%mul3A_1156] : memref<25165824xf32, #tpu.memory_space<hbm>> -> memref<12288xf32, #tpu.memory_space<hbm>>
    %dma_start3A_1158 = tpu.memref_slice %arg2[%mul3A_1156] : memref<25165824xf32, #tpu.memory_space<hbm>> -> memref<12288xf32, #tpu.memory_space<hbm>>
    tpu.enqueue_dma source(%dma_start3A_1158 : memref<12288xf32, #tpu.memory_space<hbm>>) target(%arg8 : memref<12288xf32, #tpu.memory_space<vmem>>) target_semaphore(%arg15 : memref<!tpu.dma_semaphore, #tpu.memory_space<semaphore_mem>>)
    %add3A_1159 = arith.constant 24576 : i32
    %add3A_1160 = arith.addi %add3A_1159, %add3A_1136 : i32
    %mul3A_1161 = arith.constant 768 : i32
    %mul3A_1162 = arith.muli %add3A_1160, %mul3A_1161 : i32
    %dma_start3A_1163 = tpu.memref_slice %arg2[%mul3A_1162] : memref<25165824xf32, #tpu.memory_space<hbm>> -> memref<12288xf32, #tpu.memory_space<hbm>>
    %dma_start3A_1164 = tpu.memref_slice %arg2[%mul3A_1162] : memref<25165824xf32, #tpu.memory_space<hbm>> -> memref<12288xf32, #tpu.memory_space<hbm>>
    tpu.enqueue_dma source(%dma_start3A_1164 : memref<12288xf32, #tpu.memory_space<hbm>>) target(%arg9 : memref<12288xf32, #tpu.memory_space<vmem>>) target_semaphore(%arg15 : memref<!tpu.dma_semaphore, #tpu.memory_space<semaphore_mem>>)
    %dma_wait3A_1165 = arith.constant 0 : i32
    %dma_wait3A_1166 = tpu.memref_slice %arg3[%dma_wait3A_1165] : memref<6291456xf32, #tpu.memory_space<hbm>> -> memref<12288xf32, #tpu.memory_space<hbm>>
    %dma_wait3A_1167 = arith.constant 0 : i32
    %dma_wait3A_1168 = tpu.memref_slice %arg3[%dma_wait3A_1167] : memref<6291456xf32, #tpu.memory_space<hbm>> -> memref<12288xf32, #tpu.memory_space<hbm>>
    tpu.wait_dma2 semaphore(%arg16 : memref<!tpu.dma_semaphore, #tpu.memory_space<semaphore_mem>>) src(%dma_wait3A_1168 : memref<12288xf32, #tpu.memory_space<hbm>>) dst(%arg10 : memref<12288xf32, #tpu.memory_space<vmem>>)
    %dma_wait3A_1169 = arith.constant 0 : i32
    %dma_wait3A_1170 = tpu.memref_slice %arg3[%dma_wait3A_1169] : memref<6291456xf32, #tpu.memory_space<hbm>> -> memref<12288xf32, #tpu.memory_space<hbm>>
    %dma_wait3A_1171 = arith.constant 0 : i32
    %dma_wait3A_1172 = tpu.memref_slice %arg3[%dma_wait3A_1171] : memref<6291456xf32, #tpu.memory_space<hbm>> -> memref<12288xf32, #tpu.memory_space<hbm>>
    tpu.wait_dma2 semaphore(%arg16 : memref<!tpu.dma_semaphore, #tpu.memory_space<semaphore_mem>>) src(%dma_wait3A_1172 : memref<12288xf32, #tpu.memory_space<hbm>>) dst(%arg10 : memref<12288xf32, #tpu.memory_space<vmem>>)
    %dma_wait3A_1173 = arith.constant 0 : i32
    %dma_wait3A_1174 = tpu.memref_slice %arg3[%dma_wait3A_1173] : memref<6291456xf32, #tpu.memory_space<hbm>> -> memref<12288xf32, #tpu.memory_space<hbm>>
    %dma_wait3A_1175 = arith.constant 0 : i32
    %dma_wait3A_1176 = tpu.memref_slice %arg3[%dma_wait3A_1175] : memref<6291456xf32, #tpu.memory_space<hbm>> -> memref<12288xf32, #tpu.memory_space<hbm>>
    tpu.wait_dma2 semaphore(%arg16 : memref<!tpu.dma_semaphore, #tpu.memory_space<semaphore_mem>>) src(%dma_wait3A_1176 : memref<12288xf32, #tpu.memory_space<hbm>>) dst(%arg10 : memref<12288xf32, #tpu.memory_space<vmem>>)
    %dma_wait3A_1177 = arith.constant 0 : i32
    %dma_wait3A_1178 = tpu.memref_slice %arg3[%dma_wait3A_1177] : memref<6291456xf32, #tpu.memory_space<hbm>> -> memref<12288xf32, #tpu.memory_space<hbm>>
    %dma_wait3A_1179 = arith.constant 0 : i32
    %dma_wait3A_1180 = tpu.memref_slice %arg3[%dma_wait3A_1179] : memref<6291456xf32, #tpu.memory_space<hbm>> -> memref<12288xf32, #tpu.memory_space<hbm>>
    tpu.wait_dma2 semaphore(%arg16 : memref<!tpu.dma_semaphore, #tpu.memory_space<semaphore_mem>>) src(%dma_wait3A_1180 : memref<12288xf32, #tpu.memory_space<hbm>>) dst(%arg10 : memref<12288xf32, #tpu.memory_space<vmem>>)
    %dma_wait3A_1181 = tpu.memref_slice %arg2[%mul3A_1077] : memref<25165824xf32, #tpu.memory_space<hbm>> -> memref<12288xf32, #tpu.memory_space<hbm>>
    %dma_wait3A_1182 = tpu.memref_slice %arg2[%mul3A_1077] : memref<25165824xf32, #tpu.memory_space<hbm>> -> memref<12288xf32, #tpu.memory_space<hbm>>
    tpu.wait_dma2 semaphore(%arg16 : memref<!tpu.dma_semaphore, #tpu.memory_space<semaphore_mem>>) src(%dma_wait3A_1182 : memref<12288xf32, #tpu.memory_space<hbm>>) dst(%arg14 : memref<12288xf32, #tpu.memory_space<vmem>>)
    %parallel_loop3A_1183 = arith.constant 0 : i32
    %parallel_loop3A_1184 = arith.constant 12288 : i32
    %parallel_loop3A_1185 = arith.constant 16 : i32
    scf.for %parallel_loop3A_1360 = %parallel_loop3A_1183 to %parallel_loop3A_1184 step %parallel_loop3A_1185  : i32 {
      %parallel_loop3A_1361 = arith.index_cast %parallel_loop3A_1360 : i32 to index
      %parallel_loop3A_1362 = tpu.vector_load %arg10[%parallel_loop3A_1361] {strides = array<i32>} : memref<12288xf32, #tpu.memory_space<vmem>>, vector<16xf32>,
      %parallel_loop3A_1363 = vector.shape_cast %parallel_loop3A_1362 : vector<16xf32> to vector<16xf32>
      %parallel_loop3A_1364 = arith.index_cast %parallel_loop3A_1360 : i32 to index
      %parallel_loop3A_1365 = tpu.vector_load %arg11[%parallel_loop3A_1364] {strides = array<i32>} : memref<12288xf32, #tpu.memory_space<vmem>>, vector<16xf32>,
      %parallel_loop3A_1366 = vector.shape_cast %parallel_loop3A_1365 : vector<16xf32> to vector<16xf32>
      %parallel_loop3A_1367 = arith.addf %parallel_loop3A_1366, %parallel_loop3A_1363 : vector<16xf32>
      %parallel_loop3A_1368 = arith.index_cast %parallel_loop3A_1360 : i32 to index
      %parallel_loop3A_1369 = tpu.vector_load %arg11[%parallel_loop3A_1368] {strides = array<i32>} : memref<12288xf32, #tpu.memory_space<vmem>>, vector<16xf32>,
      %parallel_loop3A_1370 = vector.shape_cast %parallel_loop3A_1369 : vector<16xf32> to vector<16xf32>
      %parallel_loop3A_1371 = vector.shape_cast %parallel_loop3A_1367 : vector<16xf32> to vector<16xf32>
      tpu.vector_store %arg11[%parallel_loop3A_1368], %parallel_loop3A_1371 {strides = array<i32>} : memref<12288xf32, #tpu.memory_space<vmem>>, vector<16xf32>,
      %parallel_loop3A_1372 = arith.index_cast %parallel_loop3A_1360 : i32 to index
      %parallel_loop3A_1373 = tpu.vector_load %arg12[%parallel_loop3A_1372] {strides = array<i32>} : memref<12288xf32, #tpu.memory_space<vmem>>, vector<16xf32>,
      %parallel_loop3A_1374 = vector.shape_cast %parallel_loop3A_1373 : vector<16xf32> to vector<16xf32>
      %parallel_loop3A_1375 = arith.addf %parallel_loop3A_1374, %parallel_loop3A_1363 : vector<16xf32>
      %parallel_loop3A_1376 = arith.index_cast %parallel_loop3A_1360 : i32 to index
      %parallel_loop3A_1377 = tpu.vector_load %arg12[%parallel_loop3A_1376] {strides = array<i32>} : memref<12288xf32, #tpu.memory_space<vmem>>, vector<16xf32>,
      %parallel_loop3A_1378 = vector.shape_cast %parallel_loop3A_1377 : vector<16xf32> to vector<16xf32>
      %parallel_loop3A_1379 = vector.shape_cast %parallel_loop3A_1375 : vector<16xf32> to vector<16xf32>
      tpu.vector_store %arg12[%parallel_loop3A_1376], %parallel_loop3A_1379 {strides = array<i32>} : memref<12288xf32, #tpu.memory_space<vmem>>, vector<16xf32>,
      %parallel_loop3A_1380 = arith.index_cast %parallel_loop3A_1360 : i32 to index
      %parallel_loop3A_1381 = tpu.vector_load %arg13[%parallel_loop3A_1380] {strides = array<i32>} : memref<12288xf32, #tpu.memory_space<vmem>>, vector<16xf32>,
      %parallel_loop3A_1382 = vector.shape_cast %parallel_loop3A_1381 : vector<16xf32> to vector<16xf32>
      %parallel_loop3A_1383 = arith.addf %parallel_loop3A_1382, %parallel_loop3A_1363 : vector<16xf32>
      %parallel_loop3A_1384 = arith.index_cast %parallel_loop3A_1360 : i32 to index
      %parallel_loop3A_1385 = tpu.vector_load %arg13[%parallel_loop3A_1384] {strides = array<i32>} : memref<12288xf32, #tpu.memory_space<vmem>>, vector<16xf32>,
      %parallel_loop3A_1386 = vector.shape_cast %parallel_loop3A_1385 : vector<16xf32> to vector<16xf32>
      %parallel_loop3A_1387 = vector.shape_cast %parallel_loop3A_1383 : vector<16xf32> to vector<16xf32>
      tpu.vector_store %arg13[%parallel_loop3A_1384], %parallel_loop3A_1387 {strides = array<i32>} : memref<12288xf32, #tpu.memory_space<vmem>>, vector<16xf32>,
      %parallel_loop3A_1388 = arith.index_cast %parallel_loop3A_1360 : i32 to index
      %parallel_loop3A_1389 = tpu.vector_load %arg14[%parallel_loop3A_1388] {strides = array<i32>} : memref<12288xf32, #tpu.memory_space<vmem>>, vector<16xf32>,
      %parallel_loop3A_1390 = vector.shape_cast %parallel_loop3A_1389 : vector<16xf32> to vector<16xf32>
      %parallel_loop3A_1391 = arith.addf %parallel_loop3A_1390, %parallel_loop3A_1363 : vector<16xf32>
      %parallel_loop3A_1392 = arith.index_cast %parallel_loop3A_1360 : i32 to index
      %parallel_loop3A_1393 = tpu.vector_load %arg14[%parallel_loop3A_1392] {strides = array<i32>} : memref<12288xf32, #tpu.memory_space<vmem>>, vector<16xf32>,
      %parallel_loop3A_1394 = vector.shape_cast %parallel_loop3A_1393 : vector<16xf32> to vector<16xf32>
      %parallel_loop3A_1395 = vector.shape_cast %parallel_loop3A_1391 : vector<16xf32> to vector<16xf32>
      tpu.vector_store %arg14[%parallel_loop3A_1392], %parallel_loop3A_1395 {strides = array<i32>} : memref<12288xf32, #tpu.memory_space<vmem>>, vector<16xf32>,
    } {sc.loop_unroll_factor = 4 : i64, sc.parallel_access}
    %add3A_1186 = arith.constant 208 : i32
    %add3A_1187 = arith.addi %mul3A_2, %add3A_1186 : i32
    %add3A_1188 = arith.constant 0 : i32
    %add3A_1189 = arith.addi %add3A_1188, %add3A_1187 : i32
    %mul3A_1190 = arith.constant 768 : i32
    %mul3A_1191 = arith.muli %add3A_1189, %mul3A_1190 : i32
    %dma_start3A_1192 = tpu.memref_slice %arg4[%mul3A_1191] : memref<25165824xf32, #tpu.memory_space<hbm>> -> memref<12288xf32, #tpu.memory_space<hbm>>
    %dma_start3A_1193 = tpu.memref_slice %arg4[%mul3A_1191] : memref<25165824xf32, #tpu.memory_space<hbm>> -> memref<12288xf32, #tpu.memory_space<hbm>>
    tpu.enqueue_dma source(%arg11 : memref<12288xf32, #tpu.memory_space<vmem>>) target(%dma_start3A_1193 : memref<12288xf32, #tpu.memory_space<hbm>>) target_semaphore(%arg18 : memref<!tpu.dma_semaphore, #tpu.memory_space<semaphore_mem>>)
    %add3A_1194 = arith.constant 8192 : i32
    %add3A_1195 = arith.addi %add3A_1194, %add3A_1187 : i32
    %mul3A_1196 = arith.constant 768 : i32
    %mul3A_1197 = arith.muli %add3A_1195, %mul3A_1196 : i32
    %dma_start3A_1198 = tpu.memref_slice %arg4[%mul3A_1197] : memref<25165824xf32, #tpu.memory_space<hbm>> -> memref<12288xf32, #tpu.memory_space<hbm>>
    %dma_start3A_1199 = tpu.memref_slice %arg4[%mul3A_1197] : memref<25165824xf32, #tpu.memory_space<hbm>> -> memref<12288xf32, #tpu.memory_space<hbm>>
    tpu.enqueue_dma source(%arg12 : memref<12288xf32, #tpu.memory_space<vmem>>) target(%dma_start3A_1199 : memref<12288xf32, #tpu.memory_space<hbm>>) target_semaphore(%arg18 : memref<!tpu.dma_semaphore, #tpu.memory_space<semaphore_mem>>)
    %add3A_1200 = arith.constant 16384 : i32
    %add3A_1201 = arith.addi %add3A_1200, %add3A_1187 : i32
    %mul3A_1202 = arith.constant 768 : i32
    %mul3A_1203 = arith.muli %add3A_1201, %mul3A_1202 : i32
    %dma_start3A_1204 = tpu.memref_slice %arg4[%mul3A_1203] : memref<25165824xf32, #tpu.memory_space<hbm>> -> memref<12288xf32, #tpu.memory_space<hbm>>
    %dma_start3A_1205 = tpu.memref_slice %arg4[%mul3A_1203] : memref<25165824xf32, #tpu.memory_space<hbm>> -> memref<12288xf32, #tpu.memory_space<hbm>>
    tpu.enqueue_dma source(%arg13 : memref<12288xf32, #tpu.memory_space<vmem>>) target(%dma_start3A_1205 : memref<12288xf32, #tpu.memory_space<hbm>>) target_semaphore(%arg18 : memref<!tpu.dma_semaphore, #tpu.memory_space<semaphore_mem>>)
    %add3A_1206 = arith.constant 24576 : i32
    %add3A_1207 = arith.addi %add3A_1206, %add3A_1187 : i32
    %mul3A_1208 = arith.constant 768 : i32
    %mul3A_1209 = arith.muli %add3A_1207, %mul3A_1208 : i32
    %dma_start3A_1210 = tpu.memref_slice %arg4[%mul3A_1209] : memref<25165824xf32, #tpu.memory_space<hbm>> -> memref<12288xf32, #tpu.memory_space<hbm>>
    %dma_start3A_1211 = tpu.memref_slice %arg4[%mul3A_1209] : memref<25165824xf32, #tpu.memory_space<hbm>> -> memref<12288xf32, #tpu.memory_space<hbm>>
    tpu.enqueue_dma source(%arg14 : memref<12288xf32, #tpu.memory_space<vmem>>) target(%dma_start3A_1211 : memref<12288xf32, #tpu.memory_space<hbm>>) target_semaphore(%arg18 : memref<!tpu.dma_semaphore, #tpu.memory_space<semaphore_mem>>)
    %dma_wait3A_1212 = tpu.memref_slice %arg4[%mul3A_1191] : memref<25165824xf32, #tpu.memory_space<hbm>> -> memref<12288xf32, #tpu.memory_space<hbm>>
    %dma_wait3A_1213 = tpu.memref_slice %arg4[%mul3A_1191] : memref<25165824xf32, #tpu.memory_space<hbm>> -> memref<12288xf32, #tpu.memory_space<hbm>>
    tpu.wait_dma2 semaphore(%arg18 : memref<!tpu.dma_semaphore, #tpu.memory_space<semaphore_mem>>) src(%arg11 : memref<12288xf32, #tpu.memory_space<vmem>>) dst(%dma_wait3A_1213 : memref<12288xf32, #tpu.memory_space<hbm>>)
    %dma_wait3A_1214 = tpu.memref_slice %arg4[%mul3A_1197] : memref<25165824xf32, #tpu.memory_space<hbm>> -> memref<12288xf32, #tpu.memory_space<hbm>>
    %dma_wait3A_1215 = tpu.memref_slice %arg4[%mul3A_1197] : memref<25165824xf32, #tpu.memory_space<hbm>> -> memref<12288xf32, #tpu.memory_space<hbm>>
    tpu.wait_dma2 semaphore(%arg18 : memref<!tpu.dma_semaphore, #tpu.memory_space<semaphore_mem>>) src(%arg12 : memref<12288xf32, #tpu.memory_space<vmem>>) dst(%dma_wait3A_1215 : memref<12288xf32, #tpu.memory_space<hbm>>)
    %dma_wait3A_1216 = tpu.memref_slice %arg4[%mul3A_1203] : memref<25165824xf32, #tpu.memory_space<hbm>> -> memref<12288xf32, #tpu.memory_space<hbm>>
    %dma_wait3A_1217 = tpu.memref_slice %arg4[%mul3A_1203] : memref<25165824xf32, #tpu.memory_space<hbm>> -> memref<12288xf32, #tpu.memory_space<hbm>>
    tpu.wait_dma2 semaphore(%arg18 : memref<!tpu.dma_semaphore, #tpu.memory_space<semaphore_mem>>) src(%arg13 : memref<12288xf32, #tpu.memory_space<vmem>>) dst(%dma_wait3A_1217 : memref<12288xf32, #tpu.memory_space<hbm>>)
    %dma_wait3A_1218 = tpu.memref_slice %arg4[%mul3A_1209] : memref<25165824xf32, #tpu.memory_space<hbm>> -> memref<12288xf32, #tpu.memory_space<hbm>>
    %dma_wait3A_1219 = tpu.memref_slice %arg4[%mul3A_1209] : memref<25165824xf32, #tpu.memory_space<hbm>> -> memref<12288xf32, #tpu.memory_space<hbm>>
    tpu.wait_dma2 semaphore(%arg18 : memref<!tpu.dma_semaphore, #tpu.memory_space<semaphore_mem>>) src(%arg14 : memref<12288xf32, #tpu.memory_space<vmem>>) dst(%dma_wait3A_1219 : memref<12288xf32, #tpu.memory_space<hbm>>)
    %add3A_1220 = arith.constant 240 : i32
    %add3A_1221 = arith.addi %mul3A_2, %add3A_1220 : i32
    %mul3A_1222 = arith.constant 768 : i32
    %mul3A_1223 = arith.muli %add3A_1221, %mul3A_1222 : i32
    %dma_start3A_1224 = tpu.memref_slice %arg3[%mul3A_1223] : memref<6291456xf32, #tpu.memory_space<hbm>> -> memref<12288xf32, #tpu.memory_space<hbm>>
    %dma_start3A_1225 = tpu.memref_slice %arg3[%mul3A_1223] : memref<6291456xf32, #tpu.memory_space<hbm>> -> memref<12288xf32, #tpu.memory_space<hbm>>
    tpu.enqueue_dma source(%dma_start3A_1225 : memref<12288xf32, #tpu.memory_space<hbm>>) target(%arg10 : memref<12288xf32, #tpu.memory_space<vmem>>) target_semaphore(%arg16 : memref<!tpu.dma_semaphore, #tpu.memory_space<semaphore_mem>>)
    %add3A_1226 = arith.constant 0 : i32
    %add3A_1227 = arith.addi %add3A_1226, %add3A_1221 : i32
    %mul3A_1228 = arith.constant 768 : i32
    %mul3A_1229 = arith.muli %add3A_1227, %mul3A_1228 : i32
    %dma_start3A_1230 = tpu.memref_slice %arg2[%mul3A_1229] : memref<25165824xf32, #tpu.memory_space<hbm>> -> memref<12288xf32, #tpu.memory_space<hbm>>
    %dma_start3A_1231 = tpu.memref_slice %arg2[%mul3A_1229] : memref<25165824xf32, #tpu.memory_space<hbm>> -> memref<12288xf32, #tpu.memory_space<hbm>>
    tpu.enqueue_dma source(%dma_start3A_1231 : memref<12288xf32, #tpu.memory_space<hbm>>) target(%arg11 : memref<12288xf32, #tpu.memory_space<vmem>>) target_semaphore(%arg16 : memref<!tpu.dma_semaphore, #tpu.memory_space<semaphore_mem>>)
    %add3A_1232 = arith.constant 8192 : i32
    %add3A_1233 = arith.addi %add3A_1232, %add3A_1221 : i32
    %mul3A_1234 = arith.constant 768 : i32
    %mul3A_1235 = arith.muli %add3A_1233, %mul3A_1234 : i32
    %dma_start3A_1236 = tpu.memref_slice %arg2[%mul3A_1235] : memref<25165824xf32, #tpu.memory_space<hbm>> -> memref<12288xf32, #tpu.memory_space<hbm>>
    %dma_start3A_1237 = tpu.memref_slice %arg2[%mul3A_1235] : memref<25165824xf32, #tpu.memory_space<hbm>> -> memref<12288xf32, #tpu.memory_space<hbm>>
    tpu.enqueue_dma source(%dma_start3A_1237 : memref<12288xf32, #tpu.memory_space<hbm>>) target(%arg12 : memref<12288xf32, #tpu.memory_space<vmem>>) target_semaphore(%arg16 : memref<!tpu.dma_semaphore, #tpu.memory_space<semaphore_mem>>)
    %add3A_1238 = arith.constant 16384 : i32
    %add3A_1239 = arith.addi %add3A_1238, %add3A_1221 : i32
    %mul3A_1240 = arith.constant 768 : i32
    %mul3A_1241 = arith.muli %add3A_1239, %mul3A_1240 : i32
    %dma_start3A_1242 = tpu.memref_slice %arg2[%mul3A_1241] : memref<25165824xf32, #tpu.memory_space<hbm>> -> memref<12288xf32, #tpu.memory_space<hbm>>
    %dma_start3A_1243 = tpu.memref_slice %arg2[%mul3A_1241] : memref<25165824xf32, #tpu.memory_space<hbm>> -> memref<12288xf32, #tpu.memory_space<hbm>>
    tpu.enqueue_dma source(%dma_start3A_1243 : memref<12288xf32, #tpu.memory_space<hbm>>) target(%arg13 : memref<12288xf32, #tpu.memory_space<vmem>>) target_semaphore(%arg16 : memref<!tpu.dma_semaphore, #tpu.memory_space<semaphore_mem>>)
    %add3A_1244 = arith.constant 24576 : i32
    %add3A_1245 = arith.addi %add3A_1244, %add3A_1221 : i32
    %mul3A_1246 = arith.constant 768 : i32
    %mul3A_1247 = arith.muli %add3A_1245, %mul3A_1246 : i32
    %dma_start3A_1248 = tpu.memref_slice %arg2[%mul3A_1247] : memref<25165824xf32, #tpu.memory_space<hbm>> -> memref<12288xf32, #tpu.memory_space<hbm>>
    %dma_start3A_1249 = tpu.memref_slice %arg2[%mul3A_1247] : memref<25165824xf32, #tpu.memory_space<hbm>> -> memref<12288xf32, #tpu.memory_space<hbm>>
    tpu.enqueue_dma source(%dma_start3A_1249 : memref<12288xf32, #tpu.memory_space<hbm>>) target(%arg14 : memref<12288xf32, #tpu.memory_space<vmem>>) target_semaphore(%arg16 : memref<!tpu.dma_semaphore, #tpu.memory_space<semaphore_mem>>)
    %dma_wait3A_1250 = arith.constant 0 : i32
    %dma_wait3A_1251 = tpu.memref_slice %arg3[%dma_wait3A_1250] : memref<6291456xf32, #tpu.memory_space<hbm>> -> memref<12288xf32, #tpu.memory_space<hbm>>
    %dma_wait3A_1252 = arith.constant 0 : i32
    %dma_wait3A_1253 = tpu.memref_slice %arg3[%dma_wait3A_1252] : memref<6291456xf32, #tpu.memory_space<hbm>> -> memref<12288xf32, #tpu.memory_space<hbm>>
    tpu.wait_dma2 semaphore(%arg15 : memref<!tpu.dma_semaphore, #tpu.memory_space<semaphore_mem>>) src(%dma_wait3A_1253 : memref<12288xf32, #tpu.memory_space<hbm>>) dst(%arg5 : memref<12288xf32, #tpu.memory_space<vmem>>)
    %dma_wait3A_1254 = arith.constant 0 : i32
    %dma_wait3A_1255 = tpu.memref_slice %arg3[%dma_wait3A_1254] : memref<6291456xf32, #tpu.memory_space<hbm>> -> memref<12288xf32, #tpu.memory_space<hbm>>
    %dma_wait3A_1256 = arith.constant 0 : i32
    %dma_wait3A_1257 = tpu.memref_slice %arg3[%dma_wait3A_1256] : memref<6291456xf32, #tpu.memory_space<hbm>> -> memref<12288xf32, #tpu.memory_space<hbm>>
    tpu.wait_dma2 semaphore(%arg15 : memref<!tpu.dma_semaphore, #tpu.memory_space<semaphore_mem>>) src(%dma_wait3A_1257 : memref<12288xf32, #tpu.memory_space<hbm>>) dst(%arg5 : memref<12288xf32, #tpu.memory_space<vmem>>)
    %dma_wait3A_1258 = arith.constant 0 : i32
    %dma_wait3A_1259 = tpu.memref_slice %arg3[%dma_wait3A_1258] : memref<6291456xf32, #tpu.memory_space<hbm>> -> memref<12288xf32, #tpu.memory_space<hbm>>
    %dma_wait3A_1260 = arith.constant 0 : i32
    %dma_wait3A_1261 = tpu.memref_slice %arg3[%dma_wait3A_1260] : memref<6291456xf32, #tpu.memory_space<hbm>> -> memref<12288xf32, #tpu.memory_space<hbm>>
    tpu.wait_dma2 semaphore(%arg15 : memref<!tpu.dma_semaphore, #tpu.memory_space<semaphore_mem>>) src(%dma_wait3A_1261 : memref<12288xf32, #tpu.memory_space<hbm>>) dst(%arg5 : memref<12288xf32, #tpu.memory_space<vmem>>)
    %dma_wait3A_1262 = arith.constant 0 : i32
    %dma_wait3A_1263 = tpu.memref_slice %arg3[%dma_wait3A_1262] : memref<6291456xf32, #tpu.memory_space<hbm>> -> memref<12288xf32, #tpu.memory_space<hbm>>
    %dma_wait3A_1264 = arith.constant 0 : i32
    %dma_wait3A_1265 = tpu.memref_slice %arg3[%dma_wait3A_1264] : memref<6291456xf32, #tpu.memory_space<hbm>> -> memref<12288xf32, #tpu.memory_space<hbm>>
    tpu.wait_dma2 semaphore(%arg15 : memref<!tpu.dma_semaphore, #tpu.memory_space<semaphore_mem>>) src(%dma_wait3A_1265 : memref<12288xf32, #tpu.memory_space<hbm>>) dst(%arg5 : memref<12288xf32, #tpu.memory_space<vmem>>)
    %dma_wait3A_1266 = tpu.memref_slice %arg2[%mul3A_1162] : memref<25165824xf32, #tpu.memory_space<hbm>> -> memref<12288xf32, #tpu.memory_space<hbm>>
    %dma_wait3A_1267 = tpu.memref_slice %arg2[%mul3A_1162] : memref<25165824xf32, #tpu.memory_space<hbm>> -> memref<12288xf32, #tpu.memory_space<hbm>>
    tpu.wait_dma2 semaphore(%arg15 : memref<!tpu.dma_semaphore, #tpu.memory_space<semaphore_mem>>) src(%dma_wait3A_1267 : memref<12288xf32, #tpu.memory_space<hbm>>) dst(%arg9 : memref<12288xf32, #tpu.memory_space<vmem>>)
    %parallel_loop3A_1268 = arith.constant 0 : i32
    %parallel_loop3A_1269 = arith.constant 12288 : i32
    %parallel_loop3A_1270 = arith.constant 16 : i32
    scf.for %parallel_loop3A_1360 = %parallel_loop3A_1268 to %parallel_loop3A_1269 step %parallel_loop3A_1270  : i32 {
      %parallel_loop3A_1361 = arith.index_cast %parallel_loop3A_1360 : i32 to index
      %parallel_loop3A_1362 = tpu.vector_load %arg5[%parallel_loop3A_1361] {strides = array<i32>} : memref<12288xf32, #tpu.memory_space<vmem>>, vector<16xf32>,
      %parallel_loop3A_1363 = vector.shape_cast %parallel_loop3A_1362 : vector<16xf32> to vector<16xf32>
      %parallel_loop3A_1364 = arith.index_cast %parallel_loop3A_1360 : i32 to index
      %parallel_loop3A_1365 = tpu.vector_load %arg6[%parallel_loop3A_1364] {strides = array<i32>} : memref<12288xf32, #tpu.memory_space<vmem>>, vector<16xf32>,
      %parallel_loop3A_1366 = vector.shape_cast %parallel_loop3A_1365 : vector<16xf32> to vector<16xf32>
      %parallel_loop3A_1367 = arith.addf %parallel_loop3A_1366, %parallel_loop3A_1363 : vector<16xf32>
      %parallel_loop3A_1368 = arith.index_cast %parallel_loop3A_1360 : i32 to index
      %parallel_loop3A_1369 = tpu.vector_load %arg6[%parallel_loop3A_1368] {strides = array<i32>} : memref<12288xf32, #tpu.memory_space<vmem>>, vector<16xf32>,
      %parallel_loop3A_1370 = vector.shape_cast %parallel_loop3A_1369 : vector<16xf32> to vector<16xf32>
      %parallel_loop3A_1371 = vector.shape_cast %parallel_loop3A_1367 : vector<16xf32> to vector<16xf32>
      tpu.vector_store %arg6[%parallel_loop3A_1368], %parallel_loop3A_1371 {strides = array<i32>} : memref<12288xf32, #tpu.memory_space<vmem>>, vector<16xf32>,
      %parallel_loop3A_1372 = arith.index_cast %parallel_loop3A_1360 : i32 to index
      %parallel_loop3A_1373 = tpu.vector_load %arg7[%parallel_loop3A_1372] {strides = array<i32>} : memref<12288xf32, #tpu.memory_space<vmem>>, vector<16xf32>,
      %parallel_loop3A_1374 = vector.shape_cast %parallel_loop3A_1373 : vector<16xf32> to vector<16xf32>
      %parallel_loop3A_1375 = arith.addf %parallel_loop3A_1374, %parallel_loop3A_1363 : vector<16xf32>
      %parallel_loop3A_1376 = arith.index_cast %parallel_loop3A_1360 : i32 to index
      %parallel_loop3A_1377 = tpu.vector_load %arg7[%parallel_loop3A_1376] {strides = array<i32>} : memref<12288xf32, #tpu.memory_space<vmem>>, vector<16xf32>,
      %parallel_loop3A_1378 = vector.shape_cast %parallel_loop3A_1377 : vector<16xf32> to vector<16xf32>
      %parallel_loop3A_1379 = vector.shape_cast %parallel_loop3A_1375 : vector<16xf32> to vector<16xf32>
      tpu.vector_store %arg7[%parallel_loop3A_1376], %parallel_loop3A_1379 {strides = array<i32>} : memref<12288xf32, #tpu.memory_space<vmem>>, vector<16xf32>,
      %parallel_loop3A_1380 = arith.index_cast %parallel_loop3A_1360 : i32 to index
      %parallel_loop3A_1381 = tpu.vector_load %arg8[%parallel_loop3A_1380] {strides = array<i32>} : memref<12288xf32, #tpu.memory_space<vmem>>, vector<16xf32>,
      %parallel_loop3A_1382 = vector.shape_cast %parallel_loop3A_1381 : vector<16xf32> to vector<16xf32>
      %parallel_loop3A_1383 = arith.addf %parallel_loop3A_1382, %parallel_loop3A_1363 : vector<16xf32>
      %parallel_loop3A_1384 = arith.index_cast %parallel_loop3A_1360 : i32 to index
      %parallel_loop3A_1385 = tpu.vector_load %arg8[%parallel_loop3A_1384] {strides = array<i32>} : memref<12288xf32, #tpu.memory_space<vmem>>, vector<16xf32>,
      %parallel_loop3A_1386 = vector.shape_cast %parallel_loop3A_1385 : vector<16xf32> to vector<16xf32>
      %parallel_loop3A_1387 = vector.shape_cast %parallel_loop3A_1383 : vector<16xf32> to vector<16xf32>
      tpu.vector_store %arg8[%parallel_loop3A_1384], %parallel_loop3A_1387 {strides = array<i32>} : memref<12288xf32, #tpu.memory_space<vmem>>, vector<16xf32>,
      %parallel_loop3A_1388 = arith.index_cast %parallel_loop3A_1360 : i32 to index
      %parallel_loop3A_1389 = tpu.vector_load %arg9[%parallel_loop3A_1388] {strides = array<i32>} : memref<12288xf32, #tpu.memory_space<vmem>>, vector<16xf32>,
      %parallel_loop3A_1390 = vector.shape_cast %parallel_loop3A_1389 : vector<16xf32> to vector<16xf32>
      %parallel_loop3A_1391 = arith.addf %parallel_loop3A_1390, %parallel_loop3A_1363 : vector<16xf32>
      %parallel_loop3A_1392 = arith.index_cast %parallel_loop3A_1360 : i32 to index
      %parallel_loop3A_1393 = tpu.vector_load %arg9[%parallel_loop3A_1392] {strides = array<i32>} : memref<12288xf32, #tpu.memory_space<vmem>>, vector<16xf32>,
      %parallel_loop3A_1394 = vector.shape_cast %parallel_loop3A_1393 : vector<16xf32> to vector<16xf32>
      %parallel_loop3A_1395 = vector.shape_cast %parallel_loop3A_1391 : vector<16xf32> to vector<16xf32>
      tpu.vector_store %arg9[%parallel_loop3A_1392], %parallel_loop3A_1395 {strides = array<i32>} : memref<12288xf32, #tpu.memory_space<vmem>>, vector<16xf32>,
    } {sc.loop_unroll_factor = 4 : i64, sc.parallel_access}
    %add3A_1271 = arith.constant 224 : i32
    %add3A_1272 = arith.addi %mul3A_2, %add3A_1271 : i32
    %add3A_1273 = arith.constant 0 : i32
    %add3A_1274 = arith.addi %add3A_1273, %add3A_1272 : i32
    %mul3A_1275 = arith.constant 768 : i32
    %mul3A_1276 = arith.muli %add3A_1274, %mul3A_1275 : i32
    %dma_start3A_1277 = tpu.memref_slice %arg4[%mul3A_1276] : memref<25165824xf32, #tpu.memory_space<hbm>> -> memref<12288xf32, #tpu.memory_space<hbm>>
    %dma_start3A_1278 = tpu.memref_slice %arg4[%mul3A_1276] : memref<25165824xf32, #tpu.memory_space<hbm>> -> memref<12288xf32, #tpu.memory_space<hbm>>
    tpu.enqueue_dma source(%arg6 : memref<12288xf32, #tpu.memory_space<vmem>>) target(%dma_start3A_1278 : memref<12288xf32, #tpu.memory_space<hbm>>) target_semaphore(%arg17 : memref<!tpu.dma_semaphore, #tpu.memory_space<semaphore_mem>>)
    %add3A_1279 = arith.constant 8192 : i32
    %add3A_1280 = arith.addi %add3A_1279, %add3A_1272 : i32
    %mul3A_1281 = arith.constant 768 : i32
    %mul3A_1282 = arith.muli %add3A_1280, %mul3A_1281 : i32
    %dma_start3A_1283 = tpu.memref_slice %arg4[%mul3A_1282] : memref<25165824xf32, #tpu.memory_space<hbm>> -> memref<12288xf32, #tpu.memory_space<hbm>>
    %dma_start3A_1284 = tpu.memref_slice %arg4[%mul3A_1282] : memref<25165824xf32, #tpu.memory_space<hbm>> -> memref<12288xf32, #tpu.memory_space<hbm>>
    tpu.enqueue_dma source(%arg7 : memref<12288xf32, #tpu.memory_space<vmem>>) target(%dma_start3A_1284 : memref<12288xf32, #tpu.memory_space<hbm>>) target_semaphore(%arg17 : memref<!tpu.dma_semaphore, #tpu.memory_space<semaphore_mem>>)
    %add3A_1285 = arith.constant 16384 : i32
    %add3A_1286 = arith.addi %add3A_1285, %add3A_1272 : i32
    %mul3A_1287 = arith.constant 768 : i32
    %mul3A_1288 = arith.muli %add3A_1286, %mul3A_1287 : i32
    %dma_start3A_1289 = tpu.memref_slice %arg4[%mul3A_1288] : memref<25165824xf32, #tpu.memory_space<hbm>> -> memref<12288xf32, #tpu.memory_space<hbm>>
    %dma_start3A_1290 = tpu.memref_slice %arg4[%mul3A_1288] : memref<25165824xf32, #tpu.memory_space<hbm>> -> memref<12288xf32, #tpu.memory_space<hbm>>
    tpu.enqueue_dma source(%arg8 : memref<12288xf32, #tpu.memory_space<vmem>>) target(%dma_start3A_1290 : memref<12288xf32, #tpu.memory_space<hbm>>) target_semaphore(%arg17 : memref<!tpu.dma_semaphore, #tpu.memory_space<semaphore_mem>>)
    %add3A_1291 = arith.constant 24576 : i32
    %add3A_1292 = arith.addi %add3A_1291, %add3A_1272 : i32
    %mul3A_1293 = arith.constant 768 : i32
    %mul3A_1294 = arith.muli %add3A_1292, %mul3A_1293 : i32
    %dma_start3A_1295 = tpu.memref_slice %arg4[%mul3A_1294] : memref<25165824xf32, #tpu.memory_space<hbm>> -> memref<12288xf32, #tpu.memory_space<hbm>>
    %dma_start3A_1296 = tpu.memref_slice %arg4[%mul3A_1294] : memref<25165824xf32, #tpu.memory_space<hbm>> -> memref<12288xf32, #tpu.memory_space<hbm>>
    tpu.enqueue_dma source(%arg9 : memref<12288xf32, #tpu.memory_space<vmem>>) target(%dma_start3A_1296 : memref<12288xf32, #tpu.memory_space<hbm>>) target_semaphore(%arg17 : memref<!tpu.dma_semaphore, #tpu.memory_space<semaphore_mem>>)
    %dma_wait3A_1297 = arith.constant 0 : i32
    %dma_wait3A_1298 = tpu.memref_slice %arg3[%dma_wait3A_1297] : memref<6291456xf32, #tpu.memory_space<hbm>> -> memref<12288xf32, #tpu.memory_space<hbm>>
    %dma_wait3A_1299 = arith.constant 0 : i32
    %dma_wait3A_1300 = tpu.memref_slice %arg3[%dma_wait3A_1299] : memref<6291456xf32, #tpu.memory_space<hbm>> -> memref<12288xf32, #tpu.memory_space<hbm>>
    tpu.wait_dma2 semaphore(%arg16 : memref<!tpu.dma_semaphore, #tpu.memory_space<semaphore_mem>>) src(%dma_wait3A_1300 : memref<12288xf32, #tpu.memory_space<hbm>>) dst(%arg10 : memref<12288xf32, #tpu.memory_space<vmem>>)
    %dma_wait3A_1301 = arith.constant 0 : i32
    %dma_wait3A_1302 = tpu.memref_slice %arg3[%dma_wait3A_1301] : memref<6291456xf32, #tpu.memory_space<hbm>> -> memref<12288xf32, #tpu.memory_space<hbm>>
    %dma_wait3A_1303 = arith.constant 0 : i32
    %dma_wait3A_1304 = tpu.memref_slice %arg3[%dma_wait3A_1303] : memref<6291456xf32, #tpu.memory_space<hbm>> -> memref<12288xf32, #tpu.memory_space<hbm>>
    tpu.wait_dma2 semaphore(%arg16 : memref<!tpu.dma_semaphore, #tpu.memory_space<semaphore_mem>>) src(%dma_wait3A_1304 : memref<12288xf32, #tpu.memory_space<hbm>>) dst(%arg10 : memref<12288xf32, #tpu.memory_space<vmem>>)
    %dma_wait3A_1305 = arith.constant 0 : i32
    %dma_wait3A_1306 = tpu.memref_slice %arg3[%dma_wait3A_1305] : memref<6291456xf32, #tpu.memory_space<hbm>> -> memref<12288xf32, #tpu.memory_space<hbm>>
    %dma_wait3A_1307 = arith.constant 0 : i32
    %dma_wait3A_1308 = tpu.memref_slice %arg3[%dma_wait3A_1307] : memref<6291456xf32, #tpu.memory_space<hbm>> -> memref<12288xf32, #tpu.memory_space<hbm>>
    tpu.wait_dma2 semaphore(%arg16 : memref<!tpu.dma_semaphore, #tpu.memory_space<semaphore_mem>>) src(%dma_wait3A_1308 : memref<12288xf32, #tpu.memory_space<hbm>>) dst(%arg10 : memref<12288xf32, #tpu.memory_space<vmem>>)
    %dma_wait3A_1309 = arith.constant 0 : i32
    %dma_wait3A_1310 = tpu.memref_slice %arg3[%dma_wait3A_1309] : memref<6291456xf32, #tpu.memory_space<hbm>> -> memref<12288xf32, #tpu.memory_space<hbm>>
    %dma_wait3A_1311 = arith.constant 0 : i32
    %dma_wait3A_1312 = tpu.memref_slice %arg3[%dma_wait3A_1311] : memref<6291456xf32, #tpu.memory_space<hbm>> -> memref<12288xf32, #tpu.memory_space<hbm>>
    tpu.wait_dma2 semaphore(%arg16 : memref<!tpu.dma_semaphore, #tpu.memory_space<semaphore_mem>>) src(%dma_wait3A_1312 : memref<12288xf32, #tpu.memory_space<hbm>>) dst(%arg10 : memref<12288xf32, #tpu.memory_space<vmem>>)
    %dma_wait3A_1313 = tpu.memref_slice %arg2[%mul3A_1247] : memref<25165824xf32, #tpu.memory_space<hbm>> -> memref<12288xf32, #tpu.memory_space<hbm>>
    %dma_wait3A_1314 = tpu.memref_slice %arg2[%mul3A_1247] : memref<25165824xf32, #tpu.memory_space<hbm>> -> memref<12288xf32, #tpu.memory_space<hbm>>
    tpu.wait_dma2 semaphore(%arg16 : memref<!tpu.dma_semaphore, #tpu.memory_space<semaphore_mem>>) src(%dma_wait3A_1314 : memref<12288xf32, #tpu.memory_space<hbm>>) dst(%arg14 : memref<12288xf32, #tpu.memory_space<vmem>>)
    %parallel_loop3A_1315 = arith.constant 0 : i32
    %parallel_loop3A_1316 = arith.constant 12288 : i32
    %parallel_loop3A_1317 = arith.constant 16 : i32
    scf.for %parallel_loop3A_1360 = %parallel_loop3A_1315 to %parallel_loop3A_1316 step %parallel_loop3A_1317  : i32 {
      %parallel_loop3A_1361 = arith.index_cast %parallel_loop3A_1360 : i32 to index
      %parallel_loop3A_1362 = tpu.vector_load %arg10[%parallel_loop3A_1361] {strides = array<i32>} : memref<12288xf32, #tpu.memory_space<vmem>>, vector<16xf32>,
      %parallel_loop3A_1363 = vector.shape_cast %parallel_loop3A_1362 : vector<16xf32> to vector<16xf32>
      %parallel_loop3A_1364 = arith.index_cast %parallel_loop3A_1360 : i32 to index
      %parallel_loop3A_1365 = tpu.vector_load %arg11[%parallel_loop3A_1364] {strides = array<i32>} : memref<12288xf32, #tpu.memory_space<vmem>>, vector<16xf32>,
      %parallel_loop3A_1366 = vector.shape_cast %parallel_loop3A_1365 : vector<16xf32> to vector<16xf32>
      %parallel_loop3A_1367 = arith.addf %parallel_loop3A_1366, %parallel_loop3A_1363 : vector<16xf32>
      %parallel_loop3A_1368 = arith.index_cast %parallel_loop3A_1360 : i32 to index
      %parallel_loop3A_1369 = tpu.vector_load %arg11[%parallel_loop3A_1368] {strides = array<i32>} : memref<12288xf32, #tpu.memory_space<vmem>>, vector<16xf32>,
      %parallel_loop3A_1370 = vector.shape_cast %parallel_loop3A_1369 : vector<16xf32> to vector<16xf32>
      %parallel_loop3A_1371 = vector.shape_cast %parallel_loop3A_1367 : vector<16xf32> to vector<16xf32>
      tpu.vector_store %arg11[%parallel_loop3A_1368], %parallel_loop3A_1371 {strides = array<i32>} : memref<12288xf32, #tpu.memory_space<vmem>>, vector<16xf32>,
      %parallel_loop3A_1372 = arith.index_cast %parallel_loop3A_1360 : i32 to index
      %parallel_loop3A_1373 = tpu.vector_load %arg12[%parallel_loop3A_1372] {strides = array<i32>} : memref<12288xf32, #tpu.memory_space<vmem>>, vector<16xf32>,
      %parallel_loop3A_1374 = vector.shape_cast %parallel_loop3A_1373 : vector<16xf32> to vector<16xf32>
      %parallel_loop3A_1375 = arith.addf %parallel_loop3A_1374, %parallel_loop3A_1363 : vector<16xf32>
      %parallel_loop3A_1376 = arith.index_cast %parallel_loop3A_1360 : i32 to index
      %parallel_loop3A_1377 = tpu.vector_load %arg12[%parallel_loop3A_1376] {strides = array<i32>} : memref<12288xf32, #tpu.memory_space<vmem>>, vector<16xf32>,
      %parallel_loop3A_1378 = vector.shape_cast %parallel_loop3A_1377 : vector<16xf32> to vector<16xf32>
      %parallel_loop3A_1379 = vector.shape_cast %parallel_loop3A_1375 : vector<16xf32> to vector<16xf32>
      tpu.vector_store %arg12[%parallel_loop3A_1376], %parallel_loop3A_1379 {strides = array<i32>} : memref<12288xf32, #tpu.memory_space<vmem>>, vector<16xf32>,
      %parallel_loop3A_1380 = arith.index_cast %parallel_loop3A_1360 : i32 to index
      %parallel_loop3A_1381 = tpu.vector_load %arg13[%parallel_loop3A_1380] {strides = array<i32>} : memref<12288xf32, #tpu.memory_space<vmem>>, vector<16xf32>,
      %parallel_loop3A_1382 = vector.shape_cast %parallel_loop3A_1381 : vector<16xf32> to vector<16xf32>
      %parallel_loop3A_1383 = arith.addf %parallel_loop3A_1382, %parallel_loop3A_1363 : vector<16xf32>
      %parallel_loop3A_1384 = arith.index_cast %parallel_loop3A_1360 : i32 to index
      %parallel_loop3A_1385 = tpu.vector_load %arg13[%parallel_loop3A_1384] {strides = array<i32>} : memref<12288xf32, #tpu.memory_space<vmem>>, vector<16xf32>,
      %parallel_loop3A_1386 = vector.shape_cast %parallel_loop3A_1385 : vector<16xf32> to vector<16xf32>
      %parallel_loop3A_1387 = vector.shape_cast %parallel_loop3A_1383 : vector<16xf32> to vector<16xf32>
      tpu.vector_store %arg13[%parallel_loop3A_1384], %parallel_loop3A_1387 {strides = array<i32>} : memref<12288xf32, #tpu.memory_space<vmem>>, vector<16xf32>,
      %parallel_loop3A_1388 = arith.index_cast %parallel_loop3A_1360 : i32 to index
      %parallel_loop3A_1389 = tpu.vector_load %arg14[%parallel_loop3A_1388] {strides = array<i32>} : memref<12288xf32, #tpu.memory_space<vmem>>, vector<16xf32>,
      %parallel_loop3A_1390 = vector.shape_cast %parallel_loop3A_1389 : vector<16xf32> to vector<16xf32>
      %parallel_loop3A_1391 = arith.addf %parallel_loop3A_1390, %parallel_loop3A_1363 : vector<16xf32>
      %parallel_loop3A_1392 = arith.index_cast %parallel_loop3A_1360 : i32 to index
      %parallel_loop3A_1393 = tpu.vector_load %arg14[%parallel_loop3A_1392] {strides = array<i32>} : memref<12288xf32, #tpu.memory_space<vmem>>, vector<16xf32>,
      %parallel_loop3A_1394 = vector.shape_cast %parallel_loop3A_1393 : vector<16xf32> to vector<16xf32>
      %parallel_loop3A_1395 = vector.shape_cast %parallel_loop3A_1391 : vector<16xf32> to vector<16xf32>
      tpu.vector_store %arg14[%parallel_loop3A_1392], %parallel_loop3A_1395 {strides = array<i32>} : memref<12288xf32, #tpu.memory_space<vmem>>, vector<16xf32>,
    } {sc.loop_unroll_factor = 4 : i64, sc.parallel_access}
    %add3A_1318 = arith.constant 240 : i32
    %add3A_1319 = arith.addi %mul3A_2, %add3A_1318 : i32
    %add3A_1320 = arith.constant 0 : i32
    %add3A_1321 = arith.addi %add3A_1320, %add3A_1319 : i32
    %mul3A_1322 = arith.constant 768 : i32
    %mul3A_1323 = arith.muli %add3A_1321, %mul3A_1322 : i32
    %dma_start3A_1324 = tpu.memref_slice %arg4[%mul3A_1323] : memref<25165824xf32, #tpu.memory_space<hbm>> -> memref<12288xf32, #tpu.memory_space<hbm>>
    %dma_start3A_1325 = tpu.memref_slice %arg4[%mul3A_1323] : memref<25165824xf32, #tpu.memory_space<hbm>> -> memref<12288xf32, #tpu.memory_space<hbm>>
    tpu.enqueue_dma source(%arg11 : memref<12288xf32, #tpu.memory_space<vmem>>) target(%dma_start3A_1325 : memref<12288xf32, #tpu.memory_space<hbm>>) target_semaphore(%arg18 : memref<!tpu.dma_semaphore, #tpu.memory_space<semaphore_mem>>)
    %add3A_1326 = arith.constant 8192 : i32
    %add3A_1327 = arith.addi %add3A_1326, %add3A_1319 : i32
    %mul3A_1328 = arith.constant 768 : i32
    %mul3A_1329 = arith.muli %add3A_1327, %mul3A_1328 : i32
    %dma_start3A_1330 = tpu.memref_slice %arg4[%mul3A_1329] : memref<25165824xf32, #tpu.memory_space<hbm>> -> memref<12288xf32, #tpu.memory_space<hbm>>
    %dma_start3A_1331 = tpu.memref_slice %arg4[%mul3A_1329] : memref<25165824xf32, #tpu.memory_space<hbm>> -> memref<12288xf32, #tpu.memory_space<hbm>>
    tpu.enqueue_dma source(%arg12 : memref<12288xf32, #tpu.memory_space<vmem>>) target(%dma_start3A_1331 : memref<12288xf32, #tpu.memory_space<hbm>>) target_semaphore(%arg18 : memref<!tpu.dma_semaphore, #tpu.memory_space<semaphore_mem>>)
    %add3A_1332 = arith.constant 16384 : i32
    %add3A_1333 = arith.addi %add3A_1332, %add3A_1319 : i32
    %mul3A_1334 = arith.constant 768 : i32
    %mul3A_1335 = arith.muli %add3A_1333, %mul3A_1334 : i32
    %dma_start3A_1336 = tpu.memref_slice %arg4[%mul3A_1335] : memref<25165824xf32, #tpu.memory_space<hbm>> -> memref<12288xf32, #tpu.memory_space<hbm>>
    %dma_start3A_1337 = tpu.memref_slice %arg4[%mul3A_1335] : memref<25165824xf32, #tpu.memory_space<hbm>> -> memref<12288xf32, #tpu.memory_space<hbm>>
    tpu.enqueue_dma source(%arg13 : memref<12288xf32, #tpu.memory_space<vmem>>) target(%dma_start3A_1337 : memref<12288xf32, #tpu.memory_space<hbm>>) target_semaphore(%arg18 : memref<!tpu.dma_semaphore, #tpu.memory_space<semaphore_mem>>)
    %add3A_1338 = arith.constant 24576 : i32
    %add3A_1339 = arith.addi %add3A_1338, %add3A_1319 : i32
    %mul3A_1340 = arith.constant 768 : i32
    %mul3A_1341 = arith.muli %add3A_1339, %mul3A_1340 : i32
    %dma_start3A_1342 = tpu.memref_slice %arg4[%mul3A_1341] : memref<25165824xf32, #tpu.memory_space<hbm>> -> memref<12288xf32, #tpu.memory_space<hbm>>
    %dma_start3A_1343 = tpu.memref_slice %arg4[%mul3A_1341] : memref<25165824xf32, #tpu.memory_space<hbm>> -> memref<12288xf32, #tpu.memory_space<hbm>>
    tpu.enqueue_dma source(%arg14 : memref<12288xf32, #tpu.memory_space<vmem>>) target(%dma_start3A_1343 : memref<12288xf32, #tpu.memory_space<hbm>>) target_semaphore(%arg18 : memref<!tpu.dma_semaphore, #tpu.memory_space<semaphore_mem>>)
    %dma_wait3A_1344 = tpu.memref_slice %arg4[%mul3A_1276] : memref<25165824xf32, #tpu.memory_space<hbm>> -> memref<12288xf32, #tpu.memory_space<hbm>>
    %dma_wait3A_1345 = tpu.memref_slice %arg4[%mul3A_1276] : memref<25165824xf32, #tpu.memory_space<hbm>> -> memref<12288xf32, #tpu.memory_space<hbm>>
    tpu.wait_dma2 semaphore(%arg17 : memref<!tpu.dma_semaphore, #tpu.memory_space<semaphore_mem>>) src(%arg6 : memref<12288xf32, #tpu.memory_space<vmem>>) dst(%dma_wait3A_1345 : memref<12288xf32, #tpu.memory_space<hbm>>)
    %dma_wait3A_1346 = tpu.memref_slice %arg4[%mul3A_1282] : memref<25165824xf32, #tpu.memory_space<hbm>> -> memref<12288xf32, #tpu.memory_space<hbm>>
    %dma_wait3A_1347 = tpu.memref_slice %arg4[%mul3A_1282] : memref<25165824xf32, #tpu.memory_space<hbm>> -> memref<12288xf32, #tpu.memory_space<hbm>>
    tpu.wait_dma2 semaphore(%arg17 : memref<!tpu.dma_semaphore, #tpu.memory_space<semaphore_mem>>) src(%arg7 : memref<12288xf32, #tpu.memory_space<vmem>>) dst(%dma_wait3A_1347 : memref<12288xf32, #tpu.memory_space<hbm>>)
    %dma_wait3A_1348 = tpu.memref_slice %arg4[%mul3A_1288] : memref<25165824xf32, #tpu.memory_space<hbm>> -> memref<12288xf32, #tpu.memory_space<hbm>>
    %dma_wait3A_1349 = tpu.memref_slice %arg4[%mul3A_1288] : memref<25165824xf32, #tpu.memory_space<hbm>> -> memref<12288xf32, #tpu.memory_space<hbm>>
    tpu.wait_dma2 semaphore(%arg17 : memref<!tpu.dma_semaphore, #tpu.memory_space<semaphore_mem>>) src(%arg8 : memref<12288xf32, #tpu.memory_space<vmem>>) dst(%dma_wait3A_1349 : memref<12288xf32, #tpu.memory_space<hbm>>)
    %dma_wait3A_1350 = tpu.memref_slice %arg4[%mul3A_1294] : memref<25165824xf32, #tpu.memory_space<hbm>> -> memref<12288xf32, #tpu.memory_space<hbm>>
    %dma_wait3A_1351 = tpu.memref_slice %arg4[%mul3A_1294] : memref<25165824xf32, #tpu.memory_space<hbm>> -> memref<12288xf32, #tpu.memory_space<hbm>>
    tpu.wait_dma2 semaphore(%arg17 : memref<!tpu.dma_semaphore, #tpu.memory_space<semaphore_mem>>) src(%arg9 : memref<12288xf32, #tpu.memory_space<vmem>>) dst(%dma_wait3A_1351 : memref<12288xf32, #tpu.memory_space<hbm>>)
    %dma_wait3A_1352 = tpu.memref_slice %arg4[%mul3A_1323] : memref<25165824xf32, #tpu.memory_space<hbm>> -> memref<12288xf32, #tpu.memory_space<hbm>>
    %dma_wait3A_1353 = tpu.memref_slice %arg4[%mul3A_1323] : memref<25165824xf32, #tpu.memory_space<hbm>> -> memref<12288xf32, #tpu.memory_space<hbm>>
    tpu.wait_dma2 semaphore(%arg18 : memref<!tpu.dma_semaphore, #tpu.memory_space<semaphore_mem>>) src(%arg11 : memref<12288xf32, #tpu.memory_space<vmem>>) dst(%dma_wait3A_1353 : memref<12288xf32, #tpu.memory_space<hbm>>)
    %dma_wait3A_1354 = tpu.memref_slice %arg4[%mul3A_1329] : memref<25165824xf32, #tpu.memory_space<hbm>> -> memref<12288xf32, #tpu.memory_space<hbm>>
    %dma_wait3A_1355 = tpu.memref_slice %arg4[%mul3A_1329] : memref<25165824xf32, #tpu.memory_space<hbm>> -> memref<12288xf32, #tpu.memory_space<hbm>>
    tpu.wait_dma2 semaphore(%arg18 : memref<!tpu.dma_semaphore, #tpu.memory_space<semaphore_mem>>) src(%arg12 : memref<12288xf32, #tpu.memory_space<vmem>>) dst(%dma_wait3A_1355 : memref<12288xf32, #tpu.memory_space<hbm>>)
    %dma_wait3A_1356 = tpu.memref_slice %arg4[%mul3A_1335] : memref<25165824xf32, #tpu.memory_space<hbm>> -> memref<12288xf32, #tpu.memory_space<hbm>>
    %dma_wait3A_1357 = tpu.memref_slice %arg4[%mul3A_1335] : memref<25165824xf32, #tpu.memory_space<hbm>> -> memref<12288xf32, #tpu.memory_space<hbm>>
    tpu.wait_dma2 semaphore(%arg18 : memref<!tpu.dma_semaphore, #tpu.memory_space<semaphore_mem>>) src(%arg13 : memref<12288xf32, #tpu.memory_space<vmem>>) dst(%dma_wait3A_1357 : memref<12288xf32, #tpu.memory_space<hbm>>)
    %dma_wait3A_1358 = tpu.memref_slice %arg4[%mul3A_1341] : memref<25165824xf32, #tpu.memory_space<hbm>> -> memref<12288xf32, #tpu.memory_space<hbm>>
    %dma_wait3A_1359 = tpu.memref_slice %arg4[%mul3A_1341] : memref<25165824xf32, #tpu.memory_space<hbm>> -> memref<12288xf32, #tpu.memory_space<hbm>>
    tpu.wait_dma2 semaphore(%arg18 : memref<!tpu.dma_semaphore, #tpu.memory_space<semaphore_mem>>) src(%arg14 : memref<12288xf32, #tpu.memory_space<vmem>>) dst(%dma_wait3A_1359 : memref<12288xf32, #tpu.memory_space<hbm>>)
    return
  }
}

</mosaic_0001>

<sc_bundles>
// kernel: kernel.3.cloned.1.call-start
scs
__scs_entry_jumppad:
0x0: {  	(pc) =	sbr.rel $0x88, $3  }
0x1: {  	(tag) =	ssettag $0x0;
	lr =	simm.s32 $0x1  }
0x2: {  	[smem:$0x3F9F] =	sst lr;
	_ =	strace $0xD0000000  }
0x3: {  	_ = 	snop  }
0x4: {  	_ = 	snop  }
0x5: {  	_ = 	snop  }
0x6: {  	_ = 	snop  }
0x7: {  	_ = 	snop  }
__scs_overlays_trampoline_lowered:
0x8: {  	[smem:$0x3FAE] =	sst s0  }
0x9: {  	[smem:$0x3FAF] =	sst s1  }
0xa: {  	[smem:$0x3FB0] =	sst s2  }
0xb: {  	[smem:$0x3FB1] =	sst s3  }
0xc: {  	[smem:$0x3FB2] =	sst s4  }
0xd: {  	[smem:$0x3FB3] =	sst s5  }
0xe: {  	[smem:$0x3FB4] =	sst s6  }
0xf: {  	[smem:$0x3FB5] =	sst s7  }
0x10: {  	[smem:$0x3FB6] =	sst s8  }
0x11: {  	[smem:$0x3FB7] =	sst s9;
	s0 =	simm.s32 @!p0 $0x0  }
0x12: {  	s1 =	sld [smem:$0x3F9D];
	s0 =	simm.s32 @p0 $0x1  }
0x13: {  	[smem:$0x3FB8] =	sst s0;
	s0 =	simm.s32 @!p1 $0x0  }
0x14: {  	s2 =	sld [smem:$0x3F9C];
	s0 =	simm.s32 @p1 $0x1  }
0x15: {  	[smem:$0x3FB9] =	sst s0;
	s0 =	simm.s32 @!p2 $0x0  }
0x16: {  	s3 =	sld [smem:$0x3FDB];
	s0 =	simm.s32 @p2 $0x1  }
0x17: {  	s4 =	simm.s32 $0x1BF5;
	[smem:$0x3FBB] =	sst s0  }
0x18: {  	s0 =	sld [smem:$0x3F9E];
	_ =	swait.ge [sflag:s4], $0x0  }
0x19: {  	s7 =	sld [smem:$0x3F9F]  }
0x1a: {  	s8 =	sadd.s32 $0xFFFFE003, lr  }
0x1b: {  	s9 =	sadd.s32 $0xFFFFFEF7, lr;
	s5 =	simm.s32 $0xFFFFFFFF;
	p2 =	slt.u32 s8, $0xFFFFF086  }
0x1c: {  	p1 =	slt.u32 s9, $0xF7A;
	s5 =	simm.s32 @!p2 $0x0  }
0x1d: {  	s5 =	simm.s32 @p1 $0x1;
	p0 =	seq.s32 s7, s2  }
0x1e: {  	s7 =	smul.u32 @!p0 $0xF7A, s2;
	p2 =	seq.s32 @!p0 s5, $0x0  }
0x1f: {  	s9 =	smul.u32 $0xF7A, s1;
	s8 =	simm.s32 @!p0 $0x1BF5;
	p2 =	por !p2, p0  }
0x20: {  	[sflag:s8] =	ssyncset.s32 @!p0 $0xFFFFF086;
	s6 =	sadd.s32 @!p0 s3, s7;
	s7 =	simm.s32 @!p0 $0x108  }
0x21: {  	s3 =	sadd.s32 s3, s9;
	s6 =	sadd.s32 @!p0 $0x88, s6;
	s7 =	simm.s32 @p2 $0x1082  }
0x22: {  	[simem:s7], [sflag:s8] =	dma.local @!p0 [hbm:s6], $0xF7A  }
0x23: {  	s9 =	sor.u32 $0xD0000000, s2;
	s6 =	simm.s32 $0x108;
	_ =	swait.ge @!p0 [sflag:s8], $0x0  }
0x24: {  	s3 =	sadd.s32 $0x88, s3;
	s6 =	simm.s32 @!p1 $0x1082;
	[sflag:s4] =	ssyncset.s32 $0xFFFFF086  }
0x25: {  	[simem:s6], [sflag:s4] =	dma.local [hbm:s3], $0xF7A  }
0x26: {  	[smem:$0x3F9F] =	sst s1;
	(tag) =	ssettag s2;
	_ =	strace s9  }
0x27: {  	s1 =	sld [smem:$0x3FAF]  }
0x28: {  	s2 =	sld [smem:$0x3FB0]  }
0x29: {  	s4 =	sld [smem:$0x3FB2]  }
0x2a: {  	p0 =	seq.s32 s5, $0x0;
	s5 =	sld [smem:$0x3FB3]  }
0x2b: {  	s6 =	sld [smem:$0x3FB4]  }
0x2c: {  	s7 =	sld [smem:$0x3FB5]  }
0x2d: {  	s3 =	simm.s32 $0x108;
	s8 =	sld [smem:$0x3FB6]  }
0x2e: {  	s3 =	simm.s32 @!p0 $0x1082;
	s9 =	sld [smem:$0x3FB7]  }
0x2f: {  	lr =	sadd.s32 s0, s3;
	s0 =	sld [smem:$0x3FAE]  }
0x30: {  	s3 =	sld [smem:$0x3FB1]  }
0x31: {  	[smem:$0x3FBA] =	sst s10  }
0x32: {  	s10 =	sld [smem:$0x3FB8];
	_ =	sdelay $0x3  }
0x33: {  	p0 =	seq.s32 s10, $0x1;
	s10 =	sld [smem:$0x3FBA];
	_ =	sdelay $0x3  }
0x34: {  	[smem:$0x3FBA] =	sst s10  }
0x35: {  	s10 =	sld [smem:$0x3FB9];
	_ =	sdelay $0x3  }
0x36: {  	p1 =	seq.s32 s10, $0x1;
	s10 =	sld [smem:$0x3FBA];
	_ =	sdelay $0x3  }
0x37: {  	[smem:$0x3FBA] =	sst s10  }
0x38: {  	s10 =	sld [smem:$0x3FBB]  }
0x39: {  	_ = 	snop;
	(pc) =	sbr.ind lr, $3  }
0x3a: {  	_ = 	snop  }
0x3b: {  	_ = 	snop  }
0x3c: {  	p2 =	seq.s32 s10, $0x1;
	s10 =	sld [smem:$0x3FBA]  }
0x3d: {  	_ =	shalt  }
0x3e: {  	_ =	shalt  }
0x3f: {  	_ =	shalt  }
0x40: {  	_ =	shalt  }
0x41: {  	_ =	shalt  }
0x42: {  	_ =	shalt  }
0x43: {  	_ =	shalt  }
0x44: {  	_ =	shalt  }
0x45: {  	_ =	shalt  }
0x46: {  	_ =	shalt  }
0x47: {  	_ =	shalt  }
0x48: {  	_ =	shalt  }
0x49: {  	_ =	shalt  }
0x4a: {  	_ =	shalt  }
0x4b: {  	_ =	shalt  }
0x4c: {  	_ =	shalt  }
0x4d: {  	_ =	shalt  }
0x4e: {  	_ =	shalt  }
0x4f: {  	_ =	shalt  }
0x50: {  	_ =	shalt  }
0x51: {  	_ =	shalt  }
0x52: {  	_ =	shalt  }
0x53: {  	_ =	shalt  }
0x54: {  	_ =	shalt  }
0x55: {  	_ =	shalt  }
0x56: {  	_ =	shalt  }
0x57: {  	_ =	shalt  }
0x58: {  	_ =	shalt  }
0x59: {  	_ =	shalt  }
0x5a: {  	_ =	shalt  }
0x5b: {  	_ =	shalt  }
0x5c: {  	_ =	shalt  }
0x5d: {  	_ =	shalt  }
0x5e: {  	_ =	shalt  }
0x5f: {  	_ =	shalt  }
0x60: {  	_ =	shalt  }
0x61: {  	_ =	shalt  }
0x62: {  	_ =	shalt  }
0x63: {  	_ =	shalt  }
0x64: {  	_ =	shalt  }
0x65: {  	_ =	shalt  }
0x66: {  	_ =	shalt  }
0x67: {  	_ =	shalt  }
0x68: {  	_ =	shalt  }
0x69: {  	_ =	shalt  }
0x6a: {  	_ =	shalt  }
0x6b: {  	_ =	shalt  }
0x6c: {  	_ =	shalt  }
0x6d: {  	_ =	shalt  }
0x6e: {  	_ =	shalt  }
0x6f: {  	_ =	shalt  }
0x70: {  	_ =	shalt  }
0x71: {  	_ =	shalt  }
0x72: {  	_ =	shalt  }
0x73: {  	_ =	shalt  }
0x74: {  	_ =	shalt  }
0x75: {  	_ =	shalt  }
0x76: {  	_ =	shalt  }
0x77: {  	_ =	shalt  }
0x78: {  	_ =	shalt  }
0x79: {  	_ =	shalt  }
0x7a: {  	_ =	shalt  }
0x7b: {  	_ =	shalt  }
0x7c: {  	_ =	shalt  }
0x7d: {  	_ =	shalt  }
0x7e: {  	_ =	shalt  }
0x7f: {  	_ =	shalt  }
0x80: {  	_ =	shalt  }
0x81: {  	_ =	shalt  }
0x82: {  	_ =	shalt  }
0x83: {  	_ =	shalt  }
0x84: {  	_ =	shalt  }
0x85: {  	_ =	shalt  }
0x86: {  	_ =	shalt  }
0x87: {  	_ =	shalt  }
.Lfunc_end0:
.L_simem_size_0:
called_computation_lowered:
.L_overlay_start_0:
0x88: {  	s2 =	sld [smem:$0x3FD9]  }
0x89: {  	s3 =	sld [smem:$0x3FFE];
	_ =	sdelay $0x1  }
0x8a: {  	s1 =	srdreg.scid  }
0x8b: {  	s0 =	sand.u32 $0x1, s1  }
0x8c: {  	s17 =	sshll.u32 s0, $0xA;
	s2 =	sadd.s32 s3, s2  }
0x8d: {  	s2 =	sadd.s32 s2, s17  }
0x8e: {  	[smem:$0x3FC6] =	sst s2  }
0x8f: {  	_ = 	snop  }
0x90: {  	s2 =	sld [smem:$0x3FD0];
	(tm) =	ssettm $0x1  }
0x91: {  	s18 =	sld [smem:$0x3FFB];
	_ =	sdelay $0x3  }
0x92: {  	_ =	strace s18  }
0x93: {  	s3 =	sld [smem:$0x3FFC];
	_ =	sdelay $0x3  }
0x94: {  	_ =	strace s3  }
0x95: {  	s3 =	sld [smem:$0x3FFD];
	_ =	sdelay $0x3  }
0x96: {  	_ =	strace s3  }
0x97: {  	_ =	strace $0x8FFFFFFF  }
0x98: {  	s19 =	sld [smem:$0x3FDB];
	_ =	sdelay $0x1  }
0x99: {  	s4 =	simm.s32 $_scs_section_size  }
0x9a: {  	s5 =	simm.s32 $_size__tile_overlayer_lowered;
	s6 =	simm.s32 $_tile_overlayer_lowered  }
0x9b: {  	s22 =	simm.s32 $0x1BFF;
	s21 =	sshll.u32 s6, $0x1;
	s3 =	sadd.s32 s4, s19  }
0x9c: {  	s7 =	simm.s32 $0x0;
	s20 =	sshll.u32 s5, $0x1;
	s5 =	sadd.s32 s21, s3  }
0x9d: {  	[timem:s7], [sflag:s22] =	dma.local [hbm:s5], s20  }
0x9e: {  	_ =	swait.ge [sflag:s22], s20  }
0x9f: {  	s4 =	ssub.s32 $0x0, s20;
	[sflag:s22] =	ssyncset.done $0x0  }
0xa0: {  	[sflag:s22] =	ssyncadd.s32 s4;
	_ =	sdelay $0x1  }
0xa1: {  	s23 =	simm.s32 $0x1B8B  }
0xa2: {  	_ =	swait.ge [sflag:s23], $0x1  }
0xa3: {  	[sflag:s23] =	ssyncset.done $0x0  }
0xa4: {  	s25 =	simm.s32 $0x1B8E;
	s24 =	sld [smem:$0x3FFE];
	[sflag:s23] =	ssyncadd.s32 $0xFFFFFFFF  }
0xa5: {  	s26 =	simm.s32 $execute0_lowered;
	[smem:$0x3FD2] =	sst s25  }
0xa6: {  	s5 =	sshll.u32 s26, $0x1;
	_ =	strace $0x80000046;
	[dreg:$0x1] =	wrdreg $0xFFFFFFFF  }
0xa7: {  	s28 =	simm.s32 $_size_execute0_lowered;
	s3 =	sadd.s32 s3, s5;
	[dreg:$0x0] =	wrdreg $0x0  }
0xa8: {  	s5 =	sshll.u32 s28, $0x1;
	[dreg:$0x2] =	wrdreg s3  }
0xa9: {  	[dreg:$0x3] =	wrdreg s5  }
0xaa: {  	[dreg:$0x4] =	wrdreg $0xC0  }
0xab: {  	_ =	task [dreg:s7], $0x5FFFF  }
0xac: {  	[dreg:$0x1] =	wrdreg $0xFFFFFFFF  }
0xad: {  	[dreg:$0x0] =	wrdreg $0x60  }
0xae: {  	[dreg:$0x2] =	wrdreg s2  }
0xaf: {  	[dreg:$0x3] =	wrdreg s24  }
0xb0: {  	[dreg:$0x4] =	wrdreg $0x9  }
0xb1: {  	_ =	task.clear_ibuf [dreg:s7], $0x5FFFF;
	_ =	strace $0x90000046  }
0xb2: {  	s29 =	simm.s32 $0x9;
	_ =	strace $0x80000048  }
0xb3: {  	_ =	swait.ge [sflag:s29], $0x1  }
0xb4: {  	[sflag:s29] =	ssyncadd.s32 $0xFFFFFFFF  }
0xb5: {  	_ =	strace $0x90000048  }
0xb6: {  	_ =	sfence  }
0xb7: {  	s30 =	sld [smem:$0x0];
	_ =	sdelay $0x2  }
0xb8: {  	s31 =	sshll.u32 s1, $0xD;
	s1 =	sshrl.u32 s1, $0x2  }
0xb9: {  	s3 =	sand.u32 $0x4000, s31;
	s1 =	sadd.s32 s1, s30  }
0xba: {  	s0 =	sor.u32 s3, s0;
	s1 =	sshll.u32 s1, $0x11  }
0xbb: {  	s0 =	sor.u32 s1, s0  }
0xbc: {  	s0 =	sadd.s32 $0x8F2B, s0  }
0xbd: {  	[sflag:s0] =	ssyncadd.remote.s32 $0x1  }
0xbe: {  	_ =	sfence.sel $0xFFFF  }
0xbf: {  	[dreg:$0x0] =	wrdreg $0xFFFFFFFF;
	(pc) =	sbr.abs _section_cstart, $3  }
0xc0: {  	[dreg:$0x1] =	wrdreg $0xFFFFFFFF  }
0xc1: {  	_ =	task.clear_ibuf [dreg:s7], $0x2FFFF;
	_ =	strace $0x9FFFFFFF  }
0xc2: {  	(tm) =	ssettm $0x7FFFFFFF  }
0xc3: {  	_ =	shalt  }
tec
execute0_lowered:
.L_overlay_start_1:
0x0: {  	(tag) =	ssettag $0x1  }
0x1: {  	s0 =	srdreg.scid;
	s1 =	stileid.u32  }
0x2: {  	s2 =	sand.u32 $0x1, s0;
	s1 =	sshll.u32 s1, $0x1  }
0x3: {  	s3 =	sor.u32 s2, s1  }
0x4: {  	s6 =	rddreg [dreg:$0x1];
	s8 =	smul.u32 $0x6000, s3  }
0x5: {  	s0 =	rddreg [dreg:$0x0];
	s5 =	smul.u32 $0x30000, s3  }
0x6: {  	s4 =	sadd.s32 $0x400, s6;
	s1 =	simm.s32 $0x0;
	s10 =	sor.u32 $0x600, s8  }
0x7: {  	[smem:$0x7FF] =	sst s1;
	s5 =	sshrl.u32 s5, $0x3;
	s24 =	sadd.s32 s4, s10  }
0x8: {  	s17 =	sor.u32 $0xC00, s8;
	s25 =	sadd.s32 s0, s10;
	[dreg:$0x6] =	wrdreg s24  }
0x9: {  	s9 =	sadd.s32 $0xC0000, s5;
	s19 =	sadd.s32 s4, s17;
	[dreg:$0x7] =	wrdreg s25  }
0xa: {  	s21 =	sadd.s32 $0x180000, s5;
	s20 =	sadd.s32 s0, s9;
	[dreg:$0xe] =	wrdreg s19  }
0xb: {  	s22 =	sadd.s32 $0x240000, s5;
	s11 =	sadd.s32 s0, s21;
	[dreg:$0x3] =	wrdreg s20  }
0xc: {  	s26 =	sadd.s32 $0xC0600, s5;
	s23 =	sadd.s32 s0, s22;
	[dreg:$0x4] =	wrdreg s11  }
0xd: {  	s12 =	sadd.s32 $0x180600, s5;
	s13 =	sadd.s32 s0, s26;
	[dreg:$0x5] =	wrdreg s23  }
0xe: {  	s16 =	sadd.s32 $0x240600, s5;
	s15 =	sadd.s32 s0, s12;
	[dreg:$0x8] =	wrdreg s13  }
0xf: {  	s3 =	sadd.s32 $0xC0400, s6;
	s14 =	sadd.s32 s0, s16;
	[dreg:$0x9] =	wrdreg s15  }
0x10: {  	s9 =	sadd.s32 s3, s9;
	[dreg:$0xa] =	wrdreg s14  }
0x11: {  	s6 =	sadd.s32 s3, s21;
	[dreg:$0xb] =	wrdreg s9  }
0x12: {  	s18 =	sadd.s32 s3, s22;
	[dreg:$0xc] =	wrdreg s6  }
0x13: {  	s21 =	sadd.s32 s3, s10;
	[dreg:$0xd] =	wrdreg s18  }
0x14: {  	s22 =	sadd.s32 s3, s26;
	[dreg:$0x10] =	wrdreg s21  }
0x15: {  	s24 =	sadd.s32 s3, s16;
	[dreg:$0x11] =	wrdreg s22  }
0x16: {  	s26 =	sadd.s32 s3, s17;
	[dreg:$0x13] =	wrdreg s24  }
0x17: {  	s2 =	ssub.s32 $0x2, s2;
	s20 =	sadd.s32 s0, s17;
	[dreg:$0x14] =	wrdreg s26  }
0x18: {  	s25 =	sadd.s32 $0xC0C00, s5;
	s23 =	sadd.s32 s3, s12;
	[dreg:$0xf] =	wrdreg s20  }
0x19: {  	s7 =	sshrl.u32 s2, $0x1;
	s9 =	sadd.s32 s0, s25;
	[dreg:$0x12] =	wrdreg s23  }
0x1a: {  	s10 =	sadd.s32 $0x180C00, s5;
	s6 =	sadd.s32 s3, s25;
	[dreg:$0x15] =	wrdreg s9  }
0x1b: {  	s2 =	ssub.s32 s2, s7;
	s11 =	sadd.s32 s0, s10;
	[dreg:$0x16] =	wrdreg s6  }
0x1c: {  	s16 =	sadd.s32 $0xC1200, s5;
	s7 =	sadd.s32 s3, s10;
	[dreg:$0x17] =	wrdreg s11  }
0x1d: {  	s19 =	sadd.s32 $0x181200, s5;
	s18 =	sadd.s32 s0, s16;
	[dreg:$0x18] =	wrdreg s7  }
0x1e: {  	s21 =	sadd.s32 s0, s19;
	[dreg:$0x1e] =	wrdreg s18  }
0x1f: {  	s24 =	sadd.s32 s4, s8;
	[smem:$0x792] =	sst s21  }
0x20: {  	s25 =	sadd.s32 s0, s8;
	[smem:$0x796] =	sst s24  }
0x21: {  	s12 =	sadd.s32 $0x240C00, s5;
	s26 =	sadd.s32 s3, s8;
	[smem:$0x797] =	sst s25  }
0x22: {  	s13 =	sadd.s32 s0, s12;
	[smem:$0x798] =	sst s26  }
0x23: {  	s14 =	sor.u32 $0x1200, s8;
	s6 =	sadd.s32 s3, s12;
	[dreg:$0x19] =	wrdreg s13  }
0x24: {  	s15 =	sadd.s32 s4, s14;
	[dreg:$0x1a] =	wrdreg s6  }
0x25: {  	s17 =	sadd.s32 s0, s14;
	[dreg:$0x1b] =	wrdreg s15  }
0x26: {  	s7 =	sadd.s32 s3, s14;
	[dreg:$0x1c] =	wrdreg s17  }
0x27: {  	s20 =	sadd.s32 $0x241200, s5;
	[dreg:$0x1d] =	wrdreg s7;
	s6 =	sadd.s32 s3, s16  }
0x28: {  	s9 =	sor.u32 $0x1E00, s8;
	s22 =	sadd.s32 s0, s20;
	[dreg:$0x1f] =	wrdreg s6  }
0x29: {  	s12 =	sadd.s32 $0xC1800, s5;
	s23 =	sadd.s32 s3, s20;
	[smem:$0x794] =	sst s22  }
0x2a: {  	s14 =	sadd.s32 $0x181800, s5;
	s13 =	sadd.s32 s0, s12;
	[smem:$0x795] =	sst s23  }
0x2b: {  	s7 =	sor.u32 $0x1800, s8;
	s8 =	sadd.s32 s3, s12;
	[smem:$0x79C] =	sst s13  }
0x2c: {  	s15 =	sadd.s32 s0, s14;
	[smem:$0x79D] =	sst s8  }
0x2d: {  	s25 =	sadd.s32 $0x241E00, s5;
	s20 =	sadd.s32 s0, s9;
	[smem:$0x79E] =	sst s15  }
0x2e: {  	s26 =	sadd.s32 s0, s25;
	[smem:$0x7A3] =	sst s20  }
0x2f: {  	s6 =	sadd.s32 s3, s19;
	[smem:$0x7A9] =	sst s26  }
0x30: {  	s10 =	sadd.s32 s4, s7;
	[smem:$0x793] =	sst s6  }
0x31: {  	s16 =	sadd.s32 $0x241800, s5;
	s11 =	sadd.s32 s0, s7;
	[smem:$0x799] =	sst s10  }
0x32: {  	s17 =	sadd.s32 s0, s16;
	[smem:$0x79A] =	sst s11  }
0x33: {  	s18 =	sadd.s32 s3, s16;
	[smem:$0x7A0] =	sst s17  }
0x34: {  	s21 =	sadd.s32 $0xC1E00, s5;
	s19 =	sadd.s32 s4, s9;
	[smem:$0x7A1] =	sst s18  }
0x35: {  	s22 =	sadd.s32 s0, s21;
	[smem:$0x7A2] =	sst s19  }
0x36: {  	s6 =	sadd.s32 s3, s7;
	[smem:$0x7A5] =	sst s22  }
0x37: {  	s23 =	sadd.s32 $0x181E00, s5;
	s7 =	sadd.s32 s3, s9;
	[smem:$0x79B] =	sst s6  }
0x38: {  	s8 =	sadd.s32 $0x2400, s5;
	s24 =	sadd.s32 s0, s23;
	[smem:$0x7A4] =	sst s7  }
0x39: {  	s9 =	sadd.s32 s4, s8;
	[smem:$0x7A7] =	sst s24  }
0x3a: {  	s10 =	sadd.s32 s0, s8;
	[smem:$0x7AB] =	sst s9  }
0x3b: {  	s13 =	sadd.s32 $0x182400, s5;
	s11 =	sadd.s32 s3, s8;
	[smem:$0x7AC] =	sst s10  }
0x3c: {  	s15 =	sadd.s32 s0, s13;
	[smem:$0x7AD] =	sst s11  }
0x3d: {  	s16 =	sadd.s32 s3, s13;
	[smem:$0x7B0] =	sst s15  }
0x3e: {  	s6 =	sadd.s32 s3, s14;
	[smem:$0x7B1] =	sst s16  }
0x3f: {  	s12 =	sadd.s32 $0xC2400, s5;
	s7 =	sadd.s32 s3, s23;
	[smem:$0x79F] =	sst s6  }
0x40: {  	s17 =	sadd.s32 $0x242400, s5;
	s14 =	sadd.s32 s0, s12;
	[smem:$0x7A8] =	sst s7  }
0x41: {  	s18 =	sadd.s32 $0x2A00, s5;
	s19 =	sadd.s32 s0, s17;
	[smem:$0x7AE] =	sst s14  }
0x42: {  	s20 =	sadd.s32 s4, s18;
	[smem:$0x7B2] =	sst s19  }
0x43: {  	s8 =	sadd.s32 $0x242A00, s5;
	s22 =	sadd.s32 s3, s18;
	[smem:$0x7B4] =	sst s20  }
0x44: {  	s9 =	sadd.s32 s0, s8;
	[smem:$0x7B6] =	sst s22  }
0x45: {  	s6 =	sadd.s32 s3, s21;
	[smem:$0x7BB] =	sst s9  }
0x46: {  	s23 =	sadd.s32 $0xC2A00, s5;
	s21 =	sadd.s32 s0, s18;
	[smem:$0x7A6] =	sst s6  }
0x47: {  	s10 =	sadd.s32 $0x3000, s5;
	s24 =	sadd.s32 s0, s23;
	[smem:$0x7B5] =	sst s21  }
0x48: {  	s13 =	sadd.s32 $0xC3000, s5;
	s11 =	sadd.s32 s4, s10;
	[smem:$0x7B7] =	sst s24  }
0x49: {  	s14 =	sadd.s32 s0, s13;
	[smem:$0x7BD] =	sst s11  }
0x4a: {  	s15 =	sadd.s32 $0x183000, s5;
	s7 =	sadd.s32 s3, s13;
	[smem:$0x7C0] =	sst s14  }
0x4b: {  	s16 =	sadd.s32 s0, s15;
	[smem:$0x7C1] =	sst s7  }
0x4c: {  	s19 =	sadd.s32 $0x3600, s5;
	s6 =	sadd.s32 s3, s25;
	[smem:$0x7C2] =	sst s16  }
0x4d: {  	s20 =	sadd.s32 s4, s19;
	[smem:$0x7AA] =	sst s6  }
0x4e: {  	s22 =	sadd.s32 $0xC3600, s5;
	s21 =	sadd.s32 s0, s19;
	[smem:$0x7C6] =	sst s20  }
0x4f: {  	s9 =	sadd.s32 $0x3C00, s5;
	s24 =	sadd.s32 s0, s22;
	[smem:$0x7C7] =	sst s21  }
0x50: {  	s11 =	sadd.s32 s4, s9;
	[smem:$0x7C9] =	sst s24  }
0x51: {  	s13 =	sadd.s32 s3, s9;
	[smem:$0x7CF] =	sst s11  }
0x52: {  	s25 =	sadd.s32 $0x182A00, s5;
	s6 =	sadd.s32 s3, s12;
	[smem:$0x7D1] =	sst s13  }
0x53: {  	s26 =	sadd.s32 s0, s25;
	[smem:$0x7AF] =	sst s6  }
0x54: {  	s12 =	sadd.s32 s0, s10;
	[smem:$0x7B9] =	sst s26  }
0x55: {  	s6 =	sadd.s32 s3, s17;
	[smem:$0x7BE] =	sst s12  }
0x56: {  	s20 =	sadd.s32 $0x4200, s5;
	s12 =	sadd.s32 s0, s9;
	[smem:$0x7B3] =	sst s6  }
0x57: {  	s21 =	sadd.s32 s4, s20;
	[smem:$0x7D0] =	sst s12  }
0x58: {  	s17 =	sadd.s32 $0x243000, s5;
	s6 =	sadd.s32 s3, s23;
	[smem:$0x7D8] =	sst s21  }
0x59: {  	s18 =	sadd.s32 s0, s17;
	[smem:$0x7B8] =	sst s6  }
0x5a: {  	s16 =	sadd.s32 $0x183C00, s5;
	s7 =	sadd.s32 s3, s17;
	[smem:$0x7C4] =	sst s18  }
0x5b: {  	s17 =	sadd.s32 s0, s16;
	[smem:$0x7C5] =	sst s7  }
0x5c: {  	s23 =	sadd.s32 $0x183600, s5;
	s6 =	sadd.s32 s3, s25;
	[smem:$0x7D4] =	sst s17  }
0x5d: {  	s25 =	sadd.s32 s0, s23;
	[smem:$0x7BA] =	sst s6  }
0x5e: {  	s26 =	sadd.s32 s3, s23;
	[smem:$0x7CB] =	sst s25  }
0x5f: {  	s23 =	sadd.s32 $0xC4200, s5;
	s6 =	sadd.s32 s3, s8;
	[smem:$0x7CC] =	sst s26  }
0x60: {  	s24 =	sadd.s32 s0, s23;
	[smem:$0x7BC] =	sst s6  }
0x61: {  	s7 =	sadd.s32 $0x243600, s5;
	s6 =	sadd.s32 s3, s10;
	[smem:$0x7DB] =	sst s24  }
0x62: {  	s25 =	sadd.s32 $0x184200, s5;
	s10 =	sadd.s32 s0, s7;
	[smem:$0x7BF] =	sst s6  }
0x63: {  	s8 =	sadd.s32 $0x244200, s5;
	s26 =	sadd.s32 s0, s25;
	[smem:$0x7CD] =	sst s10  }
0x64: {  	s9 =	sadd.s32 s0, s8;
	[smem:$0x7DD] =	sst s26  }
0x65: {  	s14 =	sadd.s32 $0xC3C00, s5;
	s6 =	sadd.s32 s3, s15;
	[smem:$0x7DF] =	sst s9  }
0x66: {  	s15 =	sadd.s32 s0, s14;
	[smem:$0x7C3] =	sst s6  }
0x67: {  	s18 =	sadd.s32 $0x243C00, s5;
	s6 =	sadd.s32 s3, s19;
	[smem:$0x7D2] =	sst s15  }
0x68: {  	s10 =	sadd.s32 $0x4800, s5;
	s19 =	sadd.s32 s0, s18;
	[smem:$0x7C8] =	sst s6  }
0x69: {  	s11 =	sadd.s32 s4, s10;
	[smem:$0x7D6] =	sst s19  }
0x6a: {  	s13 =	sadd.s32 $0xC4800, s5;
	s12 =	sadd.s32 s0, s10;
	[smem:$0x7E1] =	sst s11  }
0x6b: {  	s15 =	sadd.s32 s0, s13;
	[smem:$0x7E2] =	sst s12  }
0x6c: {  	s6 =	sadd.s32 s3, s22;
	[smem:$0x7E4] =	sst s15  }
0x6d: {  	s22 =	sadd.s32 s0, s20;
	[smem:$0x7CA] =	sst s6  }
0x6e: {  	s6 =	sadd.s32 s3, s7;
	[smem:$0x7D9] =	sst s22  }
0x6f: {  	s19 =	sadd.s32 $0x4E00, s5;
	s7 =	sadd.s32 s3, s23;
	[smem:$0x7CE] =	sst s6  }
0x70: {  	s21 =	sadd.s32 s4, s19;
	[smem:$0x7DC] =	sst s7  }
0x71: {  	s22 =	sadd.s32 s0, s19;
	[smem:$0x7EA] =	sst s21  }
0x72: {  	s11 =	sadd.s32 $0x5400, s5;
	s23 =	sadd.s32 s3, s19;
	[smem:$0x7EB] =	sst s22  }
0x73: {  	s12 =	sadd.s32 s4, s11;
	[smem:$0x7EC] =	sst s23  }
0x74: {  	s19 =	sadd.s32 s0, s11;
	[smem:$0x7F3] =	sst s12  }
0x75: {  	s28 =	simm.s32 $0x3000;
	s6 =	sadd.s32 s3, s14;
	[smem:$0x7F5] =	sst s19  }
0x76: {  	s26 =	sadd.s32 $0x184E00, s5;
	s7 =	sadd.s32 s3, s8;
	[smem:$0x7D3] =	sst s6  }
0x77: {  	s15 =	sadd.s32 $0x245400, s5;
	s8 =	sadd.s32 s0, s26;
	[smem:$0x7E0] =	sst s7  }
0x78: {  	s29 =	simm.s32 $0x6000;
	s22 =	sadd.s32 s0, s15;
	[smem:$0x7EF] =	sst s8  }
0x79: {  	s14 =	sadd.s32 $0x184800, s5;
	s6 =	sadd.s32 s3, s16;
	[smem:$0x7F8] =	sst s22  }
0x7a: {  	s30 =	simm.s32 $0x9000;
	s16 =	sadd.s32 s0, s14;
	[smem:$0x7D5] =	sst s6  }
0x7b: {  	s31 =	simm.s32 $0xC000;
	s17 =	sadd.s32 s3, s14;
	[smem:$0x7E6] =	sst s16  }
0x7c: {  	s14 =	sadd.s32 $0x185400, s5;
	s6 =	sadd.s32 s3, s18;
	[smem:$0x7E7] =	sst s17  }
0x7d: {  	s24 =	sadd.s32 $0xC4E00, s5;
	s21 =	sadd.s32 s0, s14;
	[smem:$0x7D7] =	sst s6  }
0x7e: {  	s18 =	sadd.s32 $0x244800, s5;
	s6 =	sadd.s32 s3, s20;
	[smem:$0x7F7] =	sst s21  }
0x7f: {  	s16 =	sadd.s32 $0x5A00, s5;
	s20 =	sadd.s32 s0, s18;
	[smem:$0x7DA] =	sst s6  }
0x80: {  	s9 =	sadd.s32 $0x244E00, s5;
	s4 =	sadd.s32 s4, s16;
	[smem:$0x7E8] =	sst s20  }
0x81: {  	s7 =	simm.s32 $0x3;
	s23 =	sadd.s32 s0, s16;
	[smem:$0x7F4] =	sst s4  }
0x82: {  	s8 =	simm.s32 $0x2;
	s6 =	sadd.s32 s3, s25;
	[smem:$0x7F9] =	sst s23  }
0x83: {  	s17 =	sadd.s32 $0xC5A00, s5;
	s25 =	sadd.s32 s0, s24;
	[smem:$0x7DE] =	sst s6  }
0x84: {  	s21 =	sadd.s32 s3, s15;
	s6 =	sadd.s32 s3, s10;
	[smem:$0x7ED] =	sst s25  }
0x85: {  	s22 =	sadd.s32 s3, s16;
	s10 =	sadd.s32 s0, s9;
	[smem:$0x7E3] =	sst s6  }
0x86: {  	s23 =	sadd.s32 s3, s17;
	s6 =	sadd.s32 s3, s13;
	[smem:$0x7F1] =	sst s10  }
0x87: {  	s13 =	sadd.s32 $0xC5400, s5;
	[smem:$0x7E5] =	sst s6;
	s6 =	sadd.s32 s3, s18  }
0x88: {  	s4 =	simm.s32 $0x18000;
	s20 =	sadd.s32 s0, s13;
	[smem:$0x7E9] =	sst s6  }
0x89: {  	s10 =	simm.s32 $0x0;
	s6 =	sadd.s32 s3, s24;
	[smem:$0x7F6] =	sst s20  }
0x8a: {  	s18 =	sadd.s32 $0x185A00, s5;
	s24 =	sadd.s32 s0, s17;
	[smem:$0x7EE] =	sst s6  }
0x8b: {  	s5 =	sadd.s32 $0x245A00, s5;
	s25 =	sadd.s32 s0, s18;
	[smem:$0x7FA] =	sst s24  }
0x8c: {  	s19 =	sadd.s32 s3, s13;
	s0 =	sadd.s32 s0, s5;
	[smem:$0x7FB] =	sst s25  }
0x8d: {  	s20 =	sadd.s32 s3, s14;
	s6 =	sadd.s32 s3, s26;
	[smem:$0x7FC] =	sst s0  }
0x8e: {  	s26 =	sadd.s32 s3, s11;
	s24 =	sadd.s32 s3, s18;
	s25 =	sadd.s32 s3, s5  }
0x8f: {  	s0 =	simm.s32 $0xF000;
	s5 =	simm.s32 $0x1B000;
	[smem:$0x7F0] =	sst s6  }
0x90: {  	s6 =	sadd.s32 s3, s9;
	[smem:$0x7FD] =	sst s26;
	s26 =	smax.u32 s2, $0x1  }
0x91: {  	s2 =	simm.s32 $0x12000;
	s3 =	simm.s32 $0x15000;
	[smem:$0x7F2] =	sst s6  }
0x92: {  	s9 =	simm.s32 $0x4;
	s6 =	simm.s32 $0x1;
	_ =	strace $0x80000047  }
.LBB2_1:
0x93: {  	s11 =	sld [smem:$0x796];
	_ =	sdelay $0x1  }
0x94: {  	s14 =	sld [smem:$0x797]  }
0x95: {  	[tilespmem:s1], [sflag:$0x1] =	stream.linear.gather [hbm4b:s11+s1], $0x3000, $0x38;
	[tilespmem:$0x1E000] =	vst v63  }
0x96: {  	_ = 	snop  }
0x97: {  	[tilespmem:s28], [sflag:$0x1] =	stream.linear.gather [hbm4b:s14+s1], $0x3000, $0x38;
	[tilespmem:$0x1E000] =	vst v63  }
0x98: {  	s15 =	rddreg [dreg:$0x3]  }
0x99: {  	[tilespmem:s29], [sflag:$0x1] =	stream.linear.gather [hbm4b:s15+s1], $0x3000, $0x38;
	[tilespmem:$0x1E000] =	vst v63  }
0x9a: {  	s16 =	rddreg [dreg:$0x4]  }
0x9b: {  	[tilespmem:s30], [sflag:$0x1] =	stream.linear.gather [hbm4b:s16+s1], $0x3000, $0x38;
	[tilespmem:$0x1E000] =	vst v63  }
0x9c: {  	s17 =	rddreg [dreg:$0x5]  }
0x9d: {  	[tilespmem:s31], [sflag:$0x1] =	stream.linear.gather [hbm4b:s17+s1], $0x3000, $0x38;
	[tilespmem:$0x1E000] =	vst v63  }
0x9e: {  	s18 =	rddreg [dreg:$0x6]  }
0x9f: {  	[tilespmem:s0], [sflag:$0x2] =	stream.linear.gather [hbm4b:s18+s1], $0x3000, $0x38;
	[tilespmem:$0x1E000] =	vst v63  }
0xa0: {  	s12 =	rddreg [dreg:$0x7]  }
0xa1: {  	[tilespmem:s2], [sflag:$0x2] =	stream.linear.gather [hbm4b:s12+s1], $0x3000, $0x38;
	[tilespmem:$0x1E000] =	vst v63  }
0xa2: {  	s13 =	rddreg [dreg:$0x8]  }
0xa3: {  	[tilespmem:s3], [sflag:$0x2] =	stream.linear.gather [hbm4b:s13+s1], $0x3000, $0x38;
	[tilespmem:$0x1E000] =	vst v63  }
0xa4: {  	s14 =	rddreg [dreg:$0x9]  }
0xa5: {  	[tilespmem:s4], [sflag:$0x2] =	stream.linear.gather [hbm4b:s14+s1], $0x3000, $0x38;
	[tilespmem:$0x1E000] =	vst v63  }
0xa6: {  	s15 =	rddreg [dreg:$0xa]  }
0xa7: {  	[tilespmem:s5], [sflag:$0x2] =	stream.linear.gather [hbm4b:s15+s1], $0x3000, $0x38;
	[tilespmem:$0x1E000] =	vst v63  }
0xa8: {  	_ =	swait.ge [sflag:s6], $0x3000  }
0xa9: {  	[sflag:s6] =	ssyncset.done $0x0  }
0xaa: {  	[sflag:s6] =	ssyncadd.s32 $0xFFFFD000  }
0xab: {  	_ =	swait.ge [sflag:s6], $0x3000  }
0xac: {  	[sflag:s6] =	ssyncset.done $0x0  }
0xad: {  	[sflag:s6] =	ssyncadd.s32 $0xFFFFD000  }
0xae: {  	_ =	swait.ge [sflag:s6], $0x3000  }
0xaf: {  	[sflag:s6] =	ssyncset.done $0x0  }
0xb0: {  	[sflag:s6] =	ssyncadd.s32 $0xFFFFD000  }
0xb1: {  	_ =	swait.ge [sflag:s6], $0x3000  }
0xb2: {  	[sflag:s6] =	ssyncset.done $0x0  }
0xb3: {  	[sflag:s6] =	ssyncadd.s32 $0xFFFFD000  }
0xb4: {  	_ =	swait.ge [sflag:s6], $0x3000  }
0xb5: {  	[sflag:s6] =	ssyncset.done $0x0  }
0xb6: {  	s16 =	simm.s32 $0x20;
	[sflag:s6] =	ssyncadd.s32 $0xFFFFD000  }
0xb7: {  	s12 =	simm.s32 $0x3020;
	v4 =	vld [tilespmem:s16+$0x10]  }
0xb8: {  	v0 =	vld [tilespmem:s12+$0x10];
	_ =	sdelay $0x1  }
0xb9: {  	v7 =	vld [tilespmem:s16+$0xFFFFFFF0]  }
0xba: {  	v2 =	vld [tilespmem:s12+$0xFFFFFFF0]  }
0xbb: {  	v1 =	vld [tilespmem:s12+$0xFFFFFFE0]  }
0xbc: {  	v12 =	vld [tilespmem:s16+$0x0];
	v0 =	vadd.f32 v0, v4  }
0xbd: {  	v6 =	vld [tilespmem:s16+$0xFFFFFFE0]  }
0xbe: {  	s13 =	simm.s32 $0x6020;
	v3 =	vld [tilespmem:s12+$0x0];
	[tilespmem:s12+$0x10] =	vst v0  }
0xbf: {  	s17 =	simm.s32 $0x60;
	v0 =	vadd.f32 v2, v7;
	v2 =	vld [tilespmem:s13+$0x10]  }
0xc0: {  	s18 =	simm.s32 $0x3060;
	v8 =	vld [tilespmem:s17+$0x10]  }
0xc1: {  	v9 =	vld [tilespmem:s18+$0x10]  }
0xc2: {  	v11 =	vld [tilespmem:s18+$0xFFFFFFE0];
	[tilespmem:s12+$0xFFFFFFF0] =	vst v0;
	v0 =	vadd.f32 v1, v6  }
0xc3: {  	v13 =	vld [tilespmem:s18+$0xFFFFFFF0]  }
0xc4: {  	v1 =	vld [tilespmem:s17+$0xFFFFFFF0];
	[tilespmem:s12+$0xFFFFFFE0] =	vst v0;
	v0 =	vadd.f32 v2, v4  }
0xc5: {  	v5 =	vld [tilespmem:s13+$0xFFFFFFF0]  }
0xc6: {  	s15 =	simm.s32 $0x9020;
	v3 =	vadd.f32 v3, v12;
	v2 =	vld [tilespmem:s13+$0xFFFFFFE0];
	[tilespmem:s13+$0x10] =	vst v0  }
0xc7: {  	v10 =	vld [tilespmem:s15+$0x10]  }
0xc8: {  	v15 =	vld [tilespmem:s18+$0x0];
	[tilespmem:s12+$0x0] =	vst v3  }
0xc9: {  	v9 =	vadd.f32 v9, v8;
	v3 =	vld [tilespmem:s13+$0x0]  }
0xca: {  	v0 =	vld [tilespmem:s17+$0x0];
	v5 =	vadd.f32 v5, v7  }
0xcb: {  	s16 =	simm.s32 $0x6060;
	[tilespmem:s18+$0x10] =	vst v9;
	v14 =	vadd.f32 v2, v6;
	v2 =	vld [tilespmem:s17+$0xFFFFFFE0]  }
0xcc: {  	s14 =	simm.s32 $0x30A0;
	[tilespmem:s13+$0xFFFFFFF0] =	vst v5;
	v5 =	vadd.f32 v13, v1;
	v9 =	vadd.f32 v10, v4;
	v10 =	vld [tilespmem:s16+$0x10]  }
0xcd: {  	v18 =	vld [tilespmem:s14+$0xFFFFFFE0];
	[tilespmem:s13+$0xFFFFFFE0] =	vst v14  }
0xce: {  	v3 =	vadd.f32 v3, v12;
	[tilespmem:s18+$0xFFFFFFF0] =	vst v5;
	v13 =	vld [tilespmem:s15+$0xFFFFFFE0]  }
0xcf: {  	v5 =	vadd.f32 v15, v0;
	[tilespmem:s15+$0x10] =	vst v9;
	v9 =	vld [tilespmem:s15+$0xFFFFFFF0]  }
0xd0: {  	[tilespmem:s13+$0x0] =	vst v3;
	v15 =	vld [tilespmem:s16+$0xFFFFFFF0]  }
0xd1: {  	s11 =	simm.s32 $0xC020;
	[tilespmem:s18+$0x0] =	vst v5;
	v3 =	vadd.f32 v11, v2;
	v11 =	vld [tilespmem:s15+$0x0];
	v5 =	vadd.f32 v10, v8  }
0xd2: {  	v14 =	vld [tilespmem:s11+$0x10]  }
0xd3: {  	s13 =	simm.s32 $0x9060;
	v10 =	vld [tilespmem:s16+$0x0];
	[tilespmem:s16+$0x10] =	vst v5  }
0xd4: {  	[tilespmem:s18+$0xFFFFFFE0] =	vst v3;
	v3 =	vadd.f32 v13, v6;
	v5 =	vadd.f32 v9, v7;
	v9 =	vld [tilespmem:s13+$0x10]  }
0xd5: {  	s17 =	simm.s32 $0xA0;
	v13 =	vld [tilespmem:s16+$0xFFFFFFE0]  }
0xd6: {  	[tilespmem:s15+$0xFFFFFFE0] =	vst v3;
	v3 =	vld [tilespmem:s17+$0x10]  }
0xd7: {  	v16 =	vld [tilespmem:s11+$0xFFFFFFE0]  }
0xd8: {  	v4 =	vadd.f32 v14, v4;
	v14 =	vld [tilespmem:s14+$0x10]  }
0xd9: {  	[tilespmem:s15+$0xFFFFFFF0] =	vst v5;
	v5 =	vld [tilespmem:s17+$0xFFFFFFF0];
	v9 =	vadd.f32 v9, v8  }
0xda: {  	v17 =	vld [tilespmem:s11+$0xFFFFFFF0];
	[tilespmem:s11+$0x10] =	vst v4;
	v4 =	vadd.f32 v15, v1  }
0xdb: {  	v11 =	vadd.f32 v11, v12;
	[tilespmem:s13+$0x10] =	vst v9;
	v9 =	vld [tilespmem:s14+$0xFFFFFFF0]  }
0xdc: {  	s12 =	simm.s32 $0xC060;
	v10 =	vadd.f32 v10, v0;
	[tilespmem:s16+$0xFFFFFFF0] =	vst v4;
	v4 =	vld [tilespmem:s17+$0x0]  }
0xdd: {  	[tilespmem:s15+$0x0] =	vst v11;
	v11 =	vadd.f32 v14, v3;
	v15 =	vld [tilespmem:s12+$0x10]  }
0xde: {  	v13 =	vadd.f32 v13, v2;
	[tilespmem:s16+$0x0] =	vst v10;
	v10 =	vld [tilespmem:s14+$0x0]  }
0xdf: {  	s15 =	simm.s32 $0x60A0;
	v14 =	vadd.f32 v16, v6;
	v6 =	vld [tilespmem:s17+$0xFFFFFFE0];
	[tilespmem:s14+$0x10] =	vst v11  }
0xe0: {  	[tilespmem:s16+$0xFFFFFFE0] =	vst v13;
	v11 =	vld [tilespmem:s15+$0x10];
	v9 =	vadd.f32 v9, v5  }
0xe1: {  	v13 =	vld [tilespmem:s13+$0xFFFFFFE0];
	v7 =	vadd.f32 v17, v7;
	[tilespmem:s11+$0xFFFFFFE0] =	vst v14  }
0xe2: {  	v8 =	vadd.f32 v15, v8;
	[tilespmem:s14+$0xFFFFFFF0] =	vst v9;
	v9 =	vld [tilespmem:s13+$0xFFFFFFF0]  }
0xe3: {  	[tilespmem:s11+$0xFFFFFFF0] =	vst v7;
	v10 =	vadd.f32 v10, v4;
	v7 =	vld [tilespmem:s15+$0xFFFFFFF0]  }
0xe4: {  	v14 =	vld [tilespmem:s13+$0x0];
	[tilespmem:s12+$0x10] =	vst v8;
	v8 =	vadd.f32 v18, v6  }
0xe5: {  	v63 =	vld [tilespmem:s11+$0x0];
	[tilespmem:s14+$0x0] =	vst v10;
	v15 =	vadd.f32 v11, v3  }
0xe6: {  	v11 =	vld [tilespmem:s15+$0x0];
	[tilespmem:s14+$0xFFFFFFE0] =	vst v8;
	v8 =	vadd.f32 v13, v2  }
0xe7: {  	s16 =	simm.s32 $0x90A0;
	[tilespmem:s15+$0x10] =	vst v15;
	v10 =	vld [tilespmem:s15+$0xFFFFFFE0];
	v13 =	vadd.f32 v9, v1  }
0xe8: {  	v9 =	vld [tilespmem:s16+$0x10];
	[tilespmem:s13+$0xFFFFFFE0] =	vst v8;
	v15 =	vadd.f32 v7, v5  }
0xe9: {  	v7 =	vld [tilespmem:s12+$0xFFFFFFE0];
	[tilespmem:s13+$0xFFFFFFF0] =	vst v13;
	v13 =	vadd.f32 v14, v0  }
0xea: {  	s18 =	simm.s32 $0xE0;
	s17 =	simm.s32 $0x80;
	v12 =	vadd.f32 v63, v12;
	[tilespmem:s15+$0xFFFFFFF0] =	vst v15;
	v8 =	vld [tilespmem:s12+$0xFFFFFFF0]  }
.LBB2_2:
0xeb: {  	v14 =	vld [tilespmem:s18+$0x10];
	v11 =	vadd.f32 v11, v4;
	s14 =	sadd.s32 $0x40, s14;
	[tilespmem:s13+$0x0] =	vst v13;
	s13 =	smov.u32 s16  }
0xec: {  	s17 =	sadd.s32 $0x40, s17;
	v13 =	vld [tilespmem:s14+$0x10];
	v10 =	vadd.f32 v10, v6;
	[tilespmem:s11+$0x0] =	vst v12;
	s11 =	smov.u32 s12  }
0xed: {  	p0 =	slt.u32 s17, $0x2FC0;
	v12 =	vld [tilespmem:s14+$0xFFFFFFE0];
	[tilespmem:s15+$0x0] =	vst v11;
	v9 =	vadd.f32 v9, v3  }
0xee: {  	v11 =	vld [tilespmem:s18+$0xFFFFFFF0];
	[tilespmem:s15+$0xFFFFFFE0] =	vst v10;
	v7 =	vadd.f32 v7, v2;
	v2 =	vmov v6  }
0xef: {  	s12 =	sadd.s32 $0x40, s12;
	v10 =	vld [tilespmem:s14+$0xFFFFFFF0];
	[tilespmem:s16+$0x10] =	vst v9;
	v6 =	vadd.f32 v8, v1;
	v1 =	vmov v5  }
0xf0: {  	v8 =	vld [tilespmem:s12+$0x10];
	[tilespmem:s11+$0xFFFFFFE0] =	vst v7  }
0xf1: {  	v15 =	vld [tilespmem:s18+$0x0];
	v9 =	vadd.f32 v13, v14;
	[tilespmem:s11+$0xFFFFFFF0] =	vst v6  }
0xf2: {  	v7 =	vld [tilespmem:s14+$0x0]  }
0xf3: {  	s15 =	sadd.s32 $0x40, s15;
	v6 =	vld [tilespmem:s18+$0xFFFFFFE0];
	[tilespmem:s14+$0x10] =	vst v9;
	v5 =	vmov v11  }
0xf4: {  	v9 =	vadd.f32 v10, v5;
	v10 =	vld [tilespmem:s15+$0x10]  }
0xf5: {  	v13 =	vld [tilespmem:s16+$0xFFFFFFE0];
	v8 =	vadd.f32 v8, v3;
	v3 =	vmov v14  }
0xf6: {  	[tilespmem:s14+$0xFFFFFFF0] =	vst v9;
	v9 =	vld [tilespmem:s16+$0xFFFFFFF0]  }
0xf7: {  	v14 =	vld [tilespmem:s15+$0xFFFFFFF0];
	v7 =	vadd.f32 v7, v15;
	[tilespmem:s12+$0x10] =	vst v8  }
0xf8: {  	v8 =	vadd.f32 v12, v6;
	v12 =	vld [tilespmem:s16+$0x0]  }
0xf9: {  	[tilespmem:s14+$0x0] =	vst v7;
	v7 =	vadd.f32 v10, v3;
	v16 =	vld [tilespmem:s11+$0x0]  }
.Ltmp0:
0xfa: {  	[tilespmem:s14+$0xFFFFFFE0] =	vst v8;
	v11 =	vld [tilespmem:s15+$0x0];
	v8 =	vadd.f32 v13, v2;
	(pc) =	sbr.rel @p0 .LBB2_2-.Ltmp0, $4  }
0xfb: {  	s16 =	sadd.s32 $0x40, s16;
	v10 =	vld [tilespmem:s15+$0xFFFFFFE0];
	[tilespmem:s15+$0x10] =	vst v7;
	v13 =	vadd.f32 v9, v1  }
0xfc: {  	v14 =	vadd.f32 v14, v5;
	v9 =	vld [tilespmem:s16+$0x10];
	[tilespmem:s13+$0xFFFFFFE0] =	vst v8  }
0xfd: {  	v7 =	vld [tilespmem:s12+$0xFFFFFFE0];
	[tilespmem:s13+$0xFFFFFFF0] =	vst v13;
	v13 =	vadd.f32 v12, v4  }
0xfe: {  	s18 =	sadd.s32 $0x40, s18;
	[tilespmem:s15+$0xFFFFFFF0] =	vst v14;
	v8 =	vld [tilespmem:s12+$0xFFFFFFF0];
	v12 =	vadd.f32 v16, v0;
	v0 =	vmov v4;
	v4 =	vmov v15  }
0xff: {  	_ = 	snop  }
0x100: {  	v10 =	vadd.f32 v10, v6;
	_ =	sdelay $0x1  }
0x101: {  	v11 =	vadd.f32 v11, v4;
	[tilespmem:s15+$0xFFFFFFE0] =	vst v10  }
0x102: {  	v10 =	vld [tilespmem:s16+$0xFFFFFFE0]  }
0x103: {  	[tilespmem:s15+$0x0] =	vst v11;
	v11 =	vld [tilespmem:s16+$0xFFFFFFF0]  }
0x104: {  	v14 =	vld [tilespmem:s16+$0x0]  }
0x105: {  	v9 =	vadd.f32 v9, v3  }
0x106: {  	[tilespmem:s13+$0x0] =	vst v13  }
0x107: {  	[tilespmem:s16+$0x10] =	vst v9;
	v9 =	vadd.f32 v10, v6  }
0x108: {  	s14 =	sadd.s32 $0x40, s12;
	v13 =	vld [tilespmem:s12+$0x0];
	v11 =	vadd.f32 v11, v5  }
0x109: {  	v10 =	vld [tilespmem:s14+$0x10];
	[tilespmem:s16+$0xFFFFFFE0] =	vst v9;
	v9 =	vadd.f32 v14, v4  }
0x10a: {  	[tilespmem:s16+$0xFFFFFFF0] =	vst v11;
	v14 =	vld [tilespmem:s14+$0xFFFFFFE0]  }
0x10b: {  	v2 =	vadd.f32 v7, v2;
	v7 =	vld [tilespmem:s14+$0xFFFFFFF0];
	[tilespmem:s16+$0x0] =	vst v9  }
0x10c: {  	[tilespmem:s11+$0x0] =	vst v12;
	v1 =	vadd.f32 v8, v1;
	v8 =	vld [tilespmem:s14+$0x0]  }
0x10d: {  	[tilespmem:s12+$0xFFFFFFE0] =	vst v2;
	v0 =	vadd.f32 v13, v0  }
0x10e: {  	[tilespmem:s12+$0xFFFFFFF0] =	vst v1;
	v2 =	vadd.f32 v10, v3  }
0x10f: {  	[tilespmem:s12+$0x0] =	vst v0;
	v1 =	vadd.f32 v14, v6  }
0x110: {  	v0 =	vadd.f32 v7, v5;
	[tilespmem:s14+$0x10] =	vst v2  }
0x111: {  	[tilespmem:s14+$0xFFFFFFE0] =	vst v1;
	v1 =	vadd.f32 v8, v4  }
0x112: {  	[tilespmem:s14+$0xFFFFFFF0] =	vst v0  }
0x113: {  	[tilespmem:s14+$0x0] =	vst v1  }
0x114: {  	s11 =	sld [smem:$0x798];
	_ =	sdelay $0x2  }
0x115: {  	[hbm4b:s11+s1] =	stream.linear.scatter [tilespmem:s28], [sflag:$0x3], $0x3000, $0x38;
	[tilespmem:$0x1E000] =	vst v63  }
0x116: {  	s14 =	rddreg [dreg:$0xb]  }
0x117: {  	[hbm4b:s14+s1] =	stream.linear.scatter [tilespmem:s29], [sflag:$0x3], $0x3000, $0x38;
	[tilespmem:$0x1E000] =	vst v63  }
0x118: {  	s15 =	rddreg [dreg:$0xc]  }
0x119: {  	[hbm4b:s15+s1] =	stream.linear.scatter [tilespmem:s30], [sflag:$0x3], $0x3000, $0x38;
	[tilespmem:$0x1E000] =	vst v63  }
0x11a: {  	s16 =	rddreg [dreg:$0xd]  }
0x11b: {  	[hbm4b:s16+s1] =	stream.linear.scatter [tilespmem:s31], [sflag:$0x3], $0x3000, $0x38;
	[tilespmem:$0x1E000] =	vst v63  }
0x11c: {  	_ =	swait.ge [sflag:s7], $0x3000  }
0x11d: {  	[sflag:s7] =	ssyncset.done $0x0  }
0x11e: {  	[sflag:s7] =	ssyncadd.s32 $0xFFFFD000  }
0x11f: {  	_ =	swait.ge [sflag:s7], $0x3000  }
0x120: {  	[sflag:s7] =	ssyncset.done $0x0  }
0x121: {  	[sflag:s7] =	ssyncadd.s32 $0xFFFFD000  }
0x122: {  	_ =	swait.ge [sflag:s7], $0x3000  }
0x123: {  	[sflag:s7] =	ssyncset.done $0x0  }
0x124: {  	[sflag:s7] =	ssyncadd.s32 $0xFFFFD000  }
0x125: {  	_ =	swait.ge [sflag:s7], $0x3000  }
0x126: {  	[sflag:s7] =	ssyncset.done $0x0  }
0x127: {  	s17 =	rddreg [dreg:$0xe];
	[sflag:s7] =	ssyncadd.s32 $0xFFFFD000  }
0x128: {  	[tilespmem:s1], [sflag:$0x1] =	stream.linear.gather [hbm4b:s17+s1], $0x3000, $0x38;
	[tilespmem:$0x1E000] =	vst v63  }
0x129: {  	s18 =	rddreg [dreg:$0xf]  }
0x12a: {  	[tilespmem:s28], [sflag:$0x1] =	stream.linear.gather [hbm4b:s18+s1], $0x3000, $0x38;
	[tilespmem:$0x1E000] =	vst v63  }
0x12b: {  	s12 =	rddreg [dreg:$0x15]  }
0x12c: {  	[tilespmem:s29], [sflag:$0x1] =	stream.linear.gather [hbm4b:s12+s1], $0x3000, $0x38;
	[tilespmem:$0x1E000] =	vst v63  }
0x12d: {  	s13 =	rddreg [dreg:$0x17]  }
0x12e: {  	[tilespmem:s30], [sflag:$0x1] =	stream.linear.gather [hbm4b:s13+s1], $0x3000, $0x38;
	[tilespmem:$0x1E000] =	vst v63  }
0x12f: {  	s14 =	rddreg [dreg:$0x19]  }
0x130: {  	[tilespmem:s31], [sflag:$0x1] =	stream.linear.gather [hbm4b:s14+s1], $0x3000, $0x38;
	[tilespmem:$0x1E000] =	vst v63  }
0x131: {  	_ =	swait.ge [sflag:s8], $0x3000  }
0x132: {  	[sflag:s8] =	ssyncset.done $0x0  }
0x133: {  	[sflag:s8] =	ssyncadd.s32 $0xFFFFD000  }
0x134: {  	_ =	swait.ge [sflag:s8], $0x3000  }
0x135: {  	[sflag:s8] =	ssyncset.done $0x0  }
0x136: {  	[sflag:s8] =	ssyncadd.s32 $0xFFFFD000  }
0x137: {  	_ =	swait.ge [sflag:s8], $0x3000  }
0x138: {  	[sflag:s8] =	ssyncset.done $0x0  }
0x139: {  	[sflag:s8] =	ssyncadd.s32 $0xFFFFD000  }
0x13a: {  	_ =	swait.ge [sflag:s8], $0x3000  }
0x13b: {  	[sflag:s8] =	ssyncset.done $0x0  }
0x13c: {  	[sflag:s8] =	ssyncadd.s32 $0xFFFFD000  }
0x13d: {  	_ =	swait.ge [sflag:s8], $0x3000  }
0x13e: {  	[sflag:s8] =	ssyncset.done $0x0  }
0x13f: {  	s15 =	simm.s32 $0xF020;
	[sflag:s8] =	ssyncadd.s32 $0xFFFFD000  }
0x140: {  	s16 =	simm.s32 $0x12020;
	v4 =	vld [tilespmem:s15+$0x10]  }
0x141: {  	v0 =	vld [tilespmem:s16+$0x10];
	_ =	sdelay $0x1  }
0x142: {  	v7 =	vld [tilespmem:s15+$0xFFFFFFF0]  }
0x143: {  	v2 =	vld [tilespmem:s16+$0xFFFFFFF0]  }
0x144: {  	v1 =	vld [tilespmem:s16+$0xFFFFFFE0]  }
0x145: {  	v12 =	vld [tilespmem:s15+$0x0];
	v0 =	vadd.f32 v0, v4  }
0x146: {  	v6 =	vld [tilespmem:s15+$0xFFFFFFE0]  }
0x147: {  	s17 =	simm.s32 $0x15020;
	v3 =	vld [tilespmem:s16+$0x0];
	[tilespmem:s16+$0x10] =	vst v0  }
0x148: {  	s14 =	simm.s32 $0xF060;
	v0 =	vadd.f32 v2, v7;
	v2 =	vld [tilespmem:s17+$0x10]  }
0x149: {  	v8 =	vld [tilespmem:s14+$0x10];
	s15 =	simm.s32 $0x12060  }
0x14a: {  	v9 =	vld [tilespmem:s15+$0x10]  }
0x14b: {  	v11 =	vld [tilespmem:s15+$0xFFFFFFE0];
	[tilespmem:s16+$0xFFFFFFF0] =	vst v0;
	v0 =	vadd.f32 v1, v6  }
0x14c: {  	v13 =	vld [tilespmem:s15+$0xFFFFFFF0];
	v3 =	vadd.f32 v3, v12  }
0x14d: {  	v1 =	vld [tilespmem:s14+$0xFFFFFFF0];
	[tilespmem:s16+$0xFFFFFFE0] =	vst v0;
	v0 =	vadd.f32 v2, v4  }
0x14e: {  	[tilespmem:s16+$0x0] =	vst v3;
	v5 =	vld [tilespmem:s17+$0xFFFFFFF0]  }
0x14f: {  	s16 =	simm.s32 $0x18020;
	v2 =	vld [tilespmem:s17+$0xFFFFFFE0];
	[tilespmem:s17+$0x10] =	vst v0  }
0x150: {  	v10 =	vld [tilespmem:s16+$0x10]  }
0x151: {  	v15 =	vld [tilespmem:s15+$0x0]  }
0x152: {  	v9 =	vadd.f32 v9, v8;
	v3 =	vld [tilespmem:s17+$0x0]  }
0x153: {  	v0 =	vld [tilespmem:s14+$0x0];
	v5 =	vadd.f32 v5, v7  }
0x154: {  	s18 =	simm.s32 $0x15060;
	[tilespmem:s15+$0x10] =	vst v9;
	v14 =	vadd.f32 v2, v6;
	v2 =	vld [tilespmem:s14+$0xFFFFFFE0]  }
0x155: {  	[tilespmem:s17+$0xFFFFFFF0] =	vst v5;
	v5 =	vadd.f32 v13, v1;
	s14 =	simm.s32 $0x120A0;
	v9 =	vadd.f32 v10, v4;
	v10 =	vld [tilespmem:s18+$0x10]  }
0x156: {  	v18 =	vld [tilespmem:s14+$0xFFFFFFE0];
	[tilespmem:s17+$0xFFFFFFE0] =	vst v14  }
0x157: {  	v3 =	vadd.f32 v3, v12;
	[tilespmem:s15+$0xFFFFFFF0] =	vst v5;
	v13 =	vld [tilespmem:s16+$0xFFFFFFE0]  }
0x158: {  	v5 =	vadd.f32 v15, v0;
	[tilespmem:s16+$0x10] =	vst v9;
	v9 =	vld [tilespmem:s16+$0xFFFFFFF0]  }
0x159: {  	[tilespmem:s17+$0x0] =	vst v3;
	v15 =	vld [tilespmem:s18+$0xFFFFFFF0]  }
0x15a: {  	s11 =	simm.s32 $0x1B020;
	[tilespmem:s15+$0x0] =	vst v5;
	v3 =	vadd.f32 v11, v2;
	v11 =	vld [tilespmem:s16+$0x0];
	v5 =	vadd.f32 v10, v8  }
0x15b: {  	v14 =	vld [tilespmem:s11+$0x10]  }
0x15c: {  	s13 =	simm.s32 $0x18060;
	v10 =	vld [tilespmem:s18+$0x0];
	[tilespmem:s18+$0x10] =	vst v5  }
0x15d: {  	[tilespmem:s15+$0xFFFFFFE0] =	vst v3;
	v3 =	vadd.f32 v13, v6;
	v5 =	vadd.f32 v9, v7;
	v9 =	vld [tilespmem:s13+$0x10]  }
0x15e: {  	s17 =	simm.s32 $0xF0A0;
	v13 =	vld [tilespmem:s18+$0xFFFFFFE0]  }
0x15f: {  	[tilespmem:s16+$0xFFFFFFE0] =	vst v3;
	v3 =	vld [tilespmem:s17+$0x10]  }
0x160: {  	v16 =	vld [tilespmem:s11+$0xFFFFFFE0]  }
0x161: {  	v4 =	vadd.f32 v14, v4;
	v14 =	vld [tilespmem:s14+$0x10]  }
0x162: {  	[tilespmem:s16+$0xFFFFFFF0] =	vst v5;
	v5 =	vld [tilespmem:s17+$0xFFFFFFF0];
	v9 =	vadd.f32 v9, v8  }
0x163: {  	v17 =	vld [tilespmem:s11+$0xFFFFFFF0];
	[tilespmem:s11+$0x10] =	vst v4;
	v4 =	vadd.f32 v15, v1  }
0x164: {  	v11 =	vadd.f32 v11, v12;
	[tilespmem:s13+$0x10] =	vst v9;
	v9 =	vld [tilespmem:s14+$0xFFFFFFF0]  }
0x165: {  	s12 =	simm.s32 $0x1B060;
	v10 =	vadd.f32 v10, v0;
	[tilespmem:s18+$0xFFFFFFF0] =	vst v4;
	v4 =	vld [tilespmem:s17+$0x0]  }
0x166: {  	[tilespmem:s16+$0x0] =	vst v11;
	v11 =	vadd.f32 v14, v3;
	v15 =	vld [tilespmem:s12+$0x10]  }
0x167: {  	v13 =	vadd.f32 v13, v2;
	[tilespmem:s18+$0x0] =	vst v10;
	v10 =	vld [tilespmem:s14+$0x0]  }
0x168: {  	s15 =	simm.s32 $0x150A0;
	v14 =	vadd.f32 v16, v6;
	v6 =	vld [tilespmem:s17+$0xFFFFFFE0];
	[tilespmem:s14+$0x10] =	vst v11  }
0x169: {  	[tilespmem:s18+$0xFFFFFFE0] =	vst v13;
	v11 =	vld [tilespmem:s15+$0x10];
	v9 =	vadd.f32 v9, v5  }
0x16a: {  	v13 =	vld [tilespmem:s13+$0xFFFFFFE0];
	v7 =	vadd.f32 v17, v7;
	[tilespmem:s11+$0xFFFFFFE0] =	vst v14  }
0x16b: {  	v8 =	vadd.f32 v15, v8;
	[tilespmem:s14+$0xFFFFFFF0] =	vst v9;
	v9 =	vld [tilespmem:s13+$0xFFFFFFF0]  }
0x16c: {  	[tilespmem:s11+$0xFFFFFFF0] =	vst v7;
	v10 =	vadd.f32 v10, v4;
	v7 =	vld [tilespmem:s15+$0xFFFFFFF0]  }
0x16d: {  	v14 =	vld [tilespmem:s13+$0x0];
	[tilespmem:s12+$0x10] =	vst v8;
	v8 =	vadd.f32 v18, v6  }
0x16e: {  	v63 =	vld [tilespmem:s11+$0x0];
	[tilespmem:s14+$0x0] =	vst v10;
	v15 =	vadd.f32 v11, v3  }
0x16f: {  	v11 =	vld [tilespmem:s15+$0x0];
	[tilespmem:s14+$0xFFFFFFE0] =	vst v8;
	v8 =	vadd.f32 v13, v2  }
0x170: {  	s16 =	simm.s32 $0x180A0;
	[tilespmem:s15+$0x10] =	vst v15;
	v10 =	vld [tilespmem:s15+$0xFFFFFFE0];
	v13 =	vadd.f32 v9, v1  }
0x171: {  	v9 =	vld [tilespmem:s16+$0x10];
	[tilespmem:s13+$0xFFFFFFE0] =	vst v8;
	v15 =	vadd.f32 v7, v5  }
0x172: {  	v7 =	vld [tilespmem:s12+$0xFFFFFFE0];
	[tilespmem:s13+$0xFFFFFFF0] =	vst v13;
	v13 =	vadd.f32 v14, v0  }
0x173: {  	s18 =	simm.s32 $0xF0E0;
	s17 =	simm.s32 $0x80;
	v12 =	vadd.f32 v63, v12;
	[tilespmem:s15+$0xFFFFFFF0] =	vst v15;
	v8 =	vld [tilespmem:s12+$0xFFFFFFF0]  }
.LBB2_4:
0x174: {  	v14 =	vld [tilespmem:s18+$0x10];
	v11 =	vadd.f32 v11, v4;
	s14 =	sadd.s32 $0x40, s14;
	[tilespmem:s13+$0x0] =	vst v13;
	s13 =	smov.u32 s16  }
0x175: {  	s17 =	sadd.s32 $0x40, s17;
	v13 =	vld [tilespmem:s14+$0x10];
	v10 =	vadd.f32 v10, v6;
	[tilespmem:s11+$0x0] =	vst v12;
	s11 =	smov.u32 s12  }
0x176: {  	p0 =	slt.u32 s17, $0x2FC0;
	v12 =	vld [tilespmem:s14+$0xFFFFFFE0];
	[tilespmem:s15+$0x0] =	vst v11;
	v9 =	vadd.f32 v9, v3  }
0x177: {  	v11 =	vld [tilespmem:s18+$0xFFFFFFF0];
	[tilespmem:s15+$0xFFFFFFE0] =	vst v10;
	v7 =	vadd.f32 v7, v2;
	v2 =	vmov v6  }
0x178: {  	s12 =	sadd.s32 $0x40, s12;
	v10 =	vld [tilespmem:s14+$0xFFFFFFF0];
	[tilespmem:s16+$0x10] =	vst v9;
	v6 =	vadd.f32 v8, v1;
	v1 =	vmov v5  }
0x179: {  	v8 =	vld [tilespmem:s12+$0x10];
	[tilespmem:s11+$0xFFFFFFE0] =	vst v7  }
0x17a: {  	v15 =	vld [tilespmem:s18+$0x0];
	v9 =	vadd.f32 v13, v14;
	[tilespmem:s11+$0xFFFFFFF0] =	vst v6  }
0x17b: {  	v7 =	vld [tilespmem:s14+$0x0]  }
0x17c: {  	s15 =	sadd.s32 $0x40, s15;
	v6 =	vld [tilespmem:s18+$0xFFFFFFE0];
	[tilespmem:s14+$0x10] =	vst v9;
	v5 =	vmov v11  }
0x17d: {  	v9 =	vadd.f32 v10, v5;
	v10 =	vld [tilespmem:s15+$0x10]  }
0x17e: {  	v13 =	vld [tilespmem:s16+$0xFFFFFFE0];
	v8 =	vadd.f32 v8, v3;
	v3 =	vmov v14  }
0x17f: {  	[tilespmem:s14+$0xFFFFFFF0] =	vst v9;
	v9 =	vld [tilespmem:s16+$0xFFFFFFF0]  }
0x180: {  	v14 =	vld [tilespmem:s15+$0xFFFFFFF0];
	v7 =	vadd.f32 v7, v15;
	[tilespmem:s12+$0x10] =	vst v8  }
0x181: {  	v8 =	vadd.f32 v12, v6;
	v12 =	vld [tilespmem:s16+$0x0]  }
0x182: {  	[tilespmem:s14+$0x0] =	vst v7;
	v7 =	vadd.f32 v10, v3;
	v16 =	vld [tilespmem:s11+$0x0]  }
.Ltmp1:
0x183: {  	[tilespmem:s14+$0xFFFFFFE0] =	vst v8;
	v11 =	vld [tilespmem:s15+$0x0];
	v8 =	vadd.f32 v13, v2;
	(pc) =	sbr.rel @p0 .LBB2_4-.Ltmp1, $4  }
0x184: {  	s16 =	sadd.s32 $0x40, s16;
	v10 =	vld [tilespmem:s15+$0xFFFFFFE0];
	[tilespmem:s15+$0x10] =	vst v7;
	v13 =	vadd.f32 v9, v1  }
0x185: {  	v14 =	vadd.f32 v14, v5;
	v9 =	vld [tilespmem:s16+$0x10];
	[tilespmem:s13+$0xFFFFFFE0] =	vst v8  }
0x186: {  	v7 =	vld [tilespmem:s12+$0xFFFFFFE0];
	[tilespmem:s13+$0xFFFFFFF0] =	vst v13;
	v13 =	vadd.f32 v12, v4  }
0x187: {  	s18 =	sadd.s32 $0x40, s18;
	[tilespmem:s15+$0xFFFFFFF0] =	vst v14;
	v8 =	vld [tilespmem:s12+$0xFFFFFFF0];
	v12 =	vadd.f32 v16, v0;
	v0 =	vmov v4;
	v4 =	vmov v15  }
0x188: {  	_ = 	snop  }
0x189: {  	v10 =	vadd.f32 v10, v6;
	_ =	sdelay $0x1  }
0x18a: {  	v11 =	vadd.f32 v11, v4;
	[tilespmem:s15+$0xFFFFFFE0] =	vst v10  }
0x18b: {  	v10 =	vld [tilespmem:s16+$0xFFFFFFE0]  }
0x18c: {  	[tilespmem:s15+$0x0] =	vst v11;
	v11 =	vld [tilespmem:s16+$0xFFFFFFF0]  }
0x18d: {  	v14 =	vld [tilespmem:s16+$0x0]  }
0x18e: {  	v9 =	vadd.f32 v9, v3  }
0x18f: {  	[tilespmem:s13+$0x0] =	vst v13  }
0x190: {  	[tilespmem:s16+$0x10] =	vst v9;
	v9 =	vadd.f32 v10, v6  }
0x191: {  	s14 =	sadd.s32 $0x40, s12;
	v13 =	vld [tilespmem:s12+$0x0];
	v11 =	vadd.f32 v11, v5  }
0x192: {  	v10 =	vld [tilespmem:s14+$0x10];
	[tilespmem:s16+$0xFFFFFFE0] =	vst v9;
	v9 =	vadd.f32 v14, v4  }
0x193: {  	[tilespmem:s16+$0xFFFFFFF0] =	vst v11;
	v14 =	vld [tilespmem:s14+$0xFFFFFFE0]  }
0x194: {  	v2 =	vadd.f32 v7, v2;
	v7 =	vld [tilespmem:s14+$0xFFFFFFF0];
	[tilespmem:s16+$0x0] =	vst v9  }
0x195: {  	[tilespmem:s11+$0x0] =	vst v12;
	v1 =	vadd.f32 v8, v1;
	v8 =	vld [tilespmem:s14+$0x0]  }
0x196: {  	[tilespmem:s12+$0xFFFFFFE0] =	vst v2;
	v0 =	vadd.f32 v13, v0  }
0x197: {  	[tilespmem:s12+$0xFFFFFFF0] =	vst v1;
	v2 =	vadd.f32 v10, v3  }
0x198: {  	[tilespmem:s12+$0x0] =	vst v0;
	v1 =	vadd.f32 v14, v6  }
0x199: {  	v0 =	vadd.f32 v7, v5;
	[tilespmem:s14+$0x10] =	vst v2  }
0x19a: {  	[tilespmem:s14+$0xFFFFFFE0] =	vst v1;
	v1 =	vadd.f32 v8, v4  }
0x19b: {  	[tilespmem:s14+$0xFFFFFFF0] =	vst v0  }
0x19c: {  	[tilespmem:s14+$0x0] =	vst v1  }
0x19d: {  	s11 =	rddreg [dreg:$0x10]  }
0x19e: {  	[hbm4b:s11+s1] =	stream.linear.scatter [tilespmem:s2], [sflag:$0x4], $0x3000, $0x38;
	[tilespmem:$0x1E000] =	vst v63  }
0x19f: {  	s14 =	rddreg [dreg:$0x11]  }
0x1a0: {  	[hbm4b:s14+s1] =	stream.linear.scatter [tilespmem:s3], [sflag:$0x4], $0x3000, $0x38;
	[tilespmem:$0x1E000] =	vst v63  }
0x1a1: {  	s15 =	rddreg [dreg:$0x12]  }
0x1a2: {  	[hbm4b:s15+s1] =	stream.linear.scatter [tilespmem:s4], [sflag:$0x4], $0x3000, $0x38;
	[tilespmem:$0x1E000] =	vst v63  }
0x1a3: {  	s16 =	rddreg [dreg:$0x13]  }
0x1a4: {  	[hbm4b:s16+s1] =	stream.linear.scatter [tilespmem:s5], [sflag:$0x4], $0x3000, $0x38;
	[tilespmem:$0x1E000] =	vst v63  }
0x1a5: {  	_ =	swait.ge [sflag:s9], $0x3000  }
0x1a6: {  	[sflag:s9] =	ssyncset.done $0x0  }
0x1a7: {  	[sflag:s9] =	ssyncadd.s32 $0xFFFFD000  }
0x1a8: {  	_ =	swait.ge [sflag:s9], $0x3000  }
0x1a9: {  	[sflag:s9] =	ssyncset.done $0x0  }
0x1aa: {  	[sflag:s9] =	ssyncadd.s32 $0xFFFFD000  }
0x1ab: {  	_ =	swait.ge [sflag:s9], $0x3000  }
0x1ac: {  	[sflag:s9] =	ssyncset.done $0x0  }
0x1ad: {  	[sflag:s9] =	ssyncadd.s32 $0xFFFFD000  }
0x1ae: {  	_ =	swait.ge [sflag:s9], $0x3000  }
0x1af: {  	[sflag:s9] =	ssyncset.done $0x0;
	s17 =	rddreg [dreg:$0x1b]  }
0x1b0: {  	s18 =	rddreg [dreg:$0x1c];
	[sflag:s9] =	ssyncadd.s32 $0xFFFFD000  }
0x1b1: {  	[tilespmem:s0], [sflag:$0x2] =	stream.linear.gather [hbm4b:s17+s1], $0x3000, $0x38;
	[tilespmem:$0x1E000] =	vst v63  }
0x1b2: {  	s12 =	rddreg [dreg:$0x1e]  }
0x1b3: {  	[tilespmem:s2], [sflag:$0x2] =	stream.linear.gather [hbm4b:s18+s1], $0x3000, $0x38;
	[tilespmem:$0x1E000] =	vst v63  }
0x1b4: {  	s13 =	sld [smem:$0x792]  }
0x1b5: {  	[tilespmem:s3], [sflag:$0x2] =	stream.linear.gather [hbm4b:s12+s1], $0x3000, $0x38;
	[tilespmem:$0x1E000] =	vst v63  }
0x1b6: {  	s14 =	sld [smem:$0x794]  }
0x1b7: {  	[tilespmem:s4], [sflag:$0x2] =	stream.linear.gather [hbm4b:s13+s1], $0x3000, $0x38;
	[tilespmem:$0x1E000] =	vst v63  }
0x1b8: {  	_ = 	snop  }
0x1b9: {  	[tilespmem:s5], [sflag:$0x2] =	stream.linear.gather [hbm4b:s14+s1], $0x3000, $0x38;
	[tilespmem:$0x1E000] =	vst v63  }
0x1ba: {  	_ =	swait.ge [sflag:s6], $0x3000  }
0x1bb: {  	[sflag:s6] =	ssyncset.done $0x0  }
0x1bc: {  	[sflag:s6] =	ssyncadd.s32 $0xFFFFD000  }
0x1bd: {  	_ =	swait.ge [sflag:s6], $0x3000  }
0x1be: {  	[sflag:s6] =	ssyncset.done $0x0  }
0x1bf: {  	[sflag:s6] =	ssyncadd.s32 $0xFFFFD000  }
0x1c0: {  	_ =	swait.ge [sflag:s6], $0x3000  }
0x1c1: {  	[sflag:s6] =	ssyncset.done $0x0  }
0x1c2: {  	[sflag:s6] =	ssyncadd.s32 $0xFFFFD000  }
0x1c3: {  	_ =	swait.ge [sflag:s6], $0x3000  }
0x1c4: {  	[sflag:s6] =	ssyncset.done $0x0  }
0x1c5: {  	[sflag:s6] =	ssyncadd.s32 $0xFFFFD000  }
0x1c6: {  	_ =	swait.ge [sflag:s6], $0x3000  }
0x1c7: {  	[sflag:s6] =	ssyncset.done $0x0  }
0x1c8: {  	s15 =	simm.s32 $0x20;
	[sflag:s6] =	ssyncadd.s32 $0xFFFFD000  }
0x1c9: {  	s16 =	simm.s32 $0x3020;
	v4 =	vld [tilespmem:s15+$0x10]  }
0x1ca: {  	v0 =	vld [tilespmem:s16+$0x10];
	_ =	sdelay $0x1  }
0x1cb: {  	v7 =	vld [tilespmem:s15+$0xFFFFFFF0]  }
0x1cc: {  	v2 =	vld [tilespmem:s16+$0xFFFFFFF0]  }
0x1cd: {  	v1 =	vld [tilespmem:s16+$0xFFFFFFE0]  }
0x1ce: {  	v12 =	vld [tilespmem:s15+$0x0];
	v0 =	vadd.f32 v0, v4  }
0x1cf: {  	v6 =	vld [tilespmem:s15+$0xFFFFFFE0]  }
0x1d0: {  	s17 =	simm.s32 $0x6020;
	v3 =	vld [tilespmem:s16+$0x0];
	[tilespmem:s16+$0x10] =	vst v0  }
0x1d1: {  	s14 =	simm.s32 $0x60;
	v0 =	vadd.f32 v2, v7;
	v2 =	vld [tilespmem:s17+$0x10]  }
0x1d2: {  	v8 =	vld [tilespmem:s14+$0x10];
	s15 =	simm.s32 $0x3060  }
0x1d3: {  	v9 =	vld [tilespmem:s15+$0x10]  }
0x1d4: {  	v11 =	vld [tilespmem:s15+$0xFFFFFFE0];
	[tilespmem:s16+$0xFFFFFFF0] =	vst v0;
	v0 =	vadd.f32 v1, v6  }
0x1d5: {  	v13 =	vld [tilespmem:s15+$0xFFFFFFF0];
	v3 =	vadd.f32 v3, v12  }
0x1d6: {  	v1 =	vld [tilespmem:s14+$0xFFFFFFF0];
	[tilespmem:s16+$0xFFFFFFE0] =	vst v0;
	v0 =	vadd.f32 v2, v4  }
0x1d7: {  	[tilespmem:s16+$0x0] =	vst v3;
	v5 =	vld [tilespmem:s17+$0xFFFFFFF0]  }
0x1d8: {  	s16 =	simm.s32 $0x9020;
	v2 =	vld [tilespmem:s17+$0xFFFFFFE0];
	[tilespmem:s17+$0x10] =	vst v0  }
0x1d9: {  	v10 =	vld [tilespmem:s16+$0x10]  }
0x1da: {  	v15 =	vld [tilespmem:s15+$0x0]  }
0x1db: {  	v9 =	vadd.f32 v9, v8;
	v3 =	vld [tilespmem:s17+$0x0]  }
0x1dc: {  	v0 =	vld [tilespmem:s14+$0x0];
	v5 =	vadd.f32 v5, v7  }
0x1dd: {  	s18 =	simm.s32 $0x6060;
	[tilespmem:s15+$0x10] =	vst v9;
	v14 =	vadd.f32 v2, v6;
	v2 =	vld [tilespmem:s14+$0xFFFFFFE0]  }
0x1de: {  	[tilespmem:s17+$0xFFFFFFF0] =	vst v5;
	v5 =	vadd.f32 v13, v1;
	s14 =	simm.s32 $0x30A0;
	v9 =	vadd.f32 v10, v4;
	v10 =	vld [tilespmem:s18+$0x10]  }
0x1df: {  	v18 =	vld [tilespmem:s14+$0xFFFFFFE0];
	[tilespmem:s17+$0xFFFFFFE0] =	vst v14  }
0x1e0: {  	v3 =	vadd.f32 v3, v12;
	[tilespmem:s15+$0xFFFFFFF0] =	vst v5;
	v13 =	vld [tilespmem:s16+$0xFFFFFFE0]  }
0x1e1: {  	v5 =	vadd.f32 v15, v0;
	[tilespmem:s16+$0x10] =	vst v9;
	v9 =	vld [tilespmem:s16+$0xFFFFFFF0]  }
0x1e2: {  	[tilespmem:s17+$0x0] =	vst v3;
	v15 =	vld [tilespmem:s18+$0xFFFFFFF0]  }
0x1e3: {  	s11 =	simm.s32 $0xC020;
	[tilespmem:s15+$0x0] =	vst v5;
	v3 =	vadd.f32 v11, v2;
	v11 =	vld [tilespmem:s16+$0x0];
	v5 =	vadd.f32 v10, v8  }
0x1e4: {  	v14 =	vld [tilespmem:s11+$0x10]  }
0x1e5: {  	s13 =	simm.s32 $0x9060;
	v10 =	vld [tilespmem:s18+$0x0];
	[tilespmem:s18+$0x10] =	vst v5  }
0x1e6: {  	[tilespmem:s15+$0xFFFFFFE0] =	vst v3;
	v3 =	vadd.f32 v13, v6;
	v5 =	vadd.f32 v9, v7;
	v9 =	vld [tilespmem:s13+$0x10]  }
0x1e7: {  	s17 =	simm.s32 $0xA0;
	v13 =	vld [tilespmem:s18+$0xFFFFFFE0]  }
0x1e8: {  	[tilespmem:s16+$0xFFFFFFE0] =	vst v3;
	v3 =	vld [tilespmem:s17+$0x10]  }
0x1e9: {  	v16 =	vld [tilespmem:s11+$0xFFFFFFE0]  }
0x1ea: {  	v4 =	vadd.f32 v14, v4;
	v14 =	vld [tilespmem:s14+$0x10]  }
0x1eb: {  	[tilespmem:s16+$0xFFFFFFF0] =	vst v5;
	v5 =	vld [tilespmem:s17+$0xFFFFFFF0];
	v9 =	vadd.f32 v9, v8  }
0x1ec: {  	v17 =	vld [tilespmem:s11+$0xFFFFFFF0];
	[tilespmem:s11+$0x10] =	vst v4;
	v4 =	vadd.f32 v15, v1  }
0x1ed: {  	v11 =	vadd.f32 v11, v12;
	[tilespmem:s13+$0x10] =	vst v9;
	v9 =	vld [tilespmem:s14+$0xFFFFFFF0]  }
0x1ee: {  	s12 =	simm.s32 $0xC060;
	v10 =	vadd.f32 v10, v0;
	[tilespmem:s18+$0xFFFFFFF0] =	vst v4;
	v4 =	vld [tilespmem:s17+$0x0]  }
0x1ef: {  	[tilespmem:s16+$0x0] =	vst v11;
	v11 =	vadd.f32 v14, v3;
	v15 =	vld [tilespmem:s12+$0x10]  }
0x1f0: {  	v13 =	vadd.f32 v13, v2;
	[tilespmem:s18+$0x0] =	vst v10;
	v10 =	vld [tilespmem:s14+$0x0]  }
0x1f1: {  	s15 =	simm.s32 $0x60A0;
	v14 =	vadd.f32 v16, v6;
	v6 =	vld [tilespmem:s17+$0xFFFFFFE0];
	[tilespmem:s14+$0x10] =	vst v11  }
0x1f2: {  	[tilespmem:s18+$0xFFFFFFE0] =	vst v13;
	v11 =	vld [tilespmem:s15+$0x10];
	v9 =	vadd.f32 v9, v5  }
0x1f3: {  	v13 =	vld [tilespmem:s13+$0xFFFFFFE0];
	v7 =	vadd.f32 v17, v7;
	[tilespmem:s11+$0xFFFFFFE0] =	vst v14  }
0x1f4: {  	v8 =	vadd.f32 v15, v8;
	[tilespmem:s14+$0xFFFFFFF0] =	vst v9;
	v9 =	vld [tilespmem:s13+$0xFFFFFFF0]  }
0x1f5: {  	[tilespmem:s11+$0xFFFFFFF0] =	vst v7;
	v10 =	vadd.f32 v10, v4;
	v7 =	vld [tilespmem:s15+$0xFFFFFFF0]  }
0x1f6: {  	v14 =	vld [tilespmem:s13+$0x0];
	[tilespmem:s12+$0x10] =	vst v8;
	v8 =	vadd.f32 v18, v6  }
0x1f7: {  	v63 =	vld [tilespmem:s11+$0x0];
	[tilespmem:s14+$0x0] =	vst v10;
	v15 =	vadd.f32 v11, v3  }
0x1f8: {  	v11 =	vld [tilespmem:s15+$0x0];
	[tilespmem:s14+$0xFFFFFFE0] =	vst v8;
	v8 =	vadd.f32 v13, v2  }
0x1f9: {  	s16 =	simm.s32 $0x90A0;
	[tilespmem:s15+$0x10] =	vst v15;
	v10 =	vld [tilespmem:s15+$0xFFFFFFE0];
	v13 =	vadd.f32 v9, v1  }
0x1fa: {  	v9 =	vld [tilespmem:s16+$0x10];
	[tilespmem:s13+$0xFFFFFFE0] =	vst v8;
	v15 =	vadd.f32 v7, v5  }
0x1fb: {  	v7 =	vld [tilespmem:s12+$0xFFFFFFE0];
	[tilespmem:s13+$0xFFFFFFF0] =	vst v13;
	v13 =	vadd.f32 v14, v0  }
0x1fc: {  	s18 =	simm.s32 $0xE0;
	s17 =	simm.s32 $0x80;
	v12 =	vadd.f32 v63, v12;
	[tilespmem:s15+$0xFFFFFFF0] =	vst v15;
	v8 =	vld [tilespmem:s12+$0xFFFFFFF0]  }
.LBB2_6:
0x1fd: {  	v14 =	vld [tilespmem:s18+$0x10];
	v11 =	vadd.f32 v11, v4;
	s14 =	sadd.s32 $0x40, s14;
	[tilespmem:s13+$0x0] =	vst v13;
	s13 =	smov.u32 s16  }
0x1fe: {  	s17 =	sadd.s32 $0x40, s17;
	v13 =	vld [tilespmem:s14+$0x10];
	v10 =	vadd.f32 v10, v6;
	[tilespmem:s11+$0x0] =	vst v12;
	s11 =	smov.u32 s12  }
0x1ff: {  	p0 =	slt.u32 s17, $0x2FC0;
	v12 =	vld [tilespmem:s14+$0xFFFFFFE0];
	[tilespmem:s15+$0x0] =	vst v11;
	v9 =	vadd.f32 v9, v3  }
0x200: {  	v11 =	vld [tilespmem:s18+$0xFFFFFFF0];
	[tilespmem:s15+$0xFFFFFFE0] =	vst v10;
	v7 =	vadd.f32 v7, v2;
	v2 =	vmov v6  }
0x201: {  	s12 =	sadd.s32 $0x40, s12;
	v10 =	vld [tilespmem:s14+$0xFFFFFFF0];
	[tilespmem:s16+$0x10] =	vst v9;
	v6 =	vadd.f32 v8, v1;
	v1 =	vmov v5  }
0x202: {  	v8 =	vld [tilespmem:s12+$0x10];
	[tilespmem:s11+$0xFFFFFFE0] =	vst v7  }
0x203: {  	v15 =	vld [tilespmem:s18+$0x0];
	v9 =	vadd.f32 v13, v14;
	[tilespmem:s11+$0xFFFFFFF0] =	vst v6  }
0x204: {  	v7 =	vld [tilespmem:s14+$0x0]  }
0x205: {  	s15 =	sadd.s32 $0x40, s15;
	v6 =	vld [tilespmem:s18+$0xFFFFFFE0];
	[tilespmem:s14+$0x10] =	vst v9;
	v5 =	vmov v11  }
0x206: {  	v9 =	vadd.f32 v10, v5;
	v10 =	vld [tilespmem:s15+$0x10]  }
0x207: {  	v13 =	vld [tilespmem:s16+$0xFFFFFFE0];
	v8 =	vadd.f32 v8, v3;
	v3 =	vmov v14  }
0x208: {  	[tilespmem:s14+$0xFFFFFFF0] =	vst v9;
	v9 =	vld [tilespmem:s16+$0xFFFFFFF0]  }
0x209: {  	v14 =	vld [tilespmem:s15+$0xFFFFFFF0];
	v7 =	vadd.f32 v7, v15;
	[tilespmem:s12+$0x10] =	vst v8  }
0x20a: {  	v8 =	vadd.f32 v12, v6;
	v12 =	vld [tilespmem:s16+$0x0]  }
0x20b: {  	[tilespmem:s14+$0x0] =	vst v7;
	v7 =	vadd.f32 v10, v3;
	v16 =	vld [tilespmem:s11+$0x0]  }
.Ltmp2:
0x20c: {  	[tilespmem:s14+$0xFFFFFFE0] =	vst v8;
	v11 =	vld [tilespmem:s15+$0x0];
	v8 =	vadd.f32 v13, v2;
	(pc) =	sbr.rel @p0 .LBB2_6-.Ltmp2, $4  }
0x20d: {  	s16 =	sadd.s32 $0x40, s16;
	v10 =	vld [tilespmem:s15+$0xFFFFFFE0];
	[tilespmem:s15+$0x10] =	vst v7;
	v13 =	vadd.f32 v9, v1  }
0x20e: {  	v14 =	vadd.f32 v14, v5;
	v9 =	vld [tilespmem:s16+$0x10];
	[tilespmem:s13+$0xFFFFFFE0] =	vst v8  }
0x20f: {  	v7 =	vld [tilespmem:s12+$0xFFFFFFE0];
	[tilespmem:s13+$0xFFFFFFF0] =	vst v13;
	v13 =	vadd.f32 v12, v4  }
0x210: {  	s18 =	sadd.s32 $0x40, s18;
	[tilespmem:s15+$0xFFFFFFF0] =	vst v14;
	v8 =	vld [tilespmem:s12+$0xFFFFFFF0];
	v12 =	vadd.f32 v16, v0;
	v0 =	vmov v4;
	v4 =	vmov v15  }
0x211: {  	_ = 	snop  }
0x212: {  	v10 =	vadd.f32 v10, v6;
	_ =	sdelay $0x1  }
0x213: {  	v11 =	vadd.f32 v11, v4;
	[tilespmem:s15+$0xFFFFFFE0] =	vst v10  }
0x214: {  	v10 =	vld [tilespmem:s16+$0xFFFFFFE0]  }
0x215: {  	[tilespmem:s15+$0x0] =	vst v11;
	v11 =	vld [tilespmem:s16+$0xFFFFFFF0]  }
0x216: {  	v14 =	vld [tilespmem:s16+$0x0]  }
0x217: {  	v9 =	vadd.f32 v9, v3  }
0x218: {  	[tilespmem:s13+$0x0] =	vst v13  }
0x219: {  	[tilespmem:s16+$0x10] =	vst v9;
	v9 =	vadd.f32 v10, v6  }
0x21a: {  	s14 =	sadd.s32 $0x40, s12;
	v13 =	vld [tilespmem:s12+$0x0];
	v11 =	vadd.f32 v11, v5  }
0x21b: {  	v10 =	vld [tilespmem:s14+$0x10];
	[tilespmem:s16+$0xFFFFFFE0] =	vst v9;
	v9 =	vadd.f32 v14, v4  }
0x21c: {  	[tilespmem:s16+$0xFFFFFFF0] =	vst v11;
	v14 =	vld [tilespmem:s14+$0xFFFFFFE0]  }
0x21d: {  	v2 =	vadd.f32 v7, v2;
	v7 =	vld [tilespmem:s14+$0xFFFFFFF0];
	[tilespmem:s16+$0x0] =	vst v9  }
0x21e: {  	[tilespmem:s11+$0x0] =	vst v12;
	v1 =	vadd.f32 v8, v1;
	v8 =	vld [tilespmem:s14+$0x0]  }
0x21f: {  	[tilespmem:s12+$0xFFFFFFE0] =	vst v2;
	v0 =	vadd.f32 v13, v0  }
0x220: {  	[tilespmem:s12+$0xFFFFFFF0] =	vst v1;
	v2 =	vadd.f32 v10, v3  }
0x221: {  	[tilespmem:s12+$0x0] =	vst v0;
	v1 =	vadd.f32 v14, v6  }
0x222: {  	v0 =	vadd.f32 v7, v5;
	[tilespmem:s14+$0x10] =	vst v2  }
0x223: {  	[tilespmem:s14+$0xFFFFFFE0] =	vst v1;
	v1 =	vadd.f32 v8, v4  }
0x224: {  	[tilespmem:s14+$0xFFFFFFF0] =	vst v0  }
0x225: {  	[tilespmem:s14+$0x0] =	vst v1  }
0x226: {  	s11 =	rddreg [dreg:$0x14]  }
0x227: {  	[hbm4b:s11+s1] =	stream.linear.scatter [tilespmem:s28], [sflag:$0x3], $0x3000, $0x38;
	[tilespmem:$0x1E000] =	vst v63  }
0x228: {  	s14 =	rddreg [dreg:$0x16]  }
0x229: {  	[hbm4b:s14+s1] =	stream.linear.scatter [tilespmem:s29], [sflag:$0x3], $0x3000, $0x38;
	[tilespmem:$0x1E000] =	vst v63  }
0x22a: {  	s15 =	rddreg [dreg:$0x18]  }
0x22b: {  	[hbm4b:s15+s1] =	stream.linear.scatter [tilespmem:s30], [sflag:$0x3], $0x3000, $0x38;
	[tilespmem:$0x1E000] =	vst v63  }
0x22c: {  	s16 =	rddreg [dreg:$0x1a]  }
0x22d: {  	[hbm4b:s16+s1] =	stream.linear.scatter [tilespmem:s31], [sflag:$0x3], $0x3000, $0x38;
	[tilespmem:$0x1E000] =	vst v63  }
0x22e: {  	_ =	swait.ge [sflag:s7], $0x3000  }
0x22f: {  	[sflag:s7] =	ssyncset.done $0x0  }
0x230: {  	[sflag:s7] =	ssyncadd.s32 $0xFFFFD000  }
0x231: {  	_ =	swait.ge [sflag:s7], $0x3000  }
0x232: {  	[sflag:s7] =	ssyncset.done $0x0  }
0x233: {  	[sflag:s7] =	ssyncadd.s32 $0xFFFFD000  }
0x234: {  	_ =	swait.ge [sflag:s7], $0x3000  }
0x235: {  	[sflag:s7] =	ssyncset.done $0x0  }
0x236: {  	[sflag:s7] =	ssyncadd.s32 $0xFFFFD000  }
0x237: {  	_ =	swait.ge [sflag:s7], $0x3000  }
0x238: {  	s17 =	sld [smem:$0x799]  }
0x239: {  	[sflag:s7] =	ssyncset.done $0x0  }
0x23a: {  	s18 =	sld [smem:$0x79A];
	[sflag:s7] =	ssyncadd.s32 $0xFFFFD000  }
0x23b: {  	[tilespmem:s1], [sflag:$0x1] =	stream.linear.gather [hbm4b:s17+s1], $0x3000, $0x38;
	[tilespmem:$0x1E000] =	vst v63  }
0x23c: {  	s12 =	sld [smem:$0x79C]  }
0x23d: {  	[tilespmem:s28], [sflag:$0x1] =	stream.linear.gather [hbm4b:s18+s1], $0x3000, $0x38;
	[tilespmem:$0x1E000] =	vst v63  }
0x23e: {  	s13 =	sld [smem:$0x79E]  }
0x23f: {  	[tilespmem:s29], [sflag:$0x1] =	stream.linear.gather [hbm4b:s12+s1], $0x3000, $0x38;
	[tilespmem:$0x1E000] =	vst v63  }
0x240: {  	s14 =	sld [smem:$0x7A0]  }
0x241: {  	[tilespmem:s30], [sflag:$0x1] =	stream.linear.gather [hbm4b:s13+s1], $0x3000, $0x38;
	[tilespmem:$0x1E000] =	vst v63  }
0x242: {  	_ = 	snop  }
0x243: {  	[tilespmem:s31], [sflag:$0x1] =	stream.linear.gather [hbm4b:s14+s1], $0x3000, $0x38;
	[tilespmem:$0x1E000] =	vst v63  }
0x244: {  	_ =	swait.ge [sflag:s8], $0x3000  }
0x245: {  	[sflag:s8] =	ssyncset.done $0x0  }
0x246: {  	[sflag:s8] =	ssyncadd.s32 $0xFFFFD000  }
0x247: {  	_ =	swait.ge [sflag:s8], $0x3000  }
0x248: {  	[sflag:s8] =	ssyncset.done $0x0  }
0x249: {  	[sflag:s8] =	ssyncadd.s32 $0xFFFFD000  }
0x24a: {  	_ =	swait.ge [sflag:s8], $0x3000  }
0x24b: {  	[sflag:s8] =	ssyncset.done $0x0  }
0x24c: {  	[sflag:s8] =	ssyncadd.s32 $0xFFFFD000  }
0x24d: {  	_ =	swait.ge [sflag:s8], $0x3000  }
0x24e: {  	[sflag:s8] =	ssyncset.done $0x0  }
0x24f: {  	[sflag:s8] =	ssyncadd.s32 $0xFFFFD000  }
0x250: {  	_ =	swait.ge [sflag:s8], $0x3000  }
0x251: {  	[sflag:s8] =	ssyncset.done $0x0  }
0x252: {  	s15 =	simm.s32 $0xF020;
	[sflag:s8] =	ssyncadd.s32 $0xFFFFD000  }
0x253: {  	s16 =	simm.s32 $0x12020;
	v4 =	vld [tilespmem:s15+$0x10]  }
0x254: {  	v0 =	vld [tilespmem:s16+$0x10];
	_ =	sdelay $0x1  }
0x255: {  	v7 =	vld [tilespmem:s15+$0xFFFFFFF0]  }
0x256: {  	v2 =	vld [tilespmem:s16+$0xFFFFFFF0]  }
0x257: {  	v1 =	vld [tilespmem:s16+$0xFFFFFFE0]  }
0x258: {  	v12 =	vld [tilespmem:s15+$0x0];
	v0 =	vadd.f32 v0, v4  }
0x259: {  	v6 =	vld [tilespmem:s15+$0xFFFFFFE0]  }
0x25a: {  	s17 =	simm.s32 $0x15020;
	v3 =	vld [tilespmem:s16+$0x0];
	[tilespmem:s16+$0x10] =	vst v0  }
0x25b: {  	s14 =	simm.s32 $0xF060;
	v0 =	vadd.f32 v2, v7;
	v2 =	vld [tilespmem:s17+$0x10]  }
0x25c: {  	v8 =	vld [tilespmem:s14+$0x10];
	s15 =	simm.s32 $0x12060  }
0x25d: {  	v9 =	vld [tilespmem:s15+$0x10]  }
0x25e: {  	v11 =	vld [tilespmem:s15+$0xFFFFFFE0];
	[tilespmem:s16+$0xFFFFFFF0] =	vst v0;
	v0 =	vadd.f32 v1, v6  }
0x25f: {  	v13 =	vld [tilespmem:s15+$0xFFFFFFF0];
	v3 =	vadd.f32 v3, v12  }
0x260: {  	v1 =	vld [tilespmem:s14+$0xFFFFFFF0];
	[tilespmem:s16+$0xFFFFFFE0] =	vst v0;
	v0 =	vadd.f32 v2, v4  }
0x261: {  	[tilespmem:s16+$0x0] =	vst v3;
	v5 =	vld [tilespmem:s17+$0xFFFFFFF0]  }
0x262: {  	s16 =	simm.s32 $0x18020;
	v2 =	vld [tilespmem:s17+$0xFFFFFFE0];
	[tilespmem:s17+$0x10] =	vst v0  }
0x263: {  	v10 =	vld [tilespmem:s16+$0x10]  }
0x264: {  	v15 =	vld [tilespmem:s15+$0x0]  }
0x265: {  	v9 =	vadd.f32 v9, v8;
	v3 =	vld [tilespmem:s17+$0x0]  }
0x266: {  	v0 =	vld [tilespmem:s14+$0x0];
	v5 =	vadd.f32 v5, v7  }
0x267: {  	s18 =	simm.s32 $0x15060;
	[tilespmem:s15+$0x10] =	vst v9;
	v14 =	vadd.f32 v2, v6;
	v2 =	vld [tilespmem:s14+$0xFFFFFFE0]  }
0x268: {  	[tilespmem:s17+$0xFFFFFFF0] =	vst v5;
	v5 =	vadd.f32 v13, v1;
	s14 =	simm.s32 $0x120A0;
	v9 =	vadd.f32 v10, v4;
	v10 =	vld [tilespmem:s18+$0x10]  }
0x269: {  	v18 =	vld [tilespmem:s14+$0xFFFFFFE0];
	[tilespmem:s17+$0xFFFFFFE0] =	vst v14  }
0x26a: {  	v3 =	vadd.f32 v3, v12;
	[tilespmem:s15+$0xFFFFFFF0] =	vst v5;
	v13 =	vld [tilespmem:s16+$0xFFFFFFE0]  }
0x26b: {  	v5 =	vadd.f32 v15, v0;
	[tilespmem:s16+$0x10] =	vst v9;
	v9 =	vld [tilespmem:s16+$0xFFFFFFF0]  }
0x26c: {  	[tilespmem:s17+$0x0] =	vst v3;
	v15 =	vld [tilespmem:s18+$0xFFFFFFF0]  }
0x26d: {  	s11 =	simm.s32 $0x1B020;
	[tilespmem:s15+$0x0] =	vst v5;
	v3 =	vadd.f32 v11, v2;
	v11 =	vld [tilespmem:s16+$0x0];
	v5 =	vadd.f32 v10, v8  }
0x26e: {  	v14 =	vld [tilespmem:s11+$0x10]  }
0x26f: {  	s13 =	simm.s32 $0x18060;
	v10 =	vld [tilespmem:s18+$0x0];
	[tilespmem:s18+$0x10] =	vst v5  }
0x270: {  	[tilespmem:s15+$0xFFFFFFE0] =	vst v3;
	v3 =	vadd.f32 v13, v6;
	v5 =	vadd.f32 v9, v7;
	v9 =	vld [tilespmem:s13+$0x10]  }
0x271: {  	s17 =	simm.s32 $0xF0A0;
	v13 =	vld [tilespmem:s18+$0xFFFFFFE0]  }
0x272: {  	[tilespmem:s16+$0xFFFFFFE0] =	vst v3;
	v3 =	vld [tilespmem:s17+$0x10]  }
0x273: {  	v16 =	vld [tilespmem:s11+$0xFFFFFFE0]  }
0x274: {  	v4 =	vadd.f32 v14, v4;
	v14 =	vld [tilespmem:s14+$0x10]  }
0x275: {  	[tilespmem:s16+$0xFFFFFFF0] =	vst v5;
	v5 =	vld [tilespmem:s17+$0xFFFFFFF0];
	v9 =	vadd.f32 v9, v8  }
0x276: {  	v17 =	vld [tilespmem:s11+$0xFFFFFFF0];
	[tilespmem:s11+$0x10] =	vst v4;
	v4 =	vadd.f32 v15, v1  }
0x277: {  	v11 =	vadd.f32 v11, v12;
	[tilespmem:s13+$0x10] =	vst v9;
	v9 =	vld [tilespmem:s14+$0xFFFFFFF0]  }
0x278: {  	s12 =	simm.s32 $0x1B060;
	v10 =	vadd.f32 v10, v0;
	[tilespmem:s18+$0xFFFFFFF0] =	vst v4;
	v4 =	vld [tilespmem:s17+$0x0]  }
0x279: {  	[tilespmem:s16+$0x0] =	vst v11;
	v11 =	vadd.f32 v14, v3;
	v15 =	vld [tilespmem:s12+$0x10]  }
0x27a: {  	v13 =	vadd.f32 v13, v2;
	[tilespmem:s18+$0x0] =	vst v10;
	v10 =	vld [tilespmem:s14+$0x0]  }
0x27b: {  	s15 =	simm.s32 $0x150A0;
	v14 =	vadd.f32 v16, v6;
	v6 =	vld [tilespmem:s17+$0xFFFFFFE0];
	[tilespmem:s14+$0x10] =	vst v11  }
0x27c: {  	[tilespmem:s18+$0xFFFFFFE0] =	vst v13;
	v11 =	vld [tilespmem:s15+$0x10];
	v9 =	vadd.f32 v9, v5  }
0x27d: {  	v13 =	vld [tilespmem:s13+$0xFFFFFFE0];
	v7 =	vadd.f32 v17, v7;
	[tilespmem:s11+$0xFFFFFFE0] =	vst v14  }
0x27e: {  	v8 =	vadd.f32 v15, v8;
	[tilespmem:s14+$0xFFFFFFF0] =	vst v9;
	v9 =	vld [tilespmem:s13+$0xFFFFFFF0]  }
0x27f: {  	[tilespmem:s11+$0xFFFFFFF0] =	vst v7;
	v10 =	vadd.f32 v10, v4;
	v7 =	vld [tilespmem:s15+$0xFFFFFFF0]  }
0x280: {  	v14 =	vld [tilespmem:s13+$0x0];
	[tilespmem:s12+$0x10] =	vst v8;
	v8 =	vadd.f32 v18, v6  }
0x281: {  	v63 =	vld [tilespmem:s11+$0x0];
	[tilespmem:s14+$0x0] =	vst v10;
	v15 =	vadd.f32 v11, v3  }
0x282: {  	v11 =	vld [tilespmem:s15+$0x0];
	[tilespmem:s14+$0xFFFFFFE0] =	vst v8;
	v8 =	vadd.f32 v13, v2  }
0x283: {  	s16 =	simm.s32 $0x180A0;
	[tilespmem:s15+$0x10] =	vst v15;
	v10 =	vld [tilespmem:s15+$0xFFFFFFE0];
	v13 =	vadd.f32 v9, v1  }
0x284: {  	v9 =	vld [tilespmem:s16+$0x10];
	[tilespmem:s13+$0xFFFFFFE0] =	vst v8;
	v15 =	vadd.f32 v7, v5  }
0x285: {  	v7 =	vld [tilespmem:s12+$0xFFFFFFE0];
	[tilespmem:s13+$0xFFFFFFF0] =	vst v13;
	v13 =	vadd.f32 v14, v0  }
0x286: {  	s18 =	simm.s32 $0xF0E0;
	s17 =	simm.s32 $0x80;
	v12 =	vadd.f32 v63, v12;
	[tilespmem:s15+$0xFFFFFFF0] =	vst v15;
	v8 =	vld [tilespmem:s12+$0xFFFFFFF0]  }
.LBB2_8:
0x287: {  	v14 =	vld [tilespmem:s18+$0x10];
	v11 =	vadd.f32 v11, v4;
	s14 =	sadd.s32 $0x40, s14;
	[tilespmem:s13+$0x0] =	vst v13;
	s13 =	smov.u32 s16  }
0x288: {  	s17 =	sadd.s32 $0x40, s17;
	v13 =	vld [tilespmem:s14+$0x10];
	v10 =	vadd.f32 v10, v6;
	[tilespmem:s11+$0x0] =	vst v12;
	s11 =	smov.u32 s12  }
0x289: {  	p0 =	slt.u32 s17, $0x2FC0;
	v12 =	vld [tilespmem:s14+$0xFFFFFFE0];
	[tilespmem:s15+$0x0] =	vst v11;
	v9 =	vadd.f32 v9, v3  }
0x28a: {  	v11 =	vld [tilespmem:s18+$0xFFFFFFF0];
	[tilespmem:s15+$0xFFFFFFE0] =	vst v10;
	v7 =	vadd.f32 v7, v2;
	v2 =	vmov v6  }
0x28b: {  	s12 =	sadd.s32 $0x40, s12;
	v10 =	vld [tilespmem:s14+$0xFFFFFFF0];
	[tilespmem:s16+$0x10] =	vst v9;
	v6 =	vadd.f32 v8, v1;
	v1 =	vmov v5  }
0x28c: {  	v8 =	vld [tilespmem:s12+$0x10];
	[tilespmem:s11+$0xFFFFFFE0] =	vst v7  }
0x28d: {  	v15 =	vld [tilespmem:s18+$0x0];
	v9 =	vadd.f32 v13, v14;
	[tilespmem:s11+$0xFFFFFFF0] =	vst v6  }
0x28e: {  	v7 =	vld [tilespmem:s14+$0x0]  }
0x28f: {  	s15 =	sadd.s32 $0x40, s15;
	v6 =	vld [tilespmem:s18+$0xFFFFFFE0];
	[tilespmem:s14+$0x10] =	vst v9;
	v5 =	vmov v11  }
0x290: {  	v9 =	vadd.f32 v10, v5;
	v10 =	vld [tilespmem:s15+$0x10]  }
0x291: {  	v13 =	vld [tilespmem:s16+$0xFFFFFFE0];
	v8 =	vadd.f32 v8, v3;
	v3 =	vmov v14  }
0x292: {  	[tilespmem:s14+$0xFFFFFFF0] =	vst v9;
	v9 =	vld [tilespmem:s16+$0xFFFFFFF0]  }
0x293: {  	v14 =	vld [tilespmem:s15+$0xFFFFFFF0];
	v7 =	vadd.f32 v7, v15;
	[tilespmem:s12+$0x10] =	vst v8  }
0x294: {  	v8 =	vadd.f32 v12, v6;
	v12 =	vld [tilespmem:s16+$0x0]  }
0x295: {  	[tilespmem:s14+$0x0] =	vst v7;
	v7 =	vadd.f32 v10, v3;
	v16 =	vld [tilespmem:s11+$0x0]  }
.Ltmp3:
0x296: {  	[tilespmem:s14+$0xFFFFFFE0] =	vst v8;
	v11 =	vld [tilespmem:s15+$0x0];
	v8 =	vadd.f32 v13, v2;
	(pc) =	sbr.rel @p0 .LBB2_8-.Ltmp3, $4  }
0x297: {  	s16 =	sadd.s32 $0x40, s16;
	v10 =	vld [tilespmem:s15+$0xFFFFFFE0];
	[tilespmem:s15+$0x10] =	vst v7;
	v13 =	vadd.f32 v9, v1  }
0x298: {  	v14 =	vadd.f32 v14, v5;
	v9 =	vld [tilespmem:s16+$0x10];
	[tilespmem:s13+$0xFFFFFFE0] =	vst v8  }
0x299: {  	v7 =	vld [tilespmem:s12+$0xFFFFFFE0];
	[tilespmem:s13+$0xFFFFFFF0] =	vst v13;
	v13 =	vadd.f32 v12, v4  }
0x29a: {  	s18 =	sadd.s32 $0x40, s18;
	[tilespmem:s15+$0xFFFFFFF0] =	vst v14;
	v8 =	vld [tilespmem:s12+$0xFFFFFFF0];
	v12 =	vadd.f32 v16, v0;
	v0 =	vmov v4;
	v4 =	vmov v15  }
0x29b: {  	_ = 	snop  }
0x29c: {  	v10 =	vadd.f32 v10, v6;
	_ =	sdelay $0x1  }
0x29d: {  	v11 =	vadd.f32 v11, v4;
	[tilespmem:s15+$0xFFFFFFE0] =	vst v10  }
0x29e: {  	v10 =	vld [tilespmem:s16+$0xFFFFFFE0]  }
0x29f: {  	[tilespmem:s15+$0x0] =	vst v11;
	v11 =	vld [tilespmem:s16+$0xFFFFFFF0]  }
0x2a0: {  	v14 =	vld [tilespmem:s16+$0x0]  }
0x2a1: {  	v9 =	vadd.f32 v9, v3  }
0x2a2: {  	[tilespmem:s13+$0x0] =	vst v13  }
0x2a3: {  	[tilespmem:s16+$0x10] =	vst v9;
	v9 =	vadd.f32 v10, v6  }
0x2a4: {  	s14 =	sadd.s32 $0x40, s12;
	v13 =	vld [tilespmem:s12+$0x0];
	v11 =	vadd.f32 v11, v5  }
0x2a5: {  	v10 =	vld [tilespmem:s14+$0x10];
	[tilespmem:s16+$0xFFFFFFE0] =	vst v9;
	v9 =	vadd.f32 v14, v4  }
0x2a6: {  	[tilespmem:s16+$0xFFFFFFF0] =	vst v11;
	v14 =	vld [tilespmem:s14+$0xFFFFFFE0]  }
0x2a7: {  	v2 =	vadd.f32 v7, v2;
	v7 =	vld [tilespmem:s14+$0xFFFFFFF0];
	[tilespmem:s16+$0x0] =	vst v9  }
0x2a8: {  	[tilespmem:s11+$0x0] =	vst v12;
	v1 =	vadd.f32 v8, v1;
	v8 =	vld [tilespmem:s14+$0x0]  }
0x2a9: {  	[tilespmem:s12+$0xFFFFFFE0] =	vst v2;
	v0 =	vadd.f32 v13, v0  }
0x2aa: {  	[tilespmem:s12+$0xFFFFFFF0] =	vst v1;
	v2 =	vadd.f32 v10, v3  }
0x2ab: {  	[tilespmem:s12+$0x0] =	vst v0;
	v1 =	vadd.f32 v14, v6  }
0x2ac: {  	v0 =	vadd.f32 v7, v5;
	[tilespmem:s14+$0x10] =	vst v2  }
0x2ad: {  	[tilespmem:s14+$0xFFFFFFE0] =	vst v1;
	v1 =	vadd.f32 v8, v4  }
0x2ae: {  	[tilespmem:s14+$0xFFFFFFF0] =	vst v0  }
0x2af: {  	[tilespmem:s14+$0x0] =	vst v1  }
0x2b0: {  	s11 =	rddreg [dreg:$0x1d]  }
0x2b1: {  	s14 =	rddreg [dreg:$0x1f]  }
0x2b2: {  	[hbm4b:s11+s1] =	stream.linear.scatter [tilespmem:s2], [sflag:$0x4], $0x3000, $0x38;
	[tilespmem:$0x1E000] =	vst v63  }
0x2b3: {  	s15 =	sld [smem:$0x793]  }
0x2b4: {  	[hbm4b:s14+s1] =	stream.linear.scatter [tilespmem:s3], [sflag:$0x4], $0x3000, $0x38;
	[tilespmem:$0x1E000] =	vst v63  }
0x2b5: {  	s16 =	sld [smem:$0x795]  }
0x2b6: {  	[hbm4b:s15+s1] =	stream.linear.scatter [tilespmem:s4], [sflag:$0x4], $0x3000, $0x38;
	[tilespmem:$0x1E000] =	vst v63  }
0x2b7: {  	_ = 	snop  }
0x2b8: {  	[hbm4b:s16+s1] =	stream.linear.scatter [tilespmem:s5], [sflag:$0x4], $0x3000, $0x38;
	[tilespmem:$0x1E000] =	vst v63  }
0x2b9: {  	_ =	swait.ge [sflag:s9], $0x3000  }
0x2ba: {  	[sflag:s9] =	ssyncset.done $0x0  }
0x2bb: {  	[sflag:s9] =	ssyncadd.s32 $0xFFFFD000  }
0x2bc: {  	_ =	swait.ge [sflag:s9], $0x3000  }
0x2bd: {  	[sflag:s9] =	ssyncset.done $0x0  }
0x2be: {  	[sflag:s9] =	ssyncadd.s32 $0xFFFFD000  }
0x2bf: {  	_ =	swait.ge [sflag:s9], $0x3000  }
0x2c0: {  	[sflag:s9] =	ssyncset.done $0x0  }
0x2c1: {  	[sflag:s9] =	ssyncadd.s32 $0xFFFFD000  }
0x2c2: {  	_ =	swait.ge [sflag:s9], $0x3000  }
0x2c3: {  	s17 =	sld [smem:$0x7A2]  }
0x2c4: {  	[sflag:s9] =	ssyncset.done $0x0  }
0x2c5: {  	s18 =	sld [smem:$0x7A3];
	[sflag:s9] =	ssyncadd.s32 $0xFFFFD000  }
0x2c6: {  	[tilespmem:s0], [sflag:$0x2] =	stream.linear.gather [hbm4b:s17+s1], $0x3000, $0x38;
	[tilespmem:$0x1E000] =	vst v63  }
0x2c7: {  	s12 =	sld [smem:$0x7A5]  }
0x2c8: {  	[tilespmem:s2], [sflag:$0x2] =	stream.linear.gather [hbm4b:s18+s1], $0x3000, $0x38;
	[tilespmem:$0x1E000] =	vst v63  }
0x2c9: {  	s13 =	sld [smem:$0x7A7]  }
0x2ca: {  	[tilespmem:s3], [sflag:$0x2] =	stream.linear.gather [hbm4b:s12+s1], $0x3000, $0x38;
	[tilespmem:$0x1E000] =	vst v63  }
0x2cb: {  	s14 =	sld [smem:$0x7A9]  }
0x2cc: {  	[tilespmem:s4], [sflag:$0x2] =	stream.linear.gather [hbm4b:s13+s1], $0x3000, $0x38;
	[tilespmem:$0x1E000] =	vst v63  }
0x2cd: {  	_ = 	snop  }
0x2ce: {  	[tilespmem:s5], [sflag:$0x2] =	stream.linear.gather [hbm4b:s14+s1], $0x3000, $0x38;
	[tilespmem:$0x1E000] =	vst v63  }
0x2cf: {  	_ =	swait.ge [sflag:s6], $0x3000  }
0x2d0: {  	[sflag:s6] =	ssyncset.done $0x0  }
0x2d1: {  	[sflag:s6] =	ssyncadd.s32 $0xFFFFD000  }
0x2d2: {  	_ =	swait.ge [sflag:s6], $0x3000  }
0x2d3: {  	[sflag:s6] =	ssyncset.done $0x0  }
0x2d4: {  	[sflag:s6] =	ssyncadd.s32 $0xFFFFD000  }
0x2d5: {  	_ =	swait.ge [sflag:s6], $0x3000  }
0x2d6: {  	[sflag:s6] =	ssyncset.done $0x0  }
0x2d7: {  	[sflag:s6] =	ssyncadd.s32 $0xFFFFD000  }
0x2d8: {  	_ =	swait.ge [sflag:s6], $0x3000  }
0x2d9: {  	[sflag:s6] =	ssyncset.done $0x0  }
0x2da: {  	[sflag:s6] =	ssyncadd.s32 $0xFFFFD000  }
0x2db: {  	_ =	swait.ge [sflag:s6], $0x3000  }
0x2dc: {  	[sflag:s6] =	ssyncset.done $0x0  }
0x2dd: {  	s15 =	simm.s32 $0x20;
	[sflag:s6] =	ssyncadd.s32 $0xFFFFD000  }
0x2de: {  	s16 =	simm.s32 $0x3020;
	v4 =	vld [tilespmem:s15+$0x10]  }
0x2df: {  	v0 =	vld [tilespmem:s16+$0x10];
	_ =	sdelay $0x1  }
0x2e0: {  	v7 =	vld [tilespmem:s15+$0xFFFFFFF0]  }
0x2e1: {  	v2 =	vld [tilespmem:s16+$0xFFFFFFF0]  }
0x2e2: {  	v1 =	vld [tilespmem:s16+$0xFFFFFFE0]  }
0x2e3: {  	v12 =	vld [tilespmem:s15+$0x0];
	v0 =	vadd.f32 v0, v4  }
0x2e4: {  	v6 =	vld [tilespmem:s15+$0xFFFFFFE0]  }
0x2e5: {  	s17 =	simm.s32 $0x6020;
	v3 =	vld [tilespmem:s16+$0x0];
	[tilespmem:s16+$0x10] =	vst v0  }
0x2e6: {  	s14 =	simm.s32 $0x60;
	v0 =	vadd.f32 v2, v7;
	v2 =	vld [tilespmem:s17+$0x10]  }
0x2e7: {  	v8 =	vld [tilespmem:s14+$0x10];
	s15 =	simm.s32 $0x3060  }
0x2e8: {  	v9 =	vld [tilespmem:s15+$0x10]  }
0x2e9: {  	v11 =	vld [tilespmem:s15+$0xFFFFFFE0];
	[tilespmem:s16+$0xFFFFFFF0] =	vst v0;
	v0 =	vadd.f32 v1, v6  }
0x2ea: {  	v13 =	vld [tilespmem:s15+$0xFFFFFFF0];
	v3 =	vadd.f32 v3, v12  }
0x2eb: {  	v1 =	vld [tilespmem:s14+$0xFFFFFFF0];
	[tilespmem:s16+$0xFFFFFFE0] =	vst v0;
	v0 =	vadd.f32 v2, v4  }
0x2ec: {  	[tilespmem:s16+$0x0] =	vst v3;
	v5 =	vld [tilespmem:s17+$0xFFFFFFF0]  }
0x2ed: {  	s16 =	simm.s32 $0x9020;
	v2 =	vld [tilespmem:s17+$0xFFFFFFE0];
	[tilespmem:s17+$0x10] =	vst v0  }
0x2ee: {  	v10 =	vld [tilespmem:s16+$0x10]  }
0x2ef: {  	v15 =	vld [tilespmem:s15+$0x0]  }
0x2f0: {  	v9 =	vadd.f32 v9, v8;
	v3 =	vld [tilespmem:s17+$0x0]  }
0x2f1: {  	v0 =	vld [tilespmem:s14+$0x0];
	v5 =	vadd.f32 v5, v7  }
0x2f2: {  	s18 =	simm.s32 $0x6060;
	[tilespmem:s15+$0x10] =	vst v9;
	v14 =	vadd.f32 v2, v6;
	v2 =	vld [tilespmem:s14+$0xFFFFFFE0]  }
0x2f3: {  	[tilespmem:s17+$0xFFFFFFF0] =	vst v5;
	v5 =	vadd.f32 v13, v1;
	s14 =	simm.s32 $0x30A0;
	v9 =	vadd.f32 v10, v4;
	v10 =	vld [tilespmem:s18+$0x10]  }
0x2f4: {  	v18 =	vld [tilespmem:s14+$0xFFFFFFE0];
	[tilespmem:s17+$0xFFFFFFE0] =	vst v14  }
0x2f5: {  	v3 =	vadd.f32 v3, v12;
	[tilespmem:s15+$0xFFFFFFF0] =	vst v5;
	v13 =	vld [tilespmem:s16+$0xFFFFFFE0]  }
0x2f6: {  	v5 =	vadd.f32 v15, v0;
	[tilespmem:s16+$0x10] =	vst v9;
	v9 =	vld [tilespmem:s16+$0xFFFFFFF0]  }
0x2f7: {  	[tilespmem:s17+$0x0] =	vst v3;
	v15 =	vld [tilespmem:s18+$0xFFFFFFF0]  }
0x2f8: {  	s11 =	simm.s32 $0xC020;
	[tilespmem:s15+$0x0] =	vst v5;
	v3 =	vadd.f32 v11, v2;
	v11 =	vld [tilespmem:s16+$0x0];
	v5 =	vadd.f32 v10, v8  }
0x2f9: {  	v14 =	vld [tilespmem:s11+$0x10]  }
0x2fa: {  	s13 =	simm.s32 $0x9060;
	v10 =	vld [tilespmem:s18+$0x0];
	[tilespmem:s18+$0x10] =	vst v5  }
0x2fb: {  	[tilespmem:s15+$0xFFFFFFE0] =	vst v3;
	v3 =	vadd.f32 v13, v6;
	v5 =	vadd.f32 v9, v7;
	v9 =	vld [tilespmem:s13+$0x10]  }
0x2fc: {  	s17 =	simm.s32 $0xA0;
	v13 =	vld [tilespmem:s18+$0xFFFFFFE0]  }
0x2fd: {  	[tilespmem:s16+$0xFFFFFFE0] =	vst v3;
	v3 =	vld [tilespmem:s17+$0x10]  }
0x2fe: {  	v16 =	vld [tilespmem:s11+$0xFFFFFFE0]  }
0x2ff: {  	v4 =	vadd.f32 v14, v4;
	v14 =	vld [tilespmem:s14+$0x10]  }
0x300: {  	[tilespmem:s16+$0xFFFFFFF0] =	vst v5;
	v5 =	vld [tilespmem:s17+$0xFFFFFFF0];
	v9 =	vadd.f32 v9, v8  }
0x301: {  	v17 =	vld [tilespmem:s11+$0xFFFFFFF0];
	[tilespmem:s11+$0x10] =	vst v4;
	v4 =	vadd.f32 v15, v1  }
0x302: {  	v11 =	vadd.f32 v11, v12;
	[tilespmem:s13+$0x10] =	vst v9;
	v9 =	vld [tilespmem:s14+$0xFFFFFFF0]  }
0x303: {  	s12 =	simm.s32 $0xC060;
	v10 =	vadd.f32 v10, v0;
	[tilespmem:s18+$0xFFFFFFF0] =	vst v4;
	v4 =	vld [tilespmem:s17+$0x0]  }
0x304: {  	[tilespmem:s16+$0x0] =	vst v11;
	v11 =	vadd.f32 v14, v3;
	v15 =	vld [tilespmem:s12+$0x10]  }
0x305: {  	v13 =	vadd.f32 v13, v2;
	[tilespmem:s18+$0x0] =	vst v10;
	v10 =	vld [tilespmem:s14+$0x0]  }
0x306: {  	s15 =	simm.s32 $0x60A0;
	v14 =	vadd.f32 v16, v6;
	v6 =	vld [tilespmem:s17+$0xFFFFFFE0];
	[tilespmem:s14+$0x10] =	vst v11  }
0x307: {  	[tilespmem:s18+$0xFFFFFFE0] =	vst v13;
	v11 =	vld [tilespmem:s15+$0x10];
	v9 =	vadd.f32 v9, v5  }
0x308: {  	v13 =	vld [tilespmem:s13+$0xFFFFFFE0];
	v7 =	vadd.f32 v17, v7;
	[tilespmem:s11+$0xFFFFFFE0] =	vst v14  }
0x309: {  	v8 =	vadd.f32 v15, v8;
	[tilespmem:s14+$0xFFFFFFF0] =	vst v9;
	v9 =	vld [tilespmem:s13+$0xFFFFFFF0]  }
0x30a: {  	[tilespmem:s11+$0xFFFFFFF0] =	vst v7;
	v10 =	vadd.f32 v10, v4;
	v7 =	vld [tilespmem:s15+$0xFFFFFFF0]  }
0x30b: {  	v14 =	vld [tilespmem:s13+$0x0];
	[tilespmem:s12+$0x10] =	vst v8;
	v8 =	vadd.f32 v18, v6  }
0x30c: {  	v63 =	vld [tilespmem:s11+$0x0];
	[tilespmem:s14+$0x0] =	vst v10;
	v15 =	vadd.f32 v11, v3  }
0x30d: {  	v11 =	vld [tilespmem:s15+$0x0];
	[tilespmem:s14+$0xFFFFFFE0] =	vst v8;
	v8 =	vadd.f32 v13, v2  }
0x30e: {  	s16 =	simm.s32 $0x90A0;
	[tilespmem:s15+$0x10] =	vst v15;
	v10 =	vld [tilespmem:s15+$0xFFFFFFE0];
	v13 =	vadd.f32 v9, v1  }
0x30f: {  	v9 =	vld [tilespmem:s16+$0x10];
	[tilespmem:s13+$0xFFFFFFE0] =	vst v8;
	v15 =	vadd.f32 v7, v5  }
0x310: {  	v7 =	vld [tilespmem:s12+$0xFFFFFFE0];
	[tilespmem:s13+$0xFFFFFFF0] =	vst v13;
	v13 =	vadd.f32 v14, v0  }
0x311: {  	s18 =	simm.s32 $0xE0;
	s17 =	simm.s32 $0x80;
	v12 =	vadd.f32 v63, v12;
	[tilespmem:s15+$0xFFFFFFF0] =	vst v15;
	v8 =	vld [tilespmem:s12+$0xFFFFFFF0]  }
.LBB2_10:
0x312: {  	v14 =	vld [tilespmem:s18+$0x10];
	v11 =	vadd.f32 v11, v4;
	s14 =	sadd.s32 $0x40, s14;
	[tilespmem:s13+$0x0] =	vst v13;
	s13 =	smov.u32 s16  }
0x313: {  	s17 =	sadd.s32 $0x40, s17;
	v13 =	vld [tilespmem:s14+$0x10];
	v10 =	vadd.f32 v10, v6;
	[tilespmem:s11+$0x0] =	vst v12;
	s11 =	smov.u32 s12  }
0x314: {  	p0 =	slt.u32 s17, $0x2FC0;
	v12 =	vld [tilespmem:s14+$0xFFFFFFE0];
	[tilespmem:s15+$0x0] =	vst v11;
	v9 =	vadd.f32 v9, v3  }
0x315: {  	v11 =	vld [tilespmem:s18+$0xFFFFFFF0];
	[tilespmem:s15+$0xFFFFFFE0] =	vst v10;
	v7 =	vadd.f32 v7, v2;
	v2 =	vmov v6  }
0x316: {  	s12 =	sadd.s32 $0x40, s12;
	v10 =	vld [tilespmem:s14+$0xFFFFFFF0];
	[tilespmem:s16+$0x10] =	vst v9;
	v6 =	vadd.f32 v8, v1;
	v1 =	vmov v5  }
0x317: {  	v8 =	vld [tilespmem:s12+$0x10];
	[tilespmem:s11+$0xFFFFFFE0] =	vst v7  }
0x318: {  	v15 =	vld [tilespmem:s18+$0x0];
	v9 =	vadd.f32 v13, v14;
	[tilespmem:s11+$0xFFFFFFF0] =	vst v6  }
0x319: {  	v7 =	vld [tilespmem:s14+$0x0]  }
0x31a: {  	s15 =	sadd.s32 $0x40, s15;
	v6 =	vld [tilespmem:s18+$0xFFFFFFE0];
	[tilespmem:s14+$0x10] =	vst v9;
	v5 =	vmov v11  }
0x31b: {  	v9 =	vadd.f32 v10, v5;
	v10 =	vld [tilespmem:s15+$0x10]  }
0x31c: {  	v13 =	vld [tilespmem:s16+$0xFFFFFFE0];
	v8 =	vadd.f32 v8, v3;
	v3 =	vmov v14  }
0x31d: {  	[tilespmem:s14+$0xFFFFFFF0] =	vst v9;
	v9 =	vld [tilespmem:s16+$0xFFFFFFF0]  }
0x31e: {  	v14 =	vld [tilespmem:s15+$0xFFFFFFF0];
	v7 =	vadd.f32 v7, v15;
	[tilespmem:s12+$0x10] =	vst v8  }
0x31f: {  	v8 =	vadd.f32 v12, v6;
	v12 =	vld [tilespmem:s16+$0x0]  }
0x320: {  	[tilespmem:s14+$0x0] =	vst v7;
	v7 =	vadd.f32 v10, v3;
	v16 =	vld [tilespmem:s11+$0x0]  }
.Ltmp4:
0x321: {  	[tilespmem:s14+$0xFFFFFFE0] =	vst v8;
	v11 =	vld [tilespmem:s15+$0x0];
	v8 =	vadd.f32 v13, v2;
	(pc) =	sbr.rel @p0 .LBB2_10-.Ltmp4, $4  }
0x322: {  	s16 =	sadd.s32 $0x40, s16;
	v10 =	vld [tilespmem:s15+$0xFFFFFFE0];
	[tilespmem:s15+$0x10] =	vst v7;
	v13 =	vadd.f32 v9, v1  }
0x323: {  	v14 =	vadd.f32 v14, v5;
	v9 =	vld [tilespmem:s16+$0x10];
	[tilespmem:s13+$0xFFFFFFE0] =	vst v8  }
0x324: {  	v7 =	vld [tilespmem:s12+$0xFFFFFFE0];
	[tilespmem:s13+$0xFFFFFFF0] =	vst v13;
	v13 =	vadd.f32 v12, v4  }
0x325: {  	s18 =	sadd.s32 $0x40, s18;
	[tilespmem:s15+$0xFFFFFFF0] =	vst v14;
	v8 =	vld [tilespmem:s12+$0xFFFFFFF0];
	v12 =	vadd.f32 v16, v0;
	v0 =	vmov v4;
	v4 =	vmov v15  }
0x326: {  	_ = 	snop  }
0x327: {  	v10 =	vadd.f32 v10, v6;
	_ =	sdelay $0x1  }
0x328: {  	v11 =	vadd.f32 v11, v4;
	[tilespmem:s15+$0xFFFFFFE0] =	vst v10  }
0x329: {  	v10 =	vld [tilespmem:s16+$0xFFFFFFE0]  }
0x32a: {  	[tilespmem:s15+$0x0] =	vst v11;
	v11 =	vld [tilespmem:s16+$0xFFFFFFF0]  }
0x32b: {  	v14 =	vld [tilespmem:s16+$0x0]  }
0x32c: {  	v9 =	vadd.f32 v9, v3  }
0x32d: {  	[tilespmem:s13+$0x0] =	vst v13  }
0x32e: {  	[tilespmem:s16+$0x10] =	vst v9;
	v9 =	vadd.f32 v10, v6  }
0x32f: {  	s14 =	sadd.s32 $0x40, s12;
	v13 =	vld [tilespmem:s12+$0x0];
	v11 =	vadd.f32 v11, v5  }
0x330: {  	v10 =	vld [tilespmem:s14+$0x10];
	[tilespmem:s16+$0xFFFFFFE0] =	vst v9;
	v9 =	vadd.f32 v14, v4  }
0x331: {  	[tilespmem:s16+$0xFFFFFFF0] =	vst v11;
	v14 =	vld [tilespmem:s14+$0xFFFFFFE0]  }
0x332: {  	v2 =	vadd.f32 v7, v2;
	v7 =	vld [tilespmem:s14+$0xFFFFFFF0];
	[tilespmem:s16+$0x0] =	vst v9  }
0x333: {  	[tilespmem:s11+$0x0] =	vst v12;
	v1 =	vadd.f32 v8, v1;
	v8 =	vld [tilespmem:s14+$0x0]  }
0x334: {  	[tilespmem:s12+$0xFFFFFFE0] =	vst v2;
	v0 =	vadd.f32 v13, v0  }
0x335: {  	[tilespmem:s12+$0xFFFFFFF0] =	vst v1;
	v2 =	vadd.f32 v10, v3  }
0x336: {  	[tilespmem:s12+$0x0] =	vst v0;
	v1 =	vadd.f32 v14, v6  }
0x337: {  	v0 =	vadd.f32 v7, v5;
	[tilespmem:s14+$0x10] =	vst v2  }
0x338: {  	[tilespmem:s14+$0xFFFFFFE0] =	vst v1;
	v1 =	vadd.f32 v8, v4  }
0x339: {  	[tilespmem:s14+$0xFFFFFFF0] =	vst v0  }
0x33a: {  	[tilespmem:s14+$0x0] =	vst v1  }
0x33b: {  	s11 =	sld [smem:$0x79B];
	_ =	sdelay $0x1  }
0x33c: {  	s14 =	sld [smem:$0x79D]  }
0x33d: {  	[hbm4b:s11+s1] =	stream.linear.scatter [tilespmem:s28], [sflag:$0x3], $0x3000, $0x38;
	[tilespmem:$0x1E000] =	vst v63  }
0x33e: {  	s15 =	sld [smem:$0x79F]  }
0x33f: {  	[hbm4b:s14+s1] =	stream.linear.scatter [tilespmem:s29], [sflag:$0x3], $0x3000, $0x38;
	[tilespmem:$0x1E000] =	vst v63  }
0x340: {  	s16 =	sld [smem:$0x7A1]  }
0x341: {  	[hbm4b:s15+s1] =	stream.linear.scatter [tilespmem:s30], [sflag:$0x3], $0x3000, $0x38;
	[tilespmem:$0x1E000] =	vst v63  }
0x342: {  	_ = 	snop  }
0x343: {  	[hbm4b:s16+s1] =	stream.linear.scatter [tilespmem:s31], [sflag:$0x3], $0x3000, $0x38;
	[tilespmem:$0x1E000] =	vst v63  }
0x344: {  	_ =	swait.ge [sflag:s7], $0x3000  }
0x345: {  	[sflag:s7] =	ssyncset.done $0x0  }
0x346: {  	[sflag:s7] =	ssyncadd.s32 $0xFFFFD000  }
0x347: {  	_ =	swait.ge [sflag:s7], $0x3000  }
0x348: {  	[sflag:s7] =	ssyncset.done $0x0  }
0x349: {  	[sflag:s7] =	ssyncadd.s32 $0xFFFFD000  }
0x34a: {  	_ =	swait.ge [sflag:s7], $0x3000  }
0x34b: {  	[sflag:s7] =	ssyncset.done $0x0  }
0x34c: {  	[sflag:s7] =	ssyncadd.s32 $0xFFFFD000  }
0x34d: {  	_ =	swait.ge [sflag:s7], $0x3000  }
0x34e: {  	s17 =	sld [smem:$0x7AB]  }
0x34f: {  	[sflag:s7] =	ssyncset.done $0x0  }
0x350: {  	s18 =	sld [smem:$0x7AC];
	[sflag:s7] =	ssyncadd.s32 $0xFFFFD000  }
0x351: {  	[tilespmem:s1], [sflag:$0x1] =	stream.linear.gather [hbm4b:s17+s1], $0x3000, $0x38;
	[tilespmem:$0x1E000] =	vst v63  }
0x352: {  	s12 =	sld [smem:$0x7AE]  }
0x353: {  	[tilespmem:s28], [sflag:$0x1] =	stream.linear.gather [hbm4b:s18+s1], $0x3000, $0x38;
	[tilespmem:$0x1E000] =	vst v63  }
0x354: {  	s13 =	sld [smem:$0x7B0]  }
0x355: {  	[tilespmem:s29], [sflag:$0x1] =	stream.linear.gather [hbm4b:s12+s1], $0x3000, $0x38;
	[tilespmem:$0x1E000] =	vst v63  }
0x356: {  	s14 =	sld [smem:$0x7B2]  }
0x357: {  	[tilespmem:s30], [sflag:$0x1] =	stream.linear.gather [hbm4b:s13+s1], $0x3000, $0x38;
	[tilespmem:$0x1E000] =	vst v63  }
0x358: {  	_ = 	snop  }
0x359: {  	[tilespmem:s31], [sflag:$0x1] =	stream.linear.gather [hbm4b:s14+s1], $0x3000, $0x38;
	[tilespmem:$0x1E000] =	vst v63  }
0x35a: {  	_ =	swait.ge [sflag:s8], $0x3000  }
0x35b: {  	[sflag:s8] =	ssyncset.done $0x0  }
0x35c: {  	[sflag:s8] =	ssyncadd.s32 $0xFFFFD000  }
0x35d: {  	_ =	swait.ge [sflag:s8], $0x3000  }
0x35e: {  	[sflag:s8] =	ssyncset.done $0x0  }
0x35f: {  	[sflag:s8] =	ssyncadd.s32 $0xFFFFD000  }
0x360: {  	_ =	swait.ge [sflag:s8], $0x3000  }
0x361: {  	[sflag:s8] =	ssyncset.done $0x0  }
0x362: {  	[sflag:s8] =	ssyncadd.s32 $0xFFFFD000  }
0x363: {  	_ =	swait.ge [sflag:s8], $0x3000  }
0x364: {  	[sflag:s8] =	ssyncset.done $0x0  }
0x365: {  	[sflag:s8] =	ssyncadd.s32 $0xFFFFD000  }
0x366: {  	_ =	swait.ge [sflag:s8], $0x3000  }
0x367: {  	[sflag:s8] =	ssyncset.done $0x0  }
0x368: {  	s15 =	simm.s32 $0xF020;
	[sflag:s8] =	ssyncadd.s32 $0xFFFFD000  }
0x369: {  	s16 =	simm.s32 $0x12020;
	v4 =	vld [tilespmem:s15+$0x10]  }
0x36a: {  	v0 =	vld [tilespmem:s16+$0x10];
	_ =	sdelay $0x1  }
0x36b: {  	v7 =	vld [tilespmem:s15+$0xFFFFFFF0]  }
0x36c: {  	v2 =	vld [tilespmem:s16+$0xFFFFFFF0]  }
0x36d: {  	v1 =	vld [tilespmem:s16+$0xFFFFFFE0]  }
0x36e: {  	v12 =	vld [tilespmem:s15+$0x0];
	v0 =	vadd.f32 v0, v4  }
0x36f: {  	v6 =	vld [tilespmem:s15+$0xFFFFFFE0]  }
0x370: {  	s17 =	simm.s32 $0x15020;
	v3 =	vld [tilespmem:s16+$0x0];
	[tilespmem:s16+$0x10] =	vst v0  }
0x371: {  	s14 =	simm.s32 $0xF060;
	v0 =	vadd.f32 v2, v7;
	v2 =	vld [tilespmem:s17+$0x10]  }
0x372: {  	v8 =	vld [tilespmem:s14+$0x10];
	s15 =	simm.s32 $0x12060  }
0x373: {  	v9 =	vld [tilespmem:s15+$0x10]  }
0x374: {  	v11 =	vld [tilespmem:s15+$0xFFFFFFE0];
	[tilespmem:s16+$0xFFFFFFF0] =	vst v0;
	v0 =	vadd.f32 v1, v6  }
0x375: {  	v13 =	vld [tilespmem:s15+$0xFFFFFFF0];
	v3 =	vadd.f32 v3, v12  }
0x376: {  	v1 =	vld [tilespmem:s14+$0xFFFFFFF0];
	[tilespmem:s16+$0xFFFFFFE0] =	vst v0;
	v0 =	vadd.f32 v2, v4  }
0x377: {  	[tilespmem:s16+$0x0] =	vst v3;
	v5 =	vld [tilespmem:s17+$0xFFFFFFF0]  }
0x378: {  	s16 =	simm.s32 $0x18020;
	v2 =	vld [tilespmem:s17+$0xFFFFFFE0];
	[tilespmem:s17+$0x10] =	vst v0  }
0x379: {  	v10 =	vld [tilespmem:s16+$0x10]  }
0x37a: {  	v15 =	vld [tilespmem:s15+$0x0]  }
0x37b: {  	v9 =	vadd.f32 v9, v8;
	v3 =	vld [tilespmem:s17+$0x0]  }
0x37c: {  	v0 =	vld [tilespmem:s14+$0x0];
	v5 =	vadd.f32 v5, v7  }
0x37d: {  	s18 =	simm.s32 $0x15060;
	[tilespmem:s15+$0x10] =	vst v9;
	v14 =	vadd.f32 v2, v6;
	v2 =	vld [tilespmem:s14+$0xFFFFFFE0]  }
0x37e: {  	[tilespmem:s17+$0xFFFFFFF0] =	vst v5;
	v5 =	vadd.f32 v13, v1;
	s14 =	simm.s32 $0x120A0;
	v9 =	vadd.f32 v10, v4;
	v10 =	vld [tilespmem:s18+$0x10]  }
0x37f: {  	v18 =	vld [tilespmem:s14+$0xFFFFFFE0];
	[tilespmem:s17+$0xFFFFFFE0] =	vst v14  }
0x380: {  	v3 =	vadd.f32 v3, v12;
	[tilespmem:s15+$0xFFFFFFF0] =	vst v5;
	v13 =	vld [tilespmem:s16+$0xFFFFFFE0]  }
0x381: {  	v5 =	vadd.f32 v15, v0;
	[tilespmem:s16+$0x10] =	vst v9;
	v9 =	vld [tilespmem:s16+$0xFFFFFFF0]  }
0x382: {  	[tilespmem:s17+$0x0] =	vst v3;
	v15 =	vld [tilespmem:s18+$0xFFFFFFF0]  }
0x383: {  	s11 =	simm.s32 $0x1B020;
	[tilespmem:s15+$0x0] =	vst v5;
	v3 =	vadd.f32 v11, v2;
	v11 =	vld [tilespmem:s16+$0x0];
	v5 =	vadd.f32 v10, v8  }
0x384: {  	v14 =	vld [tilespmem:s11+$0x10]  }
0x385: {  	s13 =	simm.s32 $0x18060;
	v10 =	vld [tilespmem:s18+$0x0];
	[tilespmem:s18+$0x10] =	vst v5  }
0x386: {  	[tilespmem:s15+$0xFFFFFFE0] =	vst v3;
	v3 =	vadd.f32 v13, v6;
	v5 =	vadd.f32 v9, v7;
	v9 =	vld [tilespmem:s13+$0x10]  }
0x387: {  	s17 =	simm.s32 $0xF0A0;
	v13 =	vld [tilespmem:s18+$0xFFFFFFE0]  }
0x388: {  	[tilespmem:s16+$0xFFFFFFE0] =	vst v3;
	v3 =	vld [tilespmem:s17+$0x10]  }
0x389: {  	v16 =	vld [tilespmem:s11+$0xFFFFFFE0]  }
0x38a: {  	v4 =	vadd.f32 v14, v4;
	v14 =	vld [tilespmem:s14+$0x10]  }
0x38b: {  	[tilespmem:s16+$0xFFFFFFF0] =	vst v5;
	v5 =	vld [tilespmem:s17+$0xFFFFFFF0];
	v9 =	vadd.f32 v9, v8  }
0x38c: {  	v17 =	vld [tilespmem:s11+$0xFFFFFFF0];
	[tilespmem:s11+$0x10] =	vst v4;
	v4 =	vadd.f32 v15, v1  }
0x38d: {  	v11 =	vadd.f32 v11, v12;
	[tilespmem:s13+$0x10] =	vst v9;
	v9 =	vld [tilespmem:s14+$0xFFFFFFF0]  }
0x38e: {  	s12 =	simm.s32 $0x1B060;
	v10 =	vadd.f32 v10, v0;
	[tilespmem:s18+$0xFFFFFFF0] =	vst v4;
	v4 =	vld [tilespmem:s17+$0x0]  }
0x38f: {  	[tilespmem:s16+$0x0] =	vst v11;
	v11 =	vadd.f32 v14, v3;
	v15 =	vld [tilespmem:s12+$0x10]  }
0x390: {  	v13 =	vadd.f32 v13, v2;
	[tilespmem:s18+$0x0] =	vst v10;
	v10 =	vld [tilespmem:s14+$0x0]  }
0x391: {  	s15 =	simm.s32 $0x150A0;
	v14 =	vadd.f32 v16, v6;
	v6 =	vld [tilespmem:s17+$0xFFFFFFE0];
	[tilespmem:s14+$0x10] =	vst v11  }
0x392: {  	[tilespmem:s18+$0xFFFFFFE0] =	vst v13;
	v11 =	vld [tilespmem:s15+$0x10];
	v9 =	vadd.f32 v9, v5  }
0x393: {  	v13 =	vld [tilespmem:s13+$0xFFFFFFE0];
	v7 =	vadd.f32 v17, v7;
	[tilespmem:s11+$0xFFFFFFE0] =	vst v14  }
0x394: {  	v8 =	vadd.f32 v15, v8;
	[tilespmem:s14+$0xFFFFFFF0] =	vst v9;
	v9 =	vld [tilespmem:s13+$0xFFFFFFF0]  }
0x395: {  	[tilespmem:s11+$0xFFFFFFF0] =	vst v7;
	v10 =	vadd.f32 v10, v4;
	v7 =	vld [tilespmem:s15+$0xFFFFFFF0]  }
0x396: {  	v14 =	vld [tilespmem:s13+$0x0];
	[tilespmem:s12+$0x10] =	vst v8;
	v8 =	vadd.f32 v18, v6  }
0x397: {  	v63 =	vld [tilespmem:s11+$0x0];
	[tilespmem:s14+$0x0] =	vst v10;
	v15 =	vadd.f32 v11, v3  }
0x398: {  	v11 =	vld [tilespmem:s15+$0x0];
	[tilespmem:s14+$0xFFFFFFE0] =	vst v8;
	v8 =	vadd.f32 v13, v2  }
0x399: {  	s16 =	simm.s32 $0x180A0;
	[tilespmem:s15+$0x10] =	vst v15;
	v10 =	vld [tilespmem:s15+$0xFFFFFFE0];
	v13 =	vadd.f32 v9, v1  }
0x39a: {  	v9 =	vld [tilespmem:s16+$0x10];
	[tilespmem:s13+$0xFFFFFFE0] =	vst v8;
	v15 =	vadd.f32 v7, v5  }
0x39b: {  	v7 =	vld [tilespmem:s12+$0xFFFFFFE0];
	[tilespmem:s13+$0xFFFFFFF0] =	vst v13;
	v13 =	vadd.f32 v14, v0  }
0x39c: {  	s18 =	simm.s32 $0xF0E0;
	s17 =	simm.s32 $0x80;
	v12 =	vadd.f32 v63, v12;
	[tilespmem:s15+$0xFFFFFFF0] =	vst v15;
	v8 =	vld [tilespmem:s12+$0xFFFFFFF0]  }
.LBB2_12:
0x39d: {  	v14 =	vld [tilespmem:s18+$0x10];
	v11 =	vadd.f32 v11, v4;
	s14 =	sadd.s32 $0x40, s14;
	[tilespmem:s13+$0x0] =	vst v13;
	s13 =	smov.u32 s16  }
0x39e: {  	s17 =	sadd.s32 $0x40, s17;
	v13 =	vld [tilespmem:s14+$0x10];
	v10 =	vadd.f32 v10, v6;
	[tilespmem:s11+$0x0] =	vst v12;
	s11 =	smov.u32 s12  }
0x39f: {  	p0 =	slt.u32 s17, $0x2FC0;
	v12 =	vld [tilespmem:s14+$0xFFFFFFE0];
	[tilespmem:s15+$0x0] =	vst v11;
	v9 =	vadd.f32 v9, v3  }
0x3a0: {  	v11 =	vld [tilespmem:s18+$0xFFFFFFF0];
	[tilespmem:s15+$0xFFFFFFE0] =	vst v10;
	v7 =	vadd.f32 v7, v2;
	v2 =	vmov v6  }
0x3a1: {  	s12 =	sadd.s32 $0x40, s12;
	v10 =	vld [tilespmem:s14+$0xFFFFFFF0];
	[tilespmem:s16+$0x10] =	vst v9;
	v6 =	vadd.f32 v8, v1;
	v1 =	vmov v5  }
0x3a2: {  	v8 =	vld [tilespmem:s12+$0x10];
	[tilespmem:s11+$0xFFFFFFE0] =	vst v7  }
0x3a3: {  	v15 =	vld [tilespmem:s18+$0x0];
	v9 =	vadd.f32 v13, v14;
	[tilespmem:s11+$0xFFFFFFF0] =	vst v6  }
0x3a4: {  	v7 =	vld [tilespmem:s14+$0x0]  }
0x3a5: {  	s15 =	sadd.s32 $0x40, s15;
	v6 =	vld [tilespmem:s18+$0xFFFFFFE0];
	[tilespmem:s14+$0x10] =	vst v9;
	v5 =	vmov v11  }
0x3a6: {  	v9 =	vadd.f32 v10, v5;
	v10 =	vld [tilespmem:s15+$0x10]  }
0x3a7: {  	v13 =	vld [tilespmem:s16+$0xFFFFFFE0];
	v8 =	vadd.f32 v8, v3;
	v3 =	vmov v14  }
0x3a8: {  	[tilespmem:s14+$0xFFFFFFF0] =	vst v9;
	v9 =	vld [tilespmem:s16+$0xFFFFFFF0]  }
0x3a9: {  	v14 =	vld [tilespmem:s15+$0xFFFFFFF0];
	v7 =	vadd.f32 v7, v15;
	[tilespmem:s12+$0x10] =	vst v8  }
0x3aa: {  	v8 =	vadd.f32 v12, v6;
	v12 =	vld [tilespmem:s16+$0x0]  }
0x3ab: {  	[tilespmem:s14+$0x0] =	vst v7;
	v7 =	vadd.f32 v10, v3;
	v16 =	vld [tilespmem:s11+$0x0]  }
.Ltmp5:
0x3ac: {  	[tilespmem:s14+$0xFFFFFFE0] =	vst v8;
	v11 =	vld [tilespmem:s15+$0x0];
	v8 =	vadd.f32 v13, v2;
	(pc) =	sbr.rel @p0 .LBB2_12-.Ltmp5, $4  }
0x3ad: {  	s16 =	sadd.s32 $0x40, s16;
	v10 =	vld [tilespmem:s15+$0xFFFFFFE0];
	[tilespmem:s15+$0x10] =	vst v7;
	v13 =	vadd.f32 v9, v1  }
0x3ae: {  	v14 =	vadd.f32 v14, v5;
	v9 =	vld [tilespmem:s16+$0x10];
	[tilespmem:s13+$0xFFFFFFE0] =	vst v8  }
0x3af: {  	v7 =	vld [tilespmem:s12+$0xFFFFFFE0];
	[tilespmem:s13+$0xFFFFFFF0] =	vst v13;
	v13 =	vadd.f32 v12, v4  }
0x3b0: {  	s18 =	sadd.s32 $0x40, s18;
	[tilespmem:s15+$0xFFFFFFF0] =	vst v14;
	v8 =	vld [tilespmem:s12+$0xFFFFFFF0];
	v12 =	vadd.f32 v16, v0;
	v0 =	vmov v4;
	v4 =	vmov v15  }
0x3b1: {  	_ = 	snop  }
0x3b2: {  	v10 =	vadd.f32 v10, v6;
	_ =	sdelay $0x1  }
0x3b3: {  	v11 =	vadd.f32 v11, v4;
	[tilespmem:s15+$0xFFFFFFE0] =	vst v10  }
0x3b4: {  	v10 =	vld [tilespmem:s16+$0xFFFFFFE0]  }
0x3b5: {  	[tilespmem:s15+$0x0] =	vst v11;
	v11 =	vld [tilespmem:s16+$0xFFFFFFF0]  }
0x3b6: {  	v14 =	vld [tilespmem:s16+$0x0]  }
0x3b7: {  	v9 =	vadd.f32 v9, v3  }
0x3b8: {  	[tilespmem:s13+$0x0] =	vst v13  }
0x3b9: {  	[tilespmem:s16+$0x10] =	vst v9;
	v9 =	vadd.f32 v10, v6  }
0x3ba: {  	s14 =	sadd.s32 $0x40, s12;
	v13 =	vld [tilespmem:s12+$0x0];
	v11 =	vadd.f32 v11, v5  }
0x3bb: {  	v10 =	vld [tilespmem:s14+$0x10];
	[tilespmem:s16+$0xFFFFFFE0] =	vst v9;
	v9 =	vadd.f32 v14, v4  }
0x3bc: {  	[tilespmem:s16+$0xFFFFFFF0] =	vst v11;
	v14 =	vld [tilespmem:s14+$0xFFFFFFE0]  }
0x3bd: {  	v2 =	vadd.f32 v7, v2;
	v7 =	vld [tilespmem:s14+$0xFFFFFFF0];
	[tilespmem:s16+$0x0] =	vst v9  }
0x3be: {  	[tilespmem:s11+$0x0] =	vst v12;
	v1 =	vadd.f32 v8, v1;
	v8 =	vld [tilespmem:s14+$0x0]  }
0x3bf: {  	[tilespmem:s12+$0xFFFFFFE0] =	vst v2;
	v0 =	vadd.f32 v13, v0  }
0x3c0: {  	[tilespmem:s12+$0xFFFFFFF0] =	vst v1;
	v2 =	vadd.f32 v10, v3  }
0x3c1: {  	[tilespmem:s12+$0x0] =	vst v0;
	v1 =	vadd.f32 v14, v6  }
0x3c2: {  	v0 =	vadd.f32 v7, v5;
	[tilespmem:s14+$0x10] =	vst v2  }
0x3c3: {  	[tilespmem:s14+$0xFFFFFFE0] =	vst v1;
	v1 =	vadd.f32 v8, v4  }
0x3c4: {  	[tilespmem:s14+$0xFFFFFFF0] =	vst v0  }
0x3c5: {  	[tilespmem:s14+$0x0] =	vst v1  }
0x3c6: {  	s11 =	sld [smem:$0x7A4];
	_ =	sdelay $0x1  }
0x3c7: {  	s14 =	sld [smem:$0x7A6]  }
0x3c8: {  	[hbm4b:s11+s1] =	stream.linear.scatter [tilespmem:s2], [sflag:$0x4], $0x3000, $0x38;
	[tilespmem:$0x1E000] =	vst v63  }
0x3c9: {  	s15 =	sld [smem:$0x7A8]  }
0x3ca: {  	[hbm4b:s14+s1] =	stream.linear.scatter [tilespmem:s3], [sflag:$0x4], $0x3000, $0x38;
	[tilespmem:$0x1E000] =	vst v63  }
0x3cb: {  	s16 =	sld [smem:$0x7AA]  }
0x3cc: {  	[hbm4b:s15+s1] =	stream.linear.scatter [tilespmem:s4], [sflag:$0x4], $0x3000, $0x38;
	[tilespmem:$0x1E000] =	vst v63  }
0x3cd: {  	_ = 	snop  }
0x3ce: {  	[hbm4b:s16+s1] =	stream.linear.scatter [tilespmem:s5], [sflag:$0x4], $0x3000, $0x38;
	[tilespmem:$0x1E000] =	vst v63  }
0x3cf: {  	_ =	swait.ge [sflag:s9], $0x3000  }
0x3d0: {  	[sflag:s9] =	ssyncset.done $0x0  }
0x3d1: {  	[sflag:s9] =	ssyncadd.s32 $0xFFFFD000  }
0x3d2: {  	_ =	swait.ge [sflag:s9], $0x3000  }
0x3d3: {  	[sflag:s9] =	ssyncset.done $0x0  }
0x3d4: {  	[sflag:s9] =	ssyncadd.s32 $0xFFFFD000  }
0x3d5: {  	_ =	swait.ge [sflag:s9], $0x3000  }
0x3d6: {  	[sflag:s9] =	ssyncset.done $0x0  }
0x3d7: {  	[sflag:s9] =	ssyncadd.s32 $0xFFFFD000  }
0x3d8: {  	_ =	swait.ge [sflag:s9], $0x3000  }
0x3d9: {  	s17 =	sld [smem:$0x7B4]  }
0x3da: {  	[sflag:s9] =	ssyncset.done $0x0  }
0x3db: {  	s18 =	sld [smem:$0x7B5];
	[sflag:s9] =	ssyncadd.s32 $0xFFFFD000  }
0x3dc: {  	[tilespmem:s0], [sflag:$0x2] =	stream.linear.gather [hbm4b:s17+s1], $0x3000, $0x38;
	[tilespmem:$0x1E000] =	vst v63  }
0x3dd: {  	s12 =	sld [smem:$0x7B7]  }
0x3de: {  	[tilespmem:s2], [sflag:$0x2] =	stream.linear.gather [hbm4b:s18+s1], $0x3000, $0x38;
	[tilespmem:$0x1E000] =	vst v63  }
0x3df: {  	s13 =	sld [smem:$0x7B9]  }
0x3e0: {  	[tilespmem:s3], [sflag:$0x2] =	stream.linear.gather [hbm4b:s12+s1], $0x3000, $0x38;
	[tilespmem:$0x1E000] =	vst v63  }
0x3e1: {  	s14 =	sld [smem:$0x7BB]  }
0x3e2: {  	[tilespmem:s4], [sflag:$0x2] =	stream.linear.gather [hbm4b:s13+s1], $0x3000, $0x38;
	[tilespmem:$0x1E000] =	vst v63  }
0x3e3: {  	_ = 	snop  }
0x3e4: {  	[tilespmem:s5], [sflag:$0x2] =	stream.linear.gather [hbm4b:s14+s1], $0x3000, $0x38;
	[tilespmem:$0x1E000] =	vst v63  }
0x3e5: {  	_ =	swait.ge [sflag:s6], $0x3000  }
0x3e6: {  	[sflag:s6] =	ssyncset.done $0x0  }
0x3e7: {  	[sflag:s6] =	ssyncadd.s32 $0xFFFFD000  }
0x3e8: {  	_ =	swait.ge [sflag:s6], $0x3000  }
0x3e9: {  	[sflag:s6] =	ssyncset.done $0x0  }
0x3ea: {  	[sflag:s6] =	ssyncadd.s32 $0xFFFFD000  }
0x3eb: {  	_ =	swait.ge [sflag:s6], $0x3000  }
0x3ec: {  	[sflag:s6] =	ssyncset.done $0x0  }
0x3ed: {  	[sflag:s6] =	ssyncadd.s32 $0xFFFFD000  }
0x3ee: {  	_ =	swait.ge [sflag:s6], $0x3000  }
0x3ef: {  	[sflag:s6] =	ssyncset.done $0x0  }
0x3f0: {  	[sflag:s6] =	ssyncadd.s32 $0xFFFFD000  }
0x3f1: {  	_ =	swait.ge [sflag:s6], $0x3000  }
0x3f2: {  	[sflag:s6] =	ssyncset.done $0x0  }
0x3f3: {  	s15 =	simm.s32 $0x20;
	[sflag:s6] =	ssyncadd.s32 $0xFFFFD000  }
0x3f4: {  	s16 =	simm.s32 $0x3020;
	v4 =	vld [tilespmem:s15+$0x10]  }
0x3f5: {  	v0 =	vld [tilespmem:s16+$0x10];
	_ =	sdelay $0x1  }
0x3f6: {  	v7 =	vld [tilespmem:s15+$0xFFFFFFF0]  }
0x3f7: {  	v2 =	vld [tilespmem:s16+$0xFFFFFFF0]  }
0x3f8: {  	v1 =	vld [tilespmem:s16+$0xFFFFFFE0]  }
0x3f9: {  	v12 =	vld [tilespmem:s15+$0x0];
	v0 =	vadd.f32 v0, v4  }
0x3fa: {  	v6 =	vld [tilespmem:s15+$0xFFFFFFE0]  }
0x3fb: {  	s17 =	simm.s32 $0x6020;
	v3 =	vld [tilespmem:s16+$0x0];
	[tilespmem:s16+$0x10] =	vst v0  }
0x3fc: {  	s14 =	simm.s32 $0x60;
	v0 =	vadd.f32 v2, v7;
	v2 =	vld [tilespmem:s17+$0x10]  }
0x3fd: {  	v8 =	vld [tilespmem:s14+$0x10];
	s15 =	simm.s32 $0x3060  }
0x3fe: {  	v9 =	vld [tilespmem:s15+$0x10]  }
0x3ff: {  	v11 =	vld [tilespmem:s15+$0xFFFFFFE0];
	[tilespmem:s16+$0xFFFFFFF0] =	vst v0;
	v0 =	vadd.f32 v1, v6  }
0x400: {  	v13 =	vld [tilespmem:s15+$0xFFFFFFF0];
	v3 =	vadd.f32 v3, v12  }
0x401: {  	v1 =	vld [tilespmem:s14+$0xFFFFFFF0];
	[tilespmem:s16+$0xFFFFFFE0] =	vst v0;
	v0 =	vadd.f32 v2, v4  }
0x402: {  	[tilespmem:s16+$0x0] =	vst v3;
	v5 =	vld [tilespmem:s17+$0xFFFFFFF0]  }
0x403: {  	s16 =	simm.s32 $0x9020;
	v2 =	vld [tilespmem:s17+$0xFFFFFFE0];
	[tilespmem:s17+$0x10] =	vst v0  }
0x404: {  	v10 =	vld [tilespmem:s16+$0x10]  }
0x405: {  	v15 =	vld [tilespmem:s15+$0x0]  }
0x406: {  	v9 =	vadd.f32 v9, v8;
	v3 =	vld [tilespmem:s17+$0x0]  }
0x407: {  	v0 =	vld [tilespmem:s14+$0x0];
	v5 =	vadd.f32 v5, v7  }
0x408: {  	s18 =	simm.s32 $0x6060;
	[tilespmem:s15+$0x10] =	vst v9;
	v14 =	vadd.f32 v2, v6;
	v2 =	vld [tilespmem:s14+$0xFFFFFFE0]  }
0x409: {  	[tilespmem:s17+$0xFFFFFFF0] =	vst v5;
	v5 =	vadd.f32 v13, v1;
	s14 =	simm.s32 $0x30A0;
	v9 =	vadd.f32 v10, v4;
	v10 =	vld [tilespmem:s18+$0x10]  }
0x40a: {  	v18 =	vld [tilespmem:s14+$0xFFFFFFE0];
	[tilespmem:s17+$0xFFFFFFE0] =	vst v14  }
0x40b: {  	v3 =	vadd.f32 v3, v12;
	[tilespmem:s15+$0xFFFFFFF0] =	vst v5;
	v13 =	vld [tilespmem:s16+$0xFFFFFFE0]  }
0x40c: {  	v5 =	vadd.f32 v15, v0;
	[tilespmem:s16+$0x10] =	vst v9;
	v9 =	vld [tilespmem:s16+$0xFFFFFFF0]  }
0x40d: {  	[tilespmem:s17+$0x0] =	vst v3;
	v15 =	vld [tilespmem:s18+$0xFFFFFFF0]  }
0x40e: {  	s11 =	simm.s32 $0xC020;
	[tilespmem:s15+$0x0] =	vst v5;
	v3 =	vadd.f32 v11, v2;
	v11 =	vld [tilespmem:s16+$0x0];
	v5 =	vadd.f32 v10, v8  }
0x40f: {  	v14 =	vld [tilespmem:s11+$0x10]  }
0x410: {  	s13 =	simm.s32 $0x9060;
	v10 =	vld [tilespmem:s18+$0x0];
	[tilespmem:s18+$0x10] =	vst v5  }
0x411: {  	[tilespmem:s15+$0xFFFFFFE0] =	vst v3;
	v3 =	vadd.f32 v13, v6;
	v5 =	vadd.f32 v9, v7;
	v9 =	vld [tilespmem:s13+$0x10]  }
0x412: {  	s17 =	simm.s32 $0xA0;
	v13 =	vld [tilespmem:s18+$0xFFFFFFE0]  }
0x413: {  	[tilespmem:s16+$0xFFFFFFE0] =	vst v3;
	v3 =	vld [tilespmem:s17+$0x10]  }
0x414: {  	v16 =	vld [tilespmem:s11+$0xFFFFFFE0]  }
0x415: {  	v4 =	vadd.f32 v14, v4;
	v14 =	vld [tilespmem:s14+$0x10]  }
0x416: {  	[tilespmem:s16+$0xFFFFFFF0] =	vst v5;
	v5 =	vld [tilespmem:s17+$0xFFFFFFF0];
	v9 =	vadd.f32 v9, v8  }
0x417: {  	v17 =	vld [tilespmem:s11+$0xFFFFFFF0];
	[tilespmem:s11+$0x10] =	vst v4;
	v4 =	vadd.f32 v15, v1  }
0x418: {  	v11 =	vadd.f32 v11, v12;
	[tilespmem:s13+$0x10] =	vst v9;
	v9 =	vld [tilespmem:s14+$0xFFFFFFF0]  }
0x419: {  	s12 =	simm.s32 $0xC060;
	v10 =	vadd.f32 v10, v0;
	[tilespmem:s18+$0xFFFFFFF0] =	vst v4;
	v4 =	vld [tilespmem:s17+$0x0]  }
0x41a: {  	[tilespmem:s16+$0x0] =	vst v11;
	v11 =	vadd.f32 v14, v3;
	v15 =	vld [tilespmem:s12+$0x10]  }
0x41b: {  	v13 =	vadd.f32 v13, v2;
	[tilespmem:s18+$0x0] =	vst v10;
	v10 =	vld [tilespmem:s14+$0x0]  }
0x41c: {  	s15 =	simm.s32 $0x60A0;
	v14 =	vadd.f32 v16, v6;
	v6 =	vld [tilespmem:s17+$0xFFFFFFE0];
	[tilespmem:s14+$0x10] =	vst v11  }
0x41d: {  	[tilespmem:s18+$0xFFFFFFE0] =	vst v13;
	v11 =	vld [tilespmem:s15+$0x10];
	v9 =	vadd.f32 v9, v5  }
0x41e: {  	v13 =	vld [tilespmem:s13+$0xFFFFFFE0];
	v7 =	vadd.f32 v17, v7;
	[tilespmem:s11+$0xFFFFFFE0] =	vst v14  }
0x41f: {  	v8 =	vadd.f32 v15, v8;
	[tilespmem:s14+$0xFFFFFFF0] =	vst v9;
	v9 =	vld [tilespmem:s13+$0xFFFFFFF0]  }
0x420: {  	[tilespmem:s11+$0xFFFFFFF0] =	vst v7;
	v10 =	vadd.f32 v10, v4;
	v7 =	vld [tilespmem:s15+$0xFFFFFFF0]  }
0x421: {  	v14 =	vld [tilespmem:s13+$0x0];
	[tilespmem:s12+$0x10] =	vst v8;
	v8 =	vadd.f32 v18, v6  }
0x422: {  	v63 =	vld [tilespmem:s11+$0x0];
	[tilespmem:s14+$0x0] =	vst v10;
	v15 =	vadd.f32 v11, v3  }
0x423: {  	v11 =	vld [tilespmem:s15+$0x0];
	[tilespmem:s14+$0xFFFFFFE0] =	vst v8;
	v8 =	vadd.f32 v13, v2  }
0x424: {  	s16 =	simm.s32 $0x90A0;
	[tilespmem:s15+$0x10] =	vst v15;
	v10 =	vld [tilespmem:s15+$0xFFFFFFE0];
	v13 =	vadd.f32 v9, v1  }
0x425: {  	v9 =	vld [tilespmem:s16+$0x10];
	[tilespmem:s13+$0xFFFFFFE0] =	vst v8;
	v15 =	vadd.f32 v7, v5  }
0x426: {  	v7 =	vld [tilespmem:s12+$0xFFFFFFE0];
	[tilespmem:s13+$0xFFFFFFF0] =	vst v13;
	v13 =	vadd.f32 v14, v0  }
0x427: {  	s18 =	simm.s32 $0xE0;
	s17 =	simm.s32 $0x80;
	v12 =	vadd.f32 v63, v12;
	[tilespmem:s15+$0xFFFFFFF0] =	vst v15;
	v8 =	vld [tilespmem:s12+$0xFFFFFFF0]  }
.LBB2_14:
0x428: {  	v14 =	vld [tilespmem:s18+$0x10];
	v11 =	vadd.f32 v11, v4;
	s14 =	sadd.s32 $0x40, s14;
	[tilespmem:s13+$0x0] =	vst v13;
	s13 =	smov.u32 s16  }
0x429: {  	s17 =	sadd.s32 $0x40, s17;
	v13 =	vld [tilespmem:s14+$0x10];
	v10 =	vadd.f32 v10, v6;
	[tilespmem:s11+$0x0] =	vst v12;
	s11 =	smov.u32 s12  }
0x42a: {  	p0 =	slt.u32 s17, $0x2FC0;
	v12 =	vld [tilespmem:s14+$0xFFFFFFE0];
	[tilespmem:s15+$0x0] =	vst v11;
	v9 =	vadd.f32 v9, v3  }
0x42b: {  	v11 =	vld [tilespmem:s18+$0xFFFFFFF0];
	[tilespmem:s15+$0xFFFFFFE0] =	vst v10;
	v7 =	vadd.f32 v7, v2;
	v2 =	vmov v6  }
0x42c: {  	s12 =	sadd.s32 $0x40, s12;
	v10 =	vld [tilespmem:s14+$0xFFFFFFF0];
	[tilespmem:s16+$0x10] =	vst v9;
	v6 =	vadd.f32 v8, v1;
	v1 =	vmov v5  }
0x42d: {  	v8 =	vld [tilespmem:s12+$0x10];
	[tilespmem:s11+$0xFFFFFFE0] =	vst v7  }
0x42e: {  	v15 =	vld [tilespmem:s18+$0x0];
	v9 =	vadd.f32 v13, v14;
	[tilespmem:s11+$0xFFFFFFF0] =	vst v6  }
0x42f: {  	v7 =	vld [tilespmem:s14+$0x0]  }
0x430: {  	s15 =	sadd.s32 $0x40, s15;
	v6 =	vld [tilespmem:s18+$0xFFFFFFE0];
	[tilespmem:s14+$0x10] =	vst v9;
	v5 =	vmov v11  }
0x431: {  	v9 =	vadd.f32 v10, v5;
	v10 =	vld [tilespmem:s15+$0x10]  }
0x432: {  	v13 =	vld [tilespmem:s16+$0xFFFFFFE0];
	v8 =	vadd.f32 v8, v3;
	v3 =	vmov v14  }
0x433: {  	[tilespmem:s14+$0xFFFFFFF0] =	vst v9;
	v9 =	vld [tilespmem:s16+$0xFFFFFFF0]  }
0x434: {  	v14 =	vld [tilespmem:s15+$0xFFFFFFF0];
	v7 =	vadd.f32 v7, v15;
	[tilespmem:s12+$0x10] =	vst v8  }
0x435: {  	v8 =	vadd.f32 v12, v6;
	v12 =	vld [tilespmem:s16+$0x0]  }
0x436: {  	[tilespmem:s14+$0x0] =	vst v7;
	v7 =	vadd.f32 v10, v3;
	v16 =	vld [tilespmem:s11+$0x0]  }
.Ltmp6:
0x437: {  	[tilespmem:s14+$0xFFFFFFE0] =	vst v8;
	v11 =	vld [tilespmem:s15+$0x0];
	v8 =	vadd.f32 v13, v2;
	(pc) =	sbr.rel @p0 .LBB2_14-.Ltmp6, $4  }
0x438: {  	s16 =	sadd.s32 $0x40, s16;
	v10 =	vld [tilespmem:s15+$0xFFFFFFE0];
	[tilespmem:s15+$0x10] =	vst v7;
	v13 =	vadd.f32 v9, v1  }
0x439: {  	v14 =	vadd.f32 v14, v5;
	v9 =	vld [tilespmem:s16+$0x10];
	[tilespmem:s13+$0xFFFFFFE0] =	vst v8  }
0x43a: {  	v7 =	vld [tilespmem:s12+$0xFFFFFFE0];
	[tilespmem:s13+$0xFFFFFFF0] =	vst v13;
	v13 =	vadd.f32 v12, v4  }
0x43b: {  	s18 =	sadd.s32 $0x40, s18;
	[tilespmem:s15+$0xFFFFFFF0] =	vst v14;
	v8 =	vld [tilespmem:s12+$0xFFFFFFF0];
	v12 =	vadd.f32 v16, v0;
	v0 =	vmov v4;
	v4 =	vmov v15  }
0x43c: {  	_ = 	snop  }
0x43d: {  	v10 =	vadd.f32 v10, v6;
	_ =	sdelay $0x1  }
0x43e: {  	v11 =	vadd.f32 v11, v4;
	[tilespmem:s15+$0xFFFFFFE0] =	vst v10  }
0x43f: {  	v10 =	vld [tilespmem:s16+$0xFFFFFFE0]  }
0x440: {  	[tilespmem:s15+$0x0] =	vst v11;
	v11 =	vld [tilespmem:s16+$0xFFFFFFF0]  }
0x441: {  	v14 =	vld [tilespmem:s16+$0x0]  }
0x442: {  	v9 =	vadd.f32 v9, v3  }
0x443: {  	[tilespmem:s13+$0x0] =	vst v13  }
0x444: {  	[tilespmem:s16+$0x10] =	vst v9;
	v9 =	vadd.f32 v10, v6  }
0x445: {  	s14 =	sadd.s32 $0x40, s12;
	v13 =	vld [tilespmem:s12+$0x0];
	v11 =	vadd.f32 v11, v5  }
0x446: {  	v10 =	vld [tilespmem:s14+$0x10];
	[tilespmem:s16+$0xFFFFFFE0] =	vst v9;
	v9 =	vadd.f32 v14, v4  }
0x447: {  	[tilespmem:s16+$0xFFFFFFF0] =	vst v11;
	v14 =	vld [tilespmem:s14+$0xFFFFFFE0]  }
0x448: {  	v2 =	vadd.f32 v7, v2;
	v7 =	vld [tilespmem:s14+$0xFFFFFFF0];
	[tilespmem:s16+$0x0] =	vst v9  }
0x449: {  	[tilespmem:s11+$0x0] =	vst v12;
	v1 =	vadd.f32 v8, v1;
	v8 =	vld [tilespmem:s14+$0x0]  }
0x44a: {  	[tilespmem:s12+$0xFFFFFFE0] =	vst v2;
	v0 =	vadd.f32 v13, v0  }
0x44b: {  	[tilespmem:s12+$0xFFFFFFF0] =	vst v1;
	v2 =	vadd.f32 v10, v3  }
0x44c: {  	[tilespmem:s12+$0x0] =	vst v0;
	v1 =	vadd.f32 v14, v6  }
0x44d: {  	v0 =	vadd.f32 v7, v5;
	[tilespmem:s14+$0x10] =	vst v2  }
0x44e: {  	[tilespmem:s14+$0xFFFFFFE0] =	vst v1;
	v1 =	vadd.f32 v8, v4  }
0x44f: {  	[tilespmem:s14+$0xFFFFFFF0] =	vst v0  }
0x450: {  	[tilespmem:s14+$0x0] =	vst v1  }
0x451: {  	s11 =	sld [smem:$0x7AD];
	_ =	sdelay $0x1  }
0x452: {  	s14 =	sld [smem:$0x7AF]  }
0x453: {  	[hbm4b:s11+s1] =	stream.linear.scatter [tilespmem:s28], [sflag:$0x3], $0x3000, $0x38;
	[tilespmem:$0x1E000] =	vst v63  }
0x454: {  	s15 =	sld [smem:$0x7B1]  }
0x455: {  	[hbm4b:s14+s1] =	stream.linear.scatter [tilespmem:s29], [sflag:$0x3], $0x3000, $0x38;
	[tilespmem:$0x1E000] =	vst v63  }
0x456: {  	s16 =	sld [smem:$0x7B3]  }
0x457: {  	[hbm4b:s15+s1] =	stream.linear.scatter [tilespmem:s30], [sflag:$0x3], $0x3000, $0x38;
	[tilespmem:$0x1E000] =	vst v63  }
0x458: {  	_ = 	snop  }
0x459: {  	[hbm4b:s16+s1] =	stream.linear.scatter [tilespmem:s31], [sflag:$0x3], $0x3000, $0x38;
	[tilespmem:$0x1E000] =	vst v63  }
0x45a: {  	_ =	swait.ge [sflag:s7], $0x3000  }
0x45b: {  	[sflag:s7] =	ssyncset.done $0x0  }
0x45c: {  	[sflag:s7] =	ssyncadd.s32 $0xFFFFD000  }
0x45d: {  	_ =	swait.ge [sflag:s7], $0x3000  }
0x45e: {  	[sflag:s7] =	ssyncset.done $0x0  }
0x45f: {  	[sflag:s7] =	ssyncadd.s32 $0xFFFFD000  }
0x460: {  	_ =	swait.ge [sflag:s7], $0x3000  }
0x461: {  	[sflag:s7] =	ssyncset.done $0x0  }
0x462: {  	[sflag:s7] =	ssyncadd.s32 $0xFFFFD000  }
0x463: {  	_ =	swait.ge [sflag:s7], $0x3000  }
0x464: {  	s17 =	sld [smem:$0x7BD]  }
0x465: {  	[sflag:s7] =	ssyncset.done $0x0  }
0x466: {  	s18 =	sld [smem:$0x7BE];
	[sflag:s7] =	ssyncadd.s32 $0xFFFFD000  }
0x467: {  	[tilespmem:s1], [sflag:$0x1] =	stream.linear.gather [hbm4b:s17+s1], $0x3000, $0x38;
	[tilespmem:$0x1E000] =	vst v63  }
0x468: {  	s12 =	sld [smem:$0x7C0]  }
0x469: {  	[tilespmem:s28], [sflag:$0x1] =	stream.linear.gather [hbm4b:s18+s1], $0x3000, $0x38;
	[tilespmem:$0x1E000] =	vst v63  }
0x46a: {  	s13 =	sld [smem:$0x7C2]  }
0x46b: {  	[tilespmem:s29], [sflag:$0x1] =	stream.linear.gather [hbm4b:s12+s1], $0x3000, $0x38;
	[tilespmem:$0x1E000] =	vst v63  }
0x46c: {  	s14 =	sld [smem:$0x7C4]  }
0x46d: {  	[tilespmem:s30], [sflag:$0x1] =	stream.linear.gather [hbm4b:s13+s1], $0x3000, $0x38;
	[tilespmem:$0x1E000] =	vst v63  }
0x46e: {  	_ = 	snop  }
0x46f: {  	[tilespmem:s31], [sflag:$0x1] =	stream.linear.gather [hbm4b:s14+s1], $0x3000, $0x38;
	[tilespmem:$0x1E000] =	vst v63  }
0x470: {  	_ =	swait.ge [sflag:s8], $0x3000  }
0x471: {  	[sflag:s8] =	ssyncset.done $0x0  }
0x472: {  	[sflag:s8] =	ssyncadd.s32 $0xFFFFD000  }
0x473: {  	_ =	swait.ge [sflag:s8], $0x3000  }
0x474: {  	[sflag:s8] =	ssyncset.done $0x0  }
0x475: {  	[sflag:s8] =	ssyncadd.s32 $0xFFFFD000  }
0x476: {  	_ =	swait.ge [sflag:s8], $0x3000  }
0x477: {  	[sflag:s8] =	ssyncset.done $0x0  }
0x478: {  	[sflag:s8] =	ssyncadd.s32 $0xFFFFD000  }
0x479: {  	_ =	swait.ge [sflag:s8], $0x3000  }
0x47a: {  	[sflag:s8] =	ssyncset.done $0x0  }
0x47b: {  	[sflag:s8] =	ssyncadd.s32 $0xFFFFD000  }
0x47c: {  	_ =	swait.ge [sflag:s8], $0x3000  }
0x47d: {  	[sflag:s8] =	ssyncset.done $0x0  }
0x47e: {  	s15 =	simm.s32 $0xF020;
	[sflag:s8] =	ssyncadd.s32 $0xFFFFD000  }
0x47f: {  	s16 =	simm.s32 $0x12020;
	v4 =	vld [tilespmem:s15+$0x10]  }
0x480: {  	v0 =	vld [tilespmem:s16+$0x10];
	_ =	sdelay $0x1  }
0x481: {  	v7 =	vld [tilespmem:s15+$0xFFFFFFF0]  }
0x482: {  	v2 =	vld [tilespmem:s16+$0xFFFFFFF0]  }
0x483: {  	v1 =	vld [tilespmem:s16+$0xFFFFFFE0]  }
0x484: {  	v12 =	vld [tilespmem:s15+$0x0];
	v0 =	vadd.f32 v0, v4  }
0x485: {  	v6 =	vld [tilespmem:s15+$0xFFFFFFE0]  }
0x486: {  	s17 =	simm.s32 $0x15020;
	v3 =	vld [tilespmem:s16+$0x0];
	[tilespmem:s16+$0x10] =	vst v0  }
0x487: {  	s14 =	simm.s32 $0xF060;
	v0 =	vadd.f32 v2, v7;
	v2 =	vld [tilespmem:s17+$0x10]  }
0x488: {  	v8 =	vld [tilespmem:s14+$0x10];
	s15 =	simm.s32 $0x12060  }
0x489: {  	v9 =	vld [tilespmem:s15+$0x10]  }
0x48a: {  	v11 =	vld [tilespmem:s15+$0xFFFFFFE0];
	[tilespmem:s16+$0xFFFFFFF0] =	vst v0;
	v0 =	vadd.f32 v1, v6  }
0x48b: {  	v13 =	vld [tilespmem:s15+$0xFFFFFFF0];
	v3 =	vadd.f32 v3, v12  }
0x48c: {  	v1 =	vld [tilespmem:s14+$0xFFFFFFF0];
	[tilespmem:s16+$0xFFFFFFE0] =	vst v0;
	v0 =	vadd.f32 v2, v4  }
0x48d: {  	[tilespmem:s16+$0x0] =	vst v3;
	v5 =	vld [tilespmem:s17+$0xFFFFFFF0]  }
0x48e: {  	s16 =	simm.s32 $0x18020;
	v2 =	vld [tilespmem:s17+$0xFFFFFFE0];
	[tilespmem:s17+$0x10] =	vst v0  }
0x48f: {  	v10 =	vld [tilespmem:s16+$0x10]  }
0x490: {  	v15 =	vld [tilespmem:s15+$0x0]  }
0x491: {  	v9 =	vadd.f32 v9, v8;
	v3 =	vld [tilespmem:s17+$0x0]  }
0x492: {  	v0 =	vld [tilespmem:s14+$0x0];
	v5 =	vadd.f32 v5, v7  }
0x493: {  	s18 =	simm.s32 $0x15060;
	[tilespmem:s15+$0x10] =	vst v9;
	v14 =	vadd.f32 v2, v6;
	v2 =	vld [tilespmem:s14+$0xFFFFFFE0]  }
0x494: {  	[tilespmem:s17+$0xFFFFFFF0] =	vst v5;
	v5 =	vadd.f32 v13, v1;
	s14 =	simm.s32 $0x120A0;
	v9 =	vadd.f32 v10, v4;
	v10 =	vld [tilespmem:s18+$0x10]  }
0x495: {  	v18 =	vld [tilespmem:s14+$0xFFFFFFE0];
	[tilespmem:s17+$0xFFFFFFE0] =	vst v14  }
0x496: {  	v3 =	vadd.f32 v3, v12;
	[tilespmem:s15+$0xFFFFFFF0] =	vst v5;
	v13 =	vld [tilespmem:s16+$0xFFFFFFE0]  }
0x497: {  	v5 =	vadd.f32 v15, v0;
	[tilespmem:s16+$0x10] =	vst v9;
	v9 =	vld [tilespmem:s16+$0xFFFFFFF0]  }
0x498: {  	[tilespmem:s17+$0x0] =	vst v3;
	v15 =	vld [tilespmem:s18+$0xFFFFFFF0]  }
0x499: {  	s11 =	simm.s32 $0x1B020;
	[tilespmem:s15+$0x0] =	vst v5;
	v3 =	vadd.f32 v11, v2;
	v11 =	vld [tilespmem:s16+$0x0];
	v5 =	vadd.f32 v10, v8  }
0x49a: {  	v14 =	vld [tilespmem:s11+$0x10]  }
0x49b: {  	s13 =	simm.s32 $0x18060;
	v10 =	vld [tilespmem:s18+$0x0];
	[tilespmem:s18+$0x10] =	vst v5  }
0x49c: {  	[tilespmem:s15+$0xFFFFFFE0] =	vst v3;
	v3 =	vadd.f32 v13, v6;
	v5 =	vadd.f32 v9, v7;
	v9 =	vld [tilespmem:s13+$0x10]  }
0x49d: {  	s17 =	simm.s32 $0xF0A0;
	v13 =	vld [tilespmem:s18+$0xFFFFFFE0]  }
0x49e: {  	[tilespmem:s16+$0xFFFFFFE0] =	vst v3;
	v3 =	vld [tilespmem:s17+$0x10]  }
0x49f: {  	v16 =	vld [tilespmem:s11+$0xFFFFFFE0]  }
0x4a0: {  	v4 =	vadd.f32 v14, v4;
	v14 =	vld [tilespmem:s14+$0x10]  }
0x4a1: {  	[tilespmem:s16+$0xFFFFFFF0] =	vst v5;
	v5 =	vld [tilespmem:s17+$0xFFFFFFF0];
	v9 =	vadd.f32 v9, v8  }
0x4a2: {  	v17 =	vld [tilespmem:s11+$0xFFFFFFF0];
	[tilespmem:s11+$0x10] =	vst v4;
	v4 =	vadd.f32 v15, v1  }
0x4a3: {  	v11 =	vadd.f32 v11, v12;
	[tilespmem:s13+$0x10] =	vst v9;
	v9 =	vld [tilespmem:s14+$0xFFFFFFF0]  }
0x4a4: {  	s12 =	simm.s32 $0x1B060;
	v10 =	vadd.f32 v10, v0;
	[tilespmem:s18+$0xFFFFFFF0] =	vst v4;
	v4 =	vld [tilespmem:s17+$0x0]  }
0x4a5: {  	[tilespmem:s16+$0x0] =	vst v11;
	v11 =	vadd.f32 v14, v3;
	v15 =	vld [tilespmem:s12+$0x10]  }
0x4a6: {  	v13 =	vadd.f32 v13, v2;
	[tilespmem:s18+$0x0] =	vst v10;
	v10 =	vld [tilespmem:s14+$0x0]  }
0x4a7: {  	s15 =	simm.s32 $0x150A0;
	v14 =	vadd.f32 v16, v6;
	v6 =	vld [tilespmem:s17+$0xFFFFFFE0];
	[tilespmem:s14+$0x10] =	vst v11  }
0x4a8: {  	[tilespmem:s18+$0xFFFFFFE0] =	vst v13;
	v11 =	vld [tilespmem:s15+$0x10];
	v9 =	vadd.f32 v9, v5  }
0x4a9: {  	v13 =	vld [tilespmem:s13+$0xFFFFFFE0];
	v7 =	vadd.f32 v17, v7;
	[tilespmem:s11+$0xFFFFFFE0] =	vst v14  }
0x4aa: {  	v8 =	vadd.f32 v15, v8;
	[tilespmem:s14+$0xFFFFFFF0] =	vst v9;
	v9 =	vld [tilespmem:s13+$0xFFFFFFF0]  }
0x4ab: {  	[tilespmem:s11+$0xFFFFFFF0] =	vst v7;
	v10 =	vadd.f32 v10, v4;
	v7 =	vld [tilespmem:s15+$0xFFFFFFF0]  }
0x4ac: {  	v14 =	vld [tilespmem:s13+$0x0];
	[tilespmem:s12+$0x10] =	vst v8;
	v8 =	vadd.f32 v18, v6  }
0x4ad: {  	v63 =	vld [tilespmem:s11+$0x0];
	[tilespmem:s14+$0x0] =	vst v10;
	v15 =	vadd.f32 v11, v3  }
0x4ae: {  	v11 =	vld [tilespmem:s15+$0x0];
	[tilespmem:s14+$0xFFFFFFE0] =	vst v8;
	v8 =	vadd.f32 v13, v2  }
0x4af: {  	s16 =	simm.s32 $0x180A0;
	[tilespmem:s15+$0x10] =	vst v15;
	v10 =	vld [tilespmem:s15+$0xFFFFFFE0];
	v13 =	vadd.f32 v9, v1  }
0x4b0: {  	v9 =	vld [tilespmem:s16+$0x10];
	[tilespmem:s13+$0xFFFFFFE0] =	vst v8;
	v15 =	vadd.f32 v7, v5  }
0x4b1: {  	v7 =	vld [tilespmem:s12+$0xFFFFFFE0];
	[tilespmem:s13+$0xFFFFFFF0] =	vst v13;
	v13 =	vadd.f32 v14, v0  }
0x4b2: {  	s18 =	simm.s32 $0xF0E0;
	s17 =	simm.s32 $0x80;
	v12 =	vadd.f32 v63, v12;
	[tilespmem:s15+$0xFFFFFFF0] =	vst v15;
	v8 =	vld [tilespmem:s12+$0xFFFFFFF0]  }
.LBB2_16:
0x4b3: {  	v14 =	vld [tilespmem:s18+$0x10];
	v11 =	vadd.f32 v11, v4;
	s14 =	sadd.s32 $0x40, s14;
	[tilespmem:s13+$0x0] =	vst v13;
	s13 =	smov.u32 s16  }
0x4b4: {  	s17 =	sadd.s32 $0x40, s17;
	v13 =	vld [tilespmem:s14+$0x10];
	v10 =	vadd.f32 v10, v6;
	[tilespmem:s11+$0x0] =	vst v12;
	s11 =	smov.u32 s12  }
0x4b5: {  	p0 =	slt.u32 s17, $0x2FC0;
	v12 =	vld [tilespmem:s14+$0xFFFFFFE0];
	[tilespmem:s15+$0x0] =	vst v11;
	v9 =	vadd.f32 v9, v3  }
0x4b6: {  	v11 =	vld [tilespmem:s18+$0xFFFFFFF0];
	[tilespmem:s15+$0xFFFFFFE0] =	vst v10;
	v7 =	vadd.f32 v7, v2;
	v2 =	vmov v6  }
0x4b7: {  	s12 =	sadd.s32 $0x40, s12;
	v10 =	vld [tilespmem:s14+$0xFFFFFFF0];
	[tilespmem:s16+$0x10] =	vst v9;
	v6 =	vadd.f32 v8, v1;
	v1 =	vmov v5  }
0x4b8: {  	v8 =	vld [tilespmem:s12+$0x10];
	[tilespmem:s11+$0xFFFFFFE0] =	vst v7  }
0x4b9: {  	v15 =	vld [tilespmem:s18+$0x0];
	v9 =	vadd.f32 v13, v14;
	[tilespmem:s11+$0xFFFFFFF0] =	vst v6  }
0x4ba: {  	v7 =	vld [tilespmem:s14+$0x0]  }
0x4bb: {  	s15 =	sadd.s32 $0x40, s15;
	v6 =	vld [tilespmem:s18+$0xFFFFFFE0];
	[tilespmem:s14+$0x10] =	vst v9;
	v5 =	vmov v11  }
0x4bc: {  	v9 =	vadd.f32 v10, v5;
	v10 =	vld [tilespmem:s15+$0x10]  }
0x4bd: {  	v13 =	vld [tilespmem:s16+$0xFFFFFFE0];
	v8 =	vadd.f32 v8, v3;
	v3 =	vmov v14  }
0x4be: {  	[tilespmem:s14+$0xFFFFFFF0] =	vst v9;
	v9 =	vld [tilespmem:s16+$0xFFFFFFF0]  }
0x4bf: {  	v14 =	vld [tilespmem:s15+$0xFFFFFFF0];
	v7 =	vadd.f32 v7, v15;
	[tilespmem:s12+$0x10] =	vst v8  }
0x4c0: {  	v8 =	vadd.f32 v12, v6;
	v12 =	vld [tilespmem:s16+$0x0]  }
0x4c1: {  	[tilespmem:s14+$0x0] =	vst v7;
	v7 =	vadd.f32 v10, v3;
	v16 =	vld [tilespmem:s11+$0x0]  }
.Ltmp7:
0x4c2: {  	[tilespmem:s14+$0xFFFFFFE0] =	vst v8;
	v11 =	vld [tilespmem:s15+$0x0];
	v8 =	vadd.f32 v13, v2;
	(pc) =	sbr.rel @p0 .LBB2_16-.Ltmp7, $4  }
0x4c3: {  	s16 =	sadd.s32 $0x40, s16;
	v10 =	vld [tilespmem:s15+$0xFFFFFFE0];
	[tilespmem:s15+$0x10] =	vst v7;
	v13 =	vadd.f32 v9, v1  }
0x4c4: {  	v14 =	vadd.f32 v14, v5;
	v9 =	vld [tilespmem:s16+$0x10];
	[tilespmem:s13+$0xFFFFFFE0] =	vst v8  }
0x4c5: {  	v7 =	vld [tilespmem:s12+$0xFFFFFFE0];
	[tilespmem:s13+$0xFFFFFFF0] =	vst v13;
	v13 =	vadd.f32 v12, v4  }
0x4c6: {  	s18 =	sadd.s32 $0x40, s18;
	[tilespmem:s15+$0xFFFFFFF0] =	vst v14;
	v8 =	vld [tilespmem:s12+$0xFFFFFFF0];
	v12 =	vadd.f32 v16, v0;
	v0 =	vmov v4;
	v4 =	vmov v15  }
0x4c7: {  	_ = 	snop  }
0x4c8: {  	v10 =	vadd.f32 v10, v6;
	_ =	sdelay $0x1  }
0x4c9: {  	v11 =	vadd.f32 v11, v4;
	[tilespmem:s15+$0xFFFFFFE0] =	vst v10  }
0x4ca: {  	v10 =	vld [tilespmem:s16+$0xFFFFFFE0]  }
0x4cb: {  	[tilespmem:s15+$0x0] =	vst v11;
	v11 =	vld [tilespmem:s16+$0xFFFFFFF0]  }
0x4cc: {  	v14 =	vld [tilespmem:s16+$0x0]  }
0x4cd: {  	v9 =	vadd.f32 v9, v3  }
0x4ce: {  	[tilespmem:s13+$0x0] =	vst v13  }
0x4cf: {  	[tilespmem:s16+$0x10] =	vst v9;
	v9 =	vadd.f32 v10, v6  }
0x4d0: {  	s14 =	sadd.s32 $0x40, s12;
	v13 =	vld [tilespmem:s12+$0x0];
	v11 =	vadd.f32 v11, v5  }
0x4d1: {  	v10 =	vld [tilespmem:s14+$0x10];
	[tilespmem:s16+$0xFFFFFFE0] =	vst v9;
	v9 =	vadd.f32 v14, v4  }
0x4d2: {  	[tilespmem:s16+$0xFFFFFFF0] =	vst v11;
	v14 =	vld [tilespmem:s14+$0xFFFFFFE0]  }
0x4d3: {  	v2 =	vadd.f32 v7, v2;
	v7 =	vld [tilespmem:s14+$0xFFFFFFF0];
	[tilespmem:s16+$0x0] =	vst v9  }
0x4d4: {  	[tilespmem:s11+$0x0] =	vst v12;
	v1 =	vadd.f32 v8, v1;
	v8 =	vld [tilespmem:s14+$0x0]  }
0x4d5: {  	[tilespmem:s12+$0xFFFFFFE0] =	vst v2;
	v0 =	vadd.f32 v13, v0  }
0x4d6: {  	[tilespmem:s12+$0xFFFFFFF0] =	vst v1;
	v2 =	vadd.f32 v10, v3  }
0x4d7: {  	[tilespmem:s12+$0x0] =	vst v0;
	v1 =	vadd.f32 v14, v6  }
0x4d8: {  	v0 =	vadd.f32 v7, v5;
	[tilespmem:s14+$0x10] =	vst v2  }
0x4d9: {  	[tilespmem:s14+$0xFFFFFFE0] =	vst v1;
	v1 =	vadd.f32 v8, v4  }
0x4da: {  	[tilespmem:s14+$0xFFFFFFF0] =	vst v0  }
0x4db: {  	[tilespmem:s14+$0x0] =	vst v1  }
0x4dc: {  	s11 =	sld [smem:$0x7B6];
	_ =	sdelay $0x1  }
0x4dd: {  	s14 =	sld [smem:$0x7B8]  }
0x4de: {  	[hbm4b:s11+s1] =	stream.linear.scatter [tilespmem:s2], [sflag:$0x4], $0x3000, $0x38;
	[tilespmem:$0x1E000] =	vst v63  }
0x4df: {  	s15 =	sld [smem:$0x7BA]  }
0x4e0: {  	[hbm4b:s14+s1] =	stream.linear.scatter [tilespmem:s3], [sflag:$0x4], $0x3000, $0x38;
	[tilespmem:$0x1E000] =	vst v63  }
0x4e1: {  	s16 =	sld [smem:$0x7BC]  }
0x4e2: {  	[hbm4b:s15+s1] =	stream.linear.scatter [tilespmem:s4], [sflag:$0x4], $0x3000, $0x38;
	[tilespmem:$0x1E000] =	vst v63  }
0x4e3: {  	_ = 	snop  }
0x4e4: {  	[hbm4b:s16+s1] =	stream.linear.scatter [tilespmem:s5], [sflag:$0x4], $0x3000, $0x38;
	[tilespmem:$0x1E000] =	vst v63  }
0x4e5: {  	_ =	swait.ge [sflag:s9], $0x3000  }
0x4e6: {  	[sflag:s9] =	ssyncset.done $0x0  }
0x4e7: {  	[sflag:s9] =	ssyncadd.s32 $0xFFFFD000  }
0x4e8: {  	_ =	swait.ge [sflag:s9], $0x3000  }
0x4e9: {  	[sflag:s9] =	ssyncset.done $0x0  }
0x4ea: {  	[sflag:s9] =	ssyncadd.s32 $0xFFFFD000  }
0x4eb: {  	_ =	swait.ge [sflag:s9], $0x3000  }
0x4ec: {  	[sflag:s9] =	ssyncset.done $0x0  }
0x4ed: {  	[sflag:s9] =	ssyncadd.s32 $0xFFFFD000  }
0x4ee: {  	_ =	swait.ge [sflag:s9], $0x3000  }
0x4ef: {  	s17 =	sld [smem:$0x7C6]  }
0x4f0: {  	[sflag:s9] =	ssyncset.done $0x0  }
0x4f1: {  	s18 =	sld [smem:$0x7C7];
	[sflag:s9] =	ssyncadd.s32 $0xFFFFD000  }
0x4f2: {  	[tilespmem:s0], [sflag:$0x2] =	stream.linear.gather [hbm4b:s17+s1], $0x3000, $0x38;
	[tilespmem:$0x1E000] =	vst v63  }
0x4f3: {  	s12 =	sld [smem:$0x7C9]  }
0x4f4: {  	[tilespmem:s2], [sflag:$0x2] =	stream.linear.gather [hbm4b:s18+s1], $0x3000, $0x38;
	[tilespmem:$0x1E000] =	vst v63  }
0x4f5: {  	s13 =	sld [smem:$0x7CB]  }
0x4f6: {  	[tilespmem:s3], [sflag:$0x2] =	stream.linear.gather [hbm4b:s12+s1], $0x3000, $0x38;
	[tilespmem:$0x1E000] =	vst v63  }
0x4f7: {  	s14 =	sld [smem:$0x7CD]  }
0x4f8: {  	[tilespmem:s4], [sflag:$0x2] =	stream.linear.gather [hbm4b:s13+s1], $0x3000, $0x38;
	[tilespmem:$0x1E000] =	vst v63  }
0x4f9: {  	_ = 	snop  }
0x4fa: {  	[tilespmem:s5], [sflag:$0x2] =	stream.linear.gather [hbm4b:s14+s1], $0x3000, $0x38;
	[tilespmem:$0x1E000] =	vst v63  }
0x4fb: {  	_ =	swait.ge [sflag:s6], $0x3000  }
0x4fc: {  	[sflag:s6] =	ssyncset.done $0x0  }
0x4fd: {  	[sflag:s6] =	ssyncadd.s32 $0xFFFFD000  }
0x4fe: {  	_ =	swait.ge [sflag:s6], $0x3000  }
0x4ff: {  	[sflag:s6] =	ssyncset.done $0x0  }
0x500: {  	[sflag:s6] =	ssyncadd.s32 $0xFFFFD000  }
0x501: {  	_ =	swait.ge [sflag:s6], $0x3000  }
0x502: {  	[sflag:s6] =	ssyncset.done $0x0  }
0x503: {  	[sflag:s6] =	ssyncadd.s32 $0xFFFFD000  }
0x504: {  	_ =	swait.ge [sflag:s6], $0x3000  }
0x505: {  	[sflag:s6] =	ssyncset.done $0x0  }
0x506: {  	[sflag:s6] =	ssyncadd.s32 $0xFFFFD000  }
0x507: {  	_ =	swait.ge [sflag:s6], $0x3000  }
0x508: {  	[sflag:s6] =	ssyncset.done $0x0  }
0x509: {  	s15 =	simm.s32 $0x20;
	[sflag:s6] =	ssyncadd.s32 $0xFFFFD000  }
0x50a: {  	s16 =	simm.s32 $0x3020;
	v4 =	vld [tilespmem:s15+$0x10]  }
0x50b: {  	v0 =	vld [tilespmem:s16+$0x10];
	_ =	sdelay $0x1  }
0x50c: {  	v7 =	vld [tilespmem:s15+$0xFFFFFFF0]  }
0x50d: {  	v2 =	vld [tilespmem:s16+$0xFFFFFFF0]  }
0x50e: {  	v1 =	vld [tilespmem:s16+$0xFFFFFFE0]  }
0x50f: {  	v12 =	vld [tilespmem:s15+$0x0];
	v0 =	vadd.f32 v0, v4  }
0x510: {  	v6 =	vld [tilespmem:s15+$0xFFFFFFE0]  }
0x511: {  	s17 =	simm.s32 $0x6020;
	v3 =	vld [tilespmem:s16+$0x0];
	[tilespmem:s16+$0x10] =	vst v0  }
0x512: {  	s14 =	simm.s32 $0x60;
	v0 =	vadd.f32 v2, v7;
	v2 =	vld [tilespmem:s17+$0x10]  }
0x513: {  	v8 =	vld [tilespmem:s14+$0x10];
	s15 =	simm.s32 $0x3060  }
0x514: {  	v9 =	vld [tilespmem:s15+$0x10]  }
0x515: {  	v11 =	vld [tilespmem:s15+$0xFFFFFFE0];
	[tilespmem:s16+$0xFFFFFFF0] =	vst v0;
	v0 =	vadd.f32 v1, v6  }
0x516: {  	v13 =	vld [tilespmem:s15+$0xFFFFFFF0];
	v3 =	vadd.f32 v3, v12  }
0x517: {  	v1 =	vld [tilespmem:s14+$0xFFFFFFF0];
	[tilespmem:s16+$0xFFFFFFE0] =	vst v0;
	v0 =	vadd.f32 v2, v4  }
0x518: {  	[tilespmem:s16+$0x0] =	vst v3;
	v5 =	vld [tilespmem:s17+$0xFFFFFFF0]  }
0x519: {  	s16 =	simm.s32 $0x9020;
	v2 =	vld [tilespmem:s17+$0xFFFFFFE0];
	[tilespmem:s17+$0x10] =	vst v0  }
0x51a: {  	v10 =	vld [tilespmem:s16+$0x10]  }
0x51b: {  	v15 =	vld [tilespmem:s15+$0x0]  }
0x51c: {  	v9 =	vadd.f32 v9, v8;
	v3 =	vld [tilespmem:s17+$0x0]  }
0x51d: {  	v0 =	vld [tilespmem:s14+$0x0];
	v5 =	vadd.f32 v5, v7  }
0x51e: {  	s18 =	simm.s32 $0x6060;
	[tilespmem:s15+$0x10] =	vst v9;
	v14 =	vadd.f32 v2, v6;
	v2 =	vld [tilespmem:s14+$0xFFFFFFE0]  }
0x51f: {  	[tilespmem:s17+$0xFFFFFFF0] =	vst v5;
	v5 =	vadd.f32 v13, v1;
	s14 =	simm.s32 $0x30A0;
	v9 =	vadd.f32 v10, v4;
	v10 =	vld [tilespmem:s18+$0x10]  }
0x520: {  	v18 =	vld [tilespmem:s14+$0xFFFFFFE0];
	[tilespmem:s17+$0xFFFFFFE0] =	vst v14  }
0x521: {  	v3 =	vadd.f32 v3, v12;
	[tilespmem:s15+$0xFFFFFFF0] =	vst v5;
	v13 =	vld [tilespmem:s16+$0xFFFFFFE0]  }
0x522: {  	v5 =	vadd.f32 v15, v0;
	[tilespmem:s16+$0x10] =	vst v9;
	v9 =	vld [tilespmem:s16+$0xFFFFFFF0]  }
0x523: {  	[tilespmem:s17+$0x0] =	vst v3;
	v15 =	vld [tilespmem:s18+$0xFFFFFFF0]  }
0x524: {  	s11 =	simm.s32 $0xC020;
	[tilespmem:s15+$0x0] =	vst v5;
	v3 =	vadd.f32 v11, v2;
	v11 =	vld [tilespmem:s16+$0x0];
	v5 =	vadd.f32 v10, v8  }
0x525: {  	v14 =	vld [tilespmem:s11+$0x10]  }
0x526: {  	s13 =	simm.s32 $0x9060;
	v10 =	vld [tilespmem:s18+$0x0];
	[tilespmem:s18+$0x10] =	vst v5  }
0x527: {  	[tilespmem:s15+$0xFFFFFFE0] =	vst v3;
	v3 =	vadd.f32 v13, v6;
	v5 =	vadd.f32 v9, v7;
	v9 =	vld [tilespmem:s13+$0x10]  }
0x528: {  	s17 =	simm.s32 $0xA0;
	v13 =	vld [tilespmem:s18+$0xFFFFFFE0]  }
0x529: {  	[tilespmem:s16+$0xFFFFFFE0] =	vst v3;
	v3 =	vld [tilespmem:s17+$0x10]  }
0x52a: {  	v16 =	vld [tilespmem:s11+$0xFFFFFFE0]  }
0x52b: {  	v4 =	vadd.f32 v14, v4;
	v14 =	vld [tilespmem:s14+$0x10]  }
0x52c: {  	[tilespmem:s16+$0xFFFFFFF0] =	vst v5;
	v5 =	vld [tilespmem:s17+$0xFFFFFFF0];
	v9 =	vadd.f32 v9, v8  }
0x52d: {  	v17 =	vld [tilespmem:s11+$0xFFFFFFF0];
	[tilespmem:s11+$0x10] =	vst v4;
	v4 =	vadd.f32 v15, v1  }
0x52e: {  	v11 =	vadd.f32 v11, v12;
	[tilespmem:s13+$0x10] =	vst v9;
	v9 =	vld [tilespmem:s14+$0xFFFFFFF0]  }
0x52f: {  	s12 =	simm.s32 $0xC060;
	v10 =	vadd.f32 v10, v0;
	[tilespmem:s18+$0xFFFFFFF0] =	vst v4;
	v4 =	vld [tilespmem:s17+$0x0]  }
0x530: {  	[tilespmem:s16+$0x0] =	vst v11;
	v11 =	vadd.f32 v14, v3;
	v15 =	vld [tilespmem:s12+$0x10]  }
0x531: {  	v13 =	vadd.f32 v13, v2;
	[tilespmem:s18+$0x0] =	vst v10;
	v10 =	vld [tilespmem:s14+$0x0]  }
0x532: {  	s15 =	simm.s32 $0x60A0;
	v14 =	vadd.f32 v16, v6;
	v6 =	vld [tilespmem:s17+$0xFFFFFFE0];
	[tilespmem:s14+$0x10] =	vst v11  }
0x533: {  	[tilespmem:s18+$0xFFFFFFE0] =	vst v13;
	v11 =	vld [tilespmem:s15+$0x10];
	v9 =	vadd.f32 v9, v5  }
0x534: {  	v13 =	vld [tilespmem:s13+$0xFFFFFFE0];
	v7 =	vadd.f32 v17, v7;
	[tilespmem:s11+$0xFFFFFFE0] =	vst v14  }
0x535: {  	v8 =	vadd.f32 v15, v8;
	[tilespmem:s14+$0xFFFFFFF0] =	vst v9;
	v9 =	vld [tilespmem:s13+$0xFFFFFFF0]  }
0x536: {  	[tilespmem:s11+$0xFFFFFFF0] =	vst v7;
	v10 =	vadd.f32 v10, v4;
	v7 =	vld [tilespmem:s15+$0xFFFFFFF0]  }
0x537: {  	v14 =	vld [tilespmem:s13+$0x0];
	[tilespmem:s12+$0x10] =	vst v8;
	v8 =	vadd.f32 v18, v6  }
0x538: {  	v63 =	vld [tilespmem:s11+$0x0];
	[tilespmem:s14+$0x0] =	vst v10;
	v15 =	vadd.f32 v11, v3  }
0x539: {  	v11 =	vld [tilespmem:s15+$0x0];
	[tilespmem:s14+$0xFFFFFFE0] =	vst v8;
	v8 =	vadd.f32 v13, v2  }
0x53a: {  	s16 =	simm.s32 $0x90A0;
	[tilespmem:s15+$0x10] =	vst v15;
	v10 =	vld [tilespmem:s15+$0xFFFFFFE0];
	v13 =	vadd.f32 v9, v1  }
0x53b: {  	v9 =	vld [tilespmem:s16+$0x10];
	[tilespmem:s13+$0xFFFFFFE0] =	vst v8;
	v15 =	vadd.f32 v7, v5  }
0x53c: {  	v7 =	vld [tilespmem:s12+$0xFFFFFFE0];
	[tilespmem:s13+$0xFFFFFFF0] =	vst v13;
	v13 =	vadd.f32 v14, v0  }
0x53d: {  	s18 =	simm.s32 $0xE0;
	s17 =	simm.s32 $0x80;
	v12 =	vadd.f32 v63, v12;
	[tilespmem:s15+$0xFFFFFFF0] =	vst v15;
	v8 =	vld [tilespmem:s12+$0xFFFFFFF0]  }
.LBB2_18:
0x53e: {  	v14 =	vld [tilespmem:s18+$0x10];
	v11 =	vadd.f32 v11, v4;
	s14 =	sadd.s32 $0x40, s14;
	[tilespmem:s13+$0x0] =	vst v13;
	s13 =	smov.u32 s16  }
0x53f: {  	s17 =	sadd.s32 $0x40, s17;
	v13 =	vld [tilespmem:s14+$0x10];
	v10 =	vadd.f32 v10, v6;
	[tilespmem:s11+$0x0] =	vst v12;
	s11 =	smov.u32 s12  }
0x540: {  	p0 =	slt.u32 s17, $0x2FC0;
	v12 =	vld [tilespmem:s14+$0xFFFFFFE0];
	[tilespmem:s15+$0x0] =	vst v11;
	v9 =	vadd.f32 v9, v3  }
0x541: {  	v11 =	vld [tilespmem:s18+$0xFFFFFFF0];
	[tilespmem:s15+$0xFFFFFFE0] =	vst v10;
	v7 =	vadd.f32 v7, v2;
	v2 =	vmov v6  }
0x542: {  	s12 =	sadd.s32 $0x40, s12;
	v10 =	vld [tilespmem:s14+$0xFFFFFFF0];
	[tilespmem:s16+$0x10] =	vst v9;
	v6 =	vadd.f32 v8, v1;
	v1 =	vmov v5  }
0x543: {  	v8 =	vld [tilespmem:s12+$0x10];
	[tilespmem:s11+$0xFFFFFFE0] =	vst v7  }
0x544: {  	v15 =	vld [tilespmem:s18+$0x0];
	v9 =	vadd.f32 v13, v14;
	[tilespmem:s11+$0xFFFFFFF0] =	vst v6  }
0x545: {  	v7 =	vld [tilespmem:s14+$0x0]  }
0x546: {  	s15 =	sadd.s32 $0x40, s15;
	v6 =	vld [tilespmem:s18+$0xFFFFFFE0];
	[tilespmem:s14+$0x10] =	vst v9;
	v5 =	vmov v11  }
0x547: {  	v9 =	vadd.f32 v10, v5;
	v10 =	vld [tilespmem:s15+$0x10]  }
0x548: {  	v13 =	vld [tilespmem:s16+$0xFFFFFFE0];
	v8 =	vadd.f32 v8, v3;
	v3 =	vmov v14  }
0x549: {  	[tilespmem:s14+$0xFFFFFFF0] =	vst v9;
	v9 =	vld [tilespmem:s16+$0xFFFFFFF0]  }
0x54a: {  	v14 =	vld [tilespmem:s15+$0xFFFFFFF0];
	v7 =	vadd.f32 v7, v15;
	[tilespmem:s12+$0x10] =	vst v8  }
0x54b: {  	v8 =	vadd.f32 v12, v6;
	v12 =	vld [tilespmem:s16+$0x0]  }
0x54c: {  	[tilespmem:s14+$0x0] =	vst v7;
	v7 =	vadd.f32 v10, v3;
	v16 =	vld [tilespmem:s11+$0x0]  }
.Ltmp8:
0x54d: {  	[tilespmem:s14+$0xFFFFFFE0] =	vst v8;
	v11 =	vld [tilespmem:s15+$0x0];
	v8 =	vadd.f32 v13, v2;
	(pc) =	sbr.rel @p0 .LBB2_18-.Ltmp8, $4  }
0x54e: {  	s16 =	sadd.s32 $0x40, s16;
	v10 =	vld [tilespmem:s15+$0xFFFFFFE0];
	[tilespmem:s15+$0x10] =	vst v7;
	v13 =	vadd.f32 v9, v1  }
0x54f: {  	v14 =	vadd.f32 v14, v5;
	v9 =	vld [tilespmem:s16+$0x10];
	[tilespmem:s13+$0xFFFFFFE0] =	vst v8  }
0x550: {  	v7 =	vld [tilespmem:s12+$0xFFFFFFE0];
	[tilespmem:s13+$0xFFFFFFF0] =	vst v13;
	v13 =	vadd.f32 v12, v4  }
0x551: {  	s18 =	sadd.s32 $0x40, s18;
	[tilespmem:s15+$0xFFFFFFF0] =	vst v14;
	v8 =	vld [tilespmem:s12+$0xFFFFFFF0];
	v12 =	vadd.f32 v16, v0;
	v0 =	vmov v4;
	v4 =	vmov v15  }
0x552: {  	_ = 	snop  }
0x553: {  	v10 =	vadd.f32 v10, v6;
	_ =	sdelay $0x1  }
0x554: {  	v11 =	vadd.f32 v11, v4;
	[tilespmem:s15+$0xFFFFFFE0] =	vst v10  }
0x555: {  	v10 =	vld [tilespmem:s16+$0xFFFFFFE0]  }
0x556: {  	[tilespmem:s15+$0x0] =	vst v11;
	v11 =	vld [tilespmem:s16+$0xFFFFFFF0]  }
0x557: {  	v14 =	vld [tilespmem:s16+$0x0]  }
0x558: {  	v9 =	vadd.f32 v9, v3  }
0x559: {  	[tilespmem:s13+$0x0] =	vst v13  }
0x55a: {  	[tilespmem:s16+$0x10] =	vst v9;
	v9 =	vadd.f32 v10, v6  }
0x55b: {  	s14 =	sadd.s32 $0x40, s12;
	v13 =	vld [tilespmem:s12+$0x0];
	v11 =	vadd.f32 v11, v5  }
0x55c: {  	v10 =	vld [tilespmem:s14+$0x10];
	[tilespmem:s16+$0xFFFFFFE0] =	vst v9;
	v9 =	vadd.f32 v14, v4  }
0x55d: {  	[tilespmem:s16+$0xFFFFFFF0] =	vst v11;
	v14 =	vld [tilespmem:s14+$0xFFFFFFE0]  }
0x55e: {  	v2 =	vadd.f32 v7, v2;
	v7 =	vld [tilespmem:s14+$0xFFFFFFF0];
	[tilespmem:s16+$0x0] =	vst v9  }
0x55f: {  	[tilespmem:s11+$0x0] =	vst v12;
	v1 =	vadd.f32 v8, v1;
	v8 =	vld [tilespmem:s14+$0x0]  }
0x560: {  	[tilespmem:s12+$0xFFFFFFE0] =	vst v2;
	v0 =	vadd.f32 v13, v0  }
0x561: {  	[tilespmem:s12+$0xFFFFFFF0] =	vst v1;
	v2 =	vadd.f32 v10, v3  }
0x562: {  	[tilespmem:s12+$0x0] =	vst v0;
	v1 =	vadd.f32 v14, v6  }
0x563: {  	v0 =	vadd.f32 v7, v5;
	[tilespmem:s14+$0x10] =	vst v2  }
0x564: {  	[tilespmem:s14+$0xFFFFFFE0] =	vst v1;
	v1 =	vadd.f32 v8, v4  }
0x565: {  	[tilespmem:s14+$0xFFFFFFF0] =	vst v0  }
0x566: {  	[tilespmem:s14+$0x0] =	vst v1  }
0x567: {  	s11 =	sld [smem:$0x7BF];
	_ =	sdelay $0x1  }
0x568: {  	s14 =	sld [smem:$0x7C1]  }
0x569: {  	[hbm4b:s11+s1] =	stream.linear.scatter [tilespmem:s28], [sflag:$0x3], $0x3000, $0x38;
	[tilespmem:$0x1E000] =	vst v63  }
0x56a: {  	s15 =	sld [smem:$0x7C3]  }
0x56b: {  	[hbm4b:s14+s1] =	stream.linear.scatter [tilespmem:s29], [sflag:$0x3], $0x3000, $0x38;
	[tilespmem:$0x1E000] =	vst v63  }
0x56c: {  	s16 =	sld [smem:$0x7C5]  }
0x56d: {  	[hbm4b:s15+s1] =	stream.linear.scatter [tilespmem:s30], [sflag:$0x3], $0x3000, $0x38;
	[tilespmem:$0x1E000] =	vst v63  }
0x56e: {  	_ = 	snop  }
0x56f: {  	[hbm4b:s16+s1] =	stream.linear.scatter [tilespmem:s31], [sflag:$0x3], $0x3000, $0x38;
	[tilespmem:$0x1E000] =	vst v63  }
0x570: {  	_ =	swait.ge [sflag:s7], $0x3000  }
0x571: {  	[sflag:s7] =	ssyncset.done $0x0  }
0x572: {  	[sflag:s7] =	ssyncadd.s32 $0xFFFFD000  }
0x573: {  	_ =	swait.ge [sflag:s7], $0x3000  }
0x574: {  	[sflag:s7] =	ssyncset.done $0x0  }
0x575: {  	[sflag:s7] =	ssyncadd.s32 $0xFFFFD000  }
0x576: {  	_ =	swait.ge [sflag:s7], $0x3000  }
0x577: {  	[sflag:s7] =	ssyncset.done $0x0  }
0x578: {  	[sflag:s7] =	ssyncadd.s32 $0xFFFFD000  }
0x579: {  	_ =	swait.ge [sflag:s7], $0x3000  }
0x57a: {  	s17 =	sld [smem:$0x7CF]  }
0x57b: {  	[sflag:s7] =	ssyncset.done $0x0  }
0x57c: {  	s18 =	sld [smem:$0x7D0];
	[sflag:s7] =	ssyncadd.s32 $0xFFFFD000  }
0x57d: {  	[tilespmem:s1], [sflag:$0x1] =	stream.linear.gather [hbm4b:s17+s1], $0x3000, $0x38;
	[tilespmem:$0x1E000] =	vst v63  }
0x57e: {  	s12 =	sld [smem:$0x7D2]  }
0x57f: {  	[tilespmem:s28], [sflag:$0x1] =	stream.linear.gather [hbm4b:s18+s1], $0x3000, $0x38;
	[tilespmem:$0x1E000] =	vst v63  }
0x580: {  	s13 =	sld [smem:$0x7D4]  }
0x581: {  	[tilespmem:s29], [sflag:$0x1] =	stream.linear.gather [hbm4b:s12+s1], $0x3000, $0x38;
	[tilespmem:$0x1E000] =	vst v63  }
0x582: {  	s14 =	sld [smem:$0x7D6]  }
0x583: {  	[tilespmem:s30], [sflag:$0x1] =	stream.linear.gather [hbm4b:s13+s1], $0x3000, $0x38;
	[tilespmem:$0x1E000] =	vst v63  }
0x584: {  	_ = 	snop  }
0x585: {  	[tilespmem:s31], [sflag:$0x1] =	stream.linear.gather [hbm4b:s14+s1], $0x3000, $0x38;
	[tilespmem:$0x1E000] =	vst v63  }
0x586: {  	_ =	swait.ge [sflag:s8], $0x3000  }
0x587: {  	[sflag:s8] =	ssyncset.done $0x0  }
0x588: {  	[sflag:s8] =	ssyncadd.s32 $0xFFFFD000  }
0x589: {  	_ =	swait.ge [sflag:s8], $0x3000  }
0x58a: {  	[sflag:s8] =	ssyncset.done $0x0  }
0x58b: {  	[sflag:s8] =	ssyncadd.s32 $0xFFFFD000  }
0x58c: {  	_ =	swait.ge [sflag:s8], $0x3000  }
0x58d: {  	[sflag:s8] =	ssyncset.done $0x0  }
0x58e: {  	[sflag:s8] =	ssyncadd.s32 $0xFFFFD000  }
0x58f: {  	_ =	swait.ge [sflag:s8], $0x3000  }
0x590: {  	[sflag:s8] =	ssyncset.done $0x0  }
0x591: {  	[sflag:s8] =	ssyncadd.s32 $0xFFFFD000  }
0x592: {  	_ =	swait.ge [sflag:s8], $0x3000  }
0x593: {  	[sflag:s8] =	ssyncset.done $0x0  }
0x594: {  	s15 =	simm.s32 $0xF020;
	[sflag:s8] =	ssyncadd.s32 $0xFFFFD000  }
0x595: {  	s16 =	simm.s32 $0x12020;
	v4 =	vld [tilespmem:s15+$0x10]  }
0x596: {  	v0 =	vld [tilespmem:s16+$0x10];
	_ =	sdelay $0x1  }
0x597: {  	v7 =	vld [tilespmem:s15+$0xFFFFFFF0]  }
0x598: {  	v2 =	vld [tilespmem:s16+$0xFFFFFFF0]  }
0x599: {  	v1 =	vld [tilespmem:s16+$0xFFFFFFE0]  }
0x59a: {  	v12 =	vld [tilespmem:s15+$0x0];
	v0 =	vadd.f32 v0, v4  }
0x59b: {  	v6 =	vld [tilespmem:s15+$0xFFFFFFE0]  }
0x59c: {  	s17 =	simm.s32 $0x15020;
	v3 =	vld [tilespmem:s16+$0x0];
	[tilespmem:s16+$0x10] =	vst v0  }
0x59d: {  	s14 =	simm.s32 $0xF060;
	v0 =	vadd.f32 v2, v7;
	v2 =	vld [tilespmem:s17+$0x10]  }
0x59e: {  	v8 =	vld [tilespmem:s14+$0x10];
	s15 =	simm.s32 $0x12060  }
0x59f: {  	v9 =	vld [tilespmem:s15+$0x10]  }
0x5a0: {  	v11 =	vld [tilespmem:s15+$0xFFFFFFE0];
	[tilespmem:s16+$0xFFFFFFF0] =	vst v0;
	v0 =	vadd.f32 v1, v6  }
0x5a1: {  	v13 =	vld [tilespmem:s15+$0xFFFFFFF0];
	v3 =	vadd.f32 v3, v12  }
0x5a2: {  	v1 =	vld [tilespmem:s14+$0xFFFFFFF0];
	[tilespmem:s16+$0xFFFFFFE0] =	vst v0;
	v0 =	vadd.f32 v2, v4  }
0x5a3: {  	[tilespmem:s16+$0x0] =	vst v3;
	v5 =	vld [tilespmem:s17+$0xFFFFFFF0]  }
0x5a4: {  	s16 =	simm.s32 $0x18020;
	v2 =	vld [tilespmem:s17+$0xFFFFFFE0];
	[tilespmem:s17+$0x10] =	vst v0  }
0x5a5: {  	v10 =	vld [tilespmem:s16+$0x10]  }
0x5a6: {  	v15 =	vld [tilespmem:s15+$0x0]  }
0x5a7: {  	v9 =	vadd.f32 v9, v8;
	v3 =	vld [tilespmem:s17+$0x0]  }
0x5a8: {  	v0 =	vld [tilespmem:s14+$0x0];
	v5 =	vadd.f32 v5, v7  }
0x5a9: {  	s18 =	simm.s32 $0x15060;
	[tilespmem:s15+$0x10] =	vst v9;
	v14 =	vadd.f32 v2, v6;
	v2 =	vld [tilespmem:s14+$0xFFFFFFE0]  }
0x5aa: {  	[tilespmem:s17+$0xFFFFFFF0] =	vst v5;
	v5 =	vadd.f32 v13, v1;
	s14 =	simm.s32 $0x120A0;
	v9 =	vadd.f32 v10, v4;
	v10 =	vld [tilespmem:s18+$0x10]  }
0x5ab: {  	v18 =	vld [tilespmem:s14+$0xFFFFFFE0];
	[tilespmem:s17+$0xFFFFFFE0] =	vst v14  }
0x5ac: {  	v3 =	vadd.f32 v3, v12;
	[tilespmem:s15+$0xFFFFFFF0] =	vst v5;
	v13 =	vld [tilespmem:s16+$0xFFFFFFE0]  }
0x5ad: {  	v5 =	vadd.f32 v15, v0;
	[tilespmem:s16+$0x10] =	vst v9;
	v9 =	vld [tilespmem:s16+$0xFFFFFFF0]  }
0x5ae: {  	[tilespmem:s17+$0x0] =	vst v3;
	v15 =	vld [tilespmem:s18+$0xFFFFFFF0]  }
0x5af: {  	s11 =	simm.s32 $0x1B020;
	[tilespmem:s15+$0x0] =	vst v5;
	v3 =	vadd.f32 v11, v2;
	v11 =	vld [tilespmem:s16+$0x0];
	v5 =	vadd.f32 v10, v8  }
0x5b0: {  	v14 =	vld [tilespmem:s11+$0x10]  }
0x5b1: {  	s13 =	simm.s32 $0x18060;
	v10 =	vld [tilespmem:s18+$0x0];
	[tilespmem:s18+$0x10] =	vst v5  }
0x5b2: {  	[tilespmem:s15+$0xFFFFFFE0] =	vst v3;
	v3 =	vadd.f32 v13, v6;
	v5 =	vadd.f32 v9, v7;
	v9 =	vld [tilespmem:s13+$0x10]  }
0x5b3: {  	s17 =	simm.s32 $0xF0A0;
	v13 =	vld [tilespmem:s18+$0xFFFFFFE0]  }
0x5b4: {  	[tilespmem:s16+$0xFFFFFFE0] =	vst v3;
	v3 =	vld [tilespmem:s17+$0x10]  }
0x5b5: {  	v16 =	vld [tilespmem:s11+$0xFFFFFFE0]  }
0x5b6: {  	v4 =	vadd.f32 v14, v4;
	v14 =	vld [tilespmem:s14+$0x10]  }
0x5b7: {  	[tilespmem:s16+$0xFFFFFFF0] =	vst v5;
	v5 =	vld [tilespmem:s17+$0xFFFFFFF0];
	v9 =	vadd.f32 v9, v8  }
0x5b8: {  	v17 =	vld [tilespmem:s11+$0xFFFFFFF0];
	[tilespmem:s11+$0x10] =	vst v4;
	v4 =	vadd.f32 v15, v1  }
0x5b9: {  	v11 =	vadd.f32 v11, v12;
	[tilespmem:s13+$0x10] =	vst v9;
	v9 =	vld [tilespmem:s14+$0xFFFFFFF0]  }
0x5ba: {  	s12 =	simm.s32 $0x1B060;
	v10 =	vadd.f32 v10, v0;
	[tilespmem:s18+$0xFFFFFFF0] =	vst v4;
	v4 =	vld [tilespmem:s17+$0x0]  }
0x5bb: {  	[tilespmem:s16+$0x0] =	vst v11;
	v11 =	vadd.f32 v14, v3;
	v15 =	vld [tilespmem:s12+$0x10]  }
0x5bc: {  	v13 =	vadd.f32 v13, v2;
	[tilespmem:s18+$0x0] =	vst v10;
	v10 =	vld [tilespmem:s14+$0x0]  }
0x5bd: {  	s15 =	simm.s32 $0x150A0;
	v14 =	vadd.f32 v16, v6;
	v6 =	vld [tilespmem:s17+$0xFFFFFFE0];
	[tilespmem:s14+$0x10] =	vst v11  }
0x5be: {  	[tilespmem:s18+$0xFFFFFFE0] =	vst v13;
	v11 =	vld [tilespmem:s15+$0x10];
	v9 =	vadd.f32 v9, v5  }
0x5bf: {  	v13 =	vld [tilespmem:s13+$0xFFFFFFE0];
	v7 =	vadd.f32 v17, v7;
	[tilespmem:s11+$0xFFFFFFE0] =	vst v14  }
0x5c0: {  	v8 =	vadd.f32 v15, v8;
	[tilespmem:s14+$0xFFFFFFF0] =	vst v9;
	v9 =	vld [tilespmem:s13+$0xFFFFFFF0]  }
0x5c1: {  	[tilespmem:s11+$0xFFFFFFF0] =	vst v7;
	v10 =	vadd.f32 v10, v4;
	v7 =	vld [tilespmem:s15+$0xFFFFFFF0]  }
0x5c2: {  	v14 =	vld [tilespmem:s13+$0x0];
	[tilespmem:s12+$0x10] =	vst v8;
	v8 =	vadd.f32 v18, v6  }
0x5c3: {  	v63 =	vld [tilespmem:s11+$0x0];
	[tilespmem:s14+$0x0] =	vst v10;
	v15 =	vadd.f32 v11, v3  }
0x5c4: {  	v11 =	vld [tilespmem:s15+$0x0];
	[tilespmem:s14+$0xFFFFFFE0] =	vst v8;
	v8 =	vadd.f32 v13, v2  }
0x5c5: {  	s16 =	simm.s32 $0x180A0;
	[tilespmem:s15+$0x10] =	vst v15;
	v10 =	vld [tilespmem:s15+$0xFFFFFFE0];
	v13 =	vadd.f32 v9, v1  }
0x5c6: {  	v9 =	vld [tilespmem:s16+$0x10];
	[tilespmem:s13+$0xFFFFFFE0] =	vst v8;
	v15 =	vadd.f32 v7, v5  }
0x5c7: {  	v7 =	vld [tilespmem:s12+$0xFFFFFFE0];
	[tilespmem:s13+$0xFFFFFFF0] =	vst v13;
	v13 =	vadd.f32 v14, v0  }
0x5c8: {  	s18 =	simm.s32 $0xF0E0;
	s17 =	simm.s32 $0x80;
	v12 =	vadd.f32 v63, v12;
	[tilespmem:s15+$0xFFFFFFF0] =	vst v15;
	v8 =	vld [tilespmem:s12+$0xFFFFFFF0]  }
.LBB2_20:
0x5c9: {  	v14 =	vld [tilespmem:s18+$0x10];
	v11 =	vadd.f32 v11, v4;
	s14 =	sadd.s32 $0x40, s14;
	[tilespmem:s13+$0x0] =	vst v13;
	s13 =	smov.u32 s16  }
0x5ca: {  	s17 =	sadd.s32 $0x40, s17;
	v13 =	vld [tilespmem:s14+$0x10];
	v10 =	vadd.f32 v10, v6;
	[tilespmem:s11+$0x0] =	vst v12;
	s11 =	smov.u32 s12  }
0x5cb: {  	p0 =	slt.u32 s17, $0x2FC0;
	v12 =	vld [tilespmem:s14+$0xFFFFFFE0];
	[tilespmem:s15+$0x0] =	vst v11;
	v9 =	vadd.f32 v9, v3  }
0x5cc: {  	v11 =	vld [tilespmem:s18+$0xFFFFFFF0];
	[tilespmem:s15+$0xFFFFFFE0] =	vst v10;
	v7 =	vadd.f32 v7, v2;
	v2 =	vmov v6  }
0x5cd: {  	s12 =	sadd.s32 $0x40, s12;
	v10 =	vld [tilespmem:s14+$0xFFFFFFF0];
	[tilespmem:s16+$0x10] =	vst v9;
	v6 =	vadd.f32 v8, v1;
	v1 =	vmov v5  }
0x5ce: {  	v8 =	vld [tilespmem:s12+$0x10];
	[tilespmem:s11+$0xFFFFFFE0] =	vst v7  }
0x5cf: {  	v15 =	vld [tilespmem:s18+$0x0];
	v9 =	vadd.f32 v13, v14;
	[tilespmem:s11+$0xFFFFFFF0] =	vst v6  }
0x5d0: {  	v7 =	vld [tilespmem:s14+$0x0]  }
0x5d1: {  	s15 =	sadd.s32 $0x40, s15;
	v6 =	vld [tilespmem:s18+$0xFFFFFFE0];
	[tilespmem:s14+$0x10] =	vst v9;
	v5 =	vmov v11  }
0x5d2: {  	v9 =	vadd.f32 v10, v5;
	v10 =	vld [tilespmem:s15+$0x10]  }
0x5d3: {  	v13 =	vld [tilespmem:s16+$0xFFFFFFE0];
	v8 =	vadd.f32 v8, v3;
	v3 =	vmov v14  }
0x5d4: {  	[tilespmem:s14+$0xFFFFFFF0] =	vst v9;
	v9 =	vld [tilespmem:s16+$0xFFFFFFF0]  }
0x5d5: {  	v14 =	vld [tilespmem:s15+$0xFFFFFFF0];
	v7 =	vadd.f32 v7, v15;
	[tilespmem:s12+$0x10] =	vst v8  }
0x5d6: {  	v8 =	vadd.f32 v12, v6;
	v12 =	vld [tilespmem:s16+$0x0]  }
0x5d7: {  	[tilespmem:s14+$0x0] =	vst v7;
	v7 =	vadd.f32 v10, v3;
	v16 =	vld [tilespmem:s11+$0x0]  }
.Ltmp9:
0x5d8: {  	[tilespmem:s14+$0xFFFFFFE0] =	vst v8;
	v11 =	vld [tilespmem:s15+$0x0];
	v8 =	vadd.f32 v13, v2;
	(pc) =	sbr.rel @p0 .LBB2_20-.Ltmp9, $4  }
0x5d9: {  	s16 =	sadd.s32 $0x40, s16;
	v10 =	vld [tilespmem:s15+$0xFFFFFFE0];
	[tilespmem:s15+$0x10] =	vst v7;
	v13 =	vadd.f32 v9, v1  }
0x5da: {  	v14 =	vadd.f32 v14, v5;
	v9 =	vld [tilespmem:s16+$0x10];
	[tilespmem:s13+$0xFFFFFFE0] =	vst v8  }
0x5db: {  	v7 =	vld [tilespmem:s12+$0xFFFFFFE0];
	[tilespmem:s13+$0xFFFFFFF0] =	vst v13;
	v13 =	vadd.f32 v12, v4  }
0x5dc: {  	s18 =	sadd.s32 $0x40, s18;
	[tilespmem:s15+$0xFFFFFFF0] =	vst v14;
	v8 =	vld [tilespmem:s12+$0xFFFFFFF0];
	v12 =	vadd.f32 v16, v0;
	v0 =	vmov v4;
	v4 =	vmov v15  }
0x5dd: {  	_ = 	snop  }
0x5de: {  	v10 =	vadd.f32 v10, v6;
	_ =	sdelay $0x1  }
0x5df: {  	v11 =	vadd.f32 v11, v4;
	[tilespmem:s15+$0xFFFFFFE0] =	vst v10  }
0x5e0: {  	v10 =	vld [tilespmem:s16+$0xFFFFFFE0]  }
0x5e1: {  	[tilespmem:s15+$0x0] =	vst v11;
	v11 =	vld [tilespmem:s16+$0xFFFFFFF0]  }
0x5e2: {  	v14 =	vld [tilespmem:s16+$0x0]  }
0x5e3: {  	v9 =	vadd.f32 v9, v3  }
0x5e4: {  	[tilespmem:s13+$0x0] =	vst v13  }
0x5e5: {  	[tilespmem:s16+$0x10] =	vst v9;
	v9 =	vadd.f32 v10, v6  }
0x5e6: {  	s14 =	sadd.s32 $0x40, s12;
	v13 =	vld [tilespmem:s12+$0x0];
	v11 =	vadd.f32 v11, v5  }
0x5e7: {  	v10 =	vld [tilespmem:s14+$0x10];
	[tilespmem:s16+$0xFFFFFFE0] =	vst v9;
	v9 =	vadd.f32 v14, v4  }
0x5e8: {  	[tilespmem:s16+$0xFFFFFFF0] =	vst v11;
	v14 =	vld [tilespmem:s14+$0xFFFFFFE0]  }
0x5e9: {  	v2 =	vadd.f32 v7, v2;
	v7 =	vld [tilespmem:s14+$0xFFFFFFF0];
	[tilespmem:s16+$0x0] =	vst v9  }
0x5ea: {  	[tilespmem:s11+$0x0] =	vst v12;
	v1 =	vadd.f32 v8, v1;
	v8 =	vld [tilespmem:s14+$0x0]  }
0x5eb: {  	[tilespmem:s12+$0xFFFFFFE0] =	vst v2;
	v0 =	vadd.f32 v13, v0  }
0x5ec: {  	[tilespmem:s12+$0xFFFFFFF0] =	vst v1;
	v2 =	vadd.f32 v10, v3  }
0x5ed: {  	[tilespmem:s12+$0x0] =	vst v0;
	v1 =	vadd.f32 v14, v6  }
0x5ee: {  	v0 =	vadd.f32 v7, v5;
	[tilespmem:s14+$0x10] =	vst v2  }
0x5ef: {  	[tilespmem:s14+$0xFFFFFFE0] =	vst v1;
	v1 =	vadd.f32 v8, v4  }
0x5f0: {  	[tilespmem:s14+$0xFFFFFFF0] =	vst v0  }
0x5f1: {  	[tilespmem:s14+$0x0] =	vst v1  }
0x5f2: {  	s11 =	sld [smem:$0x7C8];
	_ =	sdelay $0x1  }
0x5f3: {  	s14 =	sld [smem:$0x7CA]  }
0x5f4: {  	[hbm4b:s11+s1] =	stream.linear.scatter [tilespmem:s2], [sflag:$0x4], $0x3000, $0x38;
	[tilespmem:$0x1E000] =	vst v63  }
0x5f5: {  	s15 =	sld [smem:$0x7CC]  }
0x5f6: {  	[hbm4b:s14+s1] =	stream.linear.scatter [tilespmem:s3], [sflag:$0x4], $0x3000, $0x38;
	[tilespmem:$0x1E000] =	vst v63  }
0x5f7: {  	s16 =	sld [smem:$0x7CE]  }
0x5f8: {  	[hbm4b:s15+s1] =	stream.linear.scatter [tilespmem:s4], [sflag:$0x4], $0x3000, $0x38;
	[tilespmem:$0x1E000] =	vst v63  }
0x5f9: {  	_ = 	snop  }
0x5fa: {  	[hbm4b:s16+s1] =	stream.linear.scatter [tilespmem:s5], [sflag:$0x4], $0x3000, $0x38;
	[tilespmem:$0x1E000] =	vst v63  }
0x5fb: {  	_ =	swait.ge [sflag:s9], $0x3000  }
0x5fc: {  	[sflag:s9] =	ssyncset.done $0x0  }
0x5fd: {  	[sflag:s9] =	ssyncadd.s32 $0xFFFFD000  }
0x5fe: {  	_ =	swait.ge [sflag:s9], $0x3000  }
0x5ff: {  	[sflag:s9] =	ssyncset.done $0x0  }
0x600: {  	[sflag:s9] =	ssyncadd.s32 $0xFFFFD000  }
0x601: {  	_ =	swait.ge [sflag:s9], $0x3000  }
0x602: {  	[sflag:s9] =	ssyncset.done $0x0  }
0x603: {  	[sflag:s9] =	ssyncadd.s32 $0xFFFFD000  }
0x604: {  	_ =	swait.ge [sflag:s9], $0x3000  }
0x605: {  	s17 =	sld [smem:$0x7D8]  }
0x606: {  	[sflag:s9] =	ssyncset.done $0x0  }
0x607: {  	s18 =	sld [smem:$0x7D9];
	[sflag:s9] =	ssyncadd.s32 $0xFFFFD000  }
0x608: {  	[tilespmem:s0], [sflag:$0x2] =	stream.linear.gather [hbm4b:s17+s1], $0x3000, $0x38;
	[tilespmem:$0x1E000] =	vst v63  }
0x609: {  	s12 =	sld [smem:$0x7DB]  }
0x60a: {  	[tilespmem:s2], [sflag:$0x2] =	stream.linear.gather [hbm4b:s18+s1], $0x3000, $0x38;
	[tilespmem:$0x1E000] =	vst v63  }
0x60b: {  	s13 =	sld [smem:$0x7DD]  }
0x60c: {  	[tilespmem:s3], [sflag:$0x2] =	stream.linear.gather [hbm4b:s12+s1], $0x3000, $0x38;
	[tilespmem:$0x1E000] =	vst v63  }
0x60d: {  	s14 =	sld [smem:$0x7DF]  }
0x60e: {  	[tilespmem:s4], [sflag:$0x2] =	stream.linear.gather [hbm4b:s13+s1], $0x3000, $0x38;
	[tilespmem:$0x1E000] =	vst v63  }
0x60f: {  	_ = 	snop  }
0x610: {  	[tilespmem:s5], [sflag:$0x2] =	stream.linear.gather [hbm4b:s14+s1], $0x3000, $0x38;
	[tilespmem:$0x1E000] =	vst v63  }
0x611: {  	_ =	swait.ge [sflag:s6], $0x3000  }
0x612: {  	[sflag:s6] =	ssyncset.done $0x0  }
0x613: {  	[sflag:s6] =	ssyncadd.s32 $0xFFFFD000  }
0x614: {  	_ =	swait.ge [sflag:s6], $0x3000  }
0x615: {  	[sflag:s6] =	ssyncset.done $0x0  }
0x616: {  	[sflag:s6] =	ssyncadd.s32 $0xFFFFD000  }
0x617: {  	_ =	swait.ge [sflag:s6], $0x3000  }
0x618: {  	[sflag:s6] =	ssyncset.done $0x0  }
0x619: {  	[sflag:s6] =	ssyncadd.s32 $0xFFFFD000  }
0x61a: {  	_ =	swait.ge [sflag:s6], $0x3000  }
0x61b: {  	[sflag:s6] =	ssyncset.done $0x0  }
0x61c: {  	[sflag:s6] =	ssyncadd.s32 $0xFFFFD000  }
0x61d: {  	_ =	swait.ge [sflag:s6], $0x3000  }
0x61e: {  	[sflag:s6] =	ssyncset.done $0x0  }
0x61f: {  	s15 =	simm.s32 $0x20;
	[sflag:s6] =	ssyncadd.s32 $0xFFFFD000  }
0x620: {  	s16 =	simm.s32 $0x3020;
	v4 =	vld [tilespmem:s15+$0x10]  }
0x621: {  	v0 =	vld [tilespmem:s16+$0x10];
	_ =	sdelay $0x1  }
0x622: {  	v7 =	vld [tilespmem:s15+$0xFFFFFFF0]  }
0x623: {  	v2 =	vld [tilespmem:s16+$0xFFFFFFF0]  }
0x624: {  	v1 =	vld [tilespmem:s16+$0xFFFFFFE0]  }
0x625: {  	v12 =	vld [tilespmem:s15+$0x0];
	v0 =	vadd.f32 v0, v4  }
0x626: {  	v6 =	vld [tilespmem:s15+$0xFFFFFFE0]  }
0x627: {  	s17 =	simm.s32 $0x6020;
	v3 =	vld [tilespmem:s16+$0x0];
	[tilespmem:s16+$0x10] =	vst v0  }
0x628: {  	s14 =	simm.s32 $0x60;
	v0 =	vadd.f32 v2, v7;
	v2 =	vld [tilespmem:s17+$0x10]  }
0x629: {  	v8 =	vld [tilespmem:s14+$0x10];
	s15 =	simm.s32 $0x3060  }
0x62a: {  	v9 =	vld [tilespmem:s15+$0x10]  }
0x62b: {  	v11 =	vld [tilespmem:s15+$0xFFFFFFE0];
	[tilespmem:s16+$0xFFFFFFF0] =	vst v0;
	v0 =	vadd.f32 v1, v6  }
0x62c: {  	v13 =	vld [tilespmem:s15+$0xFFFFFFF0];
	v3 =	vadd.f32 v3, v12  }
0x62d: {  	v1 =	vld [tilespmem:s14+$0xFFFFFFF0];
	[tilespmem:s16+$0xFFFFFFE0] =	vst v0;
	v0 =	vadd.f32 v2, v4  }
0x62e: {  	[tilespmem:s16+$0x0] =	vst v3;
	v5 =	vld [tilespmem:s17+$0xFFFFFFF0]  }
0x62f: {  	s16 =	simm.s32 $0x9020;
	v2 =	vld [tilespmem:s17+$0xFFFFFFE0];
	[tilespmem:s17+$0x10] =	vst v0  }
0x630: {  	v10 =	vld [tilespmem:s16+$0x10]  }
0x631: {  	v15 =	vld [tilespmem:s15+$0x0]  }
0x632: {  	v9 =	vadd.f32 v9, v8;
	v3 =	vld [tilespmem:s17+$0x0]  }
0x633: {  	v0 =	vld [tilespmem:s14+$0x0];
	v5 =	vadd.f32 v5, v7  }
0x634: {  	s18 =	simm.s32 $0x6060;
	[tilespmem:s15+$0x10] =	vst v9;
	v14 =	vadd.f32 v2, v6;
	v2 =	vld [tilespmem:s14+$0xFFFFFFE0]  }
0x635: {  	[tilespmem:s17+$0xFFFFFFF0] =	vst v5;
	v5 =	vadd.f32 v13, v1;
	s14 =	simm.s32 $0x30A0;
	v9 =	vadd.f32 v10, v4;
	v10 =	vld [tilespmem:s18+$0x10]  }
0x636: {  	v18 =	vld [tilespmem:s14+$0xFFFFFFE0];
	[tilespmem:s17+$0xFFFFFFE0] =	vst v14  }
0x637: {  	v3 =	vadd.f32 v3, v12;
	[tilespmem:s15+$0xFFFFFFF0] =	vst v5;
	v13 =	vld [tilespmem:s16+$0xFFFFFFE0]  }
0x638: {  	v5 =	vadd.f32 v15, v0;
	[tilespmem:s16+$0x10] =	vst v9;
	v9 =	vld [tilespmem:s16+$0xFFFFFFF0]  }
0x639: {  	[tilespmem:s17+$0x0] =	vst v3;
	v15 =	vld [tilespmem:s18+$0xFFFFFFF0]  }
0x63a: {  	s11 =	simm.s32 $0xC020;
	[tilespmem:s15+$0x0] =	vst v5;
	v3 =	vadd.f32 v11, v2;
	v11 =	vld [tilespmem:s16+$0x0];
	v5 =	vadd.f32 v10, v8  }
0x63b: {  	v14 =	vld [tilespmem:s11+$0x10]  }
0x63c: {  	s13 =	simm.s32 $0x9060;
	v10 =	vld [tilespmem:s18+$0x0];
	[tilespmem:s18+$0x10] =	vst v5  }
0x63d: {  	[tilespmem:s15+$0xFFFFFFE0] =	vst v3;
	v3 =	vadd.f32 v13, v6;
	v5 =	vadd.f32 v9, v7;
	v9 =	vld [tilespmem:s13+$0x10]  }
0x63e: {  	s17 =	simm.s32 $0xA0;
	v13 =	vld [tilespmem:s18+$0xFFFFFFE0]  }
0x63f: {  	[tilespmem:s16+$0xFFFFFFE0] =	vst v3;
	v3 =	vld [tilespmem:s17+$0x10]  }
0x640: {  	v16 =	vld [tilespmem:s11+$0xFFFFFFE0]  }
0x641: {  	v4 =	vadd.f32 v14, v4;
	v14 =	vld [tilespmem:s14+$0x10]  }
0x642: {  	[tilespmem:s16+$0xFFFFFFF0] =	vst v5;
	v5 =	vld [tilespmem:s17+$0xFFFFFFF0];
	v9 =	vadd.f32 v9, v8  }
0x643: {  	v17 =	vld [tilespmem:s11+$0xFFFFFFF0];
	[tilespmem:s11+$0x10] =	vst v4;
	v4 =	vadd.f32 v15, v1  }
0x644: {  	v11 =	vadd.f32 v11, v12;
	[tilespmem:s13+$0x10] =	vst v9;
	v9 =	vld [tilespmem:s14+$0xFFFFFFF0]  }
0x645: {  	s12 =	simm.s32 $0xC060;
	v10 =	vadd.f32 v10, v0;
	[tilespmem:s18+$0xFFFFFFF0] =	vst v4;
	v4 =	vld [tilespmem:s17+$0x0]  }
0x646: {  	[tilespmem:s16+$0x0] =	vst v11;
	v11 =	vadd.f32 v14, v3;
	v15 =	vld [tilespmem:s12+$0x10]  }
0x647: {  	v13 =	vadd.f32 v13, v2;
	[tilespmem:s18+$0x0] =	vst v10;
	v10 =	vld [tilespmem:s14+$0x0]  }
0x648: {  	s15 =	simm.s32 $0x60A0;
	v14 =	vadd.f32 v16, v6;
	v6 =	vld [tilespmem:s17+$0xFFFFFFE0];
	[tilespmem:s14+$0x10] =	vst v11  }
0x649: {  	[tilespmem:s18+$0xFFFFFFE0] =	vst v13;
	v11 =	vld [tilespmem:s15+$0x10];
	v9 =	vadd.f32 v9, v5  }
0x64a: {  	v13 =	vld [tilespmem:s13+$0xFFFFFFE0];
	v7 =	vadd.f32 v17, v7;
	[tilespmem:s11+$0xFFFFFFE0] =	vst v14  }
0x64b: {  	v8 =	vadd.f32 v15, v8;
	[tilespmem:s14+$0xFFFFFFF0] =	vst v9;
	v9 =	vld [tilespmem:s13+$0xFFFFFFF0]  }
0x64c: {  	[tilespmem:s11+$0xFFFFFFF0] =	vst v7;
	v10 =	vadd.f32 v10, v4;
	v7 =	vld [tilespmem:s15+$0xFFFFFFF0]  }
0x64d: {  	v14 =	vld [tilespmem:s13+$0x0];
	[tilespmem:s12+$0x10] =	vst v8;
	v8 =	vadd.f32 v18, v6  }
0x64e: {  	v63 =	vld [tilespmem:s11+$0x0];
	[tilespmem:s14+$0x0] =	vst v10;
	v15 =	vadd.f32 v11, v3  }
0x64f: {  	v11 =	vld [tilespmem:s15+$0x0];
	[tilespmem:s14+$0xFFFFFFE0] =	vst v8;
	v8 =	vadd.f32 v13, v2  }
0x650: {  	s16 =	simm.s32 $0x90A0;
	[tilespmem:s15+$0x10] =	vst v15;
	v10 =	vld [tilespmem:s15+$0xFFFFFFE0];
	v13 =	vadd.f32 v9, v1  }
0x651: {  	v9 =	vld [tilespmem:s16+$0x10];
	[tilespmem:s13+$0xFFFFFFE0] =	vst v8;
	v15 =	vadd.f32 v7, v5  }
0x652: {  	v7 =	vld [tilespmem:s12+$0xFFFFFFE0];
	[tilespmem:s13+$0xFFFFFFF0] =	vst v13;
	v13 =	vadd.f32 v14, v0  }
0x653: {  	s18 =	simm.s32 $0xE0;
	s17 =	simm.s32 $0x80;
	v12 =	vadd.f32 v63, v12;
	[tilespmem:s15+$0xFFFFFFF0] =	vst v15;
	v8 =	vld [tilespmem:s12+$0xFFFFFFF0]  }
.LBB2_22:
0x654: {  	v14 =	vld [tilespmem:s18+$0x10];
	v11 =	vadd.f32 v11, v4;
	s14 =	sadd.s32 $0x40, s14;
	[tilespmem:s13+$0x0] =	vst v13;
	s13 =	smov.u32 s16  }
0x655: {  	s17 =	sadd.s32 $0x40, s17;
	v13 =	vld [tilespmem:s14+$0x10];
	v10 =	vadd.f32 v10, v6;
	[tilespmem:s11+$0x0] =	vst v12;
	s11 =	smov.u32 s12  }
0x656: {  	p0 =	slt.u32 s17, $0x2FC0;
	v12 =	vld [tilespmem:s14+$0xFFFFFFE0];
	[tilespmem:s15+$0x0] =	vst v11;
	v9 =	vadd.f32 v9, v3  }
0x657: {  	v11 =	vld [tilespmem:s18+$0xFFFFFFF0];
	[tilespmem:s15+$0xFFFFFFE0] =	vst v10;
	v7 =	vadd.f32 v7, v2;
	v2 =	vmov v6  }
0x658: {  	s12 =	sadd.s32 $0x40, s12;
	v10 =	vld [tilespmem:s14+$0xFFFFFFF0];
	[tilespmem:s16+$0x10] =	vst v9;
	v6 =	vadd.f32 v8, v1;
	v1 =	vmov v5  }
0x659: {  	v8 =	vld [tilespmem:s12+$0x10];
	[tilespmem:s11+$0xFFFFFFE0] =	vst v7  }
0x65a: {  	v15 =	vld [tilespmem:s18+$0x0];
	v9 =	vadd.f32 v13, v14;
	[tilespmem:s11+$0xFFFFFFF0] =	vst v6  }
0x65b: {  	v7 =	vld [tilespmem:s14+$0x0]  }
0x65c: {  	s15 =	sadd.s32 $0x40, s15;
	v6 =	vld [tilespmem:s18+$0xFFFFFFE0];
	[tilespmem:s14+$0x10] =	vst v9;
	v5 =	vmov v11  }
0x65d: {  	v9 =	vadd.f32 v10, v5;
	v10 =	vld [tilespmem:s15+$0x10]  }
0x65e: {  	v13 =	vld [tilespmem:s16+$0xFFFFFFE0];
	v8 =	vadd.f32 v8, v3;
	v3 =	vmov v14  }
0x65f: {  	[tilespmem:s14+$0xFFFFFFF0] =	vst v9;
	v9 =	vld [tilespmem:s16+$0xFFFFFFF0]  }
0x660: {  	v14 =	vld [tilespmem:s15+$0xFFFFFFF0];
	v7 =	vadd.f32 v7, v15;
	[tilespmem:s12+$0x10] =	vst v8  }
0x661: {  	v8 =	vadd.f32 v12, v6;
	v12 =	vld [tilespmem:s16+$0x0]  }
0x662: {  	[tilespmem:s14+$0x0] =	vst v7;
	v7 =	vadd.f32 v10, v3;
	v16 =	vld [tilespmem:s11+$0x0]  }
.Ltmp10:
0x663: {  	[tilespmem:s14+$0xFFFFFFE0] =	vst v8;
	v11 =	vld [tilespmem:s15+$0x0];
	v8 =	vadd.f32 v13, v2;
	(pc) =	sbr.rel @p0 .LBB2_22-.Ltmp10, $4  }
0x664: {  	s16 =	sadd.s32 $0x40, s16;
	v10 =	vld [tilespmem:s15+$0xFFFFFFE0];
	[tilespmem:s15+$0x10] =	vst v7;
	v13 =	vadd.f32 v9, v1  }
0x665: {  	v14 =	vadd.f32 v14, v5;
	v9 =	vld [tilespmem:s16+$0x10];
	[tilespmem:s13+$0xFFFFFFE0] =	vst v8  }
0x666: {  	v7 =	vld [tilespmem:s12+$0xFFFFFFE0];
	[tilespmem:s13+$0xFFFFFFF0] =	vst v13;
	v13 =	vadd.f32 v12, v4  }
0x667: {  	s18 =	sadd.s32 $0x40, s18;
	[tilespmem:s15+$0xFFFFFFF0] =	vst v14;
	v8 =	vld [tilespmem:s12+$0xFFFFFFF0];
	v12 =	vadd.f32 v16, v0;
	v0 =	vmov v4;
	v4 =	vmov v15  }
0x668: {  	_ = 	snop  }
0x669: {  	v10 =	vadd.f32 v10, v6;
	_ =	sdelay $0x1  }
0x66a: {  	v11 =	vadd.f32 v11, v4;
	[tilespmem:s15+$0xFFFFFFE0] =	vst v10  }
0x66b: {  	v10 =	vld [tilespmem:s16+$0xFFFFFFE0]  }
0x66c: {  	[tilespmem:s15+$0x0] =	vst v11;
	v11 =	vld [tilespmem:s16+$0xFFFFFFF0]  }
0x66d: {  	v14 =	vld [tilespmem:s16+$0x0]  }
0x66e: {  	v9 =	vadd.f32 v9, v3  }
0x66f: {  	[tilespmem:s13+$0x0] =	vst v13  }
0x670: {  	[tilespmem:s16+$0x10] =	vst v9;
	v9 =	vadd.f32 v10, v6  }
0x671: {  	s14 =	sadd.s32 $0x40, s12;
	v13 =	vld [tilespmem:s12+$0x0];
	v11 =	vadd.f32 v11, v5  }
0x672: {  	v10 =	vld [tilespmem:s14+$0x10];
	[tilespmem:s16+$0xFFFFFFE0] =	vst v9;
	v9 =	vadd.f32 v14, v4  }
0x673: {  	[tilespmem:s16+$0xFFFFFFF0] =	vst v11;
	v14 =	vld [tilespmem:s14+$0xFFFFFFE0]  }
0x674: {  	v2 =	vadd.f32 v7, v2;
	v7 =	vld [tilespmem:s14+$0xFFFFFFF0];
	[tilespmem:s16+$0x0] =	vst v9  }
0x675: {  	[tilespmem:s11+$0x0] =	vst v12;
	v1 =	vadd.f32 v8, v1;
	v8 =	vld [tilespmem:s14+$0x0]  }
0x676: {  	[tilespmem:s12+$0xFFFFFFE0] =	vst v2;
	v0 =	vadd.f32 v13, v0  }
0x677: {  	[tilespmem:s12+$0xFFFFFFF0] =	vst v1;
	v2 =	vadd.f32 v10, v3  }
0x678: {  	[tilespmem:s12+$0x0] =	vst v0;
	v1 =	vadd.f32 v14, v6  }
0x679: {  	v0 =	vadd.f32 v7, v5;
	[tilespmem:s14+$0x10] =	vst v2  }
0x67a: {  	[tilespmem:s14+$0xFFFFFFE0] =	vst v1;
	v1 =	vadd.f32 v8, v4  }
0x67b: {  	[tilespmem:s14+$0xFFFFFFF0] =	vst v0  }
0x67c: {  	[tilespmem:s14+$0x0] =	vst v1  }
0x67d: {  	s11 =	sld [smem:$0x7D1];
	_ =	sdelay $0x1  }
0x67e: {  	s14 =	sld [smem:$0x7D3]  }
0x67f: {  	[hbm4b:s11+s1] =	stream.linear.scatter [tilespmem:s28], [sflag:$0x3], $0x3000, $0x38;
	[tilespmem:$0x1E000] =	vst v63  }
0x680: {  	s15 =	sld [smem:$0x7D5]  }
0x681: {  	[hbm4b:s14+s1] =	stream.linear.scatter [tilespmem:s29], [sflag:$0x3], $0x3000, $0x38;
	[tilespmem:$0x1E000] =	vst v63  }
0x682: {  	s16 =	sld [smem:$0x7D7]  }
0x683: {  	[hbm4b:s15+s1] =	stream.linear.scatter [tilespmem:s30], [sflag:$0x3], $0x3000, $0x38;
	[tilespmem:$0x1E000] =	vst v63  }
0x684: {  	_ = 	snop  }
0x685: {  	[hbm4b:s16+s1] =	stream.linear.scatter [tilespmem:s31], [sflag:$0x3], $0x3000, $0x38;
	[tilespmem:$0x1E000] =	vst v63  }
0x686: {  	_ =	swait.ge [sflag:s7], $0x3000  }
0x687: {  	[sflag:s7] =	ssyncset.done $0x0  }
0x688: {  	[sflag:s7] =	ssyncadd.s32 $0xFFFFD000  }
0x689: {  	_ =	swait.ge [sflag:s7], $0x3000  }
0x68a: {  	[sflag:s7] =	ssyncset.done $0x0  }
0x68b: {  	[sflag:s7] =	ssyncadd.s32 $0xFFFFD000  }
0x68c: {  	_ =	swait.ge [sflag:s7], $0x3000  }
0x68d: {  	[sflag:s7] =	ssyncset.done $0x0  }
0x68e: {  	[sflag:s7] =	ssyncadd.s32 $0xFFFFD000  }
0x68f: {  	_ =	swait.ge [sflag:s7], $0x3000  }
0x690: {  	s17 =	sld [smem:$0x7E1]  }
0x691: {  	[sflag:s7] =	ssyncset.done $0x0  }
0x692: {  	s18 =	sld [smem:$0x7E2];
	[sflag:s7] =	ssyncadd.s32 $0xFFFFD000  }
0x693: {  	[tilespmem:s1], [sflag:$0x1] =	stream.linear.gather [hbm4b:s17+s1], $0x3000, $0x38;
	[tilespmem:$0x1E000] =	vst v63  }
0x694: {  	s12 =	sld [smem:$0x7E4]  }
0x695: {  	[tilespmem:s28], [sflag:$0x1] =	stream.linear.gather [hbm4b:s18+s1], $0x3000, $0x38;
	[tilespmem:$0x1E000] =	vst v63  }
0x696: {  	s13 =	sld [smem:$0x7E6]  }
0x697: {  	[tilespmem:s29], [sflag:$0x1] =	stream.linear.gather [hbm4b:s12+s1], $0x3000, $0x38;
	[tilespmem:$0x1E000] =	vst v63  }
0x698: {  	s14 =	sld [smem:$0x7E8]  }
0x699: {  	[tilespmem:s30], [sflag:$0x1] =	stream.linear.gather [hbm4b:s13+s1], $0x3000, $0x38;
	[tilespmem:$0x1E000] =	vst v63  }
0x69a: {  	_ = 	snop  }
0x69b: {  	[tilespmem:s31], [sflag:$0x1] =	stream.linear.gather [hbm4b:s14+s1], $0x3000, $0x38;
	[tilespmem:$0x1E000] =	vst v63  }
0x69c: {  	_ =	swait.ge [sflag:s8], $0x3000  }
0x69d: {  	[sflag:s8] =	ssyncset.done $0x0  }
0x69e: {  	[sflag:s8] =	ssyncadd.s32 $0xFFFFD000  }
0x69f: {  	_ =	swait.ge [sflag:s8], $0x3000  }
0x6a0: {  	[sflag:s8] =	ssyncset.done $0x0  }
0x6a1: {  	[sflag:s8] =	ssyncadd.s32 $0xFFFFD000  }
0x6a2: {  	_ =	swait.ge [sflag:s8], $0x3000  }
0x6a3: {  	[sflag:s8] =	ssyncset.done $0x0  }
0x6a4: {  	[sflag:s8] =	ssyncadd.s32 $0xFFFFD000  }
0x6a5: {  	_ =	swait.ge [sflag:s8], $0x3000  }
0x6a6: {  	[sflag:s8] =	ssyncset.done $0x0  }
0x6a7: {  	[sflag:s8] =	ssyncadd.s32 $0xFFFFD000  }
0x6a8: {  	_ =	swait.ge [sflag:s8], $0x3000  }
0x6a9: {  	[sflag:s8] =	ssyncset.done $0x0  }
0x6aa: {  	s15 =	simm.s32 $0xF020;
	[sflag:s8] =	ssyncadd.s32 $0xFFFFD000  }
0x6ab: {  	s16 =	simm.s32 $0x12020;
	v4 =	vld [tilespmem:s15+$0x10]  }
0x6ac: {  	v0 =	vld [tilespmem:s16+$0x10];
	_ =	sdelay $0x1  }
0x6ad: {  	v7 =	vld [tilespmem:s15+$0xFFFFFFF0]  }
0x6ae: {  	v2 =	vld [tilespmem:s16+$0xFFFFFFF0]  }
0x6af: {  	v1 =	vld [tilespmem:s16+$0xFFFFFFE0]  }
0x6b0: {  	v12 =	vld [tilespmem:s15+$0x0];
	v0 =	vadd.f32 v0, v4  }
0x6b1: {  	v6 =	vld [tilespmem:s15+$0xFFFFFFE0]  }
0x6b2: {  	s17 =	simm.s32 $0x15020;
	v3 =	vld [tilespmem:s16+$0x0];
	[tilespmem:s16+$0x10] =	vst v0  }
0x6b3: {  	s14 =	simm.s32 $0xF060;
	v0 =	vadd.f32 v2, v7;
	v2 =	vld [tilespmem:s17+$0x10]  }
0x6b4: {  	v8 =	vld [tilespmem:s14+$0x10];
	s15 =	simm.s32 $0x12060  }
0x6b5: {  	v9 =	vld [tilespmem:s15+$0x10]  }
0x6b6: {  	v11 =	vld [tilespmem:s15+$0xFFFFFFE0];
	[tilespmem:s16+$0xFFFFFFF0] =	vst v0;
	v0 =	vadd.f32 v1, v6  }
0x6b7: {  	v13 =	vld [tilespmem:s15+$0xFFFFFFF0];
	v3 =	vadd.f32 v3, v12  }
0x6b8: {  	v1 =	vld [tilespmem:s14+$0xFFFFFFF0];
	[tilespmem:s16+$0xFFFFFFE0] =	vst v0;
	v0 =	vadd.f32 v2, v4  }
0x6b9: {  	[tilespmem:s16+$0x0] =	vst v3;
	v5 =	vld [tilespmem:s17+$0xFFFFFFF0]  }
0x6ba: {  	s16 =	simm.s32 $0x18020;
	v2 =	vld [tilespmem:s17+$0xFFFFFFE0];
	[tilespmem:s17+$0x10] =	vst v0  }
0x6bb: {  	v10 =	vld [tilespmem:s16+$0x10]  }
0x6bc: {  	v15 =	vld [tilespmem:s15+$0x0]  }
0x6bd: {  	v9 =	vadd.f32 v9, v8;
	v3 =	vld [tilespmem:s17+$0x0]  }
0x6be: {  	v0 =	vld [tilespmem:s14+$0x0];
	v5 =	vadd.f32 v5, v7  }
0x6bf: {  	s18 =	simm.s32 $0x15060;
	[tilespmem:s15+$0x10] =	vst v9;
	v14 =	vadd.f32 v2, v6;
	v2 =	vld [tilespmem:s14+$0xFFFFFFE0]  }
0x6c0: {  	[tilespmem:s17+$0xFFFFFFF0] =	vst v5;
	v5 =	vadd.f32 v13, v1;
	s14 =	simm.s32 $0x120A0;
	v9 =	vadd.f32 v10, v4;
	v10 =	vld [tilespmem:s18+$0x10]  }
0x6c1: {  	v18 =	vld [tilespmem:s14+$0xFFFFFFE0];
	[tilespmem:s17+$0xFFFFFFE0] =	vst v14  }
0x6c2: {  	v3 =	vadd.f32 v3, v12;
	[tilespmem:s15+$0xFFFFFFF0] =	vst v5;
	v13 =	vld [tilespmem:s16+$0xFFFFFFE0]  }
0x6c3: {  	v5 =	vadd.f32 v15, v0;
	[tilespmem:s16+$0x10] =	vst v9;
	v9 =	vld [tilespmem:s16+$0xFFFFFFF0]  }
0x6c4: {  	[tilespmem:s17+$0x0] =	vst v3;
	v15 =	vld [tilespmem:s18+$0xFFFFFFF0]  }
0x6c5: {  	s11 =	simm.s32 $0x1B020;
	[tilespmem:s15+$0x0] =	vst v5;
	v3 =	vadd.f32 v11, v2;
	v11 =	vld [tilespmem:s16+$0x0];
	v5 =	vadd.f32 v10, v8  }
0x6c6: {  	v14 =	vld [tilespmem:s11+$0x10]  }
0x6c7: {  	s13 =	simm.s32 $0x18060;
	v10 =	vld [tilespmem:s18+$0x0];
	[tilespmem:s18+$0x10] =	vst v5  }
0x6c8: {  	[tilespmem:s15+$0xFFFFFFE0] =	vst v3;
	v3 =	vadd.f32 v13, v6;
	v5 =	vadd.f32 v9, v7;
	v9 =	vld [tilespmem:s13+$0x10]  }
0x6c9: {  	s17 =	simm.s32 $0xF0A0;
	v13 =	vld [tilespmem:s18+$0xFFFFFFE0]  }
0x6ca: {  	[tilespmem:s16+$0xFFFFFFE0] =	vst v3;
	v3 =	vld [tilespmem:s17+$0x10]  }
0x6cb: {  	v16 =	vld [tilespmem:s11+$0xFFFFFFE0]  }
0x6cc: {  	v4 =	vadd.f32 v14, v4;
	v14 =	vld [tilespmem:s14+$0x10]  }
0x6cd: {  	[tilespmem:s16+$0xFFFFFFF0] =	vst v5;
	v5 =	vld [tilespmem:s17+$0xFFFFFFF0];
	v9 =	vadd.f32 v9, v8  }
0x6ce: {  	v17 =	vld [tilespmem:s11+$0xFFFFFFF0];
	[tilespmem:s11+$0x10] =	vst v4;
	v4 =	vadd.f32 v15, v1  }
0x6cf: {  	v11 =	vadd.f32 v11, v12;
	[tilespmem:s13+$0x10] =	vst v9;
	v9 =	vld [tilespmem:s14+$0xFFFFFFF0]  }
0x6d0: {  	s12 =	simm.s32 $0x1B060;
	v10 =	vadd.f32 v10, v0;
	[tilespmem:s18+$0xFFFFFFF0] =	vst v4;
	v4 =	vld [tilespmem:s17+$0x0]  }
0x6d1: {  	[tilespmem:s16+$0x0] =	vst v11;
	v11 =	vadd.f32 v14, v3;
	v15 =	vld [tilespmem:s12+$0x10]  }
0x6d2: {  	v13 =	vadd.f32 v13, v2;
	[tilespmem:s18+$0x0] =	vst v10;
	v10 =	vld [tilespmem:s14+$0x0]  }
0x6d3: {  	s15 =	simm.s32 $0x150A0;
	v14 =	vadd.f32 v16, v6;
	v6 =	vld [tilespmem:s17+$0xFFFFFFE0];
	[tilespmem:s14+$0x10] =	vst v11  }
0x6d4: {  	[tilespmem:s18+$0xFFFFFFE0] =	vst v13;
	v11 =	vld [tilespmem:s15+$0x10];
	v9 =	vadd.f32 v9, v5  }
0x6d5: {  	v13 =	vld [tilespmem:s13+$0xFFFFFFE0];
	v7 =	vadd.f32 v17, v7;
	[tilespmem:s11+$0xFFFFFFE0] =	vst v14  }
0x6d6: {  	v8 =	vadd.f32 v15, v8;
	[tilespmem:s14+$0xFFFFFFF0] =	vst v9;
	v9 =	vld [tilespmem:s13+$0xFFFFFFF0]  }
0x6d7: {  	[tilespmem:s11+$0xFFFFFFF0] =	vst v7;
	v10 =	vadd.f32 v10, v4;
	v7 =	vld [tilespmem:s15+$0xFFFFFFF0]  }
0x6d8: {  	v14 =	vld [tilespmem:s13+$0x0];
	[tilespmem:s12+$0x10] =	vst v8;
	v8 =	vadd.f32 v18, v6  }
0x6d9: {  	v63 =	vld [tilespmem:s11+$0x0];
	[tilespmem:s14+$0x0] =	vst v10;
	v15 =	vadd.f32 v11, v3  }
0x6da: {  	v11 =	vld [tilespmem:s15+$0x0];
	[tilespmem:s14+$0xFFFFFFE0] =	vst v8;
	v8 =	vadd.f32 v13, v2  }
0x6db: {  	s16 =	simm.s32 $0x180A0;
	[tilespmem:s15+$0x10] =	vst v15;
	v10 =	vld [tilespmem:s15+$0xFFFFFFE0];
	v13 =	vadd.f32 v9, v1  }
0x6dc: {  	v9 =	vld [tilespmem:s16+$0x10];
	[tilespmem:s13+$0xFFFFFFE0] =	vst v8;
	v15 =	vadd.f32 v7, v5  }
0x6dd: {  	v7 =	vld [tilespmem:s12+$0xFFFFFFE0];
	[tilespmem:s13+$0xFFFFFFF0] =	vst v13;
	v13 =	vadd.f32 v14, v0  }
0x6de: {  	s18 =	simm.s32 $0xF0E0;
	s17 =	simm.s32 $0x80;
	v12 =	vadd.f32 v63, v12;
	[tilespmem:s15+$0xFFFFFFF0] =	vst v15;
	v8 =	vld [tilespmem:s12+$0xFFFFFFF0]  }
.LBB2_24:
0x6df: {  	v14 =	vld [tilespmem:s18+$0x10];
	v11 =	vadd.f32 v11, v4;
	s14 =	sadd.s32 $0x40, s14;
	[tilespmem:s13+$0x0] =	vst v13;
	s13 =	smov.u32 s16  }
0x6e0: {  	s17 =	sadd.s32 $0x40, s17;
	v13 =	vld [tilespmem:s14+$0x10];
	v10 =	vadd.f32 v10, v6;
	[tilespmem:s11+$0x0] =	vst v12;
	s11 =	smov.u32 s12  }
0x6e1: {  	p0 =	slt.u32 s17, $0x2FC0;
	v12 =	vld [tilespmem:s14+$0xFFFFFFE0];
	[tilespmem:s15+$0x0] =	vst v11;
	v9 =	vadd.f32 v9, v3  }
0x6e2: {  	v11 =	vld [tilespmem:s18+$0xFFFFFFF0];
	[tilespmem:s15+$0xFFFFFFE0] =	vst v10;
	v7 =	vadd.f32 v7, v2;
	v2 =	vmov v6  }
0x6e3: {  	s12 =	sadd.s32 $0x40, s12;
	v10 =	vld [tilespmem:s14+$0xFFFFFFF0];
	[tilespmem:s16+$0x10] =	vst v9;
	v6 =	vadd.f32 v8, v1;
	v1 =	vmov v5  }
0x6e4: {  	v8 =	vld [tilespmem:s12+$0x10];
	[tilespmem:s11+$0xFFFFFFE0] =	vst v7  }
0x6e5: {  	v15 =	vld [tilespmem:s18+$0x0];
	v9 =	vadd.f32 v13, v14;
	[tilespmem:s11+$0xFFFFFFF0] =	vst v6  }
0x6e6: {  	v7 =	vld [tilespmem:s14+$0x0]  }
0x6e7: {  	s15 =	sadd.s32 $0x40, s15;
	v6 =	vld [tilespmem:s18+$0xFFFFFFE0];
	[tilespmem:s14+$0x10] =	vst v9;
	v5 =	vmov v11  }
0x6e8: {  	v9 =	vadd.f32 v10, v5;
	v10 =	vld [tilespmem:s15+$0x10]  }
0x6e9: {  	v13 =	vld [tilespmem:s16+$0xFFFFFFE0];
	v8 =	vadd.f32 v8, v3;
	v3 =	vmov v14  }
0x6ea: {  	[tilespmem:s14+$0xFFFFFFF0] =	vst v9;
	v9 =	vld [tilespmem:s16+$0xFFFFFFF0]  }
0x6eb: {  	v14 =	vld [tilespmem:s15+$0xFFFFFFF0];
	v7 =	vadd.f32 v7, v15;
	[tilespmem:s12+$0x10] =	vst v8  }
0x6ec: {  	v8 =	vadd.f32 v12, v6;
	v12 =	vld [tilespmem:s16+$0x0]  }
0x6ed: {  	[tilespmem:s14+$0x0] =	vst v7;
	v7 =	vadd.f32 v10, v3;
	v16 =	vld [tilespmem:s11+$0x0]  }
.Ltmp11:
0x6ee: {  	[tilespmem:s14+$0xFFFFFFE0] =	vst v8;
	v11 =	vld [tilespmem:s15+$0x0];
	v8 =	vadd.f32 v13, v2;
	(pc) =	sbr.rel @p0 .LBB2_24-.Ltmp11, $4  }
0x6ef: {  	s16 =	sadd.s32 $0x40, s16;
	v10 =	vld [tilespmem:s15+$0xFFFFFFE0];
	[tilespmem:s15+$0x10] =	vst v7;
	v13 =	vadd.f32 v9, v1  }
0x6f0: {  	v14 =	vadd.f32 v14, v5;
	v9 =	vld [tilespmem:s16+$0x10];
	[tilespmem:s13+$0xFFFFFFE0] =	vst v8  }
0x6f1: {  	v7 =	vld [tilespmem:s12+$0xFFFFFFE0];
	[tilespmem:s13+$0xFFFFFFF0] =	vst v13;
	v13 =	vadd.f32 v12, v4  }
0x6f2: {  	s18 =	sadd.s32 $0x40, s18;
	[tilespmem:s15+$0xFFFFFFF0] =	vst v14;
	v8 =	vld [tilespmem:s12+$0xFFFFFFF0];
	v12 =	vadd.f32 v16, v0;
	v0 =	vmov v4;
	v4 =	vmov v15  }
0x6f3: {  	_ = 	snop  }
0x6f4: {  	v10 =	vadd.f32 v10, v6;
	_ =	sdelay $0x1  }
0x6f5: {  	v11 =	vadd.f32 v11, v4;
	[tilespmem:s15+$0xFFFFFFE0] =	vst v10  }
0x6f6: {  	v10 =	vld [tilespmem:s16+$0xFFFFFFE0]  }
0x6f7: {  	[tilespmem:s15+$0x0] =	vst v11;
	v11 =	vld [tilespmem:s16+$0xFFFFFFF0]  }
0x6f8: {  	v14 =	vld [tilespmem:s16+$0x0]  }
0x6f9: {  	v9 =	vadd.f32 v9, v3  }
0x6fa: {  	[tilespmem:s13+$0x0] =	vst v13  }
0x6fb: {  	[tilespmem:s16+$0x10] =	vst v9;
	v9 =	vadd.f32 v10, v6  }
0x6fc: {  	s14 =	sadd.s32 $0x40, s12;
	v13 =	vld [tilespmem:s12+$0x0];
	v11 =	vadd.f32 v11, v5  }
0x6fd: {  	v10 =	vld [tilespmem:s14+$0x10];
	[tilespmem:s16+$0xFFFFFFE0] =	vst v9;
	v9 =	vadd.f32 v14, v4  }
0x6fe: {  	[tilespmem:s16+$0xFFFFFFF0] =	vst v11;
	v14 =	vld [tilespmem:s14+$0xFFFFFFE0]  }
0x6ff: {  	v2 =	vadd.f32 v7, v2;
	v7 =	vld [tilespmem:s14+$0xFFFFFFF0];
	[tilespmem:s16+$0x0] =	vst v9  }
0x700: {  	[tilespmem:s11+$0x0] =	vst v12;
	v1 =	vadd.f32 v8, v1;
	v8 =	vld [tilespmem:s14+$0x0]  }
0x701: {  	[tilespmem:s12+$0xFFFFFFE0] =	vst v2;
	v0 =	vadd.f32 v13, v0  }
0x702: {  	[tilespmem:s12+$0xFFFFFFF0] =	vst v1;
	v2 =	vadd.f32 v10, v3  }
0x703: {  	[tilespmem:s12+$0x0] =	vst v0;
	v1 =	vadd.f32 v14, v6  }
0x704: {  	v0 =	vadd.f32 v7, v5;
	[tilespmem:s14+$0x10] =	vst v2  }
0x705: {  	[tilespmem:s14+$0xFFFFFFE0] =	vst v1;
	v1 =	vadd.f32 v8, v4  }
0x706: {  	[tilespmem:s14+$0xFFFFFFF0] =	vst v0  }
0x707: {  	[tilespmem:s14+$0x0] =	vst v1  }
0x708: {  	s11 =	sld [smem:$0x7DA];
	_ =	sdelay $0x1  }
0x709: {  	s14 =	sld [smem:$0x7DC]  }
0x70a: {  	[hbm4b:s11+s1] =	stream.linear.scatter [tilespmem:s2], [sflag:$0x4], $0x3000, $0x38;
	[tilespmem:$0x1E000] =	vst v63  }
0x70b: {  	s15 =	sld [smem:$0x7DE]  }
0x70c: {  	[hbm4b:s14+s1] =	stream.linear.scatter [tilespmem:s3], [sflag:$0x4], $0x3000, $0x38;
	[tilespmem:$0x1E000] =	vst v63  }
0x70d: {  	s16 =	sld [smem:$0x7E0]  }
0x70e: {  	[hbm4b:s15+s1] =	stream.linear.scatter [tilespmem:s4], [sflag:$0x4], $0x3000, $0x38;
	[tilespmem:$0x1E000] =	vst v63  }
0x70f: {  	_ = 	snop  }
0x710: {  	[hbm4b:s16+s1] =	stream.linear.scatter [tilespmem:s5], [sflag:$0x4], $0x3000, $0x38;
	[tilespmem:$0x1E000] =	vst v63  }
0x711: {  	_ =	swait.ge [sflag:s9], $0x3000  }
0x712: {  	[sflag:s9] =	ssyncset.done $0x0  }
0x713: {  	[sflag:s9] =	ssyncadd.s32 $0xFFFFD000  }
0x714: {  	_ =	swait.ge [sflag:s9], $0x3000  }
0x715: {  	[sflag:s9] =	ssyncset.done $0x0  }
0x716: {  	[sflag:s9] =	ssyncadd.s32 $0xFFFFD000  }
0x717: {  	_ =	swait.ge [sflag:s9], $0x3000  }
0x718: {  	[sflag:s9] =	ssyncset.done $0x0  }
0x719: {  	[sflag:s9] =	ssyncadd.s32 $0xFFFFD000  }
0x71a: {  	_ =	swait.ge [sflag:s9], $0x3000  }
0x71b: {  	s17 =	sld [smem:$0x7EA]  }
0x71c: {  	[sflag:s9] =	ssyncset.done $0x0  }
0x71d: {  	s18 =	sld [smem:$0x7EB];
	[sflag:s9] =	ssyncadd.s32 $0xFFFFD000  }
0x71e: {  	[tilespmem:s0], [sflag:$0x2] =	stream.linear.gather [hbm4b:s17+s1], $0x3000, $0x38;
	[tilespmem:$0x1E000] =	vst v63  }
0x71f: {  	s12 =	sld [smem:$0x7ED]  }
0x720: {  	[tilespmem:s2], [sflag:$0x2] =	stream.linear.gather [hbm4b:s18+s1], $0x3000, $0x38;
	[tilespmem:$0x1E000] =	vst v63  }
0x721: {  	s13 =	sld [smem:$0x7EF]  }
0x722: {  	[tilespmem:s3], [sflag:$0x2] =	stream.linear.gather [hbm4b:s12+s1], $0x3000, $0x38;
	[tilespmem:$0x1E000] =	vst v63  }
0x723: {  	s14 =	sld [smem:$0x7F1]  }
0x724: {  	[tilespmem:s4], [sflag:$0x2] =	stream.linear.gather [hbm4b:s13+s1], $0x3000, $0x38;
	[tilespmem:$0x1E000] =	vst v63  }
0x725: {  	_ = 	snop  }
0x726: {  	[tilespmem:s5], [sflag:$0x2] =	stream.linear.gather [hbm4b:s14+s1], $0x3000, $0x38;
	[tilespmem:$0x1E000] =	vst v63  }
0x727: {  	_ =	swait.ge [sflag:s6], $0x3000  }
0x728: {  	[sflag:s6] =	ssyncset.done $0x0  }
0x729: {  	[sflag:s6] =	ssyncadd.s32 $0xFFFFD000  }
0x72a: {  	_ =	swait.ge [sflag:s6], $0x3000  }
0x72b: {  	[sflag:s6] =	ssyncset.done $0x0  }
0x72c: {  	[sflag:s6] =	ssyncadd.s32 $0xFFFFD000  }
0x72d: {  	_ =	swait.ge [sflag:s6], $0x3000  }
0x72e: {  	[sflag:s6] =	ssyncset.done $0x0  }
0x72f: {  	[sflag:s6] =	ssyncadd.s32 $0xFFFFD000  }
0x730: {  	_ =	swait.ge [sflag:s6], $0x3000  }
0x731: {  	[sflag:s6] =	ssyncset.done $0x0  }
0x732: {  	[sflag:s6] =	ssyncadd.s32 $0xFFFFD000  }
0x733: {  	_ =	swait.ge [sflag:s6], $0x3000  }
0x734: {  	[sflag:s6] =	ssyncset.done $0x0  }
0x735: {  	s15 =	simm.s32 $0x20;
	[sflag:s6] =	ssyncadd.s32 $0xFFFFD000  }
0x736: {  	s16 =	simm.s32 $0x3020;
	v4 =	vld [tilespmem:s15+$0x10]  }
0x737: {  	v0 =	vld [tilespmem:s16+$0x10];
	_ =	sdelay $0x1  }
0x738: {  	v7 =	vld [tilespmem:s15+$0xFFFFFFF0]  }
0x739: {  	v2 =	vld [tilespmem:s16+$0xFFFFFFF0]  }
0x73a: {  	v1 =	vld [tilespmem:s16+$0xFFFFFFE0]  }
0x73b: {  	v12 =	vld [tilespmem:s15+$0x0];
	v0 =	vadd.f32 v0, v4  }
0x73c: {  	v6 =	vld [tilespmem:s15+$0xFFFFFFE0]  }
0x73d: {  	s17 =	simm.s32 $0x6020;
	v3 =	vld [tilespmem:s16+$0x0];
	[tilespmem:s16+$0x10] =	vst v0  }
0x73e: {  	s14 =	simm.s32 $0x60;
	v0 =	vadd.f32 v2, v7;
	v2 =	vld [tilespmem:s17+$0x10]  }
0x73f: {  	v8 =	vld [tilespmem:s14+$0x10];
	s15 =	simm.s32 $0x3060  }
0x740: {  	v9 =	vld [tilespmem:s15+$0x10]  }
0x741: {  	v11 =	vld [tilespmem:s15+$0xFFFFFFE0];
	[tilespmem:s16+$0xFFFFFFF0] =	vst v0;
	v0 =	vadd.f32 v1, v6  }
0x742: {  	v13 =	vld [tilespmem:s15+$0xFFFFFFF0];
	v3 =	vadd.f32 v3, v12  }
0x743: {  	v1 =	vld [tilespmem:s14+$0xFFFFFFF0];
	[tilespmem:s16+$0xFFFFFFE0] =	vst v0;
	v0 =	vadd.f32 v2, v4  }
0x744: {  	[tilespmem:s16+$0x0] =	vst v3;
	v5 =	vld [tilespmem:s17+$0xFFFFFFF0]  }
0x745: {  	s16 =	simm.s32 $0x9020;
	v2 =	vld [tilespmem:s17+$0xFFFFFFE0];
	[tilespmem:s17+$0x10] =	vst v0  }
0x746: {  	v10 =	vld [tilespmem:s16+$0x10]  }
0x747: {  	v15 =	vld [tilespmem:s15+$0x0]  }
0x748: {  	v9 =	vadd.f32 v9, v8;
	v3 =	vld [tilespmem:s17+$0x0]  }
0x749: {  	v0 =	vld [tilespmem:s14+$0x0];
	v5 =	vadd.f32 v5, v7  }
0x74a: {  	s18 =	simm.s32 $0x6060;
	[tilespmem:s15+$0x10] =	vst v9;
	v14 =	vadd.f32 v2, v6;
	v2 =	vld [tilespmem:s14+$0xFFFFFFE0]  }
0x74b: {  	[tilespmem:s17+$0xFFFFFFF0] =	vst v5;
	v5 =	vadd.f32 v13, v1;
	s14 =	simm.s32 $0x30A0;
	v9 =	vadd.f32 v10, v4;
	v10 =	vld [tilespmem:s18+$0x10]  }
0x74c: {  	v18 =	vld [tilespmem:s14+$0xFFFFFFE0];
	[tilespmem:s17+$0xFFFFFFE0] =	vst v14  }
0x74d: {  	v3 =	vadd.f32 v3, v12;
	[tilespmem:s15+$0xFFFFFFF0] =	vst v5;
	v13 =	vld [tilespmem:s16+$0xFFFFFFE0]  }
0x74e: {  	v5 =	vadd.f32 v15, v0;
	[tilespmem:s16+$0x10] =	vst v9;
	v9 =	vld [tilespmem:s16+$0xFFFFFFF0]  }
0x74f: {  	[tilespmem:s17+$0x0] =	vst v3;
	v15 =	vld [tilespmem:s18+$0xFFFFFFF0]  }
0x750: {  	s11 =	simm.s32 $0xC020;
	[tilespmem:s15+$0x0] =	vst v5;
	v3 =	vadd.f32 v11, v2;
	v11 =	vld [tilespmem:s16+$0x0];
	v5 =	vadd.f32 v10, v8  }
0x751: {  	v14 =	vld [tilespmem:s11+$0x10]  }
0x752: {  	s13 =	simm.s32 $0x9060;
	v10 =	vld [tilespmem:s18+$0x0];
	[tilespmem:s18+$0x10] =	vst v5  }
0x753: {  	[tilespmem:s15+$0xFFFFFFE0] =	vst v3;
	v3 =	vadd.f32 v13, v6;
	v5 =	vadd.f32 v9, v7;
	v9 =	vld [tilespmem:s13+$0x10]  }
0x754: {  	s17 =	simm.s32 $0xA0;
	v13 =	vld [tilespmem:s18+$0xFFFFFFE0]  }
0x755: {  	[tilespmem:s16+$0xFFFFFFE0] =	vst v3;
	v3 =	vld [tilespmem:s17+$0x10]  }
0x756: {  	v16 =	vld [tilespmem:s11+$0xFFFFFFE0]  }
0x757: {  	v4 =	vadd.f32 v14, v4;
	v14 =	vld [tilespmem:s14+$0x10]  }
0x758: {  	[tilespmem:s16+$0xFFFFFFF0] =	vst v5;
	v5 =	vld [tilespmem:s17+$0xFFFFFFF0];
	v9 =	vadd.f32 v9, v8  }
0x759: {  	v17 =	vld [tilespmem:s11+$0xFFFFFFF0];
	[tilespmem:s11+$0x10] =	vst v4;
	v4 =	vadd.f32 v15, v1  }
0x75a: {  	v11 =	vadd.f32 v11, v12;
	[tilespmem:s13+$0x10] =	vst v9;
	v9 =	vld [tilespmem:s14+$0xFFFFFFF0]  }
0x75b: {  	s12 =	simm.s32 $0xC060;
	v10 =	vadd.f32 v10, v0;
	[tilespmem:s18+$0xFFFFFFF0] =	vst v4;
	v4 =	vld [tilespmem:s17+$0x0]  }
0x75c: {  	[tilespmem:s16+$0x0] =	vst v11;
	v11 =	vadd.f32 v14, v3;
	v15 =	vld [tilespmem:s12+$0x10]  }
0x75d: {  	v13 =	vadd.f32 v13, v2;
	[tilespmem:s18+$0x0] =	vst v10;
	v10 =	vld [tilespmem:s14+$0x0]  }
0x75e: {  	s15 =	simm.s32 $0x60A0;
	v14 =	vadd.f32 v16, v6;
	v6 =	vld [tilespmem:s17+$0xFFFFFFE0];
	[tilespmem:s14+$0x10] =	vst v11  }
0x75f: {  	[tilespmem:s18+$0xFFFFFFE0] =	vst v13;
	v11 =	vld [tilespmem:s15+$0x10];
	v9 =	vadd.f32 v9, v5  }
0x760: {  	v13 =	vld [tilespmem:s13+$0xFFFFFFE0];
	v7 =	vadd.f32 v17, v7;
	[tilespmem:s11+$0xFFFFFFE0] =	vst v14  }
0x761: {  	v8 =	vadd.f32 v15, v8;
	[tilespmem:s14+$0xFFFFFFF0] =	vst v9;
	v9 =	vld [tilespmem:s13+$0xFFFFFFF0]  }
0x762: {  	[tilespmem:s11+$0xFFFFFFF0] =	vst v7;
	v10 =	vadd.f32 v10, v4;
	v7 =	vld [tilespmem:s15+$0xFFFFFFF0]  }
0x763: {  	v14 =	vld [tilespmem:s13+$0x0];
	[tilespmem:s12+$0x10] =	vst v8;
	v8 =	vadd.f32 v18, v6  }
0x764: {  	v63 =	vld [tilespmem:s11+$0x0];
	[tilespmem:s14+$0x0] =	vst v10;
	v15 =	vadd.f32 v11, v3  }
0x765: {  	v11 =	vld [tilespmem:s15+$0x0];
	[tilespmem:s14+$0xFFFFFFE0] =	vst v8;
	v8 =	vadd.f32 v13, v2  }
0x766: {  	s16 =	simm.s32 $0x90A0;
	[tilespmem:s15+$0x10] =	vst v15;
	v10 =	vld [tilespmem:s15+$0xFFFFFFE0];
	v13 =	vadd.f32 v9, v1  }
0x767: {  	v9 =	vld [tilespmem:s16+$0x10];
	[tilespmem:s13+$0xFFFFFFE0] =	vst v8;
	v15 =	vadd.f32 v7, v5  }
0x768: {  	v7 =	vld [tilespmem:s12+$0xFFFFFFE0];
	[tilespmem:s13+$0xFFFFFFF0] =	vst v13;
	v13 =	vadd.f32 v14, v0  }
0x769: {  	s18 =	simm.s32 $0xE0;
	s17 =	simm.s32 $0x80;
	v12 =	vadd.f32 v63, v12;
	[tilespmem:s15+$0xFFFFFFF0] =	vst v15;
	v8 =	vld [tilespmem:s12+$0xFFFFFFF0]  }
.LBB2_26:
0x76a: {  	v14 =	vld [tilespmem:s18+$0x10];
	v11 =	vadd.f32 v11, v4;
	s14 =	sadd.s32 $0x40, s14;
	[tilespmem:s13+$0x0] =	vst v13;
	s13 =	smov.u32 s16  }
0x76b: {  	s17 =	sadd.s32 $0x40, s17;
	v13 =	vld [tilespmem:s14+$0x10];
	v10 =	vadd.f32 v10, v6;
	[tilespmem:s11+$0x0] =	vst v12;
	s11 =	smov.u32 s12  }
0x76c: {  	p0 =	slt.u32 s17, $0x2FC0;
	v12 =	vld [tilespmem:s14+$0xFFFFFFE0];
	[tilespmem:s15+$0x0] =	vst v11;
	v9 =	vadd.f32 v9, v3  }
0x76d: {  	v11 =	vld [tilespmem:s18+$0xFFFFFFF0];
	[tilespmem:s15+$0xFFFFFFE0] =	vst v10;
	v7 =	vadd.f32 v7, v2;
	v2 =	vmov v6  }
0x76e: {  	s12 =	sadd.s32 $0x40, s12;
	v10 =	vld [tilespmem:s14+$0xFFFFFFF0];
	[tilespmem:s16+$0x10] =	vst v9;
	v6 =	vadd.f32 v8, v1;
	v1 =	vmov v5  }
0x76f: {  	v8 =	vld [tilespmem:s12+$0x10];
	[tilespmem:s11+$0xFFFFFFE0] =	vst v7  }
0x770: {  	v15 =	vld [tilespmem:s18+$0x0];
	v9 =	vadd.f32 v13, v14;
	[tilespmem:s11+$0xFFFFFFF0] =	vst v6  }
0x771: {  	v7 =	vld [tilespmem:s14+$0x0]  }
0x772: {  	s15 =	sadd.s32 $0x40, s15;
	v6 =	vld [tilespmem:s18+$0xFFFFFFE0];
	[tilespmem:s14+$0x10] =	vst v9;
	v5 =	vmov v11  }
0x773: {  	v9 =	vadd.f32 v10, v5;
	v10 =	vld [tilespmem:s15+$0x10]  }
0x774: {  	v13 =	vld [tilespmem:s16+$0xFFFFFFE0];
	v8 =	vadd.f32 v8, v3;
	v3 =	vmov v14  }
0x775: {  	[tilespmem:s14+$0xFFFFFFF0] =	vst v9;
	v9 =	vld [tilespmem:s16+$0xFFFFFFF0]  }
0x776: {  	v14 =	vld [tilespmem:s15+$0xFFFFFFF0];
	v7 =	vadd.f32 v7, v15;
	[tilespmem:s12+$0x10] =	vst v8  }
0x777: {  	v8 =	vadd.f32 v12, v6;
	v12 =	vld [tilespmem:s16+$0x0]  }
0x778: {  	[tilespmem:s14+$0x0] =	vst v7;
	v7 =	vadd.f32 v10, v3;
	v16 =	vld [tilespmem:s11+$0x0]  }
.Ltmp12:
0x779: {  	[tilespmem:s14+$0xFFFFFFE0] =	vst v8;
	v11 =	vld [tilespmem:s15+$0x0];
	v8 =	vadd.f32 v13, v2;
	(pc) =	sbr.rel @p0 .LBB2_26-.Ltmp12, $4  }
0x77a: {  	s16 =	sadd.s32 $0x40, s16;
	v10 =	vld [tilespmem:s15+$0xFFFFFFE0];
	[tilespmem:s15+$0x10] =	vst v7;
	v13 =	vadd.f32 v9, v1  }
0x77b: {  	v14 =	vadd.f32 v14, v5;
	v9 =	vld [tilespmem:s16+$0x10];
	[tilespmem:s13+$0xFFFFFFE0] =	vst v8  }
0x77c: {  	v7 =	vld [tilespmem:s12+$0xFFFFFFE0];
	[tilespmem:s13+$0xFFFFFFF0] =	vst v13;
	v13 =	vadd.f32 v12, v4  }
0x77d: {  	s18 =	sadd.s32 $0x40, s18;
	[tilespmem:s15+$0xFFFFFFF0] =	vst v14;
	v8 =	vld [tilespmem:s12+$0xFFFFFFF0];
	v12 =	vadd.f32 v16, v0;
	v0 =	vmov v4;
	v4 =	vmov v15  }
0x77e: {  	_ = 	snop  }
0x77f: {  	v10 =	vadd.f32 v10, v6;
	_ =	sdelay $0x1  }
0x780: {  	v11 =	vadd.f32 v11, v4;
	[tilespmem:s15+$0xFFFFFFE0] =	vst v10  }
0x781: {  	v10 =	vld [tilespmem:s16+$0xFFFFFFE0]  }
0x782: {  	[tilespmem:s15+$0x0] =	vst v11;
	v11 =	vld [tilespmem:s16+$0xFFFFFFF0]  }
0x783: {  	v14 =	vld [tilespmem:s16+$0x0]  }
0x784: {  	v9 =	vadd.f32 v9, v3  }
0x785: {  	[tilespmem:s13+$0x0] =	vst v13  }
0x786: {  	[tilespmem:s16+$0x10] =	vst v9;
	v9 =	vadd.f32 v10, v6  }
0x787: {  	s14 =	sadd.s32 $0x40, s12;
	v13 =	vld [tilespmem:s12+$0x0];
	v11 =	vadd.f32 v11, v5  }
0x788: {  	v10 =	vld [tilespmem:s14+$0x10];
	[tilespmem:s16+$0xFFFFFFE0] =	vst v9;
	v9 =	vadd.f32 v14, v4  }
0x789: {  	[tilespmem:s16+$0xFFFFFFF0] =	vst v11;
	v14 =	vld [tilespmem:s14+$0xFFFFFFE0]  }
0x78a: {  	v2 =	vadd.f32 v7, v2;
	v7 =	vld [tilespmem:s14+$0xFFFFFFF0];
	[tilespmem:s16+$0x0] =	vst v9  }
0x78b: {  	[tilespmem:s11+$0x0] =	vst v12;
	v1 =	vadd.f32 v8, v1;
	v8 =	vld [tilespmem:s14+$0x0]  }
0x78c: {  	[tilespmem:s12+$0xFFFFFFE0] =	vst v2;
	v0 =	vadd.f32 v13, v0  }
0x78d: {  	[tilespmem:s12+$0xFFFFFFF0] =	vst v1;
	v2 =	vadd.f32 v10, v3  }
0x78e: {  	[tilespmem:s12+$0x0] =	vst v0;
	v1 =	vadd.f32 v14, v6  }
0x78f: {  	v0 =	vadd.f32 v7, v5;
	[tilespmem:s14+$0x10] =	vst v2  }
0x790: {  	[tilespmem:s14+$0xFFFFFFE0] =	vst v1;
	v1 =	vadd.f32 v8, v4  }
0x791: {  	[tilespmem:s14+$0xFFFFFFF0] =	vst v0  }
0x792: {  	[tilespmem:s14+$0x0] =	vst v1  }
0x793: {  	s11 =	sld [smem:$0x7E3];
	_ =	sdelay $0x1  }
0x794: {  	s14 =	sld [smem:$0x7E5]  }
0x795: {  	[hbm4b:s11+s1] =	stream.linear.scatter [tilespmem:s28], [sflag:$0x3], $0x3000, $0x38;
	[tilespmem:$0x1E000] =	vst v63  }
0x796: {  	s15 =	sld [smem:$0x7E7]  }
0x797: {  	[hbm4b:s14+s1] =	stream.linear.scatter [tilespmem:s29], [sflag:$0x3], $0x3000, $0x38;
	[tilespmem:$0x1E000] =	vst v63  }
0x798: {  	s16 =	sld [smem:$0x7E9]  }
0x799: {  	[hbm4b:s15+s1] =	stream.linear.scatter [tilespmem:s30], [sflag:$0x3], $0x3000, $0x38;
	[tilespmem:$0x1E000] =	vst v63  }
0x79a: {  	_ = 	snop  }
0x79b: {  	[hbm4b:s16+s1] =	stream.linear.scatter [tilespmem:s31], [sflag:$0x3], $0x3000, $0x38;
	[tilespmem:$0x1E000] =	vst v63  }
0x79c: {  	_ =	swait.ge [sflag:s7], $0x3000  }
0x79d: {  	[sflag:s7] =	ssyncset.done $0x0  }
0x79e: {  	[sflag:s7] =	ssyncadd.s32 $0xFFFFD000  }
0x79f: {  	_ =	swait.ge [sflag:s7], $0x3000  }
0x7a0: {  	[sflag:s7] =	ssyncset.done $0x0  }
0x7a1: {  	[sflag:s7] =	ssyncadd.s32 $0xFFFFD000  }
0x7a2: {  	_ =	swait.ge [sflag:s7], $0x3000  }
0x7a3: {  	[sflag:s7] =	ssyncset.done $0x0  }
0x7a4: {  	[sflag:s7] =	ssyncadd.s32 $0xFFFFD000  }
0x7a5: {  	_ =	swait.ge [sflag:s7], $0x3000  }
0x7a6: {  	s17 =	sld [smem:$0x7F3]  }
0x7a7: {  	[sflag:s7] =	ssyncset.done $0x0  }
0x7a8: {  	s18 =	sld [smem:$0x7F5];
	[sflag:s7] =	ssyncadd.s32 $0xFFFFD000  }
0x7a9: {  	[tilespmem:s1], [sflag:$0x1] =	stream.linear.gather [hbm4b:s17+s1], $0x3000, $0x38;
	[tilespmem:$0x1E000] =	vst v63  }
0x7aa: {  	s12 =	sld [smem:$0x7F6]  }
0x7ab: {  	[tilespmem:s28], [sflag:$0x1] =	stream.linear.gather [hbm4b:s18+s1], $0x3000, $0x38;
	[tilespmem:$0x1E000] =	vst v63  }
0x7ac: {  	s13 =	sld [smem:$0x7F7]  }
0x7ad: {  	[tilespmem:s29], [sflag:$0x1] =	stream.linear.gather [hbm4b:s12+s1], $0x3000, $0x38;
	[tilespmem:$0x1E000] =	vst v63  }
0x7ae: {  	s14 =	sld [smem:$0x7F8]  }
0x7af: {  	[tilespmem:s30], [sflag:$0x1] =	stream.linear.gather [hbm4b:s13+s1], $0x3000, $0x38;
	[tilespmem:$0x1E000] =	vst v63  }
0x7b0: {  	_ = 	snop  }
0x7b1: {  	[tilespmem:s31], [sflag:$0x1] =	stream.linear.gather [hbm4b:s14+s1], $0x3000, $0x38;
	[tilespmem:$0x1E000] =	vst v63  }
0x7b2: {  	_ =	swait.ge [sflag:s8], $0x3000  }
0x7b3: {  	[sflag:s8] =	ssyncset.done $0x0  }
0x7b4: {  	[sflag:s8] =	ssyncadd.s32 $0xFFFFD000  }
0x7b5: {  	_ =	swait.ge [sflag:s8], $0x3000  }
0x7b6: {  	[sflag:s8] =	ssyncset.done $0x0  }
0x7b7: {  	[sflag:s8] =	ssyncadd.s32 $0xFFFFD000  }
0x7b8: {  	_ =	swait.ge [sflag:s8], $0x3000  }
0x7b9: {  	[sflag:s8] =	ssyncset.done $0x0  }
0x7ba: {  	[sflag:s8] =	ssyncadd.s32 $0xFFFFD000  }
0x7bb: {  	_ =	swait.ge [sflag:s8], $0x3000  }
0x7bc: {  	[sflag:s8] =	ssyncset.done $0x0  }
0x7bd: {  	[sflag:s8] =	ssyncadd.s32 $0xFFFFD000  }
0x7be: {  	_ =	swait.ge [sflag:s8], $0x3000  }
0x7bf: {  	[sflag:s8] =	ssyncset.done $0x0  }
0x7c0: {  	s15 =	simm.s32 $0xF020;
	[sflag:s8] =	ssyncadd.s32 $0xFFFFD000  }
0x7c1: {  	s16 =	simm.s32 $0x12020;
	v4 =	vld [tilespmem:s15+$0x10]  }
0x7c2: {  	v0 =	vld [tilespmem:s16+$0x10];
	_ =	sdelay $0x1  }
0x7c3: {  	v7 =	vld [tilespmem:s15+$0xFFFFFFF0]  }
0x7c4: {  	v2 =	vld [tilespmem:s16+$0xFFFFFFF0]  }
0x7c5: {  	v1 =	vld [tilespmem:s16+$0xFFFFFFE0]  }
0x7c6: {  	v12 =	vld [tilespmem:s15+$0x0];
	v0 =	vadd.f32 v0, v4  }
0x7c7: {  	v6 =	vld [tilespmem:s15+$0xFFFFFFE0]  }
0x7c8: {  	s17 =	simm.s32 $0x15020;
	v3 =	vld [tilespmem:s16+$0x0];
	[tilespmem:s16+$0x10] =	vst v0  }
0x7c9: {  	s14 =	simm.s32 $0xF060;
	v0 =	vadd.f32 v2, v7;
	v2 =	vld [tilespmem:s17+$0x10]  }
0x7ca: {  	v8 =	vld [tilespmem:s14+$0x10];
	s15 =	simm.s32 $0x12060  }
0x7cb: {  	v9 =	vld [tilespmem:s15+$0x10]  }
0x7cc: {  	v11 =	vld [tilespmem:s15+$0xFFFFFFE0];
	[tilespmem:s16+$0xFFFFFFF0] =	vst v0;
	v0 =	vadd.f32 v1, v6  }
0x7cd: {  	v13 =	vld [tilespmem:s15+$0xFFFFFFF0];
	v3 =	vadd.f32 v3, v12  }
0x7ce: {  	v1 =	vld [tilespmem:s14+$0xFFFFFFF0];
	[tilespmem:s16+$0xFFFFFFE0] =	vst v0;
	v0 =	vadd.f32 v2, v4  }
0x7cf: {  	[tilespmem:s16+$0x0] =	vst v3;
	v5 =	vld [tilespmem:s17+$0xFFFFFFF0]  }
0x7d0: {  	s16 =	simm.s32 $0x18020;
	v2 =	vld [tilespmem:s17+$0xFFFFFFE0];
	[tilespmem:s17+$0x10] =	vst v0  }
0x7d1: {  	v10 =	vld [tilespmem:s16+$0x10]  }
0x7d2: {  	v15 =	vld [tilespmem:s15+$0x0]  }
0x7d3: {  	v9 =	vadd.f32 v9, v8;
	v3 =	vld [tilespmem:s17+$0x0]  }
0x7d4: {  	v0 =	vld [tilespmem:s14+$0x0];
	v5 =	vadd.f32 v5, v7  }
0x7d5: {  	s18 =	simm.s32 $0x15060;
	[tilespmem:s15+$0x10] =	vst v9;
	v14 =	vadd.f32 v2, v6;
	v2 =	vld [tilespmem:s14+$0xFFFFFFE0]  }
0x7d6: {  	[tilespmem:s17+$0xFFFFFFF0] =	vst v5;
	v5 =	vadd.f32 v13, v1;
	s14 =	simm.s32 $0x120A0;
	v9 =	vadd.f32 v10, v4;
	v10 =	vld [tilespmem:s18+$0x10]  }
0x7d7: {  	v18 =	vld [tilespmem:s14+$0xFFFFFFE0];
	[tilespmem:s17+$0xFFFFFFE0] =	vst v14  }
0x7d8: {  	v3 =	vadd.f32 v3, v12;
	[tilespmem:s15+$0xFFFFFFF0] =	vst v5;
	v13 =	vld [tilespmem:s16+$0xFFFFFFE0]  }
0x7d9: {  	v5 =	vadd.f32 v15, v0;
	[tilespmem:s16+$0x10] =	vst v9;
	v9 =	vld [tilespmem:s16+$0xFFFFFFF0]  }
0x7da: {  	[tilespmem:s17+$0x0] =	vst v3;
	v15 =	vld [tilespmem:s18+$0xFFFFFFF0]  }
0x7db: {  	s11 =	simm.s32 $0x1B020;
	[tilespmem:s15+$0x0] =	vst v5;
	v3 =	vadd.f32 v11, v2;
	v11 =	vld [tilespmem:s16+$0x0];
	v5 =	vadd.f32 v10, v8  }
0x7dc: {  	v14 =	vld [tilespmem:s11+$0x10]  }
0x7dd: {  	s13 =	simm.s32 $0x18060;
	v10 =	vld [tilespmem:s18+$0x0];
	[tilespmem:s18+$0x10] =	vst v5  }
0x7de: {  	[tilespmem:s15+$0xFFFFFFE0] =	vst v3;
	v3 =	vadd.f32 v13, v6;
	v5 =	vadd.f32 v9, v7;
	v9 =	vld [tilespmem:s13+$0x10]  }
0x7df: {  	s17 =	simm.s32 $0xF0A0;
	v13 =	vld [tilespmem:s18+$0xFFFFFFE0]  }
0x7e0: {  	[tilespmem:s16+$0xFFFFFFE0] =	vst v3;
	v3 =	vld [tilespmem:s17+$0x10]  }
0x7e1: {  	v16 =	vld [tilespmem:s11+$0xFFFFFFE0]  }
0x7e2: {  	v4 =	vadd.f32 v14, v4;
	v14 =	vld [tilespmem:s14+$0x10]  }
0x7e3: {  	[tilespmem:s16+$0xFFFFFFF0] =	vst v5;
	v5 =	vld [tilespmem:s17+$0xFFFFFFF0];
	v9 =	vadd.f32 v9, v8  }
0x7e4: {  	v17 =	vld [tilespmem:s11+$0xFFFFFFF0];
	[tilespmem:s11+$0x10] =	vst v4;
	v4 =	vadd.f32 v15, v1  }
0x7e5: {  	v11 =	vadd.f32 v11, v12;
	[tilespmem:s13+$0x10] =	vst v9;
	v9 =	vld [tilespmem:s14+$0xFFFFFFF0]  }
0x7e6: {  	s12 =	simm.s32 $0x1B060;
	v10 =	vadd.f32 v10, v0;
	[tilespmem:s18+$0xFFFFFFF0] =	vst v4;
	v4 =	vld [tilespmem:s17+$0x0]  }
0x7e7: {  	[tilespmem:s16+$0x0] =	vst v11;
	v11 =	vadd.f32 v14, v3;
	v15 =	vld [tilespmem:s12+$0x10]  }
0x7e8: {  	v13 =	vadd.f32 v13, v2;
	[tilespmem:s18+$0x0] =	vst v10;
	v10 =	vld [tilespmem:s14+$0x0]  }
0x7e9: {  	s15 =	simm.s32 $0x150A0;
	v14 =	vadd.f32 v16, v6;
	v6 =	vld [tilespmem:s17+$0xFFFFFFE0];
	[tilespmem:s14+$0x10] =	vst v11  }
0x7ea: {  	[tilespmem:s18+$0xFFFFFFE0] =	vst v13;
	v11 =	vld [tilespmem:s15+$0x10];
	v9 =	vadd.f32 v9, v5  }
0x7eb: {  	v13 =	vld [tilespmem:s13+$0xFFFFFFE0];
	v7 =	vadd.f32 v17, v7;
	[tilespmem:s11+$0xFFFFFFE0] =	vst v14  }
0x7ec: {  	v8 =	vadd.f32 v15, v8;
	[tilespmem:s14+$0xFFFFFFF0] =	vst v9;
	v9 =	vld [tilespmem:s13+$0xFFFFFFF0]  }
0x7ed: {  	[tilespmem:s11+$0xFFFFFFF0] =	vst v7;
	v10 =	vadd.f32 v10, v4;
	v7 =	vld [tilespmem:s15+$0xFFFFFFF0]  }
0x7ee: {  	v14 =	vld [tilespmem:s13+$0x0];
	[tilespmem:s12+$0x10] =	vst v8;
	v8 =	vadd.f32 v18, v6  }
0x7ef: {  	v63 =	vld [tilespmem:s11+$0x0];
	[tilespmem:s14+$0x0] =	vst v10;
	v15 =	vadd.f32 v11, v3  }
0x7f0: {  	v11 =	vld [tilespmem:s15+$0x0];
	[tilespmem:s14+$0xFFFFFFE0] =	vst v8;
	v8 =	vadd.f32 v13, v2  }
0x7f1: {  	s16 =	simm.s32 $0x180A0;
	[tilespmem:s15+$0x10] =	vst v15;
	v10 =	vld [tilespmem:s15+$0xFFFFFFE0];
	v13 =	vadd.f32 v9, v1  }
0x7f2: {  	v9 =	vld [tilespmem:s16+$0x10];
	[tilespmem:s13+$0xFFFFFFE0] =	vst v8;
	v15 =	vadd.f32 v7, v5  }
0x7f3: {  	v7 =	vld [tilespmem:s12+$0xFFFFFFE0];
	[tilespmem:s13+$0xFFFFFFF0] =	vst v13;
	v13 =	vadd.f32 v14, v0  }
0x7f4: {  	s18 =	simm.s32 $0xF0E0;
	s17 =	simm.s32 $0x80;
	v12 =	vadd.f32 v63, v12;
	[tilespmem:s15+$0xFFFFFFF0] =	vst v15;
	v8 =	vld [tilespmem:s12+$0xFFFFFFF0]  }
.LBB2_28:
0x7f5: {  	v14 =	vld [tilespmem:s18+$0x10];
	v11 =	vadd.f32 v11, v4;
	s14 =	sadd.s32 $0x40, s14;
	[tilespmem:s13+$0x0] =	vst v13;
	s13 =	smov.u32 s16  }
0x7f6: {  	s17 =	sadd.s32 $0x40, s17;
	v13 =	vld [tilespmem:s14+$0x10];
	v10 =	vadd.f32 v10, v6;
	[tilespmem:s11+$0x0] =	vst v12;
	s11 =	smov.u32 s12  }
0x7f7: {  	p0 =	slt.u32 s17, $0x2FC0;
	v12 =	vld [tilespmem:s14+$0xFFFFFFE0];
	[tilespmem:s15+$0x0] =	vst v11;
	v9 =	vadd.f32 v9, v3  }
0x7f8: {  	v11 =	vld [tilespmem:s18+$0xFFFFFFF0];
	[tilespmem:s15+$0xFFFFFFE0] =	vst v10;
	v7 =	vadd.f32 v7, v2;
	v2 =	vmov v6  }
0x7f9: {  	s12 =	sadd.s32 $0x40, s12;
	v10 =	vld [tilespmem:s14+$0xFFFFFFF0];
	[tilespmem:s16+$0x10] =	vst v9;
	v6 =	vadd.f32 v8, v1;
	v1 =	vmov v5  }
0x7fa: {  	v8 =	vld [tilespmem:s12+$0x10];
	[tilespmem:s11+$0xFFFFFFE0] =	vst v7  }
0x7fb: {  	v15 =	vld [tilespmem:s18+$0x0];
	v9 =	vadd.f32 v13, v14;
	[tilespmem:s11+$0xFFFFFFF0] =	vst v6  }
0x7fc: {  	v7 =	vld [tilespmem:s14+$0x0]  }
0x7fd: {  	s15 =	sadd.s32 $0x40, s15;
	v6 =	vld [tilespmem:s18+$0xFFFFFFE0];
	[tilespmem:s14+$0x10] =	vst v9;
	v5 =	vmov v11  }
0x7fe: {  	v9 =	vadd.f32 v10, v5;
	v10 =	vld [tilespmem:s15+$0x10]  }
0x7ff: {  	v13 =	vld [tilespmem:s16+$0xFFFFFFE0];
	v8 =	vadd.f32 v8, v3;
	v3 =	vmov v14  }
0x800: {  	[tilespmem:s14+$0xFFFFFFF0] =	vst v9;
	v9 =	vld [tilespmem:s16+$0xFFFFFFF0]  }
0x801: {  	v14 =	vld [tilespmem:s15+$0xFFFFFFF0];
	v7 =	vadd.f32 v7, v15;
	[tilespmem:s12+$0x10] =	vst v8  }
0x802: {  	v8 =	vadd.f32 v12, v6;
	v12 =	vld [tilespmem:s16+$0x0]  }
0x803: {  	[tilespmem:s14+$0x0] =	vst v7;
	v7 =	vadd.f32 v10, v3;
	v16 =	vld [tilespmem:s11+$0x0]  }
.Ltmp13:
0x804: {  	[tilespmem:s14+$0xFFFFFFE0] =	vst v8;
	v11 =	vld [tilespmem:s15+$0x0];
	v8 =	vadd.f32 v13, v2;
	(pc) =	sbr.rel @p0 .LBB2_28-.Ltmp13, $4  }
0x805: {  	s16 =	sadd.s32 $0x40, s16;
	v10 =	vld [tilespmem:s15+$0xFFFFFFE0];
	[tilespmem:s15+$0x10] =	vst v7;
	v13 =	vadd.f32 v9, v1  }
0x806: {  	v14 =	vadd.f32 v14, v5;
	v9 =	vld [tilespmem:s16+$0x10];
	[tilespmem:s13+$0xFFFFFFE0] =	vst v8  }
0x807: {  	v7 =	vld [tilespmem:s12+$0xFFFFFFE0];
	[tilespmem:s13+$0xFFFFFFF0] =	vst v13;
	v13 =	vadd.f32 v12, v4  }
0x808: {  	s18 =	sadd.s32 $0x40, s18;
	[tilespmem:s15+$0xFFFFFFF0] =	vst v14;
	v8 =	vld [tilespmem:s12+$0xFFFFFFF0];
	v12 =	vadd.f32 v16, v0;
	v0 =	vmov v4;
	v4 =	vmov v15  }
0x809: {  	_ = 	snop  }
0x80a: {  	v10 =	vadd.f32 v10, v6;
	_ =	sdelay $0x1  }
0x80b: {  	v11 =	vadd.f32 v11, v4;
	[tilespmem:s15+$0xFFFFFFE0] =	vst v10  }
0x80c: {  	v10 =	vld [tilespmem:s16+$0xFFFFFFE0]  }
0x80d: {  	[tilespmem:s15+$0x0] =	vst v11;
	v11 =	vld [tilespmem:s16+$0xFFFFFFF0]  }
0x80e: {  	v14 =	vld [tilespmem:s16+$0x0]  }
0x80f: {  	v9 =	vadd.f32 v9, v3  }
0x810: {  	[tilespmem:s13+$0x0] =	vst v13  }
0x811: {  	[tilespmem:s16+$0x10] =	vst v9;
	v9 =	vadd.f32 v10, v6  }
0x812: {  	s14 =	sadd.s32 $0x40, s12;
	v13 =	vld [tilespmem:s12+$0x0];
	v11 =	vadd.f32 v11, v5  }
0x813: {  	v10 =	vld [tilespmem:s14+$0x10];
	[tilespmem:s16+$0xFFFFFFE0] =	vst v9;
	v9 =	vadd.f32 v14, v4  }
0x814: {  	[tilespmem:s16+$0xFFFFFFF0] =	vst v11;
	v14 =	vld [tilespmem:s14+$0xFFFFFFE0]  }
0x815: {  	v2 =	vadd.f32 v7, v2;
	v7 =	vld [tilespmem:s14+$0xFFFFFFF0];
	[tilespmem:s16+$0x0] =	vst v9  }
0x816: {  	[tilespmem:s11+$0x0] =	vst v12;
	v1 =	vadd.f32 v8, v1;
	v8 =	vld [tilespmem:s14+$0x0]  }
0x817: {  	[tilespmem:s12+$0xFFFFFFE0] =	vst v2;
	v0 =	vadd.f32 v13, v0  }
0x818: {  	[tilespmem:s12+$0xFFFFFFF0] =	vst v1;
	v2 =	vadd.f32 v10, v3  }
0x819: {  	[tilespmem:s12+$0x0] =	vst v0;
	v1 =	vadd.f32 v14, v6  }
0x81a: {  	v0 =	vadd.f32 v7, v5;
	[tilespmem:s14+$0x10] =	vst v2  }
0x81b: {  	[tilespmem:s14+$0xFFFFFFE0] =	vst v1;
	v1 =	vadd.f32 v8, v4  }
0x81c: {  	[tilespmem:s14+$0xFFFFFFF0] =	vst v0  }
0x81d: {  	[tilespmem:s14+$0x0] =	vst v1  }
0x81e: {  	s11 =	sld [smem:$0x7EC];
	_ =	sdelay $0x1  }
0x81f: {  	s14 =	sld [smem:$0x7EE]  }
0x820: {  	[hbm4b:s11+s1] =	stream.linear.scatter [tilespmem:s2], [sflag:$0x4], $0x3000, $0x38;
	[tilespmem:$0x1E000] =	vst v63  }
0x821: {  	s15 =	sld [smem:$0x7F0]  }
0x822: {  	[hbm4b:s14+s1] =	stream.linear.scatter [tilespmem:s3], [sflag:$0x4], $0x3000, $0x38;
	[tilespmem:$0x1E000] =	vst v63  }
0x823: {  	s16 =	sld [smem:$0x7F2]  }
0x824: {  	[hbm4b:s15+s1] =	stream.linear.scatter [tilespmem:s4], [sflag:$0x4], $0x3000, $0x38;
	[tilespmem:$0x1E000] =	vst v63  }
0x825: {  	_ = 	snop  }
0x826: {  	[hbm4b:s16+s1] =	stream.linear.scatter [tilespmem:s5], [sflag:$0x4], $0x3000, $0x38;
	[tilespmem:$0x1E000] =	vst v63  }
0x827: {  	_ =	swait.ge [sflag:s9], $0x3000  }
0x828: {  	[sflag:s9] =	ssyncset.done $0x0  }
0x829: {  	[sflag:s9] =	ssyncadd.s32 $0xFFFFD000  }
0x82a: {  	_ =	swait.ge [sflag:s9], $0x3000  }
0x82b: {  	[sflag:s9] =	ssyncset.done $0x0  }
0x82c: {  	[sflag:s9] =	ssyncadd.s32 $0xFFFFD000  }
0x82d: {  	_ =	swait.ge [sflag:s9], $0x3000  }
0x82e: {  	[sflag:s9] =	ssyncset.done $0x0  }
0x82f: {  	[sflag:s9] =	ssyncadd.s32 $0xFFFFD000  }
0x830: {  	_ =	swait.ge [sflag:s9], $0x3000  }
0x831: {  	s17 =	sld [smem:$0x7F4]  }
0x832: {  	[sflag:s9] =	ssyncset.done $0x0  }
0x833: {  	s18 =	sld [smem:$0x7F9];
	[sflag:s9] =	ssyncadd.s32 $0xFFFFD000  }
0x834: {  	[tilespmem:s0], [sflag:$0x2] =	stream.linear.gather [hbm4b:s17+s1], $0x3000, $0x38;
	[tilespmem:$0x1E000] =	vst v63  }
0x835: {  	s12 =	sld [smem:$0x7FA]  }
0x836: {  	[tilespmem:s2], [sflag:$0x2] =	stream.linear.gather [hbm4b:s18+s1], $0x3000, $0x38;
	[tilespmem:$0x1E000] =	vst v63  }
0x837: {  	s13 =	sld [smem:$0x7FB]  }
0x838: {  	[tilespmem:s3], [sflag:$0x2] =	stream.linear.gather [hbm4b:s12+s1], $0x3000, $0x38;
	[tilespmem:$0x1E000] =	vst v63  }
0x839: {  	s14 =	sld [smem:$0x7FC]  }
0x83a: {  	[tilespmem:s4], [sflag:$0x2] =	stream.linear.gather [hbm4b:s13+s1], $0x3000, $0x38;
	[tilespmem:$0x1E000] =	vst v63  }
0x83b: {  	_ = 	snop  }
0x83c: {  	[tilespmem:s5], [sflag:$0x2] =	stream.linear.gather [hbm4b:s14+s1], $0x3000, $0x38;
	[tilespmem:$0x1E000] =	vst v63  }
0x83d: {  	_ =	swait.ge [sflag:s6], $0x3000  }
0x83e: {  	[sflag:s6] =	ssyncset.done $0x0  }
0x83f: {  	[sflag:s6] =	ssyncadd.s32 $0xFFFFD000  }
0x840: {  	_ =	swait.ge [sflag:s6], $0x3000  }
0x841: {  	[sflag:s6] =	ssyncset.done $0x0  }
0x842: {  	[sflag:s6] =	ssyncadd.s32 $0xFFFFD000  }
0x843: {  	_ =	swait.ge [sflag:s6], $0x3000  }
0x844: {  	[sflag:s6] =	ssyncset.done $0x0  }
0x845: {  	[sflag:s6] =	ssyncadd.s32 $0xFFFFD000  }
0x846: {  	_ =	swait.ge [sflag:s6], $0x3000  }
0x847: {  	[sflag:s6] =	ssyncset.done $0x0  }
0x848: {  	[sflag:s6] =	ssyncadd.s32 $0xFFFFD000  }
0x849: {  	_ =	swait.ge [sflag:s6], $0x3000  }
0x84a: {  	[sflag:s6] =	ssyncset.done $0x0  }
0x84b: {  	s15 =	simm.s32 $0x20;
	[sflag:s6] =	ssyncadd.s32 $0xFFFFD000  }
0x84c: {  	s16 =	simm.s32 $0x3020;
	v4 =	vld [tilespmem:s15+$0x10]  }
0x84d: {  	v0 =	vld [tilespmem:s16+$0x10];
	_ =	sdelay $0x1  }
0x84e: {  	v7 =	vld [tilespmem:s15+$0xFFFFFFF0]  }
0x84f: {  	v2 =	vld [tilespmem:s16+$0xFFFFFFF0]  }
0x850: {  	v1 =	vld [tilespmem:s16+$0xFFFFFFE0]  }
0x851: {  	v12 =	vld [tilespmem:s15+$0x0];
	v0 =	vadd.f32 v0, v4  }
0x852: {  	v6 =	vld [tilespmem:s15+$0xFFFFFFE0]  }
0x853: {  	s17 =	simm.s32 $0x6020;
	v3 =	vld [tilespmem:s16+$0x0];
	[tilespmem:s16+$0x10] =	vst v0  }
0x854: {  	s14 =	simm.s32 $0x60;
	v0 =	vadd.f32 v2, v7;
	v2 =	vld [tilespmem:s17+$0x10]  }
0x855: {  	v8 =	vld [tilespmem:s14+$0x10];
	s15 =	simm.s32 $0x3060  }
0x856: {  	v9 =	vld [tilespmem:s15+$0x10]  }
0x857: {  	v11 =	vld [tilespmem:s15+$0xFFFFFFE0];
	[tilespmem:s16+$0xFFFFFFF0] =	vst v0;
	v0 =	vadd.f32 v1, v6  }
0x858: {  	v13 =	vld [tilespmem:s15+$0xFFFFFFF0];
	v3 =	vadd.f32 v3, v12  }
0x859: {  	v1 =	vld [tilespmem:s14+$0xFFFFFFF0];
	[tilespmem:s16+$0xFFFFFFE0] =	vst v0;
	v0 =	vadd.f32 v2, v4  }
0x85a: {  	[tilespmem:s16+$0x0] =	vst v3;
	v5 =	vld [tilespmem:s17+$0xFFFFFFF0]  }
0x85b: {  	s16 =	simm.s32 $0x9020;
	v2 =	vld [tilespmem:s17+$0xFFFFFFE0];
	[tilespmem:s17+$0x10] =	vst v0  }
0x85c: {  	v10 =	vld [tilespmem:s16+$0x10]  }
0x85d: {  	v15 =	vld [tilespmem:s15+$0x0]  }
0x85e: {  	v9 =	vadd.f32 v9, v8;
	v3 =	vld [tilespmem:s17+$0x0]  }
0x85f: {  	v0 =	vld [tilespmem:s14+$0x0];
	v5 =	vadd.f32 v5, v7  }
0x860: {  	s18 =	simm.s32 $0x6060;
	[tilespmem:s15+$0x10] =	vst v9;
	v14 =	vadd.f32 v2, v6;
	v2 =	vld [tilespmem:s14+$0xFFFFFFE0]  }
0x861: {  	[tilespmem:s17+$0xFFFFFFF0] =	vst v5;
	v5 =	vadd.f32 v13, v1;
	s14 =	simm.s32 $0x30A0;
	v9 =	vadd.f32 v10, v4;
	v10 =	vld [tilespmem:s18+$0x10]  }
0x862: {  	v18 =	vld [tilespmem:s14+$0xFFFFFFE0];
	[tilespmem:s17+$0xFFFFFFE0] =	vst v14  }
0x863: {  	v3 =	vadd.f32 v3, v12;
	[tilespmem:s15+$0xFFFFFFF0] =	vst v5;
	v13 =	vld [tilespmem:s16+$0xFFFFFFE0]  }
0x864: {  	v5 =	vadd.f32 v15, v0;
	[tilespmem:s16+$0x10] =	vst v9;
	v9 =	vld [tilespmem:s16+$0xFFFFFFF0]  }
0x865: {  	[tilespmem:s17+$0x0] =	vst v3;
	v15 =	vld [tilespmem:s18+$0xFFFFFFF0]  }
0x866: {  	s11 =	simm.s32 $0xC020;
	[tilespmem:s15+$0x0] =	vst v5;
	v3 =	vadd.f32 v11, v2;
	v11 =	vld [tilespmem:s16+$0x0];
	v5 =	vadd.f32 v10, v8  }
0x867: {  	v14 =	vld [tilespmem:s11+$0x10]  }
0x868: {  	s13 =	simm.s32 $0x9060;
	v10 =	vld [tilespmem:s18+$0x0];
	[tilespmem:s18+$0x10] =	vst v5  }
0x869: {  	[tilespmem:s15+$0xFFFFFFE0] =	vst v3;
	v3 =	vadd.f32 v13, v6;
	v5 =	vadd.f32 v9, v7;
	v9 =	vld [tilespmem:s13+$0x10]  }
0x86a: {  	s17 =	simm.s32 $0xA0;
	v13 =	vld [tilespmem:s18+$0xFFFFFFE0]  }
0x86b: {  	[tilespmem:s16+$0xFFFFFFE0] =	vst v3;
	v3 =	vld [tilespmem:s17+$0x10]  }
0x86c: {  	v16 =	vld [tilespmem:s11+$0xFFFFFFE0]  }
0x86d: {  	v4 =	vadd.f32 v14, v4;
	v14 =	vld [tilespmem:s14+$0x10]  }
0x86e: {  	[tilespmem:s16+$0xFFFFFFF0] =	vst v5;
	v5 =	vld [tilespmem:s17+$0xFFFFFFF0];
	v9 =	vadd.f32 v9, v8  }
0x86f: {  	v17 =	vld [tilespmem:s11+$0xFFFFFFF0];
	[tilespmem:s11+$0x10] =	vst v4;
	v4 =	vadd.f32 v15, v1  }
0x870: {  	v11 =	vadd.f32 v11, v12;
	[tilespmem:s13+$0x10] =	vst v9;
	v9 =	vld [tilespmem:s14+$0xFFFFFFF0]  }
0x871: {  	s12 =	simm.s32 $0xC060;
	v10 =	vadd.f32 v10, v0;
	[tilespmem:s18+$0xFFFFFFF0] =	vst v4;
	v4 =	vld [tilespmem:s17+$0x0]  }
0x872: {  	[tilespmem:s16+$0x0] =	vst v11;
	v11 =	vadd.f32 v14, v3;
	v15 =	vld [tilespmem:s12+$0x10]  }
0x873: {  	v13 =	vadd.f32 v13, v2;
	[tilespmem:s18+$0x0] =	vst v10;
	v10 =	vld [tilespmem:s14+$0x0]  }
0x874: {  	s15 =	simm.s32 $0x60A0;
	v14 =	vadd.f32 v16, v6;
	v6 =	vld [tilespmem:s17+$0xFFFFFFE0];
	[tilespmem:s14+$0x10] =	vst v11  }
0x875: {  	[tilespmem:s18+$0xFFFFFFE0] =	vst v13;
	v11 =	vld [tilespmem:s15+$0x10];
	v9 =	vadd.f32 v9, v5  }
0x876: {  	v13 =	vld [tilespmem:s13+$0xFFFFFFE0];
	v7 =	vadd.f32 v17, v7;
	[tilespmem:s11+$0xFFFFFFE0] =	vst v14  }
0x877: {  	v8 =	vadd.f32 v15, v8;
	[tilespmem:s14+$0xFFFFFFF0] =	vst v9;
	v9 =	vld [tilespmem:s13+$0xFFFFFFF0]  }
0x878: {  	[tilespmem:s11+$0xFFFFFFF0] =	vst v7;
	v10 =	vadd.f32 v10, v4;
	v7 =	vld [tilespmem:s15+$0xFFFFFFF0]  }
0x879: {  	v14 =	vld [tilespmem:s13+$0x0];
	[tilespmem:s12+$0x10] =	vst v8;
	v8 =	vadd.f32 v18, v6  }
0x87a: {  	v63 =	vld [tilespmem:s11+$0x0];
	[tilespmem:s14+$0x0] =	vst v10;
	v15 =	vadd.f32 v11, v3  }
0x87b: {  	v11 =	vld [tilespmem:s15+$0x0];
	[tilespmem:s14+$0xFFFFFFE0] =	vst v8;
	v8 =	vadd.f32 v13, v2  }
0x87c: {  	s16 =	simm.s32 $0x90A0;
	[tilespmem:s15+$0x10] =	vst v15;
	v10 =	vld [tilespmem:s15+$0xFFFFFFE0];
	v13 =	vadd.f32 v9, v1  }
0x87d: {  	v9 =	vld [tilespmem:s16+$0x10];
	[tilespmem:s13+$0xFFFFFFE0] =	vst v8;
	v15 =	vadd.f32 v7, v5  }
0x87e: {  	v7 =	vld [tilespmem:s12+$0xFFFFFFE0];
	[tilespmem:s13+$0xFFFFFFF0] =	vst v13;
	v13 =	vadd.f32 v14, v0  }
0x87f: {  	s18 =	simm.s32 $0xE0;
	s17 =	simm.s32 $0x80;
	v12 =	vadd.f32 v63, v12;
	[tilespmem:s15+$0xFFFFFFF0] =	vst v15;
	v8 =	vld [tilespmem:s12+$0xFFFFFFF0]  }
.LBB2_30:
0x880: {  	v14 =	vld [tilespmem:s18+$0x10];
	v11 =	vadd.f32 v11, v4;
	s14 =	sadd.s32 $0x40, s14;
	[tilespmem:s13+$0x0] =	vst v13;
	s13 =	smov.u32 s16  }
0x881: {  	s17 =	sadd.s32 $0x40, s17;
	v13 =	vld [tilespmem:s14+$0x10];
	v10 =	vadd.f32 v10, v6;
	[tilespmem:s11+$0x0] =	vst v12;
	s11 =	smov.u32 s12  }
0x882: {  	p0 =	slt.u32 s17, $0x2FC0;
	v12 =	vld [tilespmem:s14+$0xFFFFFFE0];
	[tilespmem:s15+$0x0] =	vst v11;
	v9 =	vadd.f32 v9, v3  }
0x883: {  	v11 =	vld [tilespmem:s18+$0xFFFFFFF0];
	[tilespmem:s15+$0xFFFFFFE0] =	vst v10;
	v7 =	vadd.f32 v7, v2;
	v2 =	vmov v6  }
0x884: {  	s12 =	sadd.s32 $0x40, s12;
	v10 =	vld [tilespmem:s14+$0xFFFFFFF0];
	[tilespmem:s16+$0x10] =	vst v9;
	v6 =	vadd.f32 v8, v1;
	v1 =	vmov v5  }
0x885: {  	v8 =	vld [tilespmem:s12+$0x10];
	[tilespmem:s11+$0xFFFFFFE0] =	vst v7  }
0x886: {  	v15 =	vld [tilespmem:s18+$0x0];
	v9 =	vadd.f32 v13, v14;
	[tilespmem:s11+$0xFFFFFFF0] =	vst v6  }
0x887: {  	v7 =	vld [tilespmem:s14+$0x0]  }
0x888: {  	s15 =	sadd.s32 $0x40, s15;
	v6 =	vld [tilespmem:s18+$0xFFFFFFE0];
	[tilespmem:s14+$0x10] =	vst v9;
	v5 =	vmov v11  }
0x889: {  	v9 =	vadd.f32 v10, v5;
	v10 =	vld [tilespmem:s15+$0x10]  }
0x88a: {  	v13 =	vld [tilespmem:s16+$0xFFFFFFE0];
	v8 =	vadd.f32 v8, v3;
	v3 =	vmov v14  }
0x88b: {  	[tilespmem:s14+$0xFFFFFFF0] =	vst v9;
	v9 =	vld [tilespmem:s16+$0xFFFFFFF0]  }
0x88c: {  	v14 =	vld [tilespmem:s15+$0xFFFFFFF0];
	v7 =	vadd.f32 v7, v15;
	[tilespmem:s12+$0x10] =	vst v8  }
0x88d: {  	v8 =	vadd.f32 v12, v6;
	v12 =	vld [tilespmem:s16+$0x0]  }
0x88e: {  	[tilespmem:s14+$0x0] =	vst v7;
	v7 =	vadd.f32 v10, v3;
	v16 =	vld [tilespmem:s11+$0x0]  }
.Ltmp14:
0x88f: {  	[tilespmem:s14+$0xFFFFFFE0] =	vst v8;
	v11 =	vld [tilespmem:s15+$0x0];
	v8 =	vadd.f32 v13, v2;
	(pc) =	sbr.rel @p0 .LBB2_30-.Ltmp14, $4  }
0x890: {  	s16 =	sadd.s32 $0x40, s16;
	v10 =	vld [tilespmem:s15+$0xFFFFFFE0];
	[tilespmem:s15+$0x10] =	vst v7;
	v13 =	vadd.f32 v9, v1  }
0x891: {  	v14 =	vadd.f32 v14, v5;
	v9 =	vld [tilespmem:s16+$0x10];
	[tilespmem:s13+$0xFFFFFFE0] =	vst v8  }
0x892: {  	v7 =	vld [tilespmem:s12+$0xFFFFFFE0];
	[tilespmem:s13+$0xFFFFFFF0] =	vst v13;
	v13 =	vadd.f32 v12, v4  }
0x893: {  	s18 =	sadd.s32 $0x40, s18;
	[tilespmem:s15+$0xFFFFFFF0] =	vst v14;
	v8 =	vld [tilespmem:s12+$0xFFFFFFF0];
	v12 =	vadd.f32 v16, v0;
	v0 =	vmov v4;
	v4 =	vmov v15  }
0x894: {  	_ = 	snop  }
0x895: {  	v10 =	vadd.f32 v10, v6;
	_ =	sdelay $0x1  }
0x896: {  	v11 =	vadd.f32 v11, v4;
	[tilespmem:s15+$0xFFFFFFE0] =	vst v10  }
0x897: {  	v10 =	vld [tilespmem:s16+$0xFFFFFFE0]  }
0x898: {  	[tilespmem:s15+$0x0] =	vst v11;
	v11 =	vld [tilespmem:s16+$0xFFFFFFF0]  }
0x899: {  	v14 =	vld [tilespmem:s16+$0x0]  }
0x89a: {  	v9 =	vadd.f32 v9, v3  }
0x89b: {  	[tilespmem:s13+$0x0] =	vst v13  }
0x89c: {  	[tilespmem:s16+$0x10] =	vst v9;
	v9 =	vadd.f32 v10, v6  }
0x89d: {  	s14 =	sadd.s32 $0x40, s12;
	v13 =	vld [tilespmem:s12+$0x0];
	v11 =	vadd.f32 v11, v5  }
0x89e: {  	v10 =	vld [tilespmem:s14+$0x10];
	[tilespmem:s16+$0xFFFFFFE0] =	vst v9;
	v9 =	vadd.f32 v14, v4  }
0x89f: {  	[tilespmem:s16+$0xFFFFFFF0] =	vst v11;
	v14 =	vld [tilespmem:s14+$0xFFFFFFE0]  }
0x8a0: {  	v2 =	vadd.f32 v7, v2;
	v7 =	vld [tilespmem:s14+$0xFFFFFFF0];
	[tilespmem:s16+$0x0] =	vst v9  }
0x8a1: {  	[tilespmem:s11+$0x0] =	vst v12;
	v1 =	vadd.f32 v8, v1;
	v8 =	vld [tilespmem:s14+$0x0]  }
0x8a2: {  	[tilespmem:s12+$0xFFFFFFE0] =	vst v2;
	v0 =	vadd.f32 v13, v0  }
0x8a3: {  	[tilespmem:s12+$0xFFFFFFF0] =	vst v1;
	v2 =	vadd.f32 v10, v3  }
0x8a4: {  	[tilespmem:s12+$0x0] =	vst v0;
	v1 =	vadd.f32 v14, v6  }
0x8a5: {  	v0 =	vadd.f32 v7, v5;
	[tilespmem:s14+$0x10] =	vst v2  }
0x8a6: {  	[tilespmem:s14+$0xFFFFFFE0] =	vst v1;
	v1 =	vadd.f32 v8, v4  }
0x8a7: {  	[tilespmem:s14+$0xFFFFFFF0] =	vst v0  }
0x8a8: {  	[tilespmem:s14+$0x0] =	vst v1  }
0x8a9: {  	s11 =	sld [smem:$0x7FD];
	_ =	sdelay $0x2  }
0x8aa: {  	[hbm4b:s11+s1] =	stream.linear.scatter [tilespmem:s28], [sflag:$0x3], $0x3000, $0x38;
	[tilespmem:$0x1E000] =	vst v63  }
0x8ab: {  	_ = 	snop  }
0x8ac: {  	[hbm4b:s19+s1] =	stream.linear.scatter [tilespmem:s29], [sflag:$0x3], $0x3000, $0x38;
	[tilespmem:$0x1E000] =	vst v63  }
0x8ad: {  	_ = 	snop  }
0x8ae: {  	[hbm4b:s20+s1] =	stream.linear.scatter [tilespmem:s30], [sflag:$0x3], $0x3000, $0x38;
	[tilespmem:$0x1E000] =	vst v63  }
0x8af: {  	_ = 	snop  }
0x8b0: {  	[hbm4b:s21+s1] =	stream.linear.scatter [tilespmem:s31], [sflag:$0x3], $0x3000, $0x38;
	[tilespmem:$0x1E000] =	vst v63  }
0x8b1: {  	_ =	swait.ge [sflag:s8], $0x3000  }
0x8b2: {  	[sflag:s8] =	ssyncset.done $0x0  }
0x8b3: {  	[sflag:s8] =	ssyncadd.s32 $0xFFFFD000  }
0x8b4: {  	_ =	swait.ge [sflag:s8], $0x3000  }
0x8b5: {  	[sflag:s8] =	ssyncset.done $0x0  }
0x8b6: {  	[sflag:s8] =	ssyncadd.s32 $0xFFFFD000  }
0x8b7: {  	_ =	swait.ge [sflag:s8], $0x3000  }
0x8b8: {  	[sflag:s8] =	ssyncset.done $0x0  }
0x8b9: {  	[sflag:s8] =	ssyncadd.s32 $0xFFFFD000  }
0x8ba: {  	_ =	swait.ge [sflag:s8], $0x3000  }
0x8bb: {  	[sflag:s8] =	ssyncset.done $0x0  }
0x8bc: {  	[sflag:s8] =	ssyncadd.s32 $0xFFFFD000  }
0x8bd: {  	_ =	swait.ge [sflag:s8], $0x3000  }
0x8be: {  	[sflag:s8] =	ssyncset.done $0x0  }
0x8bf: {  	s15 =	simm.s32 $0xF020;
	[sflag:s8] =	ssyncadd.s32 $0xFFFFD000  }
0x8c0: {  	s16 =	simm.s32 $0x12020;
	v4 =	vld [tilespmem:s15+$0x10]  }
0x8c1: {  	v0 =	vld [tilespmem:s16+$0x10];
	_ =	sdelay $0x1  }
0x8c2: {  	v7 =	vld [tilespmem:s15+$0xFFFFFFF0]  }
0x8c3: {  	v2 =	vld [tilespmem:s16+$0xFFFFFFF0]  }
0x8c4: {  	v1 =	vld [tilespmem:s16+$0xFFFFFFE0]  }
0x8c5: {  	v12 =	vld [tilespmem:s15+$0x0];
	v0 =	vadd.f32 v0, v4  }
0x8c6: {  	v6 =	vld [tilespmem:s15+$0xFFFFFFE0]  }
0x8c7: {  	s17 =	simm.s32 $0x15020;
	v3 =	vld [tilespmem:s16+$0x0];
	[tilespmem:s16+$0x10] =	vst v0  }
0x8c8: {  	s14 =	simm.s32 $0xF060;
	v0 =	vadd.f32 v2, v7;
	v2 =	vld [tilespmem:s17+$0x10]  }
0x8c9: {  	v8 =	vld [tilespmem:s14+$0x10];
	s15 =	simm.s32 $0x12060  }
0x8ca: {  	v9 =	vld [tilespmem:s15+$0x10]  }
0x8cb: {  	v11 =	vld [tilespmem:s15+$0xFFFFFFE0];
	[tilespmem:s16+$0xFFFFFFF0] =	vst v0;
	v0 =	vadd.f32 v1, v6  }
0x8cc: {  	v13 =	vld [tilespmem:s15+$0xFFFFFFF0];
	v3 =	vadd.f32 v3, v12  }
0x8cd: {  	v1 =	vld [tilespmem:s14+$0xFFFFFFF0];
	[tilespmem:s16+$0xFFFFFFE0] =	vst v0;
	v0 =	vadd.f32 v2, v4  }
0x8ce: {  	[tilespmem:s16+$0x0] =	vst v3;
	v5 =	vld [tilespmem:s17+$0xFFFFFFF0]  }
0x8cf: {  	s16 =	simm.s32 $0x18020;
	v2 =	vld [tilespmem:s17+$0xFFFFFFE0];
	[tilespmem:s17+$0x10] =	vst v0  }
0x8d0: {  	v10 =	vld [tilespmem:s16+$0x10]  }
0x8d1: {  	v15 =	vld [tilespmem:s15+$0x0]  }
0x8d2: {  	v9 =	vadd.f32 v9, v8;
	v3 =	vld [tilespmem:s17+$0x0]  }
0x8d3: {  	v0 =	vld [tilespmem:s14+$0x0];
	v5 =	vadd.f32 v5, v7  }
0x8d4: {  	s18 =	simm.s32 $0x15060;
	[tilespmem:s15+$0x10] =	vst v9;
	v14 =	vadd.f32 v2, v6;
	v2 =	vld [tilespmem:s14+$0xFFFFFFE0]  }
0x8d5: {  	[tilespmem:s17+$0xFFFFFFF0] =	vst v5;
	v5 =	vadd.f32 v13, v1;
	s14 =	simm.s32 $0x120A0;
	v9 =	vadd.f32 v10, v4;
	v10 =	vld [tilespmem:s18+$0x10]  }
0x8d6: {  	v18 =	vld [tilespmem:s14+$0xFFFFFFE0];
	[tilespmem:s17+$0xFFFFFFE0] =	vst v14  }
0x8d7: {  	v3 =	vadd.f32 v3, v12;
	[tilespmem:s15+$0xFFFFFFF0] =	vst v5;
	v13 =	vld [tilespmem:s16+$0xFFFFFFE0]  }
0x8d8: {  	v5 =	vadd.f32 v15, v0;
	[tilespmem:s16+$0x10] =	vst v9;
	v9 =	vld [tilespmem:s16+$0xFFFFFFF0]  }
0x8d9: {  	[tilespmem:s17+$0x0] =	vst v3;
	v15 =	vld [tilespmem:s18+$0xFFFFFFF0]  }
0x8da: {  	s11 =	simm.s32 $0x1B020;
	[tilespmem:s15+$0x0] =	vst v5;
	v3 =	vadd.f32 v11, v2;
	v11 =	vld [tilespmem:s16+$0x0];
	v5 =	vadd.f32 v10, v8  }
0x8db: {  	v14 =	vld [tilespmem:s11+$0x10]  }
0x8dc: {  	s13 =	simm.s32 $0x18060;
	v10 =	vld [tilespmem:s18+$0x0];
	[tilespmem:s18+$0x10] =	vst v5  }
0x8dd: {  	[tilespmem:s15+$0xFFFFFFE0] =	vst v3;
	v3 =	vadd.f32 v13, v6;
	v5 =	vadd.f32 v9, v7;
	v9 =	vld [tilespmem:s13+$0x10]  }
0x8de: {  	s17 =	simm.s32 $0xF0A0;
	v13 =	vld [tilespmem:s18+$0xFFFFFFE0]  }
0x8df: {  	[tilespmem:s16+$0xFFFFFFE0] =	vst v3;
	v3 =	vld [tilespmem:s17+$0x10]  }
0x8e0: {  	v16 =	vld [tilespmem:s11+$0xFFFFFFE0]  }
0x8e1: {  	v4 =	vadd.f32 v14, v4;
	v14 =	vld [tilespmem:s14+$0x10]  }
0x8e2: {  	[tilespmem:s16+$0xFFFFFFF0] =	vst v5;
	v5 =	vld [tilespmem:s17+$0xFFFFFFF0];
	v9 =	vadd.f32 v9, v8  }
0x8e3: {  	v17 =	vld [tilespmem:s11+$0xFFFFFFF0];
	[tilespmem:s11+$0x10] =	vst v4;
	v4 =	vadd.f32 v15, v1  }
0x8e4: {  	v11 =	vadd.f32 v11, v12;
	[tilespmem:s13+$0x10] =	vst v9;
	v9 =	vld [tilespmem:s14+$0xFFFFFFF0]  }
0x8e5: {  	s12 =	simm.s32 $0x1B060;
	v10 =	vadd.f32 v10, v0;
	[tilespmem:s18+$0xFFFFFFF0] =	vst v4;
	v4 =	vld [tilespmem:s17+$0x0]  }
0x8e6: {  	[tilespmem:s16+$0x0] =	vst v11;
	v11 =	vadd.f32 v14, v3;
	v15 =	vld [tilespmem:s12+$0x10]  }
0x8e7: {  	v13 =	vadd.f32 v13, v2;
	[tilespmem:s18+$0x0] =	vst v10;
	v10 =	vld [tilespmem:s14+$0x0]  }
0x8e8: {  	s15 =	simm.s32 $0x150A0;
	v14 =	vadd.f32 v16, v6;
	v6 =	vld [tilespmem:s17+$0xFFFFFFE0];
	[tilespmem:s14+$0x10] =	vst v11  }
0x8e9: {  	[tilespmem:s18+$0xFFFFFFE0] =	vst v13;
	v11 =	vld [tilespmem:s15+$0x10];
	v9 =	vadd.f32 v9, v5  }
0x8ea: {  	v13 =	vld [tilespmem:s13+$0xFFFFFFE0];
	v7 =	vadd.f32 v17, v7;
	[tilespmem:s11+$0xFFFFFFE0] =	vst v14  }
0x8eb: {  	v8 =	vadd.f32 v15, v8;
	[tilespmem:s14+$0xFFFFFFF0] =	vst v9;
	v9 =	vld [tilespmem:s13+$0xFFFFFFF0]  }
0x8ec: {  	[tilespmem:s11+$0xFFFFFFF0] =	vst v7;
	v10 =	vadd.f32 v10, v4;
	v7 =	vld [tilespmem:s15+$0xFFFFFFF0]  }
0x8ed: {  	v14 =	vld [tilespmem:s13+$0x0];
	[tilespmem:s12+$0x10] =	vst v8;
	v8 =	vadd.f32 v18, v6  }
0x8ee: {  	v63 =	vld [tilespmem:s11+$0x0];
	[tilespmem:s14+$0x0] =	vst v10;
	v15 =	vadd.f32 v11, v3  }
0x8ef: {  	v11 =	vld [tilespmem:s15+$0x0];
	[tilespmem:s14+$0xFFFFFFE0] =	vst v8;
	v8 =	vadd.f32 v13, v2  }
0x8f0: {  	s16 =	simm.s32 $0x180A0;
	[tilespmem:s15+$0x10] =	vst v15;
	v10 =	vld [tilespmem:s15+$0xFFFFFFE0];
	v13 =	vadd.f32 v9, v1  }
0x8f1: {  	v9 =	vld [tilespmem:s16+$0x10];
	[tilespmem:s13+$0xFFFFFFE0] =	vst v8;
	v15 =	vadd.f32 v7, v5  }
0x8f2: {  	v7 =	vld [tilespmem:s12+$0xFFFFFFE0];
	[tilespmem:s13+$0xFFFFFFF0] =	vst v13;
	v13 =	vadd.f32 v14, v0  }
0x8f3: {  	s18 =	simm.s32 $0xF0E0;
	s17 =	simm.s32 $0x80;
	v12 =	vadd.f32 v63, v12;
	[tilespmem:s15+$0xFFFFFFF0] =	vst v15;
	v8 =	vld [tilespmem:s12+$0xFFFFFFF0]  }
.LBB2_32:
0x8f4: {  	v14 =	vld [tilespmem:s18+$0x10];
	v11 =	vadd.f32 v11, v4;
	s14 =	sadd.s32 $0x40, s14;
	[tilespmem:s13+$0x0] =	vst v13;
	s13 =	smov.u32 s16  }
0x8f5: {  	s17 =	sadd.s32 $0x40, s17;
	v13 =	vld [tilespmem:s14+$0x10];
	v10 =	vadd.f32 v10, v6;
	[tilespmem:s11+$0x0] =	vst v12;
	s11 =	smov.u32 s12  }
0x8f6: {  	p0 =	slt.u32 s17, $0x2FC0;
	v12 =	vld [tilespmem:s14+$0xFFFFFFE0];
	[tilespmem:s15+$0x0] =	vst v11;
	v9 =	vadd.f32 v9, v3  }
0x8f7: {  	v11 =	vld [tilespmem:s18+$0xFFFFFFF0];
	[tilespmem:s15+$0xFFFFFFE0] =	vst v10;
	v7 =	vadd.f32 v7, v2;
	v2 =	vmov v6  }
0x8f8: {  	s12 =	sadd.s32 $0x40, s12;
	v10 =	vld [tilespmem:s14+$0xFFFFFFF0];
	[tilespmem:s16+$0x10] =	vst v9;
	v6 =	vadd.f32 v8, v1;
	v1 =	vmov v5  }
0x8f9: {  	v8 =	vld [tilespmem:s12+$0x10];
	[tilespmem:s11+$0xFFFFFFE0] =	vst v7  }
0x8fa: {  	v15 =	vld [tilespmem:s18+$0x0];
	v9 =	vadd.f32 v13, v14;
	[tilespmem:s11+$0xFFFFFFF0] =	vst v6  }
0x8fb: {  	v7 =	vld [tilespmem:s14+$0x0]  }
0x8fc: {  	s15 =	sadd.s32 $0x40, s15;
	v6 =	vld [tilespmem:s18+$0xFFFFFFE0];
	[tilespmem:s14+$0x10] =	vst v9;
	v5 =	vmov v11  }
0x8fd: {  	v9 =	vadd.f32 v10, v5;
	v10 =	vld [tilespmem:s15+$0x10]  }
0x8fe: {  	v13 =	vld [tilespmem:s16+$0xFFFFFFE0];
	v8 =	vadd.f32 v8, v3;
	v3 =	vmov v14  }
0x8ff: {  	[tilespmem:s14+$0xFFFFFFF0] =	vst v9;
	v9 =	vld [tilespmem:s16+$0xFFFFFFF0]  }
0x900: {  	v14 =	vld [tilespmem:s15+$0xFFFFFFF0];
	v7 =	vadd.f32 v7, v15;
	[tilespmem:s12+$0x10] =	vst v8  }
0x901: {  	v8 =	vadd.f32 v12, v6;
	v12 =	vld [tilespmem:s16+$0x0]  }
0x902: {  	[tilespmem:s14+$0x0] =	vst v7;
	v7 =	vadd.f32 v10, v3;
	v16 =	vld [tilespmem:s11+$0x0]  }
.Ltmp15:
0x903: {  	[tilespmem:s14+$0xFFFFFFE0] =	vst v8;
	v11 =	vld [tilespmem:s15+$0x0];
	v8 =	vadd.f32 v13, v2;
	(pc) =	sbr.rel @p0 .LBB2_32-.Ltmp15, $4  }
0x904: {  	s16 =	sadd.s32 $0x40, s16;
	v10 =	vld [tilespmem:s15+$0xFFFFFFE0];
	[tilespmem:s15+$0x10] =	vst v7;
	v13 =	vadd.f32 v9, v1  }
0x905: {  	v14 =	vadd.f32 v14, v5;
	v9 =	vld [tilespmem:s16+$0x10];
	[tilespmem:s13+$0xFFFFFFE0] =	vst v8  }
0x906: {  	v7 =	vld [tilespmem:s12+$0xFFFFFFE0];
	[tilespmem:s13+$0xFFFFFFF0] =	vst v13;
	v13 =	vadd.f32 v12, v4  }
0x907: {  	s18 =	sadd.s32 $0x40, s18;
	[tilespmem:s15+$0xFFFFFFF0] =	vst v14;
	v8 =	vld [tilespmem:s12+$0xFFFFFFF0];
	v12 =	vadd.f32 v16, v0;
	v0 =	vmov v4;
	v4 =	vmov v15  }
0x908: {  	v11 =	vadd.f32 v11, v4  }
0x909: {  	v10 =	vadd.f32 v10, v6  }
0x90a: {  	v52 =	vld [tilespmem:s16+$0xFFFFFFF0];
	[tilespmem:s15+$0x0] =	vst v11  }
0x90b: {  	[tilespmem:s15+$0xFFFFFFE0] =	vst v10;
	v14 =	vld [tilespmem:s16+$0x0]  }
0x90c: {  	v10 =	vld [tilespmem:s16+$0xFFFFFFE0];
	_ =	sdelay $0x1  }
0x90d: {  	v9 =	vadd.f32 v9, v3  }
0x90e: {  	[tilespmem:s13+$0x0] =	vst v13;
	v11 =	vadd.f32 v52, v5  }
0x90f: {  	s14 =	sadd.s32 $0x40, s12;
	v55 =	vld [tilespmem:s12+$0x0];
	[tilespmem:s16+$0x10] =	vst v9;
	v56 =	vadd.f32 v14, v4  }
0x910: {  	v54 =	vld [tilespmem:s14+$0x10];
	[tilespmem:s16+$0xFFFFFFF0] =	vst v11;
	v53 =	vadd.f32 v10, v6  }
0x911: {  	v58 =	vld [tilespmem:s14+$0xFFFFFFF0];
	[tilespmem:s16+$0x0] =	vst v56  }
0x912: {  	v2 =	vadd.f32 v7, v2;
	[tilespmem:s16+$0xFFFFFFE0] =	vst v53;
	v59 =	vld [tilespmem:s14+$0x0]  }
0x913: {  	[tilespmem:s11+$0x0] =	vst v12;
	v1 =	vadd.f32 v8, v1;
	v57 =	vld [tilespmem:s14+$0xFFFFFFE0]  }
0x914: {  	[tilespmem:s12+$0xFFFFFFE0] =	vst v2;
	v0 =	vadd.f32 v55, v0  }
0x915: {  	[tilespmem:s12+$0xFFFFFFF0] =	vst v1;
	v60 =	vadd.f32 v54, v3  }
0x916: {  	[tilespmem:s12+$0x0] =	vst v0;
	v62 =	vadd.f32 v58, v5  }
0x917: {  	[tilespmem:s14+$0x10] =	vst v60;
	v63 =	vadd.f32 v59, v4  }
0x918: {  	[tilespmem:s14+$0xFFFFFFF0] =	vst v62;
	v61 =	vadd.f32 v57, v6  }
0x919: {  	[tilespmem:s14+$0x0] =	vst v63  }
0x91a: {  	[tilespmem:s14+$0xFFFFFFE0] =	vst v61  }
0x91b: {  	[hbm4b:s22+s1] =	stream.linear.scatter [tilespmem:s2], [sflag:$0x4], $0x3000, $0x38;
	[tilespmem:$0x1E000] =	vst v63  }
0x91c: {  	_ = 	snop  }
0x91d: {  	[hbm4b:s23+s1] =	stream.linear.scatter [tilespmem:s3], [sflag:$0x4], $0x3000, $0x38;
	[tilespmem:$0x1E000] =	vst v63  }
0x91e: {  	_ = 	snop  }
0x91f: {  	[hbm4b:s24+s1] =	stream.linear.scatter [tilespmem:s4], [sflag:$0x4], $0x3000, $0x38;
	[tilespmem:$0x1E000] =	vst v63  }
0x920: {  	_ = 	snop  }
0x921: {  	[hbm4b:s25+s1] =	stream.linear.scatter [tilespmem:s5], [sflag:$0x4], $0x3000, $0x38;
	[tilespmem:$0x1E000] =	vst v63  }
0x922: {  	_ =	swait.ge [sflag:s7], $0x3000  }
0x923: {  	[sflag:s7] =	ssyncset.done $0x0  }
0x924: {  	[sflag:s7] =	ssyncadd.s32 $0xFFFFD000  }
0x925: {  	_ =	swait.ge [sflag:s7], $0x3000  }
0x926: {  	[sflag:s7] =	ssyncset.done $0x0  }
0x927: {  	[sflag:s7] =	ssyncadd.s32 $0xFFFFD000  }
0x928: {  	_ =	swait.ge [sflag:s7], $0x3000  }
0x929: {  	[sflag:s7] =	ssyncset.done $0x0  }
0x92a: {  	[sflag:s7] =	ssyncadd.s32 $0xFFFFD000  }
0x92b: {  	_ =	swait.ge [sflag:s7], $0x3000  }
0x92c: {  	[sflag:s7] =	ssyncset.done $0x0  }
0x92d: {  	[sflag:s7] =	ssyncadd.s32 $0xFFFFD000  }
0x92e: {  	_ =	swait.ge [sflag:s9], $0x3000  }
0x92f: {  	[sflag:s9] =	ssyncset.done $0x0  }
0x930: {  	[sflag:s9] =	ssyncadd.s32 $0xFFFFD000  }
0x931: {  	_ =	swait.ge [sflag:s9], $0x3000  }
0x932: {  	[sflag:s9] =	ssyncset.done $0x0  }
0x933: {  	s10 =	sadd.s32 $0x1, s10;
	[sflag:s9] =	ssyncadd.s32 $0xFFFFD000  }
0x934: {  	p0 =	sne.s32 s10, s26;
	_ =	swait.ge [sflag:s9], $0x3000  }
.Ltmp16:
0x935: {  	[sflag:s9] =	ssyncset.done $0x0;
	(pc) =	sbr.rel @p0 .LBB2_1-.Ltmp16, $4  }
0x936: {  	[sflag:s9] =	ssyncadd.s32 $0xFFFFD000  }
0x937: {  	_ =	swait.ge [sflag:s9], $0x3000  }
0x938: {  	[sflag:s9] =	ssyncset.done $0x0  }
0x939: {  	[sflag:s9] =	ssyncadd.s32 $0xFFFFD000  }
0x93a: {  	_ =	sfence.sel $0x180000  }
0x93b: {  	[bflag:$0x0] =	sbarrier.arrive $0xFFFF  }
0x93c: {  	_ =	strace $0x90000047  }
0x93d: {  	s0 =	stileid.u32;
	[bflag:$0x2] =	sbarrier.arrive $0xFFFF  }
0x93e: {  	p0 =	sne.s32 s0, $0x0;
	s0 =	rddreg [dreg:$0x2]  }
0x93f: {  	s0 =	sadd.s32 @!p0 $0x100000, s0  }
0x940: {  	[sflag:s0] =	ssyncadd.tile.s32 @!p0 $0x1;
	_ =	shalt  }
.Lfunc_end2:
_tile_overlayer_lowered:
.L_overlay_start_2:
0x941: {  	(tag) =	ssettag $0x2  }
0x942: {  	s0 =	rddreg [dreg:$0x0];
	s2 =	stileid.u32  }
0x943: {  	s1 =	rddreg [dreg:$0x1];
	p0 =	sne.s32 s2, $0x0  }
0x944: {  	s3 =	rddreg [dreg:$0x2];
	[bflag:$0x3] =	sbarrier.arrive $0xFFFF;
	s2 =	simm.s32 @!p0 $0x1C05  }
0x945: {  	[timem:s3], [sflag:s2] =	dma.local @!p0 [hbm:s0], s1  }
0x946: {  	s0 =	simm.s32 @!p0 $0x5  }
0x947: {  	_ =	swait.ge @!p0 [sflag:s0], s1  }
0x948: {  	s1 =	ssub.s32 @!p0 $0x0, s1;
	[sflag:s0] =	ssyncset.done @!p0 $0x0  }
0x949: {  	[sflag:s0] =	ssyncadd.s32 @!p0 s1  }
0x94a: {  	[bflag:$0x3] =	sbarrier.arrive $0xFFFF  }
0x94b: {  	_ =	shalt  }

</sc_bundles>
